<compile_context>
chip_gen: v7x
topology: tpu7x:2x2x1
jax: 0.10.2.dev20260603
libtpu: 0.0.44.dev20260713+nightly
codegen_flags: <defaults>
</compile_context>

<pallas_src>
import functools

import jax
import jax.numpy as jnp
from jax import lax
from jax.experimental import pallas as pl
from jax.experimental.pallas import tpu as pltpu
from jax.experimental.pallas import tpu_sc as plsc

N_V = 65536
N_C = 65536
NNZ = 4194304
N_CORES = 2
N_SUB = 16
N_TILES = N_CORES * N_SUB
E_PER_TILE = NNZ // N_TILES
W = 4096
N_WIN = E_PER_TILE // W
SLICE = N_C // N_SUB


def _spmv_body(pred_hbm, coeff_hbm, cidx_hbm, vidx_hbm, out_hbm,
               vals_sh, acc_sh, vals_v, tmp_v,
               vidx0, vidx1, coeff0, coeff1,
               cidx0, cidx1, cidx2, con0, con1, con2,
               sin0, sin1, ss0, ss1, ss2):
    vidx = [vidx0, vidx1]
    coeff_b = [coeff0, coeff1]
    cidx = [cidx0, cidx1, cidx2]
    con = [con0, con1, con2]
    sin = [sin0, sin1]
    ss = [ss0, ss1, ss2]

    cid = lax.axis_index("c")
    sid = lax.axis_index("s")
    base = sid * SLICE

    e0 = (cid * N_SUB + sid) * E_PER_TILE
    in_d, s_d = {}, {}

    def issue_in(w):
        e = e0 + w * W
        p, r = w % 2, w % 3
        in_d[w] = (
            pltpu.async_copy(vidx_hbm.at[pl.ds(e, W)], vidx[p], sin[p]),
            pltpu.async_copy(coeff_hbm.at[pl.ds(e, W)], coeff_b[p], sin[p]),
            pltpu.async_copy(cidx_hbm.at[pl.ds(e, W)], cidx[r], sin[p]),
        )

    pltpu.sync_copy(pred_hbm.at[pl.ds(base, SLICE)], tmp_v)
    issue_in(0)
    issue_in(1)

    @plsc.parallel_loop(0, SLICE // 16, unroll=8)
    def _(j):
        x = tmp_v[pl.ds(j * 16, 16)]
        tmp_v[pl.ds(j * 16, 16)] = 1.0 / (1.0 + jnp.exp(-x))

    pltpu.sync_copy(tmp_v, vals_sh.at[pl.ds(base, SLICE)])

    zero16 = jnp.zeros((16,), jnp.float32)

    @plsc.parallel_loop(0, SLICE // 16, unroll=8)
    def _(j):
        tmp_v[pl.ds(j * 16, 16)] = zero16

    pltpu.sync_copy(tmp_v, acc_sh.at[pl.ds(base, SLICE)])
    plsc.subcore_barrier()

    pltpu.sync_copy(vals_sh, vals_v)

    def wait_in(w):
        for d in in_d[w]:
            d.wait()

    def issue_scatter(w):
        r = w % 3
        s_d[w] = pltpu.async_copy(con[r], acc_sh.at[cidx[r]], ss[r], add=True)

    def mul(w):
        p, r = w % 2, w % 3

        @plsc.parallel_loop(0, W // 16, unroll=8)
        def _(i):
            sl = pl.ds(i * 16, 16)
            g = plsc.load_gather(vals_v, [vidx[p][sl]])
            con[r][sl] = g * coeff_b[p][sl]

    for w in range(N_WIN):
        wait_in(w)
        mul(w)
        issue_scatter(w)
        if w + 2 < N_WIN:
            if w >= 1:
                s_d[w - 1].wait()
            issue_in(w + 2)
    s_d[N_WIN - 3].wait()
    s_d[N_WIN - 2].wait()
    s_d[N_WIN - 1].wait()
    plsc.subcore_barrier()

    pltpu.sync_copy(acc_sh.at[pl.ds(base, SLICE)],
                    out_hbm.at[cid, pl.ds(base, SLICE)])


_spmv = functools.partial(
    pl.kernel,
    out_type=jax.ShapeDtypeStruct((N_CORES, N_C), jnp.float32),
    mesh=plsc.VectorSubcoreMesh(core_axis_name="c", subcore_axis_name="s"),
    compiler_params=pltpu.CompilerParams(needs_layout_passes=False),
    scratch_types=[
        pltpu.VMEM_SHARED((N_V,), jnp.float32),
        pltpu.VMEM_SHARED((N_C,), jnp.float32),
        pltpu.VMEM((N_V,), jnp.float32),
        pltpu.VMEM((SLICE,), jnp.float32),
        pltpu.VMEM((W,), jnp.int32),
        pltpu.VMEM((W,), jnp.int32),
        pltpu.VMEM((W,), jnp.float32),
        pltpu.VMEM((W,), jnp.float32),
        pltpu.VMEM((W,), jnp.int32),
        pltpu.VMEM((W,), jnp.int32),
        pltpu.VMEM((W,), jnp.int32),
        pltpu.VMEM((W,), jnp.float32),
        pltpu.VMEM((W,), jnp.float32),
        pltpu.VMEM((W,), jnp.float32),
        pltpu.SemaphoreType.DMA,
        pltpu.SemaphoreType.DMA,
        pltpu.SemaphoreType.DMA,
        pltpu.SemaphoreType.DMA,
        pltpu.SemaphoreType.DMA,
    ],
)(_spmv_body)


def _post_body(axp_ref, rhs_ref, sense_ref, out_ref):
    ax = axp_ref[0] + axp_ref[1]
    rhs = rhs_ref[...]
    sense = sense_ref[...]
    diff = ax - rhs
    le = jnp.maximum(diff, 0.0)
    ge = jnp.maximum(-diff, 0.0)
    eq = jnp.abs(diff)
    viol = jnp.where(
        sense == 1, le,
        jnp.where(sense == 2, ge, jnp.where(sense == 3, eq, 0.0)))
    out_ref[0, 0] = jnp.sum(viol) * (1.0 / N_C)


_post = pl.pallas_call(
    _post_body,
    out_shape=jax.ShapeDtypeStruct((1, 1), jnp.float32),
    out_specs=pl.BlockSpec(memory_space=pltpu.SMEM),
)


def kernel(pred, coeff, constr_rhs, constr_idx, var_idx, constr_sense,
           n_vars, n_constrs):
    axp = _spmv(pred, coeff, constr_idx, var_idx)
    loss = _post(axp.reshape(N_CORES, 512, 128),
                 constr_rhs.reshape(512, 128),
                 constr_sense.reshape(512, 128))
    return loss[0, 0]

# --- scband reference (transcript-rebuilt; emitter-appended) ---
"""Pipeline reference for scband-constraint-loss-38740605010347 (READ-ONLY COPY).

The authoritative reference and input builder live on the scoring server;
editing this copy changes nothing except your own understanding.
"""

import jax, jax.numpy as jnp
import numpy as np

N_VARS = 65536
N_CONSTRS = 65536
NNZ = 4194304


def setup_inputs(seed: int = 0) -> dict:
    key = jax.random.key(seed)
    ks = jax.random.split(key, 6)
    pred = jax.random.normal(ks[0], (N_VARS,), dtype=jnp.float32)
    constr_idx = jax.random.randint(ks[1], (NNZ,), 0, N_CONSTRS)
    var_idx = jax.random.randint(ks[2], (NNZ,), 0, N_VARS)
    coeff = jax.random.normal(ks[3], (NNZ,), dtype=jnp.float32)
    constr_rhs = jax.random.normal(ks[4], (N_CONSTRS,), dtype=jnp.float32)
    constr_sense = jax.random.randint(ks[5], (N_CONSTRS,), 1, 4)
    return {
        "pred": pred,
        "coeff": coeff,
        "constr_rhs": constr_rhs,
        "constr_idx": constr_idx,
        "var_idx": var_idx,
        "constr_sense": constr_sense,
        "n_vars": N_VARS,
        "n_constrs": N_CONSTRS,
    }


def reference(pred, coeff, constr_rhs, constr_idx, var_idx, constr_sense, n_vars, n_constrs):
    # var_types is None -> all variables treated as binary: sigmoid(pred)
    values = jax.nn.sigmoid(pred)
    # scatter-add: ax[constr_idx] += coeff * values[var_idx]
    contrib = coeff * jnp.take(values, var_idx, axis=0)
    ax = jax.ops.segment_sum(contrib, constr_idx, num_segments=constr_rhs.shape[0])
    le_viol = jax.nn.relu(ax - constr_rhs)
    ge_viol = jax.nn.relu(constr_rhs - ax)
    eq_viol = jnp.abs(ax - constr_rhs)
    violations = jnp.where(
        constr_sense == 1, le_viol,
        jnp.where(constr_sense == 2, ge_viol,
                  jnp.where(constr_sense == 3, eq_viol, 0.0)))
    # reduction = 'mean'
    return jnp.sum(violations) / n_constrs

if __name__ == "__main__":
    import jax
    _d = setup_inputs()
    print(jax.jit(kernel)(*tuple(_d.values())))

</pallas_src>

<mosaic_0001>
#map = affine_map<(d0, d1) -> (0)>
#map1 = affine_map<(d0, d1) -> (0, 0)>
module attributes {stable_mosaic.version = 14 : i64} {
  func.func @_spmv_body(%arg0: i32, %arg1: i32, %arg2: memref<65536xf32, #tpu.memory_space<hbm>>, %arg3: memref<4194304xf32, #tpu.memory_space<hbm>>, %arg4: memref<4194304xi32, #tpu.memory_space<hbm>>, %arg5: memref<4194304xi32, #tpu.memory_space<hbm>>, %arg6: memref<2x65536xf32, #tpu.memory_space<hbm>>, %arg7: memref<65536xf32, #tpu.memory_space<vmem_shared>>, %arg8: memref<65536xf32, #tpu.memory_space<vmem_shared>>, %arg9: memref<65536xf32, #tpu.memory_space<vmem>>, %arg10: memref<4096xf32, #tpu.memory_space<vmem>>, %arg11: memref<4096xi32, #tpu.memory_space<vmem>>, %arg12: memref<4096xi32, #tpu.memory_space<vmem>>, %arg13: memref<4096xf32, #tpu.memory_space<vmem>>, %arg14: memref<4096xf32, #tpu.memory_space<vmem>>, %arg15: memref<4096xi32, #tpu.memory_space<vmem>>, %arg16: memref<4096xi32, #tpu.memory_space<vmem>>, %arg17: memref<4096xi32, #tpu.memory_space<vmem>>, %arg18: memref<4096xf32, #tpu.memory_space<vmem>>, %arg19: memref<4096xf32, #tpu.memory_space<vmem>>, %arg20: memref<4096xf32, #tpu.memory_space<vmem>>, %arg21: memref<!tpu.dma_semaphore, #tpu.memory_space<semaphore_mem>>, %arg22: memref<!tpu.dma_semaphore, #tpu.memory_space<semaphore_mem>>, %arg23: memref<!tpu.dma_semaphore, #tpu.memory_space<semaphore_mem>>, %arg24: memref<!tpu.dma_semaphore, #tpu.memory_space<semaphore_mem>>, %arg25: memref<!tpu.dma_semaphore, #tpu.memory_space<semaphore_mem>>) attributes {dimension_semantics = [#tpu.dimension_semantics<core_parallel>, #tpu.dimension_semantics<subcore_parallel>], iteration_bounds = array<i64: 2, 16>, scalar_prefetch = 0 : i64, scratch_operands = 19 : i64, tpu.core_type = #tpu.core_type<sc_vector_subcore>, window_params = [{transform_indices = #map}, {transform_indices = #map}, {transform_indices = #map}, {transform_indices = #map}, {transform_indices = #map1}]} {
    %mul3A = arith.constant 4096 : i32
    %mul3A_0 = arith.muli %arg1, %mul3A : i32
    %mul3A_1 = arith.constant 16 : i32
    %mul3A_2 = arith.muli %arg0, %mul3A_1 : i32
    %add3A = arith.addi %mul3A_2, %arg1 : i32
    %mul3A_3 = arith.constant 131072 : i32
    %mul3A_4 = arith.muli %add3A, %mul3A_3 : i32
    "tpu.region"() ({
      %run_scoped3A = tpu.sem_alloc : memref<!tpu.dma_semaphore, #tpu.memory_space<semaphore_mem>>
      %dma_start3A_682 = tpu.memref_slice %arg2[%mul3A_0] : memref<65536xf32, #tpu.memory_space<hbm>> -> memref<4096xf32, #tpu.memory_space<hbm>>
      %dma_start3A_683 = tpu.memref_slice %arg2[%mul3A_0] : memref<65536xf32, #tpu.memory_space<hbm>> -> memref<4096xf32, #tpu.memory_space<hbm>>
      tpu.enqueue_dma source(%dma_start3A_683 : memref<4096xf32, #tpu.memory_space<hbm>>) target(%arg10 : memref<4096xf32, #tpu.memory_space<vmem>>) target_semaphore(%run_scoped3A : memref<!tpu.dma_semaphore, #tpu.memory_space<semaphore_mem>>)
      %dma_wait3A_684 = tpu.memref_slice %arg2[%mul3A_0] : memref<65536xf32, #tpu.memory_space<hbm>> -> memref<4096xf32, #tpu.memory_space<hbm>>
      %dma_wait3A_685 = tpu.memref_slice %arg2[%mul3A_0] : memref<65536xf32, #tpu.memory_space<hbm>> -> memref<4096xf32, #tpu.memory_space<hbm>>
      tpu.wait_dma2 semaphore(%run_scoped3A : memref<!tpu.dma_semaphore, #tpu.memory_space<semaphore_mem>>) src(%dma_wait3A_685 : memref<4096xf32, #tpu.memory_space<hbm>>) dst(%arg10 : memref<4096xf32, #tpu.memory_space<vmem>>)
      tpu.yield
    }) : () -> ()
    %add3A_5 = arith.constant 0 : i32
    %add3A_6 = arith.addi %mul3A_4, %add3A_5 : i32
    %dma_start3A = tpu.memref_slice %arg5[%add3A_6] : memref<4194304xi32, #tpu.memory_space<hbm>> -> memref<4096xi32, #tpu.memory_space<hbm>>
    %dma_start3A_7 = tpu.memref_slice %arg5[%add3A_6] : memref<4194304xi32, #tpu.memory_space<hbm>> -> memref<4096xi32, #tpu.memory_space<hbm>>
    tpu.enqueue_dma source(%dma_start3A_7 : memref<4096xi32, #tpu.memory_space<hbm>>) target(%arg11 : memref<4096xi32, #tpu.memory_space<vmem>>) target_semaphore(%arg21 : memref<!tpu.dma_semaphore, #tpu.memory_space<semaphore_mem>>)
    %dma_start3A_8 = tpu.memref_slice %arg3[%add3A_6] : memref<4194304xf32, #tpu.memory_space<hbm>> -> memref<4096xf32, #tpu.memory_space<hbm>>
    %dma_start3A_9 = tpu.memref_slice %arg3[%add3A_6] : memref<4194304xf32, #tpu.memory_space<hbm>> -> memref<4096xf32, #tpu.memory_space<hbm>>
    tpu.enqueue_dma source(%dma_start3A_9 : memref<4096xf32, #tpu.memory_space<hbm>>) target(%arg13 : memref<4096xf32, #tpu.memory_space<vmem>>) target_semaphore(%arg21 : memref<!tpu.dma_semaphore, #tpu.memory_space<semaphore_mem>>)
    %dma_start3A_10 = tpu.memref_slice %arg4[%add3A_6] : memref<4194304xi32, #tpu.memory_space<hbm>> -> memref<4096xi32, #tpu.memory_space<hbm>>
    %dma_start3A_11 = tpu.memref_slice %arg4[%add3A_6] : memref<4194304xi32, #tpu.memory_space<hbm>> -> memref<4096xi32, #tpu.memory_space<hbm>>
    tpu.enqueue_dma source(%dma_start3A_11 : memref<4096xi32, #tpu.memory_space<hbm>>) target(%arg15 : memref<4096xi32, #tpu.memory_space<vmem>>) target_semaphore(%arg21 : memref<!tpu.dma_semaphore, #tpu.memory_space<semaphore_mem>>)
    %add3A_12 = arith.constant 4096 : i32
    %add3A_13 = arith.addi %mul3A_4, %add3A_12 : i32
    %dma_start3A_14 = tpu.memref_slice %arg5[%add3A_13] : memref<4194304xi32, #tpu.memory_space<hbm>> -> memref<4096xi32, #tpu.memory_space<hbm>>
    %dma_start3A_15 = tpu.memref_slice %arg5[%add3A_13] : memref<4194304xi32, #tpu.memory_space<hbm>> -> memref<4096xi32, #tpu.memory_space<hbm>>
    tpu.enqueue_dma source(%dma_start3A_15 : memref<4096xi32, #tpu.memory_space<hbm>>) target(%arg12 : memref<4096xi32, #tpu.memory_space<vmem>>) target_semaphore(%arg22 : memref<!tpu.dma_semaphore, #tpu.memory_space<semaphore_mem>>)
    %dma_start3A_16 = tpu.memref_slice %arg3[%add3A_13] : memref<4194304xf32, #tpu.memory_space<hbm>> -> memref<4096xf32, #tpu.memory_space<hbm>>
    %dma_start3A_17 = tpu.memref_slice %arg3[%add3A_13] : memref<4194304xf32, #tpu.memory_space<hbm>> -> memref<4096xf32, #tpu.memory_space<hbm>>
    tpu.enqueue_dma source(%dma_start3A_17 : memref<4096xf32, #tpu.memory_space<hbm>>) target(%arg14 : memref<4096xf32, #tpu.memory_space<vmem>>) target_semaphore(%arg22 : memref<!tpu.dma_semaphore, #tpu.memory_space<semaphore_mem>>)
    %dma_start3A_18 = tpu.memref_slice %arg4[%add3A_13] : memref<4194304xi32, #tpu.memory_space<hbm>> -> memref<4096xi32, #tpu.memory_space<hbm>>
    %dma_start3A_19 = tpu.memref_slice %arg4[%add3A_13] : memref<4194304xi32, #tpu.memory_space<hbm>> -> memref<4096xi32, #tpu.memory_space<hbm>>
    tpu.enqueue_dma source(%dma_start3A_19 : memref<4096xi32, #tpu.memory_space<hbm>>) target(%arg16 : memref<4096xi32, #tpu.memory_space<vmem>>) target_semaphore(%arg22 : memref<!tpu.dma_semaphore, #tpu.memory_space<semaphore_mem>>)
    %parallel_loop3A = arith.constant 0 : i32
    %parallel_loop3A_20 = arith.constant 256 : i32
    %parallel_loop3A_21 = arith.constant 1 : i32
    scf.for %parallel_loop3A_682 = %parallel_loop3A to %parallel_loop3A_20 step %parallel_loop3A_21  : i32 {
      %parallel_loop3A_683 = arith.constant 16 : i32
      %parallel_loop3A_684 = arith.muli %parallel_loop3A_682, %parallel_loop3A_683 : i32
      %parallel_loop3A_685 = arith.index_cast %parallel_loop3A_684 : i32 to index
      %parallel_loop3A_686 = tpu.vector_load %arg10[%parallel_loop3A_685] {strides = array<i32>} : memref<4096xf32, #tpu.memory_space<vmem>>, vector<16xf32>,
      %parallel_loop3A_687 = arith.constant 0.000000e+00 : f32
      %parallel_loop3A_688 = vector.broadcast %parallel_loop3A_687 : f32 to vector<16xf32>
      %parallel_loop3A_689 = arith.subf %parallel_loop3A_688, %parallel_loop3A_686 : vector<16xf32>
      %parallel_loop3A_690 = math.exp %parallel_loop3A_689 : vector<16xf32>
      %parallel_loop3A_691 = arith.constant 1.000000e+00 : f32
      %parallel_loop3A_692 = vector.broadcast %parallel_loop3A_691 : f32 to vector<16xf32>
      %parallel_loop3A_693 = arith.addf %parallel_loop3A_692, %parallel_loop3A_690 : vector<16xf32>
      %parallel_loop3A_694 = arith.constant 1.000000e+00 : f32
      %parallel_loop3A_695 = vector.broadcast %parallel_loop3A_694 : f32 to vector<16xf32>
      %parallel_loop3A_696 = arith.divf %parallel_loop3A_695, %parallel_loop3A_693 : vector<16xf32>
      %parallel_loop3A_697 = arith.constant 16 : i32
      %parallel_loop3A_698 = arith.muli %parallel_loop3A_682, %parallel_loop3A_697 : i32
      %parallel_loop3A_699 = arith.index_cast %parallel_loop3A_698 : i32 to index
      %parallel_loop3A_700 = tpu.vector_load %arg10[%parallel_loop3A_699] {strides = array<i32>} : memref<4096xf32, #tpu.memory_space<vmem>>, vector<16xf32>,
      tpu.vector_store %arg10[%parallel_loop3A_699], %parallel_loop3A_696 {strides = array<i32>} : memref<4096xf32, #tpu.memory_space<vmem>>, vector<16xf32>,
    } {sc.loop_unroll_factor = 8 : i64, sc.parallel_access}
    "tpu.region"() ({
      %run_scoped3A = tpu.sem_alloc : memref<!tpu.dma_semaphore, #tpu.memory_space<semaphore_mem>>
      %dma_start3A_682 = tpu.memref_slice %arg7[%mul3A_0] : memref<65536xf32, #tpu.memory_space<vmem_shared>> -> memref<4096xf32, #tpu.memory_space<vmem_shared>>
      %dma_start3A_683 = tpu.memref_slice %arg7[%mul3A_0] : memref<65536xf32, #tpu.memory_space<vmem_shared>> -> memref<4096xf32, #tpu.memory_space<vmem_shared>>
      tpu.enqueue_dma source(%arg10 : memref<4096xf32, #tpu.memory_space<vmem>>) target(%dma_start3A_683 : memref<4096xf32, #tpu.memory_space<vmem_shared>>) target_semaphore(%run_scoped3A : memref<!tpu.dma_semaphore, #tpu.memory_space<semaphore_mem>>)
      %dma_wait3A_684 = tpu.memref_slice %arg7[%mul3A_0] : memref<65536xf32, #tpu.memory_space<vmem_shared>> -> memref<4096xf32, #tpu.memory_space<vmem_shared>>
      %dma_wait3A_685 = tpu.memref_slice %arg7[%mul3A_0] : memref<65536xf32, #tpu.memory_space<vmem_shared>> -> memref<4096xf32, #tpu.memory_space<vmem_shared>>
      tpu.wait_dma2 semaphore(%run_scoped3A : memref<!tpu.dma_semaphore, #tpu.memory_space<semaphore_mem>>) src(%arg10 : memref<4096xf32, #tpu.memory_space<vmem>>) dst(%dma_wait3A_685 : memref<4096xf32, #tpu.memory_space<vmem_shared>>)
      tpu.yield
    }) : () -> ()
    %broadcast_in_dim3A = arith.constant 0.000000e+00 : f32
    %broadcast_in_dim3A_22 = vector.broadcast %broadcast_in_dim3A : f32 to vector<16xf32>
    %parallel_loop3A_23 = arith.constant 0 : i32
    %parallel_loop3A_24 = arith.constant 256 : i32
    %parallel_loop3A_25 = arith.constant 1 : i32
    scf.for %parallel_loop3A_682 = %parallel_loop3A_23 to %parallel_loop3A_24 step %parallel_loop3A_25  : i32 {
      %parallel_loop3A_683 = arith.constant 16 : i32
      %parallel_loop3A_684 = arith.muli %parallel_loop3A_682, %parallel_loop3A_683 : i32
      %parallel_loop3A_685 = arith.index_cast %parallel_loop3A_684 : i32 to index
      %parallel_loop3A_686 = tpu.vector_load %arg10[%parallel_loop3A_685] {strides = array<i32>} : memref<4096xf32, #tpu.memory_space<vmem>>, vector<16xf32>,
      tpu.vector_store %arg10[%parallel_loop3A_685], %broadcast_in_dim3A_22 {strides = array<i32>} : memref<4096xf32, #tpu.memory_space<vmem>>, vector<16xf32>,
    } {sc.loop_unroll_factor = 8 : i64, sc.parallel_access}
    "tpu.region"() ({
      %run_scoped3A = tpu.sem_alloc : memref<!tpu.dma_semaphore, #tpu.memory_space<semaphore_mem>>
      %dma_start3A_682 = tpu.memref_slice %arg8[%mul3A_0] : memref<65536xf32, #tpu.memory_space<vmem_shared>> -> memref<4096xf32, #tpu.memory_space<vmem_shared>>
      %dma_start3A_683 = tpu.memref_slice %arg8[%mul3A_0] : memref<65536xf32, #tpu.memory_space<vmem_shared>> -> memref<4096xf32, #tpu.memory_space<vmem_shared>>
      tpu.enqueue_dma source(%arg10 : memref<4096xf32, #tpu.memory_space<vmem>>) target(%dma_start3A_683 : memref<4096xf32, #tpu.memory_space<vmem_shared>>) target_semaphore(%run_scoped3A : memref<!tpu.dma_semaphore, #tpu.memory_space<semaphore_mem>>)
      %dma_wait3A_684 = tpu.memref_slice %arg8[%mul3A_0] : memref<65536xf32, #tpu.memory_space<vmem_shared>> -> memref<4096xf32, #tpu.memory_space<vmem_shared>>
      %dma_wait3A_685 = tpu.memref_slice %arg8[%mul3A_0] : memref<65536xf32, #tpu.memory_space<vmem_shared>> -> memref<4096xf32, #tpu.memory_space<vmem_shared>>
      tpu.wait_dma2 semaphore(%run_scoped3A : memref<!tpu.dma_semaphore, #tpu.memory_space<semaphore_mem>>) src(%arg10 : memref<4096xf32, #tpu.memory_space<vmem>>) dst(%dma_wait3A_685 : memref<4096xf32, #tpu.memory_space<vmem_shared>>)
      tpu.yield
    }) : () -> ()
    %barrier3A = arith.constant 0 : index
    tpu.barrier barrier_id(%barrier3A)
    "tpu.region"() ({
      %run_scoped3A = tpu.sem_alloc : memref<!tpu.dma_semaphore, #tpu.memory_space<semaphore_mem>>
      tpu.enqueue_dma source(%arg7 : memref<65536xf32, #tpu.memory_space<vmem_shared>>) target(%arg9 : memref<65536xf32, #tpu.memory_space<vmem>>) target_semaphore(%run_scoped3A : memref<!tpu.dma_semaphore, #tpu.memory_space<semaphore_mem>>)
      tpu.wait_dma2 semaphore(%run_scoped3A : memref<!tpu.dma_semaphore, #tpu.memory_space<semaphore_mem>>) src(%arg7 : memref<65536xf32, #tpu.memory_space<vmem_shared>>) dst(%arg9 : memref<65536xf32, #tpu.memory_space<vmem>>)
      tpu.yield
    }) : () -> ()
    %dma_wait3A = tpu.memref_slice %arg5[%add3A_6] : memref<4194304xi32, #tpu.memory_space<hbm>> -> memref<4096xi32, #tpu.memory_space<hbm>>
    %dma_wait3A_26 = tpu.memref_slice %arg5[%add3A_6] : memref<4194304xi32, #tpu.memory_space<hbm>> -> memref<4096xi32, #tpu.memory_space<hbm>>
    tpu.wait_dma2 semaphore(%arg21 : memref<!tpu.dma_semaphore, #tpu.memory_space<semaphore_mem>>) src(%dma_wait3A_26 : memref<4096xi32, #tpu.memory_space<hbm>>) dst(%arg11 : memref<4096xi32, #tpu.memory_space<vmem>>)
    %dma_wait3A_27 = tpu.memref_slice %arg3[%add3A_6] : memref<4194304xf32, #tpu.memory_space<hbm>> -> memref<4096xf32, #tpu.memory_space<hbm>>
    %dma_wait3A_28 = tpu.memref_slice %arg3[%add3A_6] : memref<4194304xf32, #tpu.memory_space<hbm>> -> memref<4096xf32, #tpu.memory_space<hbm>>
    tpu.wait_dma2 semaphore(%arg21 : memref<!tpu.dma_semaphore, #tpu.memory_space<semaphore_mem>>) src(%dma_wait3A_28 : memref<4096xf32, #tpu.memory_space<hbm>>) dst(%arg13 : memref<4096xf32, #tpu.memory_space<vmem>>)
    %dma_wait3A_29 = tpu.memref_slice %arg4[%add3A_6] : memref<4194304xi32, #tpu.memory_space<hbm>> -> memref<4096xi32, #tpu.memory_space<hbm>>
    %dma_wait3A_30 = tpu.memref_slice %arg4[%add3A_6] : memref<4194304xi32, #tpu.memory_space<hbm>> -> memref<4096xi32, #tpu.memory_space<hbm>>
    tpu.wait_dma2 semaphore(%arg21 : memref<!tpu.dma_semaphore, #tpu.memory_space<semaphore_mem>>) src(%dma_wait3A_30 : memref<4096xi32, #tpu.memory_space<hbm>>) dst(%arg15 : memref<4096xi32, #tpu.memory_space<vmem>>)
    %parallel_loop3A_31 = arith.constant 0 : i32
    %parallel_loop3A_32 = arith.constant 256 : i32
    %parallel_loop3A_33 = arith.constant 1 : i32
    scf.for %parallel_loop3A_682 = %parallel_loop3A_31 to %parallel_loop3A_32 step %parallel_loop3A_33  : i32 {
      %parallel_loop3A_683 = arith.constant 16 : i32
      %parallel_loop3A_684 = arith.muli %parallel_loop3A_682, %parallel_loop3A_683 : i32
      %parallel_loop3A_685 = arith.index_cast %parallel_loop3A_684 : i32 to index
      %parallel_loop3A_686 = tpu.vector_load %arg11[%parallel_loop3A_685] {strides = array<i32>} : memref<4096xi32, #tpu.memory_space<vmem>>, vector<16xi32>,
      %parallel_loop3A_687 = tpu.vector_load_idx %arg9[%parallel_loop3A_686] : memref<65536xf32, #tpu.memory_space<vmem>>[vector<16xi32>], vector<16xf32>,
      %parallel_loop3A_688 = arith.index_cast %parallel_loop3A_684 : i32 to index
      %parallel_loop3A_689 = tpu.vector_load %arg13[%parallel_loop3A_688] {strides = array<i32>} : memref<4096xf32, #tpu.memory_space<vmem>>, vector<16xf32>,
      %parallel_loop3A_690 = arith.mulf %parallel_loop3A_687, %parallel_loop3A_689 : vector<16xf32>
      %parallel_loop3A_691 = arith.index_cast %parallel_loop3A_684 : i32 to index
      %parallel_loop3A_692 = tpu.vector_load %arg18[%parallel_loop3A_691] {strides = array<i32>} : memref<4096xf32, #tpu.memory_space<vmem>>, vector<16xf32>,
      tpu.vector_store %arg18[%parallel_loop3A_691], %parallel_loop3A_690 {strides = array<i32>} : memref<4096xf32, #tpu.memory_space<vmem>>, vector<16xf32>,
    } {sc.loop_unroll_factor = 8 : i64, sc.parallel_access}
    %dma_start3A_34 = arith.constant 0 : i32
    %dma_start3A_35 = tpu.memref_slice %arg8[%dma_start3A_34] : memref<65536xf32, #tpu.memory_space<vmem_shared>> -> memref<65536xf32, #tpu.memory_space<vmem_shared>>
    tpu.enqueue_indirect_dma source(%arg18 : memref<4096xf32, #tpu.memory_space<vmem>>) target(%dma_start3A_35 : memref<65536xf32, #tpu.memory_space<vmem_shared>>) offsets(%arg15 : memref<4096xi32, #tpu.memory_space<vmem>>) semaphore(%arg23 : memref<!tpu.dma_semaphore, #tpu.memory_space<semaphore_mem>>) {add = true}
    %add3A_36 = arith.constant 8192 : i32
    %add3A_37 = arith.addi %mul3A_4, %add3A_36 : i32
    %dma_start3A_38 = tpu.memref_slice %arg5[%add3A_37] : memref<4194304xi32, #tpu.memory_space<hbm>> -> memref<4096xi32, #tpu.memory_space<hbm>>
    %dma_start3A_39 = tpu.memref_slice %arg5[%add3A_37] : memref<4194304xi32, #tpu.memory_space<hbm>> -> memref<4096xi32, #tpu.memory_space<hbm>>
    tpu.enqueue_dma source(%dma_start3A_39 : memref<4096xi32, #tpu.memory_space<hbm>>) target(%arg11 : memref<4096xi32, #tpu.memory_space<vmem>>) target_semaphore(%arg21 : memref<!tpu.dma_semaphore, #tpu.memory_space<semaphore_mem>>)
    %dma_start3A_40 = tpu.memref_slice %arg3[%add3A_37] : memref<4194304xf32, #tpu.memory_space<hbm>> -> memref<4096xf32, #tpu.memory_space<hbm>>
    %dma_start3A_41 = tpu.memref_slice %arg3[%add3A_37] : memref<4194304xf32, #tpu.memory_space<hbm>> -> memref<4096xf32, #tpu.memory_space<hbm>>
    tpu.enqueue_dma source(%dma_start3A_41 : memref<4096xf32, #tpu.memory_space<hbm>>) target(%arg13 : memref<4096xf32, #tpu.memory_space<vmem>>) target_semaphore(%arg21 : memref<!tpu.dma_semaphore, #tpu.memory_space<semaphore_mem>>)
    %dma_start3A_42 = tpu.memref_slice %arg4[%add3A_37] : memref<4194304xi32, #tpu.memory_space<hbm>> -> memref<4096xi32, #tpu.memory_space<hbm>>
    %dma_start3A_43 = tpu.memref_slice %arg4[%add3A_37] : memref<4194304xi32, #tpu.memory_space<hbm>> -> memref<4096xi32, #tpu.memory_space<hbm>>
    tpu.enqueue_dma source(%dma_start3A_43 : memref<4096xi32, #tpu.memory_space<hbm>>) target(%arg17 : memref<4096xi32, #tpu.memory_space<vmem>>) target_semaphore(%arg21 : memref<!tpu.dma_semaphore, #tpu.memory_space<semaphore_mem>>)
    %dma_wait3A_44 = tpu.memref_slice %arg5[%add3A_13] : memref<4194304xi32, #tpu.memory_space<hbm>> -> memref<4096xi32, #tpu.memory_space<hbm>>
    %dma_wait3A_45 = tpu.memref_slice %arg5[%add3A_13] : memref<4194304xi32, #tpu.memory_space<hbm>> -> memref<4096xi32, #tpu.memory_space<hbm>>
    tpu.wait_dma2 semaphore(%arg22 : memref<!tpu.dma_semaphore, #tpu.memory_space<semaphore_mem>>) src(%dma_wait3A_45 : memref<4096xi32, #tpu.memory_space<hbm>>) dst(%arg12 : memref<4096xi32, #tpu.memory_space<vmem>>)
    %dma_wait3A_46 = tpu.memref_slice %arg3[%add3A_13] : memref<4194304xf32, #tpu.memory_space<hbm>> -> memref<4096xf32, #tpu.memory_space<hbm>>
    %dma_wait3A_47 = tpu.memref_slice %arg3[%add3A_13] : memref<4194304xf32, #tpu.memory_space<hbm>> -> memref<4096xf32, #tpu.memory_space<hbm>>
    tpu.wait_dma2 semaphore(%arg22 : memref<!tpu.dma_semaphore, #tpu.memory_space<semaphore_mem>>) src(%dma_wait3A_47 : memref<4096xf32, #tpu.memory_space<hbm>>) dst(%arg14 : memref<4096xf32, #tpu.memory_space<vmem>>)
    %dma_wait3A_48 = tpu.memref_slice %arg4[%add3A_13] : memref<4194304xi32, #tpu.memory_space<hbm>> -> memref<4096xi32, #tpu.memory_space<hbm>>
    %dma_wait3A_49 = tpu.memref_slice %arg4[%add3A_13] : memref<4194304xi32, #tpu.memory_space<hbm>> -> memref<4096xi32, #tpu.memory_space<hbm>>
    tpu.wait_dma2 semaphore(%arg22 : memref<!tpu.dma_semaphore, #tpu.memory_space<semaphore_mem>>) src(%dma_wait3A_49 : memref<4096xi32, #tpu.memory_space<hbm>>) dst(%arg16 : memref<4096xi32, #tpu.memory_space<vmem>>)
    %parallel_loop3A_50 = arith.constant 0 : i32
    %parallel_loop3A_51 = arith.constant 256 : i32
    %parallel_loop3A_52 = arith.constant 1 : i32
    scf.for %parallel_loop3A_682 = %parallel_loop3A_50 to %parallel_loop3A_51 step %parallel_loop3A_52  : i32 {
      %parallel_loop3A_683 = arith.constant 16 : i32
      %parallel_loop3A_684 = arith.muli %parallel_loop3A_682, %parallel_loop3A_683 : i32
      %parallel_loop3A_685 = arith.index_cast %parallel_loop3A_684 : i32 to index
      %parallel_loop3A_686 = tpu.vector_load %arg12[%parallel_loop3A_685] {strides = array<i32>} : memref<4096xi32, #tpu.memory_space<vmem>>, vector<16xi32>,
      %parallel_loop3A_687 = tpu.vector_load_idx %arg9[%parallel_loop3A_686] : memref<65536xf32, #tpu.memory_space<vmem>>[vector<16xi32>], vector<16xf32>,
      %parallel_loop3A_688 = arith.index_cast %parallel_loop3A_684 : i32 to index
      %parallel_loop3A_689 = tpu.vector_load %arg14[%parallel_loop3A_688] {strides = array<i32>} : memref<4096xf32, #tpu.memory_space<vmem>>, vector<16xf32>,
      %parallel_loop3A_690 = arith.mulf %parallel_loop3A_687, %parallel_loop3A_689 : vector<16xf32>
      %parallel_loop3A_691 = arith.index_cast %parallel_loop3A_684 : i32 to index
      %parallel_loop3A_692 = tpu.vector_load %arg19[%parallel_loop3A_691] {strides = array<i32>} : memref<4096xf32, #tpu.memory_space<vmem>>, vector<16xf32>,
      tpu.vector_store %arg19[%parallel_loop3A_691], %parallel_loop3A_690 {strides = array<i32>} : memref<4096xf32, #tpu.memory_space<vmem>>, vector<16xf32>,
    } {sc.loop_unroll_factor = 8 : i64, sc.parallel_access}
    %dma_start3A_53 = arith.constant 0 : i32
    %dma_start3A_54 = tpu.memref_slice %arg8[%dma_start3A_53] : memref<65536xf32, #tpu.memory_space<vmem_shared>> -> memref<65536xf32, #tpu.memory_space<vmem_shared>>
    tpu.enqueue_indirect_dma source(%arg19 : memref<4096xf32, #tpu.memory_space<vmem>>) target(%dma_start3A_54 : memref<65536xf32, #tpu.memory_space<vmem_shared>>) offsets(%arg16 : memref<4096xi32, #tpu.memory_space<vmem>>) semaphore(%arg24 : memref<!tpu.dma_semaphore, #tpu.memory_space<semaphore_mem>>) {add = true}
    %dma_wait3A_55 = arith.constant 0 : i32
    %dma_wait3A_56 = tpu.memref_slice %arg8[%dma_wait3A_55] : memref<65536xf32, #tpu.memory_space<vmem_shared>> -> memref<65536xf32, #tpu.memory_space<vmem_shared>>
    tpu.wait_indirect_dma semaphore(%arg23 : memref<!tpu.dma_semaphore, #tpu.memory_space<semaphore_mem>>) src(%arg18 : memref<4096xf32, #tpu.memory_space<vmem>>) dst(%dma_wait3A_56 : memref<65536xf32, #tpu.memory_space<vmem_shared>>)
    %add3A_57 = arith.constant 12288 : i32
    %add3A_58 = arith.addi %mul3A_4, %add3A_57 : i32
    %dma_start3A_59 = tpu.memref_slice %arg5[%add3A_58] : memref<4194304xi32, #tpu.memory_space<hbm>> -> memref<4096xi32, #tpu.memory_space<hbm>>
    %dma_start3A_60 = tpu.memref_slice %arg5[%add3A_58] : memref<4194304xi32, #tpu.memory_space<hbm>> -> memref<4096xi32, #tpu.memory_space<hbm>>
    tpu.enqueue_dma source(%dma_start3A_60 : memref<4096xi32, #tpu.memory_space<hbm>>) target(%arg12 : memref<4096xi32, #tpu.memory_space<vmem>>) target_semaphore(%arg22 : memref<!tpu.dma_semaphore, #tpu.memory_space<semaphore_mem>>)
    %dma_start3A_61 = tpu.memref_slice %arg3[%add3A_58] : memref<4194304xf32, #tpu.memory_space<hbm>> -> memref<4096xf32, #tpu.memory_space<hbm>>
    %dma_start3A_62 = tpu.memref_slice %arg3[%add3A_58] : memref<4194304xf32, #tpu.memory_space<hbm>> -> memref<4096xf32, #tpu.memory_space<hbm>>
    tpu.enqueue_dma source(%dma_start3A_62 : memref<4096xf32, #tpu.memory_space<hbm>>) target(%arg14 : memref<4096xf32, #tpu.memory_space<vmem>>) target_semaphore(%arg22 : memref<!tpu.dma_semaphore, #tpu.memory_space<semaphore_mem>>)
    %dma_start3A_63 = tpu.memref_slice %arg4[%add3A_58] : memref<4194304xi32, #tpu.memory_space<hbm>> -> memref<4096xi32, #tpu.memory_space<hbm>>
    %dma_start3A_64 = tpu.memref_slice %arg4[%add3A_58] : memref<4194304xi32, #tpu.memory_space<hbm>> -> memref<4096xi32, #tpu.memory_space<hbm>>
    tpu.enqueue_dma source(%dma_start3A_64 : memref<4096xi32, #tpu.memory_space<hbm>>) target(%arg15 : memref<4096xi32, #tpu.memory_space<vmem>>) target_semaphore(%arg22 : memref<!tpu.dma_semaphore, #tpu.memory_space<semaphore_mem>>)
    %dma_wait3A_65 = tpu.memref_slice %arg5[%add3A_37] : memref<4194304xi32, #tpu.memory_space<hbm>> -> memref<4096xi32, #tpu.memory_space<hbm>>
    %dma_wait3A_66 = tpu.memref_slice %arg5[%add3A_37] : memref<4194304xi32, #tpu.memory_space<hbm>> -> memref<4096xi32, #tpu.memory_space<hbm>>
    tpu.wait_dma2 semaphore(%arg21 : memref<!tpu.dma_semaphore, #tpu.memory_space<semaphore_mem>>) src(%dma_wait3A_66 : memref<4096xi32, #tpu.memory_space<hbm>>) dst(%arg11 : memref<4096xi32, #tpu.memory_space<vmem>>)
    %dma_wait3A_67 = tpu.memref_slice %arg3[%add3A_37] : memref<4194304xf32, #tpu.memory_space<hbm>> -> memref<4096xf32, #tpu.memory_space<hbm>>
    %dma_wait3A_68 = tpu.memref_slice %arg3[%add3A_37] : memref<4194304xf32, #tpu.memory_space<hbm>> -> memref<4096xf32, #tpu.memory_space<hbm>>
    tpu.wait_dma2 semaphore(%arg21 : memref<!tpu.dma_semaphore, #tpu.memory_space<semaphore_mem>>) src(%dma_wait3A_68 : memref<4096xf32, #tpu.memory_space<hbm>>) dst(%arg13 : memref<4096xf32, #tpu.memory_space<vmem>>)
    %dma_wait3A_69 = tpu.memref_slice %arg4[%add3A_37] : memref<4194304xi32, #tpu.memory_space<hbm>> -> memref<4096xi32, #tpu.memory_space<hbm>>
    %dma_wait3A_70 = tpu.memref_slice %arg4[%add3A_37] : memref<4194304xi32, #tpu.memory_space<hbm>> -> memref<4096xi32, #tpu.memory_space<hbm>>
    tpu.wait_dma2 semaphore(%arg21 : memref<!tpu.dma_semaphore, #tpu.memory_space<semaphore_mem>>) src(%dma_wait3A_70 : memref<4096xi32, #tpu.memory_space<hbm>>) dst(%arg17 : memref<4096xi32, #tpu.memory_space<vmem>>)
    %parallel_loop3A_71 = arith.constant 0 : i32
    %parallel_loop3A_72 = arith.constant 256 : i32
    %parallel_loop3A_73 = arith.constant 1 : i32
    scf.for %parallel_loop3A_682 = %parallel_loop3A_71 to %parallel_loop3A_72 step %parallel_loop3A_73  : i32 {
      %parallel_loop3A_683 = arith.constant 16 : i32
      %parallel_loop3A_684 = arith.muli %parallel_loop3A_682, %parallel_loop3A_683 : i32
      %parallel_loop3A_685 = arith.index_cast %parallel_loop3A_684 : i32 to index
      %parallel_loop3A_686 = tpu.vector_load %arg11[%parallel_loop3A_685] {strides = array<i32>} : memref<4096xi32, #tpu.memory_space<vmem>>, vector<16xi32>,
      %parallel_loop3A_687 = tpu.vector_load_idx %arg9[%parallel_loop3A_686] : memref<65536xf32, #tpu.memory_space<vmem>>[vector<16xi32>], vector<16xf32>,
      %parallel_loop3A_688 = arith.index_cast %parallel_loop3A_684 : i32 to index
      %parallel_loop3A_689 = tpu.vector_load %arg13[%parallel_loop3A_688] {strides = array<i32>} : memref<4096xf32, #tpu.memory_space<vmem>>, vector<16xf32>,
      %parallel_loop3A_690 = arith.mulf %parallel_loop3A_687, %parallel_loop3A_689 : vector<16xf32>
      %parallel_loop3A_691 = arith.index_cast %parallel_loop3A_684 : i32 to index
      %parallel_loop3A_692 = tpu.vector_load %arg20[%parallel_loop3A_691] {strides = array<i32>} : memref<4096xf32, #tpu.memory_space<vmem>>, vector<16xf32>,
      tpu.vector_store %arg20[%parallel_loop3A_691], %parallel_loop3A_690 {strides = array<i32>} : memref<4096xf32, #tpu.memory_space<vmem>>, vector<16xf32>,
    } {sc.loop_unroll_factor = 8 : i64, sc.parallel_access}
    %dma_start3A_74 = arith.constant 0 : i32
    %dma_start3A_75 = tpu.memref_slice %arg8[%dma_start3A_74] : memref<65536xf32, #tpu.memory_space<vmem_shared>> -> memref<65536xf32, #tpu.memory_space<vmem_shared>>
    tpu.enqueue_indirect_dma source(%arg20 : memref<4096xf32, #tpu.memory_space<vmem>>) target(%dma_start3A_75 : memref<65536xf32, #tpu.memory_space<vmem_shared>>) offsets(%arg17 : memref<4096xi32, #tpu.memory_space<vmem>>) semaphore(%arg25 : memref<!tpu.dma_semaphore, #tpu.memory_space<semaphore_mem>>) {add = true}
    %dma_wait3A_76 = arith.constant 0 : i32
    %dma_wait3A_77 = tpu.memref_slice %arg8[%dma_wait3A_76] : memref<65536xf32, #tpu.memory_space<vmem_shared>> -> memref<65536xf32, #tpu.memory_space<vmem_shared>>
    tpu.wait_indirect_dma semaphore(%arg24 : memref<!tpu.dma_semaphore, #tpu.memory_space<semaphore_mem>>) src(%arg19 : memref<4096xf32, #tpu.memory_space<vmem>>) dst(%dma_wait3A_77 : memref<65536xf32, #tpu.memory_space<vmem_shared>>)
    %add3A_78 = arith.constant 16384 : i32
    %add3A_79 = arith.addi %mul3A_4, %add3A_78 : i32
    %dma_start3A_80 = tpu.memref_slice %arg5[%add3A_79] : memref<4194304xi32, #tpu.memory_space<hbm>> -> memref<4096xi32, #tpu.memory_space<hbm>>
    %dma_start3A_81 = tpu.memref_slice %arg5[%add3A_79] : memref<4194304xi32, #tpu.memory_space<hbm>> -> memref<4096xi32, #tpu.memory_space<hbm>>
    tpu.enqueue_dma source(%dma_start3A_81 : memref<4096xi32, #tpu.memory_space<hbm>>) target(%arg11 : memref<4096xi32, #tpu.memory_space<vmem>>) target_semaphore(%arg21 : memref<!tpu.dma_semaphore, #tpu.memory_space<semaphore_mem>>)
    %dma_start3A_82 = tpu.memref_slice %arg3[%add3A_79] : memref<4194304xf32, #tpu.memory_space<hbm>> -> memref<4096xf32, #tpu.memory_space<hbm>>
    %dma_start3A_83 = tpu.memref_slice %arg3[%add3A_79] : memref<4194304xf32, #tpu.memory_space<hbm>> -> memref<4096xf32, #tpu.memory_space<hbm>>
    tpu.enqueue_dma source(%dma_start3A_83 : memref<4096xf32, #tpu.memory_space<hbm>>) target(%arg13 : memref<4096xf32, #tpu.memory_space<vmem>>) target_semaphore(%arg21 : memref<!tpu.dma_semaphore, #tpu.memory_space<semaphore_mem>>)
    %dma_start3A_84 = tpu.memref_slice %arg4[%add3A_79] : memref<4194304xi32, #tpu.memory_space<hbm>> -> memref<4096xi32, #tpu.memory_space<hbm>>
    %dma_start3A_85 = tpu.memref_slice %arg4[%add3A_79] : memref<4194304xi32, #tpu.memory_space<hbm>> -> memref<4096xi32, #tpu.memory_space<hbm>>
    tpu.enqueue_dma source(%dma_start3A_85 : memref<4096xi32, #tpu.memory_space<hbm>>) target(%arg16 : memref<4096xi32, #tpu.memory_space<vmem>>) target_semaphore(%arg21 : memref<!tpu.dma_semaphore, #tpu.memory_space<semaphore_mem>>)
    %dma_wait3A_86 = tpu.memref_slice %arg5[%add3A_58] : memref<4194304xi32, #tpu.memory_space<hbm>> -> memref<4096xi32, #tpu.memory_space<hbm>>
    %dma_wait3A_87 = tpu.memref_slice %arg5[%add3A_58] : memref<4194304xi32, #tpu.memory_space<hbm>> -> memref<4096xi32, #tpu.memory_space<hbm>>
    tpu.wait_dma2 semaphore(%arg22 : memref<!tpu.dma_semaphore, #tpu.memory_space<semaphore_mem>>) src(%dma_wait3A_87 : memref<4096xi32, #tpu.memory_space<hbm>>) dst(%arg12 : memref<4096xi32, #tpu.memory_space<vmem>>)
    %dma_wait3A_88 = tpu.memref_slice %arg3[%add3A_58] : memref<4194304xf32, #tpu.memory_space<hbm>> -> memref<4096xf32, #tpu.memory_space<hbm>>
    %dma_wait3A_89 = tpu.memref_slice %arg3[%add3A_58] : memref<4194304xf32, #tpu.memory_space<hbm>> -> memref<4096xf32, #tpu.memory_space<hbm>>
    tpu.wait_dma2 semaphore(%arg22 : memref<!tpu.dma_semaphore, #tpu.memory_space<semaphore_mem>>) src(%dma_wait3A_89 : memref<4096xf32, #tpu.memory_space<hbm>>) dst(%arg14 : memref<4096xf32, #tpu.memory_space<vmem>>)
    %dma_wait3A_90 = tpu.memref_slice %arg4[%add3A_58] : memref<4194304xi32, #tpu.memory_space<hbm>> -> memref<4096xi32, #tpu.memory_space<hbm>>
    %dma_wait3A_91 = tpu.memref_slice %arg4[%add3A_58] : memref<4194304xi32, #tpu.memory_space<hbm>> -> memref<4096xi32, #tpu.memory_space<hbm>>
    tpu.wait_dma2 semaphore(%arg22 : memref<!tpu.dma_semaphore, #tpu.memory_space<semaphore_mem>>) src(%dma_wait3A_91 : memref<4096xi32, #tpu.memory_space<hbm>>) dst(%arg15 : memref<4096xi32, #tpu.memory_space<vmem>>)
    %parallel_loop3A_92 = arith.constant 0 : i32
    %parallel_loop3A_93 = arith.constant 256 : i32
    %parallel_loop3A_94 = arith.constant 1 : i32
    scf.for %parallel_loop3A_682 = %parallel_loop3A_92 to %parallel_loop3A_93 step %parallel_loop3A_94  : i32 {
      %parallel_loop3A_683 = arith.constant 16 : i32
      %parallel_loop3A_684 = arith.muli %parallel_loop3A_682, %parallel_loop3A_683 : i32
      %parallel_loop3A_685 = arith.index_cast %parallel_loop3A_684 : i32 to index
      %parallel_loop3A_686 = tpu.vector_load %arg12[%parallel_loop3A_685] {strides = array<i32>} : memref<4096xi32, #tpu.memory_space<vmem>>, vector<16xi32>,
      %parallel_loop3A_687 = tpu.vector_load_idx %arg9[%parallel_loop3A_686] : memref<65536xf32, #tpu.memory_space<vmem>>[vector<16xi32>], vector<16xf32>,
      %parallel_loop3A_688 = arith.index_cast %parallel_loop3A_684 : i32 to index
      %parallel_loop3A_689 = tpu.vector_load %arg14[%parallel_loop3A_688] {strides = array<i32>} : memref<4096xf32, #tpu.memory_space<vmem>>, vector<16xf32>,
      %parallel_loop3A_690 = arith.mulf %parallel_loop3A_687, %parallel_loop3A_689 : vector<16xf32>
      %parallel_loop3A_691 = arith.index_cast %parallel_loop3A_684 : i32 to index
      %parallel_loop3A_692 = tpu.vector_load %arg18[%parallel_loop3A_691] {strides = array<i32>} : memref<4096xf32, #tpu.memory_space<vmem>>, vector<16xf32>,
      tpu.vector_store %arg18[%parallel_loop3A_691], %parallel_loop3A_690 {strides = array<i32>} : memref<4096xf32, #tpu.memory_space<vmem>>, vector<16xf32>,
    } {sc.loop_unroll_factor = 8 : i64, sc.parallel_access}
    %dma_start3A_95 = arith.constant 0 : i32
    %dma_start3A_96 = tpu.memref_slice %arg8[%dma_start3A_95] : memref<65536xf32, #tpu.memory_space<vmem_shared>> -> memref<65536xf32, #tpu.memory_space<vmem_shared>>
    tpu.enqueue_indirect_dma source(%arg18 : memref<4096xf32, #tpu.memory_space<vmem>>) target(%dma_start3A_96 : memref<65536xf32, #tpu.memory_space<vmem_shared>>) offsets(%arg15 : memref<4096xi32, #tpu.memory_space<vmem>>) semaphore(%arg23 : memref<!tpu.dma_semaphore, #tpu.memory_space<semaphore_mem>>) {add = true}
    %dma_wait3A_97 = arith.constant 0 : i32
    %dma_wait3A_98 = tpu.memref_slice %arg8[%dma_wait3A_97] : memref<65536xf32, #tpu.memory_space<vmem_shared>> -> memref<65536xf32, #tpu.memory_space<vmem_shared>>
    tpu.wait_indirect_dma semaphore(%arg25 : memref<!tpu.dma_semaphore, #tpu.memory_space<semaphore_mem>>) src(%arg20 : memref<4096xf32, #tpu.memory_space<vmem>>) dst(%dma_wait3A_98 : memref<65536xf32, #tpu.memory_space<vmem_shared>>)
    %add3A_99 = arith.constant 20480 : i32
    %add3A_100 = arith.addi %mul3A_4, %add3A_99 : i32
    %dma_start3A_101 = tpu.memref_slice %arg5[%add3A_100] : memref<4194304xi32, #tpu.memory_space<hbm>> -> memref<4096xi32, #tpu.memory_space<hbm>>
    %dma_start3A_102 = tpu.memref_slice %arg5[%add3A_100] : memref<4194304xi32, #tpu.memory_space<hbm>> -> memref<4096xi32, #tpu.memory_space<hbm>>
    tpu.enqueue_dma source(%dma_start3A_102 : memref<4096xi32, #tpu.memory_space<hbm>>) target(%arg12 : memref<4096xi32, #tpu.memory_space<vmem>>) target_semaphore(%arg22 : memref<!tpu.dma_semaphore, #tpu.memory_space<semaphore_mem>>)
    %dma_start3A_103 = tpu.memref_slice %arg3[%add3A_100] : memref<4194304xf32, #tpu.memory_space<hbm>> -> memref<4096xf32, #tpu.memory_space<hbm>>
    %dma_start3A_104 = tpu.memref_slice %arg3[%add3A_100] : memref<4194304xf32, #tpu.memory_space<hbm>> -> memref<4096xf32, #tpu.memory_space<hbm>>
    tpu.enqueue_dma source(%dma_start3A_104 : memref<4096xf32, #tpu.memory_space<hbm>>) target(%arg14 : memref<4096xf32, #tpu.memory_space<vmem>>) target_semaphore(%arg22 : memref<!tpu.dma_semaphore, #tpu.memory_space<semaphore_mem>>)
    %dma_start3A_105 = tpu.memref_slice %arg4[%add3A_100] : memref<4194304xi32, #tpu.memory_space<hbm>> -> memref<4096xi32, #tpu.memory_space<hbm>>
    %dma_start3A_106 = tpu.memref_slice %arg4[%add3A_100] : memref<4194304xi32, #tpu.memory_space<hbm>> -> memref<4096xi32, #tpu.memory_space<hbm>>
    tpu.enqueue_dma source(%dma_start3A_106 : memref<4096xi32, #tpu.memory_space<hbm>>) target(%arg17 : memref<4096xi32, #tpu.memory_space<vmem>>) target_semaphore(%arg22 : memref<!tpu.dma_semaphore, #tpu.memory_space<semaphore_mem>>)
    %dma_wait3A_107 = tpu.memref_slice %arg5[%add3A_79] : memref<4194304xi32, #tpu.memory_space<hbm>> -> memref<4096xi32, #tpu.memory_space<hbm>>
    %dma_wait3A_108 = tpu.memref_slice %arg5[%add3A_79] : memref<4194304xi32, #tpu.memory_space<hbm>> -> memref<4096xi32, #tpu.memory_space<hbm>>
    tpu.wait_dma2 semaphore(%arg21 : memref<!tpu.dma_semaphore, #tpu.memory_space<semaphore_mem>>) src(%dma_wait3A_108 : memref<4096xi32, #tpu.memory_space<hbm>>) dst(%arg11 : memref<4096xi32, #tpu.memory_space<vmem>>)
    %dma_wait3A_109 = tpu.memref_slice %arg3[%add3A_79] : memref<4194304xf32, #tpu.memory_space<hbm>> -> memref<4096xf32, #tpu.memory_space<hbm>>
    %dma_wait3A_110 = tpu.memref_slice %arg3[%add3A_79] : memref<4194304xf32, #tpu.memory_space<hbm>> -> memref<4096xf32, #tpu.memory_space<hbm>>
    tpu.wait_dma2 semaphore(%arg21 : memref<!tpu.dma_semaphore, #tpu.memory_space<semaphore_mem>>) src(%dma_wait3A_110 : memref<4096xf32, #tpu.memory_space<hbm>>) dst(%arg13 : memref<4096xf32, #tpu.memory_space<vmem>>)
    %dma_wait3A_111 = tpu.memref_slice %arg4[%add3A_79] : memref<4194304xi32, #tpu.memory_space<hbm>> -> memref<4096xi32, #tpu.memory_space<hbm>>
    %dma_wait3A_112 = tpu.memref_slice %arg4[%add3A_79] : memref<4194304xi32, #tpu.memory_space<hbm>> -> memref<4096xi32, #tpu.memory_space<hbm>>
    tpu.wait_dma2 semaphore(%arg21 : memref<!tpu.dma_semaphore, #tpu.memory_space<semaphore_mem>>) src(%dma_wait3A_112 : memref<4096xi32, #tpu.memory_space<hbm>>) dst(%arg16 : memref<4096xi32, #tpu.memory_space<vmem>>)
    %parallel_loop3A_113 = arith.constant 0 : i32
    %parallel_loop3A_114 = arith.constant 256 : i32
    %parallel_loop3A_115 = arith.constant 1 : i32
    scf.for %parallel_loop3A_682 = %parallel_loop3A_113 to %parallel_loop3A_114 step %parallel_loop3A_115  : i32 {
      %parallel_loop3A_683 = arith.constant 16 : i32
      %parallel_loop3A_684 = arith.muli %parallel_loop3A_682, %parallel_loop3A_683 : i32
      %parallel_loop3A_685 = arith.index_cast %parallel_loop3A_684 : i32 to index
      %parallel_loop3A_686 = tpu.vector_load %arg11[%parallel_loop3A_685] {strides = array<i32>} : memref<4096xi32, #tpu.memory_space<vmem>>, vector<16xi32>,
      %parallel_loop3A_687 = tpu.vector_load_idx %arg9[%parallel_loop3A_686] : memref<65536xf32, #tpu.memory_space<vmem>>[vector<16xi32>], vector<16xf32>,
      %parallel_loop3A_688 = arith.index_cast %parallel_loop3A_684 : i32 to index
      %parallel_loop3A_689 = tpu.vector_load %arg13[%parallel_loop3A_688] {strides = array<i32>} : memref<4096xf32, #tpu.memory_space<vmem>>, vector<16xf32>,
      %parallel_loop3A_690 = arith.mulf %parallel_loop3A_687, %parallel_loop3A_689 : vector<16xf32>
      %parallel_loop3A_691 = arith.index_cast %parallel_loop3A_684 : i32 to index
      %parallel_loop3A_692 = tpu.vector_load %arg19[%parallel_loop3A_691] {strides = array<i32>} : memref<4096xf32, #tpu.memory_space<vmem>>, vector<16xf32>,
      tpu.vector_store %arg19[%parallel_loop3A_691], %parallel_loop3A_690 {strides = array<i32>} : memref<4096xf32, #tpu.memory_space<vmem>>, vector<16xf32>,
    } {sc.loop_unroll_factor = 8 : i64, sc.parallel_access}
    %dma_start3A_116 = arith.constant 0 : i32
    %dma_start3A_117 = tpu.memref_slice %arg8[%dma_start3A_116] : memref<65536xf32, #tpu.memory_space<vmem_shared>> -> memref<65536xf32, #tpu.memory_space<vmem_shared>>
    tpu.enqueue_indirect_dma source(%arg19 : memref<4096xf32, #tpu.memory_space<vmem>>) target(%dma_start3A_117 : memref<65536xf32, #tpu.memory_space<vmem_shared>>) offsets(%arg16 : memref<4096xi32, #tpu.memory_space<vmem>>) semaphore(%arg24 : memref<!tpu.dma_semaphore, #tpu.memory_space<semaphore_mem>>) {add = true}
    %dma_wait3A_118 = arith.constant 0 : i32
    %dma_wait3A_119 = tpu.memref_slice %arg8[%dma_wait3A_118] : memref<65536xf32, #tpu.memory_space<vmem_shared>> -> memref<65536xf32, #tpu.memory_space<vmem_shared>>
    tpu.wait_indirect_dma semaphore(%arg23 : memref<!tpu.dma_semaphore, #tpu.memory_space<semaphore_mem>>) src(%arg18 : memref<4096xf32, #tpu.memory_space<vmem>>) dst(%dma_wait3A_119 : memref<65536xf32, #tpu.memory_space<vmem_shared>>)
    %add3A_120 = arith.constant 24576 : i32
    %add3A_121 = arith.addi %mul3A_4, %add3A_120 : i32
    %dma_start3A_122 = tpu.memref_slice %arg5[%add3A_121] : memref<4194304xi32, #tpu.memory_space<hbm>> -> memref<4096xi32, #tpu.memory_space<hbm>>
    %dma_start3A_123 = tpu.memref_slice %arg5[%add3A_121] : memref<4194304xi32, #tpu.memory_space<hbm>> -> memref<4096xi32, #tpu.memory_space<hbm>>
    tpu.enqueue_dma source(%dma_start3A_123 : memref<4096xi32, #tpu.memory_space<hbm>>) target(%arg11 : memref<4096xi32, #tpu.memory_space<vmem>>) target_semaphore(%arg21 : memref<!tpu.dma_semaphore, #tpu.memory_space<semaphore_mem>>)
    %dma_start3A_124 = tpu.memref_slice %arg3[%add3A_121] : memref<4194304xf32, #tpu.memory_space<hbm>> -> memref<4096xf32, #tpu.memory_space<hbm>>
    %dma_start3A_125 = tpu.memref_slice %arg3[%add3A_121] : memref<4194304xf32, #tpu.memory_space<hbm>> -> memref<4096xf32, #tpu.memory_space<hbm>>
    tpu.enqueue_dma source(%dma_start3A_125 : memref<4096xf32, #tpu.memory_space<hbm>>) target(%arg13 : memref<4096xf32, #tpu.memory_space<vmem>>) target_semaphore(%arg21 : memref<!tpu.dma_semaphore, #tpu.memory_space<semaphore_mem>>)
    %dma_start3A_126 = tpu.memref_slice %arg4[%add3A_121] : memref<4194304xi32, #tpu.memory_space<hbm>> -> memref<4096xi32, #tpu.memory_space<hbm>>
    %dma_start3A_127 = tpu.memref_slice %arg4[%add3A_121] : memref<4194304xi32, #tpu.memory_space<hbm>> -> memref<4096xi32, #tpu.memory_space<hbm>>
    tpu.enqueue_dma source(%dma_start3A_127 : memref<4096xi32, #tpu.memory_space<hbm>>) target(%arg15 : memref<4096xi32, #tpu.memory_space<vmem>>) target_semaphore(%arg21 : memref<!tpu.dma_semaphore, #tpu.memory_space<semaphore_mem>>)
    %dma_wait3A_128 = tpu.memref_slice %arg5[%add3A_100] : memref<4194304xi32, #tpu.memory_space<hbm>> -> memref<4096xi32, #tpu.memory_space<hbm>>
    %dma_wait3A_129 = tpu.memref_slice %arg5[%add3A_100] : memref<4194304xi32, #tpu.memory_space<hbm>> -> memref<4096xi32, #tpu.memory_space<hbm>>
    tpu.wait_dma2 semaphore(%arg22 : memref<!tpu.dma_semaphore, #tpu.memory_space<semaphore_mem>>) src(%dma_wait3A_129 : memref<4096xi32, #tpu.memory_space<hbm>>) dst(%arg12 : memref<4096xi32, #tpu.memory_space<vmem>>)
    %dma_wait3A_130 = tpu.memref_slice %arg3[%add3A_100] : memref<4194304xf32, #tpu.memory_space<hbm>> -> memref<4096xf32, #tpu.memory_space<hbm>>
    %dma_wait3A_131 = tpu.memref_slice %arg3[%add3A_100] : memref<4194304xf32, #tpu.memory_space<hbm>> -> memref<4096xf32, #tpu.memory_space<hbm>>
    tpu.wait_dma2 semaphore(%arg22 : memref<!tpu.dma_semaphore, #tpu.memory_space<semaphore_mem>>) src(%dma_wait3A_131 : memref<4096xf32, #tpu.memory_space<hbm>>) dst(%arg14 : memref<4096xf32, #tpu.memory_space<vmem>>)
    %dma_wait3A_132 = tpu.memref_slice %arg4[%add3A_100] : memref<4194304xi32, #tpu.memory_space<hbm>> -> memref<4096xi32, #tpu.memory_space<hbm>>
    %dma_wait3A_133 = tpu.memref_slice %arg4[%add3A_100] : memref<4194304xi32, #tpu.memory_space<hbm>> -> memref<4096xi32, #tpu.memory_space<hbm>>
    tpu.wait_dma2 semaphore(%arg22 : memref<!tpu.dma_semaphore, #tpu.memory_space<semaphore_mem>>) src(%dma_wait3A_133 : memref<4096xi32, #tpu.memory_space<hbm>>) dst(%arg17 : memref<4096xi32, #tpu.memory_space<vmem>>)
    %parallel_loop3A_134 = arith.constant 0 : i32
    %parallel_loop3A_135 = arith.constant 256 : i32
    %parallel_loop3A_136 = arith.constant 1 : i32
    scf.for %parallel_loop3A_682 = %parallel_loop3A_134 to %parallel_loop3A_135 step %parallel_loop3A_136  : i32 {
      %parallel_loop3A_683 = arith.constant 16 : i32
      %parallel_loop3A_684 = arith.muli %parallel_loop3A_682, %parallel_loop3A_683 : i32
      %parallel_loop3A_685 = arith.index_cast %parallel_loop3A_684 : i32 to index
      %parallel_loop3A_686 = tpu.vector_load %arg12[%parallel_loop3A_685] {strides = array<i32>} : memref<4096xi32, #tpu.memory_space<vmem>>, vector<16xi32>,
      %parallel_loop3A_687 = tpu.vector_load_idx %arg9[%parallel_loop3A_686] : memref<65536xf32, #tpu.memory_space<vmem>>[vector<16xi32>], vector<16xf32>,
      %parallel_loop3A_688 = arith.index_cast %parallel_loop3A_684 : i32 to index
      %parallel_loop3A_689 = tpu.vector_load %arg14[%parallel_loop3A_688] {strides = array<i32>} : memref<4096xf32, #tpu.memory_space<vmem>>, vector<16xf32>,
      %parallel_loop3A_690 = arith.mulf %parallel_loop3A_687, %parallel_loop3A_689 : vector<16xf32>
      %parallel_loop3A_691 = arith.index_cast %parallel_loop3A_684 : i32 to index
      %parallel_loop3A_692 = tpu.vector_load %arg20[%parallel_loop3A_691] {strides = array<i32>} : memref<4096xf32, #tpu.memory_space<vmem>>, vector<16xf32>,
      tpu.vector_store %arg20[%parallel_loop3A_691], %parallel_loop3A_690 {strides = array<i32>} : memref<4096xf32, #tpu.memory_space<vmem>>, vector<16xf32>,
    } {sc.loop_unroll_factor = 8 : i64, sc.parallel_access}
    %dma_start3A_137 = arith.constant 0 : i32
    %dma_start3A_138 = tpu.memref_slice %arg8[%dma_start3A_137] : memref<65536xf32, #tpu.memory_space<vmem_shared>> -> memref<65536xf32, #tpu.memory_space<vmem_shared>>
    tpu.enqueue_indirect_dma source(%arg20 : memref<4096xf32, #tpu.memory_space<vmem>>) target(%dma_start3A_138 : memref<65536xf32, #tpu.memory_space<vmem_shared>>) offsets(%arg17 : memref<4096xi32, #tpu.memory_space<vmem>>) semaphore(%arg25 : memref<!tpu.dma_semaphore, #tpu.memory_space<semaphore_mem>>) {add = true}
    %dma_wait3A_139 = arith.constant 0 : i32
    %dma_wait3A_140 = tpu.memref_slice %arg8[%dma_wait3A_139] : memref<65536xf32, #tpu.memory_space<vmem_shared>> -> memref<65536xf32, #tpu.memory_space<vmem_shared>>
    tpu.wait_indirect_dma semaphore(%arg24 : memref<!tpu.dma_semaphore, #tpu.memory_space<semaphore_mem>>) src(%arg19 : memref<4096xf32, #tpu.memory_space<vmem>>) dst(%dma_wait3A_140 : memref<65536xf32, #tpu.memory_space<vmem_shared>>)
    %add3A_141 = arith.constant 28672 : i32
    %add3A_142 = arith.addi %mul3A_4, %add3A_141 : i32
    %dma_start3A_143 = tpu.memref_slice %arg5[%add3A_142] : memref<4194304xi32, #tpu.memory_space<hbm>> -> memref<4096xi32, #tpu.memory_space<hbm>>
    %dma_start3A_144 = tpu.memref_slice %arg5[%add3A_142] : memref<4194304xi32, #tpu.memory_space<hbm>> -> memref<4096xi32, #tpu.memory_space<hbm>>
    tpu.enqueue_dma source(%dma_start3A_144 : memref<4096xi32, #tpu.memory_space<hbm>>) target(%arg12 : memref<4096xi32, #tpu.memory_space<vmem>>) target_semaphore(%arg22 : memref<!tpu.dma_semaphore, #tpu.memory_space<semaphore_mem>>)
    %dma_start3A_145 = tpu.memref_slice %arg3[%add3A_142] : memref<4194304xf32, #tpu.memory_space<hbm>> -> memref<4096xf32, #tpu.memory_space<hbm>>
    %dma_start3A_146 = tpu.memref_slice %arg3[%add3A_142] : memref<4194304xf32, #tpu.memory_space<hbm>> -> memref<4096xf32, #tpu.memory_space<hbm>>
    tpu.enqueue_dma source(%dma_start3A_146 : memref<4096xf32, #tpu.memory_space<hbm>>) target(%arg14 : memref<4096xf32, #tpu.memory_space<vmem>>) target_semaphore(%arg22 : memref<!tpu.dma_semaphore, #tpu.memory_space<semaphore_mem>>)
    %dma_start3A_147 = tpu.memref_slice %arg4[%add3A_142] : memref<4194304xi32, #tpu.memory_space<hbm>> -> memref<4096xi32, #tpu.memory_space<hbm>>
    %dma_start3A_148 = tpu.memref_slice %arg4[%add3A_142] : memref<4194304xi32, #tpu.memory_space<hbm>> -> memref<4096xi32, #tpu.memory_space<hbm>>
    tpu.enqueue_dma source(%dma_start3A_148 : memref<4096xi32, #tpu.memory_space<hbm>>) target(%arg16 : memref<4096xi32, #tpu.memory_space<vmem>>) target_semaphore(%arg22 : memref<!tpu.dma_semaphore, #tpu.memory_space<semaphore_mem>>)
    %dma_wait3A_149 = tpu.memref_slice %arg5[%add3A_121] : memref<4194304xi32, #tpu.memory_space<hbm>> -> memref<4096xi32, #tpu.memory_space<hbm>>
    %dma_wait3A_150 = tpu.memref_slice %arg5[%add3A_121] : memref<4194304xi32, #tpu.memory_space<hbm>> -> memref<4096xi32, #tpu.memory_space<hbm>>
    tpu.wait_dma2 semaphore(%arg21 : memref<!tpu.dma_semaphore, #tpu.memory_space<semaphore_mem>>) src(%dma_wait3A_150 : memref<4096xi32, #tpu.memory_space<hbm>>) dst(%arg11 : memref<4096xi32, #tpu.memory_space<vmem>>)
    %dma_wait3A_151 = tpu.memref_slice %arg3[%add3A_121] : memref<4194304xf32, #tpu.memory_space<hbm>> -> memref<4096xf32, #tpu.memory_space<hbm>>
    %dma_wait3A_152 = tpu.memref_slice %arg3[%add3A_121] : memref<4194304xf32, #tpu.memory_space<hbm>> -> memref<4096xf32, #tpu.memory_space<hbm>>
    tpu.wait_dma2 semaphore(%arg21 : memref<!tpu.dma_semaphore, #tpu.memory_space<semaphore_mem>>) src(%dma_wait3A_152 : memref<4096xf32, #tpu.memory_space<hbm>>) dst(%arg13 : memref<4096xf32, #tpu.memory_space<vmem>>)
    %dma_wait3A_153 = tpu.memref_slice %arg4[%add3A_121] : memref<4194304xi32, #tpu.memory_space<hbm>> -> memref<4096xi32, #tpu.memory_space<hbm>>
    %dma_wait3A_154 = tpu.memref_slice %arg4[%add3A_121] : memref<4194304xi32, #tpu.memory_space<hbm>> -> memref<4096xi32, #tpu.memory_space<hbm>>
    tpu.wait_dma2 semaphore(%arg21 : memref<!tpu.dma_semaphore, #tpu.memory_space<semaphore_mem>>) src(%dma_wait3A_154 : memref<4096xi32, #tpu.memory_space<hbm>>) dst(%arg15 : memref<4096xi32, #tpu.memory_space<vmem>>)
    %parallel_loop3A_155 = arith.constant 0 : i32
    %parallel_loop3A_156 = arith.constant 256 : i32
    %parallel_loop3A_157 = arith.constant 1 : i32
    scf.for %parallel_loop3A_682 = %parallel_loop3A_155 to %parallel_loop3A_156 step %parallel_loop3A_157  : i32 {
      %parallel_loop3A_683 = arith.constant 16 : i32
      %parallel_loop3A_684 = arith.muli %parallel_loop3A_682, %parallel_loop3A_683 : i32
      %parallel_loop3A_685 = arith.index_cast %parallel_loop3A_684 : i32 to index
      %parallel_loop3A_686 = tpu.vector_load %arg11[%parallel_loop3A_685] {strides = array<i32>} : memref<4096xi32, #tpu.memory_space<vmem>>, vector<16xi32>,
      %parallel_loop3A_687 = tpu.vector_load_idx %arg9[%parallel_loop3A_686] : memref<65536xf32, #tpu.memory_space<vmem>>[vector<16xi32>], vector<16xf32>,
      %parallel_loop3A_688 = arith.index_cast %parallel_loop3A_684 : i32 to index
      %parallel_loop3A_689 = tpu.vector_load %arg13[%parallel_loop3A_688] {strides = array<i32>} : memref<4096xf32, #tpu.memory_space<vmem>>, vector<16xf32>,
      %parallel_loop3A_690 = arith.mulf %parallel_loop3A_687, %parallel_loop3A_689 : vector<16xf32>
      %parallel_loop3A_691 = arith.index_cast %parallel_loop3A_684 : i32 to index
      %parallel_loop3A_692 = tpu.vector_load %arg18[%parallel_loop3A_691] {strides = array<i32>} : memref<4096xf32, #tpu.memory_space<vmem>>, vector<16xf32>,
      tpu.vector_store %arg18[%parallel_loop3A_691], %parallel_loop3A_690 {strides = array<i32>} : memref<4096xf32, #tpu.memory_space<vmem>>, vector<16xf32>,
    } {sc.loop_unroll_factor = 8 : i64, sc.parallel_access}
    %dma_start3A_158 = arith.constant 0 : i32
    %dma_start3A_159 = tpu.memref_slice %arg8[%dma_start3A_158] : memref<65536xf32, #tpu.memory_space<vmem_shared>> -> memref<65536xf32, #tpu.memory_space<vmem_shared>>
    tpu.enqueue_indirect_dma source(%arg18 : memref<4096xf32, #tpu.memory_space<vmem>>) target(%dma_start3A_159 : memref<65536xf32, #tpu.memory_space<vmem_shared>>) offsets(%arg15 : memref<4096xi32, #tpu.memory_space<vmem>>) semaphore(%arg23 : memref<!tpu.dma_semaphore, #tpu.memory_space<semaphore_mem>>) {add = true}
    %dma_wait3A_160 = arith.constant 0 : i32
    %dma_wait3A_161 = tpu.memref_slice %arg8[%dma_wait3A_160] : memref<65536xf32, #tpu.memory_space<vmem_shared>> -> memref<65536xf32, #tpu.memory_space<vmem_shared>>
    tpu.wait_indirect_dma semaphore(%arg25 : memref<!tpu.dma_semaphore, #tpu.memory_space<semaphore_mem>>) src(%arg20 : memref<4096xf32, #tpu.memory_space<vmem>>) dst(%dma_wait3A_161 : memref<65536xf32, #tpu.memory_space<vmem_shared>>)
    %add3A_162 = arith.constant 32768 : i32
    %add3A_163 = arith.addi %mul3A_4, %add3A_162 : i32
    %dma_start3A_164 = tpu.memref_slice %arg5[%add3A_163] : memref<4194304xi32, #tpu.memory_space<hbm>> -> memref<4096xi32, #tpu.memory_space<hbm>>
    %dma_start3A_165 = tpu.memref_slice %arg5[%add3A_163] : memref<4194304xi32, #tpu.memory_space<hbm>> -> memref<4096xi32, #tpu.memory_space<hbm>>
    tpu.enqueue_dma source(%dma_start3A_165 : memref<4096xi32, #tpu.memory_space<hbm>>) target(%arg11 : memref<4096xi32, #tpu.memory_space<vmem>>) target_semaphore(%arg21 : memref<!tpu.dma_semaphore, #tpu.memory_space<semaphore_mem>>)
    %dma_start3A_166 = tpu.memref_slice %arg3[%add3A_163] : memref<4194304xf32, #tpu.memory_space<hbm>> -> memref<4096xf32, #tpu.memory_space<hbm>>
    %dma_start3A_167 = tpu.memref_slice %arg3[%add3A_163] : memref<4194304xf32, #tpu.memory_space<hbm>> -> memref<4096xf32, #tpu.memory_space<hbm>>
    tpu.enqueue_dma source(%dma_start3A_167 : memref<4096xf32, #tpu.memory_space<hbm>>) target(%arg13 : memref<4096xf32, #tpu.memory_space<vmem>>) target_semaphore(%arg21 : memref<!tpu.dma_semaphore, #tpu.memory_space<semaphore_mem>>)
    %dma_start3A_168 = tpu.memref_slice %arg4[%add3A_163] : memref<4194304xi32, #tpu.memory_space<hbm>> -> memref<4096xi32, #tpu.memory_space<hbm>>
    %dma_start3A_169 = tpu.memref_slice %arg4[%add3A_163] : memref<4194304xi32, #tpu.memory_space<hbm>> -> memref<4096xi32, #tpu.memory_space<hbm>>
    tpu.enqueue_dma source(%dma_start3A_169 : memref<4096xi32, #tpu.memory_space<hbm>>) target(%arg17 : memref<4096xi32, #tpu.memory_space<vmem>>) target_semaphore(%arg21 : memref<!tpu.dma_semaphore, #tpu.memory_space<semaphore_mem>>)
    %dma_wait3A_170 = tpu.memref_slice %arg5[%add3A_142] : memref<4194304xi32, #tpu.memory_space<hbm>> -> memref<4096xi32, #tpu.memory_space<hbm>>
    %dma_wait3A_171 = tpu.memref_slice %arg5[%add3A_142] : memref<4194304xi32, #tpu.memory_space<hbm>> -> memref<4096xi32, #tpu.memory_space<hbm>>
    tpu.wait_dma2 semaphore(%arg22 : memref<!tpu.dma_semaphore, #tpu.memory_space<semaphore_mem>>) src(%dma_wait3A_171 : memref<4096xi32, #tpu.memory_space<hbm>>) dst(%arg12 : memref<4096xi32, #tpu.memory_space<vmem>>)
    %dma_wait3A_172 = tpu.memref_slice %arg3[%add3A_142] : memref<4194304xf32, #tpu.memory_space<hbm>> -> memref<4096xf32, #tpu.memory_space<hbm>>
    %dma_wait3A_173 = tpu.memref_slice %arg3[%add3A_142] : memref<4194304xf32, #tpu.memory_space<hbm>> -> memref<4096xf32, #tpu.memory_space<hbm>>
    tpu.wait_dma2 semaphore(%arg22 : memref<!tpu.dma_semaphore, #tpu.memory_space<semaphore_mem>>) src(%dma_wait3A_173 : memref<4096xf32, #tpu.memory_space<hbm>>) dst(%arg14 : memref<4096xf32, #tpu.memory_space<vmem>>)
    %dma_wait3A_174 = tpu.memref_slice %arg4[%add3A_142] : memref<4194304xi32, #tpu.memory_space<hbm>> -> memref<4096xi32, #tpu.memory_space<hbm>>
    %dma_wait3A_175 = tpu.memref_slice %arg4[%add3A_142] : memref<4194304xi32, #tpu.memory_space<hbm>> -> memref<4096xi32, #tpu.memory_space<hbm>>
    tpu.wait_dma2 semaphore(%arg22 : memref<!tpu.dma_semaphore, #tpu.memory_space<semaphore_mem>>) src(%dma_wait3A_175 : memref<4096xi32, #tpu.memory_space<hbm>>) dst(%arg16 : memref<4096xi32, #tpu.memory_space<vmem>>)
    %parallel_loop3A_176 = arith.constant 0 : i32
    %parallel_loop3A_177 = arith.constant 256 : i32
    %parallel_loop3A_178 = arith.constant 1 : i32
    scf.for %parallel_loop3A_682 = %parallel_loop3A_176 to %parallel_loop3A_177 step %parallel_loop3A_178  : i32 {
      %parallel_loop3A_683 = arith.constant 16 : i32
      %parallel_loop3A_684 = arith.muli %parallel_loop3A_682, %parallel_loop3A_683 : i32
      %parallel_loop3A_685 = arith.index_cast %parallel_loop3A_684 : i32 to index
      %parallel_loop3A_686 = tpu.vector_load %arg12[%parallel_loop3A_685] {strides = array<i32>} : memref<4096xi32, #tpu.memory_space<vmem>>, vector<16xi32>,
      %parallel_loop3A_687 = tpu.vector_load_idx %arg9[%parallel_loop3A_686] : memref<65536xf32, #tpu.memory_space<vmem>>[vector<16xi32>], vector<16xf32>,
      %parallel_loop3A_688 = arith.index_cast %parallel_loop3A_684 : i32 to index
      %parallel_loop3A_689 = tpu.vector_load %arg14[%parallel_loop3A_688] {strides = array<i32>} : memref<4096xf32, #tpu.memory_space<vmem>>, vector<16xf32>,
      %parallel_loop3A_690 = arith.mulf %parallel_loop3A_687, %parallel_loop3A_689 : vector<16xf32>
      %parallel_loop3A_691 = arith.index_cast %parallel_loop3A_684 : i32 to index
      %parallel_loop3A_692 = tpu.vector_load %arg19[%parallel_loop3A_691] {strides = array<i32>} : memref<4096xf32, #tpu.memory_space<vmem>>, vector<16xf32>,
      tpu.vector_store %arg19[%parallel_loop3A_691], %parallel_loop3A_690 {strides = array<i32>} : memref<4096xf32, #tpu.memory_space<vmem>>, vector<16xf32>,
    } {sc.loop_unroll_factor = 8 : i64, sc.parallel_access}
    %dma_start3A_179 = arith.constant 0 : i32
    %dma_start3A_180 = tpu.memref_slice %arg8[%dma_start3A_179] : memref<65536xf32, #tpu.memory_space<vmem_shared>> -> memref<65536xf32, #tpu.memory_space<vmem_shared>>
    tpu.enqueue_indirect_dma source(%arg19 : memref<4096xf32, #tpu.memory_space<vmem>>) target(%dma_start3A_180 : memref<65536xf32, #tpu.memory_space<vmem_shared>>) offsets(%arg16 : memref<4096xi32, #tpu.memory_space<vmem>>) semaphore(%arg24 : memref<!tpu.dma_semaphore, #tpu.memory_space<semaphore_mem>>) {add = true}
    %dma_wait3A_181 = arith.constant 0 : i32
    %dma_wait3A_182 = tpu.memref_slice %arg8[%dma_wait3A_181] : memref<65536xf32, #tpu.memory_space<vmem_shared>> -> memref<65536xf32, #tpu.memory_space<vmem_shared>>
    tpu.wait_indirect_dma semaphore(%arg23 : memref<!tpu.dma_semaphore, #tpu.memory_space<semaphore_mem>>) src(%arg18 : memref<4096xf32, #tpu.memory_space<vmem>>) dst(%dma_wait3A_182 : memref<65536xf32, #tpu.memory_space<vmem_shared>>)
    %add3A_183 = arith.constant 36864 : i32
    %add3A_184 = arith.addi %mul3A_4, %add3A_183 : i32
    %dma_start3A_185 = tpu.memref_slice %arg5[%add3A_184] : memref<4194304xi32, #tpu.memory_space<hbm>> -> memref<4096xi32, #tpu.memory_space<hbm>>
    %dma_start3A_186 = tpu.memref_slice %arg5[%add3A_184] : memref<4194304xi32, #tpu.memory_space<hbm>> -> memref<4096xi32, #tpu.memory_space<hbm>>
    tpu.enqueue_dma source(%dma_start3A_186 : memref<4096xi32, #tpu.memory_space<hbm>>) target(%arg12 : memref<4096xi32, #tpu.memory_space<vmem>>) target_semaphore(%arg22 : memref<!tpu.dma_semaphore, #tpu.memory_space<semaphore_mem>>)
    %dma_start3A_187 = tpu.memref_slice %arg3[%add3A_184] : memref<4194304xf32, #tpu.memory_space<hbm>> -> memref<4096xf32, #tpu.memory_space<hbm>>
    %dma_start3A_188 = tpu.memref_slice %arg3[%add3A_184] : memref<4194304xf32, #tpu.memory_space<hbm>> -> memref<4096xf32, #tpu.memory_space<hbm>>
    tpu.enqueue_dma source(%dma_start3A_188 : memref<4096xf32, #tpu.memory_space<hbm>>) target(%arg14 : memref<4096xf32, #tpu.memory_space<vmem>>) target_semaphore(%arg22 : memref<!tpu.dma_semaphore, #tpu.memory_space<semaphore_mem>>)
    %dma_start3A_189 = tpu.memref_slice %arg4[%add3A_184] : memref<4194304xi32, #tpu.memory_space<hbm>> -> memref<4096xi32, #tpu.memory_space<hbm>>
    %dma_start3A_190 = tpu.memref_slice %arg4[%add3A_184] : memref<4194304xi32, #tpu.memory_space<hbm>> -> memref<4096xi32, #tpu.memory_space<hbm>>
    tpu.enqueue_dma source(%dma_start3A_190 : memref<4096xi32, #tpu.memory_space<hbm>>) target(%arg15 : memref<4096xi32, #tpu.memory_space<vmem>>) target_semaphore(%arg22 : memref<!tpu.dma_semaphore, #tpu.memory_space<semaphore_mem>>)
    %dma_wait3A_191 = tpu.memref_slice %arg5[%add3A_163] : memref<4194304xi32, #tpu.memory_space<hbm>> -> memref<4096xi32, #tpu.memory_space<hbm>>
    %dma_wait3A_192 = tpu.memref_slice %arg5[%add3A_163] : memref<4194304xi32, #tpu.memory_space<hbm>> -> memref<4096xi32, #tpu.memory_space<hbm>>
    tpu.wait_dma2 semaphore(%arg21 : memref<!tpu.dma_semaphore, #tpu.memory_space<semaphore_mem>>) src(%dma_wait3A_192 : memref<4096xi32, #tpu.memory_space<hbm>>) dst(%arg11 : memref<4096xi32, #tpu.memory_space<vmem>>)
    %dma_wait3A_193 = tpu.memref_slice %arg3[%add3A_163] : memref<4194304xf32, #tpu.memory_space<hbm>> -> memref<4096xf32, #tpu.memory_space<hbm>>
    %dma_wait3A_194 = tpu.memref_slice %arg3[%add3A_163] : memref<4194304xf32, #tpu.memory_space<hbm>> -> memref<4096xf32, #tpu.memory_space<hbm>>
    tpu.wait_dma2 semaphore(%arg21 : memref<!tpu.dma_semaphore, #tpu.memory_space<semaphore_mem>>) src(%dma_wait3A_194 : memref<4096xf32, #tpu.memory_space<hbm>>) dst(%arg13 : memref<4096xf32, #tpu.memory_space<vmem>>)
    %dma_wait3A_195 = tpu.memref_slice %arg4[%add3A_163] : memref<4194304xi32, #tpu.memory_space<hbm>> -> memref<4096xi32, #tpu.memory_space<hbm>>
    %dma_wait3A_196 = tpu.memref_slice %arg4[%add3A_163] : memref<4194304xi32, #tpu.memory_space<hbm>> -> memref<4096xi32, #tpu.memory_space<hbm>>
    tpu.wait_dma2 semaphore(%arg21 : memref<!tpu.dma_semaphore, #tpu.memory_space<semaphore_mem>>) src(%dma_wait3A_196 : memref<4096xi32, #tpu.memory_space<hbm>>) dst(%arg17 : memref<4096xi32, #tpu.memory_space<vmem>>)
    %parallel_loop3A_197 = arith.constant 0 : i32
    %parallel_loop3A_198 = arith.constant 256 : i32
    %parallel_loop3A_199 = arith.constant 1 : i32
    scf.for %parallel_loop3A_682 = %parallel_loop3A_197 to %parallel_loop3A_198 step %parallel_loop3A_199  : i32 {
      %parallel_loop3A_683 = arith.constant 16 : i32
      %parallel_loop3A_684 = arith.muli %parallel_loop3A_682, %parallel_loop3A_683 : i32
      %parallel_loop3A_685 = arith.index_cast %parallel_loop3A_684 : i32 to index
      %parallel_loop3A_686 = tpu.vector_load %arg11[%parallel_loop3A_685] {strides = array<i32>} : memref<4096xi32, #tpu.memory_space<vmem>>, vector<16xi32>,
      %parallel_loop3A_687 = tpu.vector_load_idx %arg9[%parallel_loop3A_686] : memref<65536xf32, #tpu.memory_space<vmem>>[vector<16xi32>], vector<16xf32>,
      %parallel_loop3A_688 = arith.index_cast %parallel_loop3A_684 : i32 to index
      %parallel_loop3A_689 = tpu.vector_load %arg13[%parallel_loop3A_688] {strides = array<i32>} : memref<4096xf32, #tpu.memory_space<vmem>>, vector<16xf32>,
      %parallel_loop3A_690 = arith.mulf %parallel_loop3A_687, %parallel_loop3A_689 : vector<16xf32>
      %parallel_loop3A_691 = arith.index_cast %parallel_loop3A_684 : i32 to index
      %parallel_loop3A_692 = tpu.vector_load %arg20[%parallel_loop3A_691] {strides = array<i32>} : memref<4096xf32, #tpu.memory_space<vmem>>, vector<16xf32>,
      tpu.vector_store %arg20[%parallel_loop3A_691], %parallel_loop3A_690 {strides = array<i32>} : memref<4096xf32, #tpu.memory_space<vmem>>, vector<16xf32>,
    } {sc.loop_unroll_factor = 8 : i64, sc.parallel_access}
    %dma_start3A_200 = arith.constant 0 : i32
    %dma_start3A_201 = tpu.memref_slice %arg8[%dma_start3A_200] : memref<65536xf32, #tpu.memory_space<vmem_shared>> -> memref<65536xf32, #tpu.memory_space<vmem_shared>>
    tpu.enqueue_indirect_dma source(%arg20 : memref<4096xf32, #tpu.memory_space<vmem>>) target(%dma_start3A_201 : memref<65536xf32, #tpu.memory_space<vmem_shared>>) offsets(%arg17 : memref<4096xi32, #tpu.memory_space<vmem>>) semaphore(%arg25 : memref<!tpu.dma_semaphore, #tpu.memory_space<semaphore_mem>>) {add = true}
    %dma_wait3A_202 = arith.constant 0 : i32
    %dma_wait3A_203 = tpu.memref_slice %arg8[%dma_wait3A_202] : memref<65536xf32, #tpu.memory_space<vmem_shared>> -> memref<65536xf32, #tpu.memory_space<vmem_shared>>
    tpu.wait_indirect_dma semaphore(%arg24 : memref<!tpu.dma_semaphore, #tpu.memory_space<semaphore_mem>>) src(%arg19 : memref<4096xf32, #tpu.memory_space<vmem>>) dst(%dma_wait3A_203 : memref<65536xf32, #tpu.memory_space<vmem_shared>>)
    %add3A_204 = arith.constant 40960 : i32
    %add3A_205 = arith.addi %mul3A_4, %add3A_204 : i32
    %dma_start3A_206 = tpu.memref_slice %arg5[%add3A_205] : memref<4194304xi32, #tpu.memory_space<hbm>> -> memref<4096xi32, #tpu.memory_space<hbm>>
    %dma_start3A_207 = tpu.memref_slice %arg5[%add3A_205] : memref<4194304xi32, #tpu.memory_space<hbm>> -> memref<4096xi32, #tpu.memory_space<hbm>>
    tpu.enqueue_dma source(%dma_start3A_207 : memref<4096xi32, #tpu.memory_space<hbm>>) target(%arg11 : memref<4096xi32, #tpu.memory_space<vmem>>) target_semaphore(%arg21 : memref<!tpu.dma_semaphore, #tpu.memory_space<semaphore_mem>>)
    %dma_start3A_208 = tpu.memref_slice %arg3[%add3A_205] : memref<4194304xf32, #tpu.memory_space<hbm>> -> memref<4096xf32, #tpu.memory_space<hbm>>
    %dma_start3A_209 = tpu.memref_slice %arg3[%add3A_205] : memref<4194304xf32, #tpu.memory_space<hbm>> -> memref<4096xf32, #tpu.memory_space<hbm>>
    tpu.enqueue_dma source(%dma_start3A_209 : memref<4096xf32, #tpu.memory_space<hbm>>) target(%arg13 : memref<4096xf32, #tpu.memory_space<vmem>>) target_semaphore(%arg21 : memref<!tpu.dma_semaphore, #tpu.memory_space<semaphore_mem>>)
    %dma_start3A_210 = tpu.memref_slice %arg4[%add3A_205] : memref<4194304xi32, #tpu.memory_space<hbm>> -> memref<4096xi32, #tpu.memory_space<hbm>>
    %dma_start3A_211 = tpu.memref_slice %arg4[%add3A_205] : memref<4194304xi32, #tpu.memory_space<hbm>> -> memref<4096xi32, #tpu.memory_space<hbm>>
    tpu.enqueue_dma source(%dma_start3A_211 : memref<4096xi32, #tpu.memory_space<hbm>>) target(%arg16 : memref<4096xi32, #tpu.memory_space<vmem>>) target_semaphore(%arg21 : memref<!tpu.dma_semaphore, #tpu.memory_space<semaphore_mem>>)
    %dma_wait3A_212 = tpu.memref_slice %arg5[%add3A_184] : memref<4194304xi32, #tpu.memory_space<hbm>> -> memref<4096xi32, #tpu.memory_space<hbm>>
    %dma_wait3A_213 = tpu.memref_slice %arg5[%add3A_184] : memref<4194304xi32, #tpu.memory_space<hbm>> -> memref<4096xi32, #tpu.memory_space<hbm>>
    tpu.wait_dma2 semaphore(%arg22 : memref<!tpu.dma_semaphore, #tpu.memory_space<semaphore_mem>>) src(%dma_wait3A_213 : memref<4096xi32, #tpu.memory_space<hbm>>) dst(%arg12 : memref<4096xi32, #tpu.memory_space<vmem>>)
    %dma_wait3A_214 = tpu.memref_slice %arg3[%add3A_184] : memref<4194304xf32, #tpu.memory_space<hbm>> -> memref<4096xf32, #tpu.memory_space<hbm>>
    %dma_wait3A_215 = tpu.memref_slice %arg3[%add3A_184] : memref<4194304xf32, #tpu.memory_space<hbm>> -> memref<4096xf32, #tpu.memory_space<hbm>>
    tpu.wait_dma2 semaphore(%arg22 : memref<!tpu.dma_semaphore, #tpu.memory_space<semaphore_mem>>) src(%dma_wait3A_215 : memref<4096xf32, #tpu.memory_space<hbm>>) dst(%arg14 : memref<4096xf32, #tpu.memory_space<vmem>>)
    %dma_wait3A_216 = tpu.memref_slice %arg4[%add3A_184] : memref<4194304xi32, #tpu.memory_space<hbm>> -> memref<4096xi32, #tpu.memory_space<hbm>>
    %dma_wait3A_217 = tpu.memref_slice %arg4[%add3A_184] : memref<4194304xi32, #tpu.memory_space<hbm>> -> memref<4096xi32, #tpu.memory_space<hbm>>
    tpu.wait_dma2 semaphore(%arg22 : memref<!tpu.dma_semaphore, #tpu.memory_space<semaphore_mem>>) src(%dma_wait3A_217 : memref<4096xi32, #tpu.memory_space<hbm>>) dst(%arg15 : memref<4096xi32, #tpu.memory_space<vmem>>)
    %parallel_loop3A_218 = arith.constant 0 : i32
    %parallel_loop3A_219 = arith.constant 256 : i32
    %parallel_loop3A_220 = arith.constant 1 : i32
    scf.for %parallel_loop3A_682 = %parallel_loop3A_218 to %parallel_loop3A_219 step %parallel_loop3A_220  : i32 {
      %parallel_loop3A_683 = arith.constant 16 : i32
      %parallel_loop3A_684 = arith.muli %parallel_loop3A_682, %parallel_loop3A_683 : i32
      %parallel_loop3A_685 = arith.index_cast %parallel_loop3A_684 : i32 to index
      %parallel_loop3A_686 = tpu.vector_load %arg12[%parallel_loop3A_685] {strides = array<i32>} : memref<4096xi32, #tpu.memory_space<vmem>>, vector<16xi32>,
      %parallel_loop3A_687 = tpu.vector_load_idx %arg9[%parallel_loop3A_686] : memref<65536xf32, #tpu.memory_space<vmem>>[vector<16xi32>], vector<16xf32>,
      %parallel_loop3A_688 = arith.index_cast %parallel_loop3A_684 : i32 to index
      %parallel_loop3A_689 = tpu.vector_load %arg14[%parallel_loop3A_688] {strides = array<i32>} : memref<4096xf32, #tpu.memory_space<vmem>>, vector<16xf32>,
      %parallel_loop3A_690 = arith.mulf %parallel_loop3A_687, %parallel_loop3A_689 : vector<16xf32>
      %parallel_loop3A_691 = arith.index_cast %parallel_loop3A_684 : i32 to index
      %parallel_loop3A_692 = tpu.vector_load %arg18[%parallel_loop3A_691] {strides = array<i32>} : memref<4096xf32, #tpu.memory_space<vmem>>, vector<16xf32>,
      tpu.vector_store %arg18[%parallel_loop3A_691], %parallel_loop3A_690 {strides = array<i32>} : memref<4096xf32, #tpu.memory_space<vmem>>, vector<16xf32>,
    } {sc.loop_unroll_factor = 8 : i64, sc.parallel_access}
    %dma_start3A_221 = arith.constant 0 : i32
    %dma_start3A_222 = tpu.memref_slice %arg8[%dma_start3A_221] : memref<65536xf32, #tpu.memory_space<vmem_shared>> -> memref<65536xf32, #tpu.memory_space<vmem_shared>>
    tpu.enqueue_indirect_dma source(%arg18 : memref<4096xf32, #tpu.memory_space<vmem>>) target(%dma_start3A_222 : memref<65536xf32, #tpu.memory_space<vmem_shared>>) offsets(%arg15 : memref<4096xi32, #tpu.memory_space<vmem>>) semaphore(%arg23 : memref<!tpu.dma_semaphore, #tpu.memory_space<semaphore_mem>>) {add = true}
    %dma_wait3A_223 = arith.constant 0 : i32
    %dma_wait3A_224 = tpu.memref_slice %arg8[%dma_wait3A_223] : memref<65536xf32, #tpu.memory_space<vmem_shared>> -> memref<65536xf32, #tpu.memory_space<vmem_shared>>
    tpu.wait_indirect_dma semaphore(%arg25 : memref<!tpu.dma_semaphore, #tpu.memory_space<semaphore_mem>>) src(%arg20 : memref<4096xf32, #tpu.memory_space<vmem>>) dst(%dma_wait3A_224 : memref<65536xf32, #tpu.memory_space<vmem_shared>>)
    %add3A_225 = arith.constant 45056 : i32
    %add3A_226 = arith.addi %mul3A_4, %add3A_225 : i32
    %dma_start3A_227 = tpu.memref_slice %arg5[%add3A_226] : memref<4194304xi32, #tpu.memory_space<hbm>> -> memref<4096xi32, #tpu.memory_space<hbm>>
    %dma_start3A_228 = tpu.memref_slice %arg5[%add3A_226] : memref<4194304xi32, #tpu.memory_space<hbm>> -> memref<4096xi32, #tpu.memory_space<hbm>>
    tpu.enqueue_dma source(%dma_start3A_228 : memref<4096xi32, #tpu.memory_space<hbm>>) target(%arg12 : memref<4096xi32, #tpu.memory_space<vmem>>) target_semaphore(%arg22 : memref<!tpu.dma_semaphore, #tpu.memory_space<semaphore_mem>>)
    %dma_start3A_229 = tpu.memref_slice %arg3[%add3A_226] : memref<4194304xf32, #tpu.memory_space<hbm>> -> memref<4096xf32, #tpu.memory_space<hbm>>
    %dma_start3A_230 = tpu.memref_slice %arg3[%add3A_226] : memref<4194304xf32, #tpu.memory_space<hbm>> -> memref<4096xf32, #tpu.memory_space<hbm>>
    tpu.enqueue_dma source(%dma_start3A_230 : memref<4096xf32, #tpu.memory_space<hbm>>) target(%arg14 : memref<4096xf32, #tpu.memory_space<vmem>>) target_semaphore(%arg22 : memref<!tpu.dma_semaphore, #tpu.memory_space<semaphore_mem>>)
    %dma_start3A_231 = tpu.memref_slice %arg4[%add3A_226] : memref<4194304xi32, #tpu.memory_space<hbm>> -> memref<4096xi32, #tpu.memory_space<hbm>>
    %dma_start3A_232 = tpu.memref_slice %arg4[%add3A_226] : memref<4194304xi32, #tpu.memory_space<hbm>> -> memref<4096xi32, #tpu.memory_space<hbm>>
    tpu.enqueue_dma source(%dma_start3A_232 : memref<4096xi32, #tpu.memory_space<hbm>>) target(%arg17 : memref<4096xi32, #tpu.memory_space<vmem>>) target_semaphore(%arg22 : memref<!tpu.dma_semaphore, #tpu.memory_space<semaphore_mem>>)
    %dma_wait3A_233 = tpu.memref_slice %arg5[%add3A_205] : memref<4194304xi32, #tpu.memory_space<hbm>> -> memref<4096xi32, #tpu.memory_space<hbm>>
    %dma_wait3A_234 = tpu.memref_slice %arg5[%add3A_205] : memref<4194304xi32, #tpu.memory_space<hbm>> -> memref<4096xi32, #tpu.memory_space<hbm>>
    tpu.wait_dma2 semaphore(%arg21 : memref<!tpu.dma_semaphore, #tpu.memory_space<semaphore_mem>>) src(%dma_wait3A_234 : memref<4096xi32, #tpu.memory_space<hbm>>) dst(%arg11 : memref<4096xi32, #tpu.memory_space<vmem>>)
    %dma_wait3A_235 = tpu.memref_slice %arg3[%add3A_205] : memref<4194304xf32, #tpu.memory_space<hbm>> -> memref<4096xf32, #tpu.memory_space<hbm>>
    %dma_wait3A_236 = tpu.memref_slice %arg3[%add3A_205] : memref<4194304xf32, #tpu.memory_space<hbm>> -> memref<4096xf32, #tpu.memory_space<hbm>>
    tpu.wait_dma2 semaphore(%arg21 : memref<!tpu.dma_semaphore, #tpu.memory_space<semaphore_mem>>) src(%dma_wait3A_236 : memref<4096xf32, #tpu.memory_space<hbm>>) dst(%arg13 : memref<4096xf32, #tpu.memory_space<vmem>>)
    %dma_wait3A_237 = tpu.memref_slice %arg4[%add3A_205] : memref<4194304xi32, #tpu.memory_space<hbm>> -> memref<4096xi32, #tpu.memory_space<hbm>>
    %dma_wait3A_238 = tpu.memref_slice %arg4[%add3A_205] : memref<4194304xi32, #tpu.memory_space<hbm>> -> memref<4096xi32, #tpu.memory_space<hbm>>
    tpu.wait_dma2 semaphore(%arg21 : memref<!tpu.dma_semaphore, #tpu.memory_space<semaphore_mem>>) src(%dma_wait3A_238 : memref<4096xi32, #tpu.memory_space<hbm>>) dst(%arg16 : memref<4096xi32, #tpu.memory_space<vmem>>)
    %parallel_loop3A_239 = arith.constant 0 : i32
    %parallel_loop3A_240 = arith.constant 256 : i32
    %parallel_loop3A_241 = arith.constant 1 : i32
    scf.for %parallel_loop3A_682 = %parallel_loop3A_239 to %parallel_loop3A_240 step %parallel_loop3A_241  : i32 {
      %parallel_loop3A_683 = arith.constant 16 : i32
      %parallel_loop3A_684 = arith.muli %parallel_loop3A_682, %parallel_loop3A_683 : i32
      %parallel_loop3A_685 = arith.index_cast %parallel_loop3A_684 : i32 to index
      %parallel_loop3A_686 = tpu.vector_load %arg11[%parallel_loop3A_685] {strides = array<i32>} : memref<4096xi32, #tpu.memory_space<vmem>>, vector<16xi32>,
      %parallel_loop3A_687 = tpu.vector_load_idx %arg9[%parallel_loop3A_686] : memref<65536xf32, #tpu.memory_space<vmem>>[vector<16xi32>], vector<16xf32>,
      %parallel_loop3A_688 = arith.index_cast %parallel_loop3A_684 : i32 to index
      %parallel_loop3A_689 = tpu.vector_load %arg13[%parallel_loop3A_688] {strides = array<i32>} : memref<4096xf32, #tpu.memory_space<vmem>>, vector<16xf32>,
      %parallel_loop3A_690 = arith.mulf %parallel_loop3A_687, %parallel_loop3A_689 : vector<16xf32>
      %parallel_loop3A_691 = arith.index_cast %parallel_loop3A_684 : i32 to index
      %parallel_loop3A_692 = tpu.vector_load %arg19[%parallel_loop3A_691] {strides = array<i32>} : memref<4096xf32, #tpu.memory_space<vmem>>, vector<16xf32>,
      tpu.vector_store %arg19[%parallel_loop3A_691], %parallel_loop3A_690 {strides = array<i32>} : memref<4096xf32, #tpu.memory_space<vmem>>, vector<16xf32>,
    } {sc.loop_unroll_factor = 8 : i64, sc.parallel_access}
    %dma_start3A_242 = arith.constant 0 : i32
    %dma_start3A_243 = tpu.memref_slice %arg8[%dma_start3A_242] : memref<65536xf32, #tpu.memory_space<vmem_shared>> -> memref<65536xf32, #tpu.memory_space<vmem_shared>>
    tpu.enqueue_indirect_dma source(%arg19 : memref<4096xf32, #tpu.memory_space<vmem>>) target(%dma_start3A_243 : memref<65536xf32, #tpu.memory_space<vmem_shared>>) offsets(%arg16 : memref<4096xi32, #tpu.memory_space<vmem>>) semaphore(%arg24 : memref<!tpu.dma_semaphore, #tpu.memory_space<semaphore_mem>>) {add = true}
    %dma_wait3A_244 = arith.constant 0 : i32
    %dma_wait3A_245 = tpu.memref_slice %arg8[%dma_wait3A_244] : memref<65536xf32, #tpu.memory_space<vmem_shared>> -> memref<65536xf32, #tpu.memory_space<vmem_shared>>
    tpu.wait_indirect_dma semaphore(%arg23 : memref<!tpu.dma_semaphore, #tpu.memory_space<semaphore_mem>>) src(%arg18 : memref<4096xf32, #tpu.memory_space<vmem>>) dst(%dma_wait3A_245 : memref<65536xf32, #tpu.memory_space<vmem_shared>>)
    %add3A_246 = arith.constant 49152 : i32
    %add3A_247 = arith.addi %mul3A_4, %add3A_246 : i32
    %dma_start3A_248 = tpu.memref_slice %arg5[%add3A_247] : memref<4194304xi32, #tpu.memory_space<hbm>> -> memref<4096xi32, #tpu.memory_space<hbm>>
    %dma_start3A_249 = tpu.memref_slice %arg5[%add3A_247] : memref<4194304xi32, #tpu.memory_space<hbm>> -> memref<4096xi32, #tpu.memory_space<hbm>>
    tpu.enqueue_dma source(%dma_start3A_249 : memref<4096xi32, #tpu.memory_space<hbm>>) target(%arg11 : memref<4096xi32, #tpu.memory_space<vmem>>) target_semaphore(%arg21 : memref<!tpu.dma_semaphore, #tpu.memory_space<semaphore_mem>>)
    %dma_start3A_250 = tpu.memref_slice %arg3[%add3A_247] : memref<4194304xf32, #tpu.memory_space<hbm>> -> memref<4096xf32, #tpu.memory_space<hbm>>
    %dma_start3A_251 = tpu.memref_slice %arg3[%add3A_247] : memref<4194304xf32, #tpu.memory_space<hbm>> -> memref<4096xf32, #tpu.memory_space<hbm>>
    tpu.enqueue_dma source(%dma_start3A_251 : memref<4096xf32, #tpu.memory_space<hbm>>) target(%arg13 : memref<4096xf32, #tpu.memory_space<vmem>>) target_semaphore(%arg21 : memref<!tpu.dma_semaphore, #tpu.memory_space<semaphore_mem>>)
    %dma_start3A_252 = tpu.memref_slice %arg4[%add3A_247] : memref<4194304xi32, #tpu.memory_space<hbm>> -> memref<4096xi32, #tpu.memory_space<hbm>>
    %dma_start3A_253 = tpu.memref_slice %arg4[%add3A_247] : memref<4194304xi32, #tpu.memory_space<hbm>> -> memref<4096xi32, #tpu.memory_space<hbm>>
    tpu.enqueue_dma source(%dma_start3A_253 : memref<4096xi32, #tpu.memory_space<hbm>>) target(%arg15 : memref<4096xi32, #tpu.memory_space<vmem>>) target_semaphore(%arg21 : memref<!tpu.dma_semaphore, #tpu.memory_space<semaphore_mem>>)
    %dma_wait3A_254 = tpu.memref_slice %arg5[%add3A_226] : memref<4194304xi32, #tpu.memory_space<hbm>> -> memref<4096xi32, #tpu.memory_space<hbm>>
    %dma_wait3A_255 = tpu.memref_slice %arg5[%add3A_226] : memref<4194304xi32, #tpu.memory_space<hbm>> -> memref<4096xi32, #tpu.memory_space<hbm>>
    tpu.wait_dma2 semaphore(%arg22 : memref<!tpu.dma_semaphore, #tpu.memory_space<semaphore_mem>>) src(%dma_wait3A_255 : memref<4096xi32, #tpu.memory_space<hbm>>) dst(%arg12 : memref<4096xi32, #tpu.memory_space<vmem>>)
    %dma_wait3A_256 = tpu.memref_slice %arg3[%add3A_226] : memref<4194304xf32, #tpu.memory_space<hbm>> -> memref<4096xf32, #tpu.memory_space<hbm>>
    %dma_wait3A_257 = tpu.memref_slice %arg3[%add3A_226] : memref<4194304xf32, #tpu.memory_space<hbm>> -> memref<4096xf32, #tpu.memory_space<hbm>>
    tpu.wait_dma2 semaphore(%arg22 : memref<!tpu.dma_semaphore, #tpu.memory_space<semaphore_mem>>) src(%dma_wait3A_257 : memref<4096xf32, #tpu.memory_space<hbm>>) dst(%arg14 : memref<4096xf32, #tpu.memory_space<vmem>>)
    %dma_wait3A_258 = tpu.memref_slice %arg4[%add3A_226] : memref<4194304xi32, #tpu.memory_space<hbm>> -> memref<4096xi32, #tpu.memory_space<hbm>>
    %dma_wait3A_259 = tpu.memref_slice %arg4[%add3A_226] : memref<4194304xi32, #tpu.memory_space<hbm>> -> memref<4096xi32, #tpu.memory_space<hbm>>
    tpu.wait_dma2 semaphore(%arg22 : memref<!tpu.dma_semaphore, #tpu.memory_space<semaphore_mem>>) src(%dma_wait3A_259 : memref<4096xi32, #tpu.memory_space<hbm>>) dst(%arg17 : memref<4096xi32, #tpu.memory_space<vmem>>)
    %parallel_loop3A_260 = arith.constant 0 : i32
    %parallel_loop3A_261 = arith.constant 256 : i32
    %parallel_loop3A_262 = arith.constant 1 : i32
    scf.for %parallel_loop3A_682 = %parallel_loop3A_260 to %parallel_loop3A_261 step %parallel_loop3A_262  : i32 {
      %parallel_loop3A_683 = arith.constant 16 : i32
      %parallel_loop3A_684 = arith.muli %parallel_loop3A_682, %parallel_loop3A_683 : i32
      %parallel_loop3A_685 = arith.index_cast %parallel_loop3A_684 : i32 to index
      %parallel_loop3A_686 = tpu.vector_load %arg12[%parallel_loop3A_685] {strides = array<i32>} : memref<4096xi32, #tpu.memory_space<vmem>>, vector<16xi32>,
      %parallel_loop3A_687 = tpu.vector_load_idx %arg9[%parallel_loop3A_686] : memref<65536xf32, #tpu.memory_space<vmem>>[vector<16xi32>], vector<16xf32>,
      %parallel_loop3A_688 = arith.index_cast %parallel_loop3A_684 : i32 to index
      %parallel_loop3A_689 = tpu.vector_load %arg14[%parallel_loop3A_688] {strides = array<i32>} : memref<4096xf32, #tpu.memory_space<vmem>>, vector<16xf32>,
      %parallel_loop3A_690 = arith.mulf %parallel_loop3A_687, %parallel_loop3A_689 : vector<16xf32>
      %parallel_loop3A_691 = arith.index_cast %parallel_loop3A_684 : i32 to index
      %parallel_loop3A_692 = tpu.vector_load %arg20[%parallel_loop3A_691] {strides = array<i32>} : memref<4096xf32, #tpu.memory_space<vmem>>, vector<16xf32>,
      tpu.vector_store %arg20[%parallel_loop3A_691], %parallel_loop3A_690 {strides = array<i32>} : memref<4096xf32, #tpu.memory_space<vmem>>, vector<16xf32>,
    } {sc.loop_unroll_factor = 8 : i64, sc.parallel_access}
    %dma_start3A_263 = arith.constant 0 : i32
    %dma_start3A_264 = tpu.memref_slice %arg8[%dma_start3A_263] : memref<65536xf32, #tpu.memory_space<vmem_shared>> -> memref<65536xf32, #tpu.memory_space<vmem_shared>>
    tpu.enqueue_indirect_dma source(%arg20 : memref<4096xf32, #tpu.memory_space<vmem>>) target(%dma_start3A_264 : memref<65536xf32, #tpu.memory_space<vmem_shared>>) offsets(%arg17 : memref<4096xi32, #tpu.memory_space<vmem>>) semaphore(%arg25 : memref<!tpu.dma_semaphore, #tpu.memory_space<semaphore_mem>>) {add = true}
    %dma_wait3A_265 = arith.constant 0 : i32
    %dma_wait3A_266 = tpu.memref_slice %arg8[%dma_wait3A_265] : memref<65536xf32, #tpu.memory_space<vmem_shared>> -> memref<65536xf32, #tpu.memory_space<vmem_shared>>
    tpu.wait_indirect_dma semaphore(%arg24 : memref<!tpu.dma_semaphore, #tpu.memory_space<semaphore_mem>>) src(%arg19 : memref<4096xf32, #tpu.memory_space<vmem>>) dst(%dma_wait3A_266 : memref<65536xf32, #tpu.memory_space<vmem_shared>>)
    %add3A_267 = arith.constant 53248 : i32
    %add3A_268 = arith.addi %mul3A_4, %add3A_267 : i32
    %dma_start3A_269 = tpu.memref_slice %arg5[%add3A_268] : memref<4194304xi32, #tpu.memory_space<hbm>> -> memref<4096xi32, #tpu.memory_space<hbm>>
    %dma_start3A_270 = tpu.memref_slice %arg5[%add3A_268] : memref<4194304xi32, #tpu.memory_space<hbm>> -> memref<4096xi32, #tpu.memory_space<hbm>>
    tpu.enqueue_dma source(%dma_start3A_270 : memref<4096xi32, #tpu.memory_space<hbm>>) target(%arg12 : memref<4096xi32, #tpu.memory_space<vmem>>) target_semaphore(%arg22 : memref<!tpu.dma_semaphore, #tpu.memory_space<semaphore_mem>>)
    %dma_start3A_271 = tpu.memref_slice %arg3[%add3A_268] : memref<4194304xf32, #tpu.memory_space<hbm>> -> memref<4096xf32, #tpu.memory_space<hbm>>
    %dma_start3A_272 = tpu.memref_slice %arg3[%add3A_268] : memref<4194304xf32, #tpu.memory_space<hbm>> -> memref<4096xf32, #tpu.memory_space<hbm>>
    tpu.enqueue_dma source(%dma_start3A_272 : memref<4096xf32, #tpu.memory_space<hbm>>) target(%arg14 : memref<4096xf32, #tpu.memory_space<vmem>>) target_semaphore(%arg22 : memref<!tpu.dma_semaphore, #tpu.memory_space<semaphore_mem>>)
    %dma_start3A_273 = tpu.memref_slice %arg4[%add3A_268] : memref<4194304xi32, #tpu.memory_space<hbm>> -> memref<4096xi32, #tpu.memory_space<hbm>>
    %dma_start3A_274 = tpu.memref_slice %arg4[%add3A_268] : memref<4194304xi32, #tpu.memory_space<hbm>> -> memref<4096xi32, #tpu.memory_space<hbm>>
    tpu.enqueue_dma source(%dma_start3A_274 : memref<4096xi32, #tpu.memory_space<hbm>>) target(%arg16 : memref<4096xi32, #tpu.memory_space<vmem>>) target_semaphore(%arg22 : memref<!tpu.dma_semaphore, #tpu.memory_space<semaphore_mem>>)
    %dma_wait3A_275 = tpu.memref_slice %arg5[%add3A_247] : memref<4194304xi32, #tpu.memory_space<hbm>> -> memref<4096xi32, #tpu.memory_space<hbm>>
    %dma_wait3A_276 = tpu.memref_slice %arg5[%add3A_247] : memref<4194304xi32, #tpu.memory_space<hbm>> -> memref<4096xi32, #tpu.memory_space<hbm>>
    tpu.wait_dma2 semaphore(%arg21 : memref<!tpu.dma_semaphore, #tpu.memory_space<semaphore_mem>>) src(%dma_wait3A_276 : memref<4096xi32, #tpu.memory_space<hbm>>) dst(%arg11 : memref<4096xi32, #tpu.memory_space<vmem>>)
    %dma_wait3A_277 = tpu.memref_slice %arg3[%add3A_247] : memref<4194304xf32, #tpu.memory_space<hbm>> -> memref<4096xf32, #tpu.memory_space<hbm>>
    %dma_wait3A_278 = tpu.memref_slice %arg3[%add3A_247] : memref<4194304xf32, #tpu.memory_space<hbm>> -> memref<4096xf32, #tpu.memory_space<hbm>>
    tpu.wait_dma2 semaphore(%arg21 : memref<!tpu.dma_semaphore, #tpu.memory_space<semaphore_mem>>) src(%dma_wait3A_278 : memref<4096xf32, #tpu.memory_space<hbm>>) dst(%arg13 : memref<4096xf32, #tpu.memory_space<vmem>>)
    %dma_wait3A_279 = tpu.memref_slice %arg4[%add3A_247] : memref<4194304xi32, #tpu.memory_space<hbm>> -> memref<4096xi32, #tpu.memory_space<hbm>>
    %dma_wait3A_280 = tpu.memref_slice %arg4[%add3A_247] : memref<4194304xi32, #tpu.memory_space<hbm>> -> memref<4096xi32, #tpu.memory_space<hbm>>
    tpu.wait_dma2 semaphore(%arg21 : memref<!tpu.dma_semaphore, #tpu.memory_space<semaphore_mem>>) src(%dma_wait3A_280 : memref<4096xi32, #tpu.memory_space<hbm>>) dst(%arg15 : memref<4096xi32, #tpu.memory_space<vmem>>)
    %parallel_loop3A_281 = arith.constant 0 : i32
    %parallel_loop3A_282 = arith.constant 256 : i32
    %parallel_loop3A_283 = arith.constant 1 : i32
    scf.for %parallel_loop3A_682 = %parallel_loop3A_281 to %parallel_loop3A_282 step %parallel_loop3A_283  : i32 {
      %parallel_loop3A_683 = arith.constant 16 : i32
      %parallel_loop3A_684 = arith.muli %parallel_loop3A_682, %parallel_loop3A_683 : i32
      %parallel_loop3A_685 = arith.index_cast %parallel_loop3A_684 : i32 to index
      %parallel_loop3A_686 = tpu.vector_load %arg11[%parallel_loop3A_685] {strides = array<i32>} : memref<4096xi32, #tpu.memory_space<vmem>>, vector<16xi32>,
      %parallel_loop3A_687 = tpu.vector_load_idx %arg9[%parallel_loop3A_686] : memref<65536xf32, #tpu.memory_space<vmem>>[vector<16xi32>], vector<16xf32>,
      %parallel_loop3A_688 = arith.index_cast %parallel_loop3A_684 : i32 to index
      %parallel_loop3A_689 = tpu.vector_load %arg13[%parallel_loop3A_688] {strides = array<i32>} : memref<4096xf32, #tpu.memory_space<vmem>>, vector<16xf32>,
      %parallel_loop3A_690 = arith.mulf %parallel_loop3A_687, %parallel_loop3A_689 : vector<16xf32>
      %parallel_loop3A_691 = arith.index_cast %parallel_loop3A_684 : i32 to index
      %parallel_loop3A_692 = tpu.vector_load %arg18[%parallel_loop3A_691] {strides = array<i32>} : memref<4096xf32, #tpu.memory_space<vmem>>, vector<16xf32>,
      tpu.vector_store %arg18[%parallel_loop3A_691], %parallel_loop3A_690 {strides = array<i32>} : memref<4096xf32, #tpu.memory_space<vmem>>, vector<16xf32>,
    } {sc.loop_unroll_factor = 8 : i64, sc.parallel_access}
    %dma_start3A_284 = arith.constant 0 : i32
    %dma_start3A_285 = tpu.memref_slice %arg8[%dma_start3A_284] : memref<65536xf32, #tpu.memory_space<vmem_shared>> -> memref<65536xf32, #tpu.memory_space<vmem_shared>>
    tpu.enqueue_indirect_dma source(%arg18 : memref<4096xf32, #tpu.memory_space<vmem>>) target(%dma_start3A_285 : memref<65536xf32, #tpu.memory_space<vmem_shared>>) offsets(%arg15 : memref<4096xi32, #tpu.memory_space<vmem>>) semaphore(%arg23 : memref<!tpu.dma_semaphore, #tpu.memory_space<semaphore_mem>>) {add = true}
    %dma_wait3A_286 = arith.constant 0 : i32
    %dma_wait3A_287 = tpu.memref_slice %arg8[%dma_wait3A_286] : memref<65536xf32, #tpu.memory_space<vmem_shared>> -> memref<65536xf32, #tpu.memory_space<vmem_shared>>
    tpu.wait_indirect_dma semaphore(%arg25 : memref<!tpu.dma_semaphore, #tpu.memory_space<semaphore_mem>>) src(%arg20 : memref<4096xf32, #tpu.memory_space<vmem>>) dst(%dma_wait3A_287 : memref<65536xf32, #tpu.memory_space<vmem_shared>>)
    %add3A_288 = arith.constant 57344 : i32
    %add3A_289 = arith.addi %mul3A_4, %add3A_288 : i32
    %dma_start3A_290 = tpu.memref_slice %arg5[%add3A_289] : memref<4194304xi32, #tpu.memory_space<hbm>> -> memref<4096xi32, #tpu.memory_space<hbm>>
    %dma_start3A_291 = tpu.memref_slice %arg5[%add3A_289] : memref<4194304xi32, #tpu.memory_space<hbm>> -> memref<4096xi32, #tpu.memory_space<hbm>>
    tpu.enqueue_dma source(%dma_start3A_291 : memref<4096xi32, #tpu.memory_space<hbm>>) target(%arg11 : memref<4096xi32, #tpu.memory_space<vmem>>) target_semaphore(%arg21 : memref<!tpu.dma_semaphore, #tpu.memory_space<semaphore_mem>>)
    %dma_start3A_292 = tpu.memref_slice %arg3[%add3A_289] : memref<4194304xf32, #tpu.memory_space<hbm>> -> memref<4096xf32, #tpu.memory_space<hbm>>
    %dma_start3A_293 = tpu.memref_slice %arg3[%add3A_289] : memref<4194304xf32, #tpu.memory_space<hbm>> -> memref<4096xf32, #tpu.memory_space<hbm>>
    tpu.enqueue_dma source(%dma_start3A_293 : memref<4096xf32, #tpu.memory_space<hbm>>) target(%arg13 : memref<4096xf32, #tpu.memory_space<vmem>>) target_semaphore(%arg21 : memref<!tpu.dma_semaphore, #tpu.memory_space<semaphore_mem>>)
    %dma_start3A_294 = tpu.memref_slice %arg4[%add3A_289] : memref<4194304xi32, #tpu.memory_space<hbm>> -> memref<4096xi32, #tpu.memory_space<hbm>>
    %dma_start3A_295 = tpu.memref_slice %arg4[%add3A_289] : memref<4194304xi32, #tpu.memory_space<hbm>> -> memref<4096xi32, #tpu.memory_space<hbm>>
    tpu.enqueue_dma source(%dma_start3A_295 : memref<4096xi32, #tpu.memory_space<hbm>>) target(%arg17 : memref<4096xi32, #tpu.memory_space<vmem>>) target_semaphore(%arg21 : memref<!tpu.dma_semaphore, #tpu.memory_space<semaphore_mem>>)
    %dma_wait3A_296 = tpu.memref_slice %arg5[%add3A_268] : memref<4194304xi32, #tpu.memory_space<hbm>> -> memref<4096xi32, #tpu.memory_space<hbm>>
    %dma_wait3A_297 = tpu.memref_slice %arg5[%add3A_268] : memref<4194304xi32, #tpu.memory_space<hbm>> -> memref<4096xi32, #tpu.memory_space<hbm>>
    tpu.wait_dma2 semaphore(%arg22 : memref<!tpu.dma_semaphore, #tpu.memory_space<semaphore_mem>>) src(%dma_wait3A_297 : memref<4096xi32, #tpu.memory_space<hbm>>) dst(%arg12 : memref<4096xi32, #tpu.memory_space<vmem>>)
    %dma_wait3A_298 = tpu.memref_slice %arg3[%add3A_268] : memref<4194304xf32, #tpu.memory_space<hbm>> -> memref<4096xf32, #tpu.memory_space<hbm>>
    %dma_wait3A_299 = tpu.memref_slice %arg3[%add3A_268] : memref<4194304xf32, #tpu.memory_space<hbm>> -> memref<4096xf32, #tpu.memory_space<hbm>>
    tpu.wait_dma2 semaphore(%arg22 : memref<!tpu.dma_semaphore, #tpu.memory_space<semaphore_mem>>) src(%dma_wait3A_299 : memref<4096xf32, #tpu.memory_space<hbm>>) dst(%arg14 : memref<4096xf32, #tpu.memory_space<vmem>>)
    %dma_wait3A_300 = tpu.memref_slice %arg4[%add3A_268] : memref<4194304xi32, #tpu.memory_space<hbm>> -> memref<4096xi32, #tpu.memory_space<hbm>>
    %dma_wait3A_301 = tpu.memref_slice %arg4[%add3A_268] : memref<4194304xi32, #tpu.memory_space<hbm>> -> memref<4096xi32, #tpu.memory_space<hbm>>
    tpu.wait_dma2 semaphore(%arg22 : memref<!tpu.dma_semaphore, #tpu.memory_space<semaphore_mem>>) src(%dma_wait3A_301 : memref<4096xi32, #tpu.memory_space<hbm>>) dst(%arg16 : memref<4096xi32, #tpu.memory_space<vmem>>)
    %parallel_loop3A_302 = arith.constant 0 : i32
    %parallel_loop3A_303 = arith.constant 256 : i32
    %parallel_loop3A_304 = arith.constant 1 : i32
    scf.for %parallel_loop3A_682 = %parallel_loop3A_302 to %parallel_loop3A_303 step %parallel_loop3A_304  : i32 {
      %parallel_loop3A_683 = arith.constant 16 : i32
      %parallel_loop3A_684 = arith.muli %parallel_loop3A_682, %parallel_loop3A_683 : i32
      %parallel_loop3A_685 = arith.index_cast %parallel_loop3A_684 : i32 to index
      %parallel_loop3A_686 = tpu.vector_load %arg12[%parallel_loop3A_685] {strides = array<i32>} : memref<4096xi32, #tpu.memory_space<vmem>>, vector<16xi32>,
      %parallel_loop3A_687 = tpu.vector_load_idx %arg9[%parallel_loop3A_686] : memref<65536xf32, #tpu.memory_space<vmem>>[vector<16xi32>], vector<16xf32>,
      %parallel_loop3A_688 = arith.index_cast %parallel_loop3A_684 : i32 to index
      %parallel_loop3A_689 = tpu.vector_load %arg14[%parallel_loop3A_688] {strides = array<i32>} : memref<4096xf32, #tpu.memory_space<vmem>>, vector<16xf32>,
      %parallel_loop3A_690 = arith.mulf %parallel_loop3A_687, %parallel_loop3A_689 : vector<16xf32>
      %parallel_loop3A_691 = arith.index_cast %parallel_loop3A_684 : i32 to index
      %parallel_loop3A_692 = tpu.vector_load %arg19[%parallel_loop3A_691] {strides = array<i32>} : memref<4096xf32, #tpu.memory_space<vmem>>, vector<16xf32>,
      tpu.vector_store %arg19[%parallel_loop3A_691], %parallel_loop3A_690 {strides = array<i32>} : memref<4096xf32, #tpu.memory_space<vmem>>, vector<16xf32>,
    } {sc.loop_unroll_factor = 8 : i64, sc.parallel_access}
    %dma_start3A_305 = arith.constant 0 : i32
    %dma_start3A_306 = tpu.memref_slice %arg8[%dma_start3A_305] : memref<65536xf32, #tpu.memory_space<vmem_shared>> -> memref<65536xf32, #tpu.memory_space<vmem_shared>>
    tpu.enqueue_indirect_dma source(%arg19 : memref<4096xf32, #tpu.memory_space<vmem>>) target(%dma_start3A_306 : memref<65536xf32, #tpu.memory_space<vmem_shared>>) offsets(%arg16 : memref<4096xi32, #tpu.memory_space<vmem>>) semaphore(%arg24 : memref<!tpu.dma_semaphore, #tpu.memory_space<semaphore_mem>>) {add = true}
    %dma_wait3A_307 = arith.constant 0 : i32
    %dma_wait3A_308 = tpu.memref_slice %arg8[%dma_wait3A_307] : memref<65536xf32, #tpu.memory_space<vmem_shared>> -> memref<65536xf32, #tpu.memory_space<vmem_shared>>
    tpu.wait_indirect_dma semaphore(%arg23 : memref<!tpu.dma_semaphore, #tpu.memory_space<semaphore_mem>>) src(%arg18 : memref<4096xf32, #tpu.memory_space<vmem>>) dst(%dma_wait3A_308 : memref<65536xf32, #tpu.memory_space<vmem_shared>>)
    %add3A_309 = arith.constant 61440 : i32
    %add3A_310 = arith.addi %mul3A_4, %add3A_309 : i32
    %dma_start3A_311 = tpu.memref_slice %arg5[%add3A_310] : memref<4194304xi32, #tpu.memory_space<hbm>> -> memref<4096xi32, #tpu.memory_space<hbm>>
    %dma_start3A_312 = tpu.memref_slice %arg5[%add3A_310] : memref<4194304xi32, #tpu.memory_space<hbm>> -> memref<4096xi32, #tpu.memory_space<hbm>>
    tpu.enqueue_dma source(%dma_start3A_312 : memref<4096xi32, #tpu.memory_space<hbm>>) target(%arg12 : memref<4096xi32, #tpu.memory_space<vmem>>) target_semaphore(%arg22 : memref<!tpu.dma_semaphore, #tpu.memory_space<semaphore_mem>>)
    %dma_start3A_313 = tpu.memref_slice %arg3[%add3A_310] : memref<4194304xf32, #tpu.memory_space<hbm>> -> memref<4096xf32, #tpu.memory_space<hbm>>
    %dma_start3A_314 = tpu.memref_slice %arg3[%add3A_310] : memref<4194304xf32, #tpu.memory_space<hbm>> -> memref<4096xf32, #tpu.memory_space<hbm>>
    tpu.enqueue_dma source(%dma_start3A_314 : memref<4096xf32, #tpu.memory_space<hbm>>) target(%arg14 : memref<4096xf32, #tpu.memory_space<vmem>>) target_semaphore(%arg22 : memref<!tpu.dma_semaphore, #tpu.memory_space<semaphore_mem>>)
    %dma_start3A_315 = tpu.memref_slice %arg4[%add3A_310] : memref<4194304xi32, #tpu.memory_space<hbm>> -> memref<4096xi32, #tpu.memory_space<hbm>>
    %dma_start3A_316 = tpu.memref_slice %arg4[%add3A_310] : memref<4194304xi32, #tpu.memory_space<hbm>> -> memref<4096xi32, #tpu.memory_space<hbm>>
    tpu.enqueue_dma source(%dma_start3A_316 : memref<4096xi32, #tpu.memory_space<hbm>>) target(%arg15 : memref<4096xi32, #tpu.memory_space<vmem>>) target_semaphore(%arg22 : memref<!tpu.dma_semaphore, #tpu.memory_space<semaphore_mem>>)
    %dma_wait3A_317 = tpu.memref_slice %arg5[%add3A_289] : memref<4194304xi32, #tpu.memory_space<hbm>> -> memref<4096xi32, #tpu.memory_space<hbm>>
    %dma_wait3A_318 = tpu.memref_slice %arg5[%add3A_289] : memref<4194304xi32, #tpu.memory_space<hbm>> -> memref<4096xi32, #tpu.memory_space<hbm>>
    tpu.wait_dma2 semaphore(%arg21 : memref<!tpu.dma_semaphore, #tpu.memory_space<semaphore_mem>>) src(%dma_wait3A_318 : memref<4096xi32, #tpu.memory_space<hbm>>) dst(%arg11 : memref<4096xi32, #tpu.memory_space<vmem>>)
    %dma_wait3A_319 = tpu.memref_slice %arg3[%add3A_289] : memref<4194304xf32, #tpu.memory_space<hbm>> -> memref<4096xf32, #tpu.memory_space<hbm>>
    %dma_wait3A_320 = tpu.memref_slice %arg3[%add3A_289] : memref<4194304xf32, #tpu.memory_space<hbm>> -> memref<4096xf32, #tpu.memory_space<hbm>>
    tpu.wait_dma2 semaphore(%arg21 : memref<!tpu.dma_semaphore, #tpu.memory_space<semaphore_mem>>) src(%dma_wait3A_320 : memref<4096xf32, #tpu.memory_space<hbm>>) dst(%arg13 : memref<4096xf32, #tpu.memory_space<vmem>>)
    %dma_wait3A_321 = tpu.memref_slice %arg4[%add3A_289] : memref<4194304xi32, #tpu.memory_space<hbm>> -> memref<4096xi32, #tpu.memory_space<hbm>>
    %dma_wait3A_322 = tpu.memref_slice %arg4[%add3A_289] : memref<4194304xi32, #tpu.memory_space<hbm>> -> memref<4096xi32, #tpu.memory_space<hbm>>
    tpu.wait_dma2 semaphore(%arg21 : memref<!tpu.dma_semaphore, #tpu.memory_space<semaphore_mem>>) src(%dma_wait3A_322 : memref<4096xi32, #tpu.memory_space<hbm>>) dst(%arg17 : memref<4096xi32, #tpu.memory_space<vmem>>)
    %parallel_loop3A_323 = arith.constant 0 : i32
    %parallel_loop3A_324 = arith.constant 256 : i32
    %parallel_loop3A_325 = arith.constant 1 : i32
    scf.for %parallel_loop3A_682 = %parallel_loop3A_323 to %parallel_loop3A_324 step %parallel_loop3A_325  : i32 {
      %parallel_loop3A_683 = arith.constant 16 : i32
      %parallel_loop3A_684 = arith.muli %parallel_loop3A_682, %parallel_loop3A_683 : i32
      %parallel_loop3A_685 = arith.index_cast %parallel_loop3A_684 : i32 to index
      %parallel_loop3A_686 = tpu.vector_load %arg11[%parallel_loop3A_685] {strides = array<i32>} : memref<4096xi32, #tpu.memory_space<vmem>>, vector<16xi32>,
      %parallel_loop3A_687 = tpu.vector_load_idx %arg9[%parallel_loop3A_686] : memref<65536xf32, #tpu.memory_space<vmem>>[vector<16xi32>], vector<16xf32>,
      %parallel_loop3A_688 = arith.index_cast %parallel_loop3A_684 : i32 to index
      %parallel_loop3A_689 = tpu.vector_load %arg13[%parallel_loop3A_688] {strides = array<i32>} : memref<4096xf32, #tpu.memory_space<vmem>>, vector<16xf32>,
      %parallel_loop3A_690 = arith.mulf %parallel_loop3A_687, %parallel_loop3A_689 : vector<16xf32>
      %parallel_loop3A_691 = arith.index_cast %parallel_loop3A_684 : i32 to index
      %parallel_loop3A_692 = tpu.vector_load %arg20[%parallel_loop3A_691] {strides = array<i32>} : memref<4096xf32, #tpu.memory_space<vmem>>, vector<16xf32>,
      tpu.vector_store %arg20[%parallel_loop3A_691], %parallel_loop3A_690 {strides = array<i32>} : memref<4096xf32, #tpu.memory_space<vmem>>, vector<16xf32>,
    } {sc.loop_unroll_factor = 8 : i64, sc.parallel_access}
    %dma_start3A_326 = arith.constant 0 : i32
    %dma_start3A_327 = tpu.memref_slice %arg8[%dma_start3A_326] : memref<65536xf32, #tpu.memory_space<vmem_shared>> -> memref<65536xf32, #tpu.memory_space<vmem_shared>>
    tpu.enqueue_indirect_dma source(%arg20 : memref<4096xf32, #tpu.memory_space<vmem>>) target(%dma_start3A_327 : memref<65536xf32, #tpu.memory_space<vmem_shared>>) offsets(%arg17 : memref<4096xi32, #tpu.memory_space<vmem>>) semaphore(%arg25 : memref<!tpu.dma_semaphore, #tpu.memory_space<semaphore_mem>>) {add = true}
    %dma_wait3A_328 = arith.constant 0 : i32
    %dma_wait3A_329 = tpu.memref_slice %arg8[%dma_wait3A_328] : memref<65536xf32, #tpu.memory_space<vmem_shared>> -> memref<65536xf32, #tpu.memory_space<vmem_shared>>
    tpu.wait_indirect_dma semaphore(%arg24 : memref<!tpu.dma_semaphore, #tpu.memory_space<semaphore_mem>>) src(%arg19 : memref<4096xf32, #tpu.memory_space<vmem>>) dst(%dma_wait3A_329 : memref<65536xf32, #tpu.memory_space<vmem_shared>>)
    %add3A_330 = arith.constant 65536 : i32
    %add3A_331 = arith.addi %mul3A_4, %add3A_330 : i32
    %dma_start3A_332 = tpu.memref_slice %arg5[%add3A_331] : memref<4194304xi32, #tpu.memory_space<hbm>> -> memref<4096xi32, #tpu.memory_space<hbm>>
    %dma_start3A_333 = tpu.memref_slice %arg5[%add3A_331] : memref<4194304xi32, #tpu.memory_space<hbm>> -> memref<4096xi32, #tpu.memory_space<hbm>>
    tpu.enqueue_dma source(%dma_start3A_333 : memref<4096xi32, #tpu.memory_space<hbm>>) target(%arg11 : memref<4096xi32, #tpu.memory_space<vmem>>) target_semaphore(%arg21 : memref<!tpu.dma_semaphore, #tpu.memory_space<semaphore_mem>>)
    %dma_start3A_334 = tpu.memref_slice %arg3[%add3A_331] : memref<4194304xf32, #tpu.memory_space<hbm>> -> memref<4096xf32, #tpu.memory_space<hbm>>
    %dma_start3A_335 = tpu.memref_slice %arg3[%add3A_331] : memref<4194304xf32, #tpu.memory_space<hbm>> -> memref<4096xf32, #tpu.memory_space<hbm>>
    tpu.enqueue_dma source(%dma_start3A_335 : memref<4096xf32, #tpu.memory_space<hbm>>) target(%arg13 : memref<4096xf32, #tpu.memory_space<vmem>>) target_semaphore(%arg21 : memref<!tpu.dma_semaphore, #tpu.memory_space<semaphore_mem>>)
    %dma_start3A_336 = tpu.memref_slice %arg4[%add3A_331] : memref<4194304xi32, #tpu.memory_space<hbm>> -> memref<4096xi32, #tpu.memory_space<hbm>>
    %dma_start3A_337 = tpu.memref_slice %arg4[%add3A_331] : memref<4194304xi32, #tpu.memory_space<hbm>> -> memref<4096xi32, #tpu.memory_space<hbm>>
    tpu.enqueue_dma source(%dma_start3A_337 : memref<4096xi32, #tpu.memory_space<hbm>>) target(%arg16 : memref<4096xi32, #tpu.memory_space<vmem>>) target_semaphore(%arg21 : memref<!tpu.dma_semaphore, #tpu.memory_space<semaphore_mem>>)
    %dma_wait3A_338 = tpu.memref_slice %arg5[%add3A_310] : memref<4194304xi32, #tpu.memory_space<hbm>> -> memref<4096xi32, #tpu.memory_space<hbm>>
    %dma_wait3A_339 = tpu.memref_slice %arg5[%add3A_310] : memref<4194304xi32, #tpu.memory_space<hbm>> -> memref<4096xi32, #tpu.memory_space<hbm>>
    tpu.wait_dma2 semaphore(%arg22 : memref<!tpu.dma_semaphore, #tpu.memory_space<semaphore_mem>>) src(%dma_wait3A_339 : memref<4096xi32, #tpu.memory_space<hbm>>) dst(%arg12 : memref<4096xi32, #tpu.memory_space<vmem>>)
    %dma_wait3A_340 = tpu.memref_slice %arg3[%add3A_310] : memref<4194304xf32, #tpu.memory_space<hbm>> -> memref<4096xf32, #tpu.memory_space<hbm>>
    %dma_wait3A_341 = tpu.memref_slice %arg3[%add3A_310] : memref<4194304xf32, #tpu.memory_space<hbm>> -> memref<4096xf32, #tpu.memory_space<hbm>>
    tpu.wait_dma2 semaphore(%arg22 : memref<!tpu.dma_semaphore, #tpu.memory_space<semaphore_mem>>) src(%dma_wait3A_341 : memref<4096xf32, #tpu.memory_space<hbm>>) dst(%arg14 : memref<4096xf32, #tpu.memory_space<vmem>>)
    %dma_wait3A_342 = tpu.memref_slice %arg4[%add3A_310] : memref<4194304xi32, #tpu.memory_space<hbm>> -> memref<4096xi32, #tpu.memory_space<hbm>>
    %dma_wait3A_343 = tpu.memref_slice %arg4[%add3A_310] : memref<4194304xi32, #tpu.memory_space<hbm>> -> memref<4096xi32, #tpu.memory_space<hbm>>
    tpu.wait_dma2 semaphore(%arg22 : memref<!tpu.dma_semaphore, #tpu.memory_space<semaphore_mem>>) src(%dma_wait3A_343 : memref<4096xi32, #tpu.memory_space<hbm>>) dst(%arg15 : memref<4096xi32, #tpu.memory_space<vmem>>)
    %parallel_loop3A_344 = arith.constant 0 : i32
    %parallel_loop3A_345 = arith.constant 256 : i32
    %parallel_loop3A_346 = arith.constant 1 : i32
    scf.for %parallel_loop3A_682 = %parallel_loop3A_344 to %parallel_loop3A_345 step %parallel_loop3A_346  : i32 {
      %parallel_loop3A_683 = arith.constant 16 : i32
      %parallel_loop3A_684 = arith.muli %parallel_loop3A_682, %parallel_loop3A_683 : i32
      %parallel_loop3A_685 = arith.index_cast %parallel_loop3A_684 : i32 to index
      %parallel_loop3A_686 = tpu.vector_load %arg12[%parallel_loop3A_685] {strides = array<i32>} : memref<4096xi32, #tpu.memory_space<vmem>>, vector<16xi32>,
      %parallel_loop3A_687 = tpu.vector_load_idx %arg9[%parallel_loop3A_686] : memref<65536xf32, #tpu.memory_space<vmem>>[vector<16xi32>], vector<16xf32>,
      %parallel_loop3A_688 = arith.index_cast %parallel_loop3A_684 : i32 to index
      %parallel_loop3A_689 = tpu.vector_load %arg14[%parallel_loop3A_688] {strides = array<i32>} : memref<4096xf32, #tpu.memory_space<vmem>>, vector<16xf32>,
      %parallel_loop3A_690 = arith.mulf %parallel_loop3A_687, %parallel_loop3A_689 : vector<16xf32>
      %parallel_loop3A_691 = arith.index_cast %parallel_loop3A_684 : i32 to index
      %parallel_loop3A_692 = tpu.vector_load %arg18[%parallel_loop3A_691] {strides = array<i32>} : memref<4096xf32, #tpu.memory_space<vmem>>, vector<16xf32>,
      tpu.vector_store %arg18[%parallel_loop3A_691], %parallel_loop3A_690 {strides = array<i32>} : memref<4096xf32, #tpu.memory_space<vmem>>, vector<16xf32>,
    } {sc.loop_unroll_factor = 8 : i64, sc.parallel_access}
    %dma_start3A_347 = arith.constant 0 : i32
    %dma_start3A_348 = tpu.memref_slice %arg8[%dma_start3A_347] : memref<65536xf32, #tpu.memory_space<vmem_shared>> -> memref<65536xf32, #tpu.memory_space<vmem_shared>>
    tpu.enqueue_indirect_dma source(%arg18 : memref<4096xf32, #tpu.memory_space<vmem>>) target(%dma_start3A_348 : memref<65536xf32, #tpu.memory_space<vmem_shared>>) offsets(%arg15 : memref<4096xi32, #tpu.memory_space<vmem>>) semaphore(%arg23 : memref<!tpu.dma_semaphore, #tpu.memory_space<semaphore_mem>>) {add = true}
    %dma_wait3A_349 = arith.constant 0 : i32
    %dma_wait3A_350 = tpu.memref_slice %arg8[%dma_wait3A_349] : memref<65536xf32, #tpu.memory_space<vmem_shared>> -> memref<65536xf32, #tpu.memory_space<vmem_shared>>
    tpu.wait_indirect_dma semaphore(%arg25 : memref<!tpu.dma_semaphore, #tpu.memory_space<semaphore_mem>>) src(%arg20 : memref<4096xf32, #tpu.memory_space<vmem>>) dst(%dma_wait3A_350 : memref<65536xf32, #tpu.memory_space<vmem_shared>>)
    %add3A_351 = arith.constant 69632 : i32
    %add3A_352 = arith.addi %mul3A_4, %add3A_351 : i32
    %dma_start3A_353 = tpu.memref_slice %arg5[%add3A_352] : memref<4194304xi32, #tpu.memory_space<hbm>> -> memref<4096xi32, #tpu.memory_space<hbm>>
    %dma_start3A_354 = tpu.memref_slice %arg5[%add3A_352] : memref<4194304xi32, #tpu.memory_space<hbm>> -> memref<4096xi32, #tpu.memory_space<hbm>>
    tpu.enqueue_dma source(%dma_start3A_354 : memref<4096xi32, #tpu.memory_space<hbm>>) target(%arg12 : memref<4096xi32, #tpu.memory_space<vmem>>) target_semaphore(%arg22 : memref<!tpu.dma_semaphore, #tpu.memory_space<semaphore_mem>>)
    %dma_start3A_355 = tpu.memref_slice %arg3[%add3A_352] : memref<4194304xf32, #tpu.memory_space<hbm>> -> memref<4096xf32, #tpu.memory_space<hbm>>
    %dma_start3A_356 = tpu.memref_slice %arg3[%add3A_352] : memref<4194304xf32, #tpu.memory_space<hbm>> -> memref<4096xf32, #tpu.memory_space<hbm>>
    tpu.enqueue_dma source(%dma_start3A_356 : memref<4096xf32, #tpu.memory_space<hbm>>) target(%arg14 : memref<4096xf32, #tpu.memory_space<vmem>>) target_semaphore(%arg22 : memref<!tpu.dma_semaphore, #tpu.memory_space<semaphore_mem>>)
    %dma_start3A_357 = tpu.memref_slice %arg4[%add3A_352] : memref<4194304xi32, #tpu.memory_space<hbm>> -> memref<4096xi32, #tpu.memory_space<hbm>>
    %dma_start3A_358 = tpu.memref_slice %arg4[%add3A_352] : memref<4194304xi32, #tpu.memory_space<hbm>> -> memref<4096xi32, #tpu.memory_space<hbm>>
    tpu.enqueue_dma source(%dma_start3A_358 : memref<4096xi32, #tpu.memory_space<hbm>>) target(%arg17 : memref<4096xi32, #tpu.memory_space<vmem>>) target_semaphore(%arg22 : memref<!tpu.dma_semaphore, #tpu.memory_space<semaphore_mem>>)
    %dma_wait3A_359 = tpu.memref_slice %arg5[%add3A_331] : memref<4194304xi32, #tpu.memory_space<hbm>> -> memref<4096xi32, #tpu.memory_space<hbm>>
    %dma_wait3A_360 = tpu.memref_slice %arg5[%add3A_331] : memref<4194304xi32, #tpu.memory_space<hbm>> -> memref<4096xi32, #tpu.memory_space<hbm>>
    tpu.wait_dma2 semaphore(%arg21 : memref<!tpu.dma_semaphore, #tpu.memory_space<semaphore_mem>>) src(%dma_wait3A_360 : memref<4096xi32, #tpu.memory_space<hbm>>) dst(%arg11 : memref<4096xi32, #tpu.memory_space<vmem>>)
    %dma_wait3A_361 = tpu.memref_slice %arg3[%add3A_331] : memref<4194304xf32, #tpu.memory_space<hbm>> -> memref<4096xf32, #tpu.memory_space<hbm>>
    %dma_wait3A_362 = tpu.memref_slice %arg3[%add3A_331] : memref<4194304xf32, #tpu.memory_space<hbm>> -> memref<4096xf32, #tpu.memory_space<hbm>>
    tpu.wait_dma2 semaphore(%arg21 : memref<!tpu.dma_semaphore, #tpu.memory_space<semaphore_mem>>) src(%dma_wait3A_362 : memref<4096xf32, #tpu.memory_space<hbm>>) dst(%arg13 : memref<4096xf32, #tpu.memory_space<vmem>>)
    %dma_wait3A_363 = tpu.memref_slice %arg4[%add3A_331] : memref<4194304xi32, #tpu.memory_space<hbm>> -> memref<4096xi32, #tpu.memory_space<hbm>>
    %dma_wait3A_364 = tpu.memref_slice %arg4[%add3A_331] : memref<4194304xi32, #tpu.memory_space<hbm>> -> memref<4096xi32, #tpu.memory_space<hbm>>
    tpu.wait_dma2 semaphore(%arg21 : memref<!tpu.dma_semaphore, #tpu.memory_space<semaphore_mem>>) src(%dma_wait3A_364 : memref<4096xi32, #tpu.memory_space<hbm>>) dst(%arg16 : memref<4096xi32, #tpu.memory_space<vmem>>)
    %parallel_loop3A_365 = arith.constant 0 : i32
    %parallel_loop3A_366 = arith.constant 256 : i32
    %parallel_loop3A_367 = arith.constant 1 : i32
    scf.for %parallel_loop3A_682 = %parallel_loop3A_365 to %parallel_loop3A_366 step %parallel_loop3A_367  : i32 {
      %parallel_loop3A_683 = arith.constant 16 : i32
      %parallel_loop3A_684 = arith.muli %parallel_loop3A_682, %parallel_loop3A_683 : i32
      %parallel_loop3A_685 = arith.index_cast %parallel_loop3A_684 : i32 to index
      %parallel_loop3A_686 = tpu.vector_load %arg11[%parallel_loop3A_685] {strides = array<i32>} : memref<4096xi32, #tpu.memory_space<vmem>>, vector<16xi32>,
      %parallel_loop3A_687 = tpu.vector_load_idx %arg9[%parallel_loop3A_686] : memref<65536xf32, #tpu.memory_space<vmem>>[vector<16xi32>], vector<16xf32>,
      %parallel_loop3A_688 = arith.index_cast %parallel_loop3A_684 : i32 to index
      %parallel_loop3A_689 = tpu.vector_load %arg13[%parallel_loop3A_688] {strides = array<i32>} : memref<4096xf32, #tpu.memory_space<vmem>>, vector<16xf32>,
      %parallel_loop3A_690 = arith.mulf %parallel_loop3A_687, %parallel_loop3A_689 : vector<16xf32>
      %parallel_loop3A_691 = arith.index_cast %parallel_loop3A_684 : i32 to index
      %parallel_loop3A_692 = tpu.vector_load %arg19[%parallel_loop3A_691] {strides = array<i32>} : memref<4096xf32, #tpu.memory_space<vmem>>, vector<16xf32>,
      tpu.vector_store %arg19[%parallel_loop3A_691], %parallel_loop3A_690 {strides = array<i32>} : memref<4096xf32, #tpu.memory_space<vmem>>, vector<16xf32>,
    } {sc.loop_unroll_factor = 8 : i64, sc.parallel_access}
    %dma_start3A_368 = arith.constant 0 : i32
    %dma_start3A_369 = tpu.memref_slice %arg8[%dma_start3A_368] : memref<65536xf32, #tpu.memory_space<vmem_shared>> -> memref<65536xf32, #tpu.memory_space<vmem_shared>>
    tpu.enqueue_indirect_dma source(%arg19 : memref<4096xf32, #tpu.memory_space<vmem>>) target(%dma_start3A_369 : memref<65536xf32, #tpu.memory_space<vmem_shared>>) offsets(%arg16 : memref<4096xi32, #tpu.memory_space<vmem>>) semaphore(%arg24 : memref<!tpu.dma_semaphore, #tpu.memory_space<semaphore_mem>>) {add = true}
    %dma_wait3A_370 = arith.constant 0 : i32
    %dma_wait3A_371 = tpu.memref_slice %arg8[%dma_wait3A_370] : memref<65536xf32, #tpu.memory_space<vmem_shared>> -> memref<65536xf32, #tpu.memory_space<vmem_shared>>
    tpu.wait_indirect_dma semaphore(%arg23 : memref<!tpu.dma_semaphore, #tpu.memory_space<semaphore_mem>>) src(%arg18 : memref<4096xf32, #tpu.memory_space<vmem>>) dst(%dma_wait3A_371 : memref<65536xf32, #tpu.memory_space<vmem_shared>>)
    %add3A_372 = arith.constant 73728 : i32
    %add3A_373 = arith.addi %mul3A_4, %add3A_372 : i32
    %dma_start3A_374 = tpu.memref_slice %arg5[%add3A_373] : memref<4194304xi32, #tpu.memory_space<hbm>> -> memref<4096xi32, #tpu.memory_space<hbm>>
    %dma_start3A_375 = tpu.memref_slice %arg5[%add3A_373] : memref<4194304xi32, #tpu.memory_space<hbm>> -> memref<4096xi32, #tpu.memory_space<hbm>>
    tpu.enqueue_dma source(%dma_start3A_375 : memref<4096xi32, #tpu.memory_space<hbm>>) target(%arg11 : memref<4096xi32, #tpu.memory_space<vmem>>) target_semaphore(%arg21 : memref<!tpu.dma_semaphore, #tpu.memory_space<semaphore_mem>>)
    %dma_start3A_376 = tpu.memref_slice %arg3[%add3A_373] : memref<4194304xf32, #tpu.memory_space<hbm>> -> memref<4096xf32, #tpu.memory_space<hbm>>
    %dma_start3A_377 = tpu.memref_slice %arg3[%add3A_373] : memref<4194304xf32, #tpu.memory_space<hbm>> -> memref<4096xf32, #tpu.memory_space<hbm>>
    tpu.enqueue_dma source(%dma_start3A_377 : memref<4096xf32, #tpu.memory_space<hbm>>) target(%arg13 : memref<4096xf32, #tpu.memory_space<vmem>>) target_semaphore(%arg21 : memref<!tpu.dma_semaphore, #tpu.memory_space<semaphore_mem>>)
    %dma_start3A_378 = tpu.memref_slice %arg4[%add3A_373] : memref<4194304xi32, #tpu.memory_space<hbm>> -> memref<4096xi32, #tpu.memory_space<hbm>>
    %dma_start3A_379 = tpu.memref_slice %arg4[%add3A_373] : memref<4194304xi32, #tpu.memory_space<hbm>> -> memref<4096xi32, #tpu.memory_space<hbm>>
    tpu.enqueue_dma source(%dma_start3A_379 : memref<4096xi32, #tpu.memory_space<hbm>>) target(%arg15 : memref<4096xi32, #tpu.memory_space<vmem>>) target_semaphore(%arg21 : memref<!tpu.dma_semaphore, #tpu.memory_space<semaphore_mem>>)
    %dma_wait3A_380 = tpu.memref_slice %arg5[%add3A_352] : memref<4194304xi32, #tpu.memory_space<hbm>> -> memref<4096xi32, #tpu.memory_space<hbm>>
    %dma_wait3A_381 = tpu.memref_slice %arg5[%add3A_352] : memref<4194304xi32, #tpu.memory_space<hbm>> -> memref<4096xi32, #tpu.memory_space<hbm>>
    tpu.wait_dma2 semaphore(%arg22 : memref<!tpu.dma_semaphore, #tpu.memory_space<semaphore_mem>>) src(%dma_wait3A_381 : memref<4096xi32, #tpu.memory_space<hbm>>) dst(%arg12 : memref<4096xi32, #tpu.memory_space<vmem>>)
    %dma_wait3A_382 = tpu.memref_slice %arg3[%add3A_352] : memref<4194304xf32, #tpu.memory_space<hbm>> -> memref<4096xf32, #tpu.memory_space<hbm>>
    %dma_wait3A_383 = tpu.memref_slice %arg3[%add3A_352] : memref<4194304xf32, #tpu.memory_space<hbm>> -> memref<4096xf32, #tpu.memory_space<hbm>>
    tpu.wait_dma2 semaphore(%arg22 : memref<!tpu.dma_semaphore, #tpu.memory_space<semaphore_mem>>) src(%dma_wait3A_383 : memref<4096xf32, #tpu.memory_space<hbm>>) dst(%arg14 : memref<4096xf32, #tpu.memory_space<vmem>>)
    %dma_wait3A_384 = tpu.memref_slice %arg4[%add3A_352] : memref<4194304xi32, #tpu.memory_space<hbm>> -> memref<4096xi32, #tpu.memory_space<hbm>>
    %dma_wait3A_385 = tpu.memref_slice %arg4[%add3A_352] : memref<4194304xi32, #tpu.memory_space<hbm>> -> memref<4096xi32, #tpu.memory_space<hbm>>
    tpu.wait_dma2 semaphore(%arg22 : memref<!tpu.dma_semaphore, #tpu.memory_space<semaphore_mem>>) src(%dma_wait3A_385 : memref<4096xi32, #tpu.memory_space<hbm>>) dst(%arg17 : memref<4096xi32, #tpu.memory_space<vmem>>)
    %parallel_loop3A_386 = arith.constant 0 : i32
    %parallel_loop3A_387 = arith.constant 256 : i32
    %parallel_loop3A_388 = arith.constant 1 : i32
    scf.for %parallel_loop3A_682 = %parallel_loop3A_386 to %parallel_loop3A_387 step %parallel_loop3A_388  : i32 {
      %parallel_loop3A_683 = arith.constant 16 : i32
      %parallel_loop3A_684 = arith.muli %parallel_loop3A_682, %parallel_loop3A_683 : i32
      %parallel_loop3A_685 = arith.index_cast %parallel_loop3A_684 : i32 to index
      %parallel_loop3A_686 = tpu.vector_load %arg12[%parallel_loop3A_685] {strides = array<i32>} : memref<4096xi32, #tpu.memory_space<vmem>>, vector<16xi32>,
      %parallel_loop3A_687 = tpu.vector_load_idx %arg9[%parallel_loop3A_686] : memref<65536xf32, #tpu.memory_space<vmem>>[vector<16xi32>], vector<16xf32>,
      %parallel_loop3A_688 = arith.index_cast %parallel_loop3A_684 : i32 to index
      %parallel_loop3A_689 = tpu.vector_load %arg14[%parallel_loop3A_688] {strides = array<i32>} : memref<4096xf32, #tpu.memory_space<vmem>>, vector<16xf32>,
      %parallel_loop3A_690 = arith.mulf %parallel_loop3A_687, %parallel_loop3A_689 : vector<16xf32>
      %parallel_loop3A_691 = arith.index_cast %parallel_loop3A_684 : i32 to index
      %parallel_loop3A_692 = tpu.vector_load %arg20[%parallel_loop3A_691] {strides = array<i32>} : memref<4096xf32, #tpu.memory_space<vmem>>, vector<16xf32>,
      tpu.vector_store %arg20[%parallel_loop3A_691], %parallel_loop3A_690 {strides = array<i32>} : memref<4096xf32, #tpu.memory_space<vmem>>, vector<16xf32>,
    } {sc.loop_unroll_factor = 8 : i64, sc.parallel_access}
    %dma_start3A_389 = arith.constant 0 : i32
    %dma_start3A_390 = tpu.memref_slice %arg8[%dma_start3A_389] : memref<65536xf32, #tpu.memory_space<vmem_shared>> -> memref<65536xf32, #tpu.memory_space<vmem_shared>>
    tpu.enqueue_indirect_dma source(%arg20 : memref<4096xf32, #tpu.memory_space<vmem>>) target(%dma_start3A_390 : memref<65536xf32, #tpu.memory_space<vmem_shared>>) offsets(%arg17 : memref<4096xi32, #tpu.memory_space<vmem>>) semaphore(%arg25 : memref<!tpu.dma_semaphore, #tpu.memory_space<semaphore_mem>>) {add = true}
    %dma_wait3A_391 = arith.constant 0 : i32
    %dma_wait3A_392 = tpu.memref_slice %arg8[%dma_wait3A_391] : memref<65536xf32, #tpu.memory_space<vmem_shared>> -> memref<65536xf32, #tpu.memory_space<vmem_shared>>
    tpu.wait_indirect_dma semaphore(%arg24 : memref<!tpu.dma_semaphore, #tpu.memory_space<semaphore_mem>>) src(%arg19 : memref<4096xf32, #tpu.memory_space<vmem>>) dst(%dma_wait3A_392 : memref<65536xf32, #tpu.memory_space<vmem_shared>>)
    %add3A_393 = arith.constant 77824 : i32
    %add3A_394 = arith.addi %mul3A_4, %add3A_393 : i32
    %dma_start3A_395 = tpu.memref_slice %arg5[%add3A_394] : memref<4194304xi32, #tpu.memory_space<hbm>> -> memref<4096xi32, #tpu.memory_space<hbm>>
    %dma_start3A_396 = tpu.memref_slice %arg5[%add3A_394] : memref<4194304xi32, #tpu.memory_space<hbm>> -> memref<4096xi32, #tpu.memory_space<hbm>>
    tpu.enqueue_dma source(%dma_start3A_396 : memref<4096xi32, #tpu.memory_space<hbm>>) target(%arg12 : memref<4096xi32, #tpu.memory_space<vmem>>) target_semaphore(%arg22 : memref<!tpu.dma_semaphore, #tpu.memory_space<semaphore_mem>>)
    %dma_start3A_397 = tpu.memref_slice %arg3[%add3A_394] : memref<4194304xf32, #tpu.memory_space<hbm>> -> memref<4096xf32, #tpu.memory_space<hbm>>
    %dma_start3A_398 = tpu.memref_slice %arg3[%add3A_394] : memref<4194304xf32, #tpu.memory_space<hbm>> -> memref<4096xf32, #tpu.memory_space<hbm>>
    tpu.enqueue_dma source(%dma_start3A_398 : memref<4096xf32, #tpu.memory_space<hbm>>) target(%arg14 : memref<4096xf32, #tpu.memory_space<vmem>>) target_semaphore(%arg22 : memref<!tpu.dma_semaphore, #tpu.memory_space<semaphore_mem>>)
    %dma_start3A_399 = tpu.memref_slice %arg4[%add3A_394] : memref<4194304xi32, #tpu.memory_space<hbm>> -> memref<4096xi32, #tpu.memory_space<hbm>>
    %dma_start3A_400 = tpu.memref_slice %arg4[%add3A_394] : memref<4194304xi32, #tpu.memory_space<hbm>> -> memref<4096xi32, #tpu.memory_space<hbm>>
    tpu.enqueue_dma source(%dma_start3A_400 : memref<4096xi32, #tpu.memory_space<hbm>>) target(%arg16 : memref<4096xi32, #tpu.memory_space<vmem>>) target_semaphore(%arg22 : memref<!tpu.dma_semaphore, #tpu.memory_space<semaphore_mem>>)
    %dma_wait3A_401 = tpu.memref_slice %arg5[%add3A_373] : memref<4194304xi32, #tpu.memory_space<hbm>> -> memref<4096xi32, #tpu.memory_space<hbm>>
    %dma_wait3A_402 = tpu.memref_slice %arg5[%add3A_373] : memref<4194304xi32, #tpu.memory_space<hbm>> -> memref<4096xi32, #tpu.memory_space<hbm>>
    tpu.wait_dma2 semaphore(%arg21 : memref<!tpu.dma_semaphore, #tpu.memory_space<semaphore_mem>>) src(%dma_wait3A_402 : memref<4096xi32, #tpu.memory_space<hbm>>) dst(%arg11 : memref<4096xi32, #tpu.memory_space<vmem>>)
    %dma_wait3A_403 = tpu.memref_slice %arg3[%add3A_373] : memref<4194304xf32, #tpu.memory_space<hbm>> -> memref<4096xf32, #tpu.memory_space<hbm>>
    %dma_wait3A_404 = tpu.memref_slice %arg3[%add3A_373] : memref<4194304xf32, #tpu.memory_space<hbm>> -> memref<4096xf32, #tpu.memory_space<hbm>>
    tpu.wait_dma2 semaphore(%arg21 : memref<!tpu.dma_semaphore, #tpu.memory_space<semaphore_mem>>) src(%dma_wait3A_404 : memref<4096xf32, #tpu.memory_space<hbm>>) dst(%arg13 : memref<4096xf32, #tpu.memory_space<vmem>>)
    %dma_wait3A_405 = tpu.memref_slice %arg4[%add3A_373] : memref<4194304xi32, #tpu.memory_space<hbm>> -> memref<4096xi32, #tpu.memory_space<hbm>>
    %dma_wait3A_406 = tpu.memref_slice %arg4[%add3A_373] : memref<4194304xi32, #tpu.memory_space<hbm>> -> memref<4096xi32, #tpu.memory_space<hbm>>
    tpu.wait_dma2 semaphore(%arg21 : memref<!tpu.dma_semaphore, #tpu.memory_space<semaphore_mem>>) src(%dma_wait3A_406 : memref<4096xi32, #tpu.memory_space<hbm>>) dst(%arg15 : memref<4096xi32, #tpu.memory_space<vmem>>)
    %parallel_loop3A_407 = arith.constant 0 : i32
    %parallel_loop3A_408 = arith.constant 256 : i32
    %parallel_loop3A_409 = arith.constant 1 : i32
    scf.for %parallel_loop3A_682 = %parallel_loop3A_407 to %parallel_loop3A_408 step %parallel_loop3A_409  : i32 {
      %parallel_loop3A_683 = arith.constant 16 : i32
      %parallel_loop3A_684 = arith.muli %parallel_loop3A_682, %parallel_loop3A_683 : i32
      %parallel_loop3A_685 = arith.index_cast %parallel_loop3A_684 : i32 to index
      %parallel_loop3A_686 = tpu.vector_load %arg11[%parallel_loop3A_685] {strides = array<i32>} : memref<4096xi32, #tpu.memory_space<vmem>>, vector<16xi32>,
      %parallel_loop3A_687 = tpu.vector_load_idx %arg9[%parallel_loop3A_686] : memref<65536xf32, #tpu.memory_space<vmem>>[vector<16xi32>], vector<16xf32>,
      %parallel_loop3A_688 = arith.index_cast %parallel_loop3A_684 : i32 to index
      %parallel_loop3A_689 = tpu.vector_load %arg13[%parallel_loop3A_688] {strides = array<i32>} : memref<4096xf32, #tpu.memory_space<vmem>>, vector<16xf32>,
      %parallel_loop3A_690 = arith.mulf %parallel_loop3A_687, %parallel_loop3A_689 : vector<16xf32>
      %parallel_loop3A_691 = arith.index_cast %parallel_loop3A_684 : i32 to index
      %parallel_loop3A_692 = tpu.vector_load %arg18[%parallel_loop3A_691] {strides = array<i32>} : memref<4096xf32, #tpu.memory_space<vmem>>, vector<16xf32>,
      tpu.vector_store %arg18[%parallel_loop3A_691], %parallel_loop3A_690 {strides = array<i32>} : memref<4096xf32, #tpu.memory_space<vmem>>, vector<16xf32>,
    } {sc.loop_unroll_factor = 8 : i64, sc.parallel_access}
    %dma_start3A_410 = arith.constant 0 : i32
    %dma_start3A_411 = tpu.memref_slice %arg8[%dma_start3A_410] : memref<65536xf32, #tpu.memory_space<vmem_shared>> -> memref<65536xf32, #tpu.memory_space<vmem_shared>>
    tpu.enqueue_indirect_dma source(%arg18 : memref<4096xf32, #tpu.memory_space<vmem>>) target(%dma_start3A_411 : memref<65536xf32, #tpu.memory_space<vmem_shared>>) offsets(%arg15 : memref<4096xi32, #tpu.memory_space<vmem>>) semaphore(%arg23 : memref<!tpu.dma_semaphore, #tpu.memory_space<semaphore_mem>>) {add = true}
    %dma_wait3A_412 = arith.constant 0 : i32
    %dma_wait3A_413 = tpu.memref_slice %arg8[%dma_wait3A_412] : memref<65536xf32, #tpu.memory_space<vmem_shared>> -> memref<65536xf32, #tpu.memory_space<vmem_shared>>
    tpu.wait_indirect_dma semaphore(%arg25 : memref<!tpu.dma_semaphore, #tpu.memory_space<semaphore_mem>>) src(%arg20 : memref<4096xf32, #tpu.memory_space<vmem>>) dst(%dma_wait3A_413 : memref<65536xf32, #tpu.memory_space<vmem_shared>>)
    %add3A_414 = arith.constant 81920 : i32
    %add3A_415 = arith.addi %mul3A_4, %add3A_414 : i32
    %dma_start3A_416 = tpu.memref_slice %arg5[%add3A_415] : memref<4194304xi32, #tpu.memory_space<hbm>> -> memref<4096xi32, #tpu.memory_space<hbm>>
    %dma_start3A_417 = tpu.memref_slice %arg5[%add3A_415] : memref<4194304xi32, #tpu.memory_space<hbm>> -> memref<4096xi32, #tpu.memory_space<hbm>>
    tpu.enqueue_dma source(%dma_start3A_417 : memref<4096xi32, #tpu.memory_space<hbm>>) target(%arg11 : memref<4096xi32, #tpu.memory_space<vmem>>) target_semaphore(%arg21 : memref<!tpu.dma_semaphore, #tpu.memory_space<semaphore_mem>>)
    %dma_start3A_418 = tpu.memref_slice %arg3[%add3A_415] : memref<4194304xf32, #tpu.memory_space<hbm>> -> memref<4096xf32, #tpu.memory_space<hbm>>
    %dma_start3A_419 = tpu.memref_slice %arg3[%add3A_415] : memref<4194304xf32, #tpu.memory_space<hbm>> -> memref<4096xf32, #tpu.memory_space<hbm>>
    tpu.enqueue_dma source(%dma_start3A_419 : memref<4096xf32, #tpu.memory_space<hbm>>) target(%arg13 : memref<4096xf32, #tpu.memory_space<vmem>>) target_semaphore(%arg21 : memref<!tpu.dma_semaphore, #tpu.memory_space<semaphore_mem>>)
    %dma_start3A_420 = tpu.memref_slice %arg4[%add3A_415] : memref<4194304xi32, #tpu.memory_space<hbm>> -> memref<4096xi32, #tpu.memory_space<hbm>>
    %dma_start3A_421 = tpu.memref_slice %arg4[%add3A_415] : memref<4194304xi32, #tpu.memory_space<hbm>> -> memref<4096xi32, #tpu.memory_space<hbm>>
    tpu.enqueue_dma source(%dma_start3A_421 : memref<4096xi32, #tpu.memory_space<hbm>>) target(%arg17 : memref<4096xi32, #tpu.memory_space<vmem>>) target_semaphore(%arg21 : memref<!tpu.dma_semaphore, #tpu.memory_space<semaphore_mem>>)
    %dma_wait3A_422 = tpu.memref_slice %arg5[%add3A_394] : memref<4194304xi32, #tpu.memory_space<hbm>> -> memref<4096xi32, #tpu.memory_space<hbm>>
    %dma_wait3A_423 = tpu.memref_slice %arg5[%add3A_394] : memref<4194304xi32, #tpu.memory_space<hbm>> -> memref<4096xi32, #tpu.memory_space<hbm>>
    tpu.wait_dma2 semaphore(%arg22 : memref<!tpu.dma_semaphore, #tpu.memory_space<semaphore_mem>>) src(%dma_wait3A_423 : memref<4096xi32, #tpu.memory_space<hbm>>) dst(%arg12 : memref<4096xi32, #tpu.memory_space<vmem>>)
    %dma_wait3A_424 = tpu.memref_slice %arg3[%add3A_394] : memref<4194304xf32, #tpu.memory_space<hbm>> -> memref<4096xf32, #tpu.memory_space<hbm>>
    %dma_wait3A_425 = tpu.memref_slice %arg3[%add3A_394] : memref<4194304xf32, #tpu.memory_space<hbm>> -> memref<4096xf32, #tpu.memory_space<hbm>>
    tpu.wait_dma2 semaphore(%arg22 : memref<!tpu.dma_semaphore, #tpu.memory_space<semaphore_mem>>) src(%dma_wait3A_425 : memref<4096xf32, #tpu.memory_space<hbm>>) dst(%arg14 : memref<4096xf32, #tpu.memory_space<vmem>>)
    %dma_wait3A_426 = tpu.memref_slice %arg4[%add3A_394] : memref<4194304xi32, #tpu.memory_space<hbm>> -> memref<4096xi32, #tpu.memory_space<hbm>>
    %dma_wait3A_427 = tpu.memref_slice %arg4[%add3A_394] : memref<4194304xi32, #tpu.memory_space<hbm>> -> memref<4096xi32, #tpu.memory_space<hbm>>
    tpu.wait_dma2 semaphore(%arg22 : memref<!tpu.dma_semaphore, #tpu.memory_space<semaphore_mem>>) src(%dma_wait3A_427 : memref<4096xi32, #tpu.memory_space<hbm>>) dst(%arg16 : memref<4096xi32, #tpu.memory_space<vmem>>)
    %parallel_loop3A_428 = arith.constant 0 : i32
    %parallel_loop3A_429 = arith.constant 256 : i32
    %parallel_loop3A_430 = arith.constant 1 : i32
    scf.for %parallel_loop3A_682 = %parallel_loop3A_428 to %parallel_loop3A_429 step %parallel_loop3A_430  : i32 {
      %parallel_loop3A_683 = arith.constant 16 : i32
      %parallel_loop3A_684 = arith.muli %parallel_loop3A_682, %parallel_loop3A_683 : i32
      %parallel_loop3A_685 = arith.index_cast %parallel_loop3A_684 : i32 to index
      %parallel_loop3A_686 = tpu.vector_load %arg12[%parallel_loop3A_685] {strides = array<i32>} : memref<4096xi32, #tpu.memory_space<vmem>>, vector<16xi32>,
      %parallel_loop3A_687 = tpu.vector_load_idx %arg9[%parallel_loop3A_686] : memref<65536xf32, #tpu.memory_space<vmem>>[vector<16xi32>], vector<16xf32>,
      %parallel_loop3A_688 = arith.index_cast %parallel_loop3A_684 : i32 to index
      %parallel_loop3A_689 = tpu.vector_load %arg14[%parallel_loop3A_688] {strides = array<i32>} : memref<4096xf32, #tpu.memory_space<vmem>>, vector<16xf32>,
      %parallel_loop3A_690 = arith.mulf %parallel_loop3A_687, %parallel_loop3A_689 : vector<16xf32>
      %parallel_loop3A_691 = arith.index_cast %parallel_loop3A_684 : i32 to index
      %parallel_loop3A_692 = tpu.vector_load %arg19[%parallel_loop3A_691] {strides = array<i32>} : memref<4096xf32, #tpu.memory_space<vmem>>, vector<16xf32>,
      tpu.vector_store %arg19[%parallel_loop3A_691], %parallel_loop3A_690 {strides = array<i32>} : memref<4096xf32, #tpu.memory_space<vmem>>, vector<16xf32>,
    } {sc.loop_unroll_factor = 8 : i64, sc.parallel_access}
    %dma_start3A_431 = arith.constant 0 : i32
    %dma_start3A_432 = tpu.memref_slice %arg8[%dma_start3A_431] : memref<65536xf32, #tpu.memory_space<vmem_shared>> -> memref<65536xf32, #tpu.memory_space<vmem_shared>>
    tpu.enqueue_indirect_dma source(%arg19 : memref<4096xf32, #tpu.memory_space<vmem>>) target(%dma_start3A_432 : memref<65536xf32, #tpu.memory_space<vmem_shared>>) offsets(%arg16 : memref<4096xi32, #tpu.memory_space<vmem>>) semaphore(%arg24 : memref<!tpu.dma_semaphore, #tpu.memory_space<semaphore_mem>>) {add = true}
    %dma_wait3A_433 = arith.constant 0 : i32
    %dma_wait3A_434 = tpu.memref_slice %arg8[%dma_wait3A_433] : memref<65536xf32, #tpu.memory_space<vmem_shared>> -> memref<65536xf32, #tpu.memory_space<vmem_shared>>
    tpu.wait_indirect_dma semaphore(%arg23 : memref<!tpu.dma_semaphore, #tpu.memory_space<semaphore_mem>>) src(%arg18 : memref<4096xf32, #tpu.memory_space<vmem>>) dst(%dma_wait3A_434 : memref<65536xf32, #tpu.memory_space<vmem_shared>>)
    %add3A_435 = arith.constant 86016 : i32
    %add3A_436 = arith.addi %mul3A_4, %add3A_435 : i32
    %dma_start3A_437 = tpu.memref_slice %arg5[%add3A_436] : memref<4194304xi32, #tpu.memory_space<hbm>> -> memref<4096xi32, #tpu.memory_space<hbm>>
    %dma_start3A_438 = tpu.memref_slice %arg5[%add3A_436] : memref<4194304xi32, #tpu.memory_space<hbm>> -> memref<4096xi32, #tpu.memory_space<hbm>>
    tpu.enqueue_dma source(%dma_start3A_438 : memref<4096xi32, #tpu.memory_space<hbm>>) target(%arg12 : memref<4096xi32, #tpu.memory_space<vmem>>) target_semaphore(%arg22 : memref<!tpu.dma_semaphore, #tpu.memory_space<semaphore_mem>>)
    %dma_start3A_439 = tpu.memref_slice %arg3[%add3A_436] : memref<4194304xf32, #tpu.memory_space<hbm>> -> memref<4096xf32, #tpu.memory_space<hbm>>
    %dma_start3A_440 = tpu.memref_slice %arg3[%add3A_436] : memref<4194304xf32, #tpu.memory_space<hbm>> -> memref<4096xf32, #tpu.memory_space<hbm>>
    tpu.enqueue_dma source(%dma_start3A_440 : memref<4096xf32, #tpu.memory_space<hbm>>) target(%arg14 : memref<4096xf32, #tpu.memory_space<vmem>>) target_semaphore(%arg22 : memref<!tpu.dma_semaphore, #tpu.memory_space<semaphore_mem>>)
    %dma_start3A_441 = tpu.memref_slice %arg4[%add3A_436] : memref<4194304xi32, #tpu.memory_space<hbm>> -> memref<4096xi32, #tpu.memory_space<hbm>>
    %dma_start3A_442 = tpu.memref_slice %arg4[%add3A_436] : memref<4194304xi32, #tpu.memory_space<hbm>> -> memref<4096xi32, #tpu.memory_space<hbm>>
    tpu.enqueue_dma source(%dma_start3A_442 : memref<4096xi32, #tpu.memory_space<hbm>>) target(%arg15 : memref<4096xi32, #tpu.memory_space<vmem>>) target_semaphore(%arg22 : memref<!tpu.dma_semaphore, #tpu.memory_space<semaphore_mem>>)
    %dma_wait3A_443 = tpu.memref_slice %arg5[%add3A_415] : memref<4194304xi32, #tpu.memory_space<hbm>> -> memref<4096xi32, #tpu.memory_space<hbm>>
    %dma_wait3A_444 = tpu.memref_slice %arg5[%add3A_415] : memref<4194304xi32, #tpu.memory_space<hbm>> -> memref<4096xi32, #tpu.memory_space<hbm>>
    tpu.wait_dma2 semaphore(%arg21 : memref<!tpu.dma_semaphore, #tpu.memory_space<semaphore_mem>>) src(%dma_wait3A_444 : memref<4096xi32, #tpu.memory_space<hbm>>) dst(%arg11 : memref<4096xi32, #tpu.memory_space<vmem>>)
    %dma_wait3A_445 = tpu.memref_slice %arg3[%add3A_415] : memref<4194304xf32, #tpu.memory_space<hbm>> -> memref<4096xf32, #tpu.memory_space<hbm>>
    %dma_wait3A_446 = tpu.memref_slice %arg3[%add3A_415] : memref<4194304xf32, #tpu.memory_space<hbm>> -> memref<4096xf32, #tpu.memory_space<hbm>>
    tpu.wait_dma2 semaphore(%arg21 : memref<!tpu.dma_semaphore, #tpu.memory_space<semaphore_mem>>) src(%dma_wait3A_446 : memref<4096xf32, #tpu.memory_space<hbm>>) dst(%arg13 : memref<4096xf32, #tpu.memory_space<vmem>>)
    %dma_wait3A_447 = tpu.memref_slice %arg4[%add3A_415] : memref<4194304xi32, #tpu.memory_space<hbm>> -> memref<4096xi32, #tpu.memory_space<hbm>>
    %dma_wait3A_448 = tpu.memref_slice %arg4[%add3A_415] : memref<4194304xi32, #tpu.memory_space<hbm>> -> memref<4096xi32, #tpu.memory_space<hbm>>
    tpu.wait_dma2 semaphore(%arg21 : memref<!tpu.dma_semaphore, #tpu.memory_space<semaphore_mem>>) src(%dma_wait3A_448 : memref<4096xi32, #tpu.memory_space<hbm>>) dst(%arg17 : memref<4096xi32, #tpu.memory_space<vmem>>)
    %parallel_loop3A_449 = arith.constant 0 : i32
    %parallel_loop3A_450 = arith.constant 256 : i32
    %parallel_loop3A_451 = arith.constant 1 : i32
    scf.for %parallel_loop3A_682 = %parallel_loop3A_449 to %parallel_loop3A_450 step %parallel_loop3A_451  : i32 {
      %parallel_loop3A_683 = arith.constant 16 : i32
      %parallel_loop3A_684 = arith.muli %parallel_loop3A_682, %parallel_loop3A_683 : i32
      %parallel_loop3A_685 = arith.index_cast %parallel_loop3A_684 : i32 to index
      %parallel_loop3A_686 = tpu.vector_load %arg11[%parallel_loop3A_685] {strides = array<i32>} : memref<4096xi32, #tpu.memory_space<vmem>>, vector<16xi32>,
      %parallel_loop3A_687 = tpu.vector_load_idx %arg9[%parallel_loop3A_686] : memref<65536xf32, #tpu.memory_space<vmem>>[vector<16xi32>], vector<16xf32>,
      %parallel_loop3A_688 = arith.index_cast %parallel_loop3A_684 : i32 to index
      %parallel_loop3A_689 = tpu.vector_load %arg13[%parallel_loop3A_688] {strides = array<i32>} : memref<4096xf32, #tpu.memory_space<vmem>>, vector<16xf32>,
      %parallel_loop3A_690 = arith.mulf %parallel_loop3A_687, %parallel_loop3A_689 : vector<16xf32>
      %parallel_loop3A_691 = arith.index_cast %parallel_loop3A_684 : i32 to index
      %parallel_loop3A_692 = tpu.vector_load %arg20[%parallel_loop3A_691] {strides = array<i32>} : memref<4096xf32, #tpu.memory_space<vmem>>, vector<16xf32>,
      tpu.vector_store %arg20[%parallel_loop3A_691], %parallel_loop3A_690 {strides = array<i32>} : memref<4096xf32, #tpu.memory_space<vmem>>, vector<16xf32>,
    } {sc.loop_unroll_factor = 8 : i64, sc.parallel_access}
    %dma_start3A_452 = arith.constant 0 : i32
    %dma_start3A_453 = tpu.memref_slice %arg8[%dma_start3A_452] : memref<65536xf32, #tpu.memory_space<vmem_shared>> -> memref<65536xf32, #tpu.memory_space<vmem_shared>>
    tpu.enqueue_indirect_dma source(%arg20 : memref<4096xf32, #tpu.memory_space<vmem>>) target(%dma_start3A_453 : memref<65536xf32, #tpu.memory_space<vmem_shared>>) offsets(%arg17 : memref<4096xi32, #tpu.memory_space<vmem>>) semaphore(%arg25 : memref<!tpu.dma_semaphore, #tpu.memory_space<semaphore_mem>>) {add = true}
    %dma_wait3A_454 = arith.constant 0 : i32
    %dma_wait3A_455 = tpu.memref_slice %arg8[%dma_wait3A_454] : memref<65536xf32, #tpu.memory_space<vmem_shared>> -> memref<65536xf32, #tpu.memory_space<vmem_shared>>
    tpu.wait_indirect_dma semaphore(%arg24 : memref<!tpu.dma_semaphore, #tpu.memory_space<semaphore_mem>>) src(%arg19 : memref<4096xf32, #tpu.memory_space<vmem>>) dst(%dma_wait3A_455 : memref<65536xf32, #tpu.memory_space<vmem_shared>>)
    %add3A_456 = arith.constant 90112 : i32
    %add3A_457 = arith.addi %mul3A_4, %add3A_456 : i32
    %dma_start3A_458 = tpu.memref_slice %arg5[%add3A_457] : memref<4194304xi32, #tpu.memory_space<hbm>> -> memref<4096xi32, #tpu.memory_space<hbm>>
    %dma_start3A_459 = tpu.memref_slice %arg5[%add3A_457] : memref<4194304xi32, #tpu.memory_space<hbm>> -> memref<4096xi32, #tpu.memory_space<hbm>>
    tpu.enqueue_dma source(%dma_start3A_459 : memref<4096xi32, #tpu.memory_space<hbm>>) target(%arg11 : memref<4096xi32, #tpu.memory_space<vmem>>) target_semaphore(%arg21 : memref<!tpu.dma_semaphore, #tpu.memory_space<semaphore_mem>>)
    %dma_start3A_460 = tpu.memref_slice %arg3[%add3A_457] : memref<4194304xf32, #tpu.memory_space<hbm>> -> memref<4096xf32, #tpu.memory_space<hbm>>
    %dma_start3A_461 = tpu.memref_slice %arg3[%add3A_457] : memref<4194304xf32, #tpu.memory_space<hbm>> -> memref<4096xf32, #tpu.memory_space<hbm>>
    tpu.enqueue_dma source(%dma_start3A_461 : memref<4096xf32, #tpu.memory_space<hbm>>) target(%arg13 : memref<4096xf32, #tpu.memory_space<vmem>>) target_semaphore(%arg21 : memref<!tpu.dma_semaphore, #tpu.memory_space<semaphore_mem>>)
    %dma_start3A_462 = tpu.memref_slice %arg4[%add3A_457] : memref<4194304xi32, #tpu.memory_space<hbm>> -> memref<4096xi32, #tpu.memory_space<hbm>>
    %dma_start3A_463 = tpu.memref_slice %arg4[%add3A_457] : memref<4194304xi32, #tpu.memory_space<hbm>> -> memref<4096xi32, #tpu.memory_space<hbm>>
    tpu.enqueue_dma source(%dma_start3A_463 : memref<4096xi32, #tpu.memory_space<hbm>>) target(%arg16 : memref<4096xi32, #tpu.memory_space<vmem>>) target_semaphore(%arg21 : memref<!tpu.dma_semaphore, #tpu.memory_space<semaphore_mem>>)
    %dma_wait3A_464 = tpu.memref_slice %arg5[%add3A_436] : memref<4194304xi32, #tpu.memory_space<hbm>> -> memref<4096xi32, #tpu.memory_space<hbm>>
    %dma_wait3A_465 = tpu.memref_slice %arg5[%add3A_436] : memref<4194304xi32, #tpu.memory_space<hbm>> -> memref<4096xi32, #tpu.memory_space<hbm>>
    tpu.wait_dma2 semaphore(%arg22 : memref<!tpu.dma_semaphore, #tpu.memory_space<semaphore_mem>>) src(%dma_wait3A_465 : memref<4096xi32, #tpu.memory_space<hbm>>) dst(%arg12 : memref<4096xi32, #tpu.memory_space<vmem>>)
    %dma_wait3A_466 = tpu.memref_slice %arg3[%add3A_436] : memref<4194304xf32, #tpu.memory_space<hbm>> -> memref<4096xf32, #tpu.memory_space<hbm>>
    %dma_wait3A_467 = tpu.memref_slice %arg3[%add3A_436] : memref<4194304xf32, #tpu.memory_space<hbm>> -> memref<4096xf32, #tpu.memory_space<hbm>>
    tpu.wait_dma2 semaphore(%arg22 : memref<!tpu.dma_semaphore, #tpu.memory_space<semaphore_mem>>) src(%dma_wait3A_467 : memref<4096xf32, #tpu.memory_space<hbm>>) dst(%arg14 : memref<4096xf32, #tpu.memory_space<vmem>>)
    %dma_wait3A_468 = tpu.memref_slice %arg4[%add3A_436] : memref<4194304xi32, #tpu.memory_space<hbm>> -> memref<4096xi32, #tpu.memory_space<hbm>>
    %dma_wait3A_469 = tpu.memref_slice %arg4[%add3A_436] : memref<4194304xi32, #tpu.memory_space<hbm>> -> memref<4096xi32, #tpu.memory_space<hbm>>
    tpu.wait_dma2 semaphore(%arg22 : memref<!tpu.dma_semaphore, #tpu.memory_space<semaphore_mem>>) src(%dma_wait3A_469 : memref<4096xi32, #tpu.memory_space<hbm>>) dst(%arg15 : memref<4096xi32, #tpu.memory_space<vmem>>)
    %parallel_loop3A_470 = arith.constant 0 : i32
    %parallel_loop3A_471 = arith.constant 256 : i32
    %parallel_loop3A_472 = arith.constant 1 : i32
    scf.for %parallel_loop3A_682 = %parallel_loop3A_470 to %parallel_loop3A_471 step %parallel_loop3A_472  : i32 {
      %parallel_loop3A_683 = arith.constant 16 : i32
      %parallel_loop3A_684 = arith.muli %parallel_loop3A_682, %parallel_loop3A_683 : i32
      %parallel_loop3A_685 = arith.index_cast %parallel_loop3A_684 : i32 to index
      %parallel_loop3A_686 = tpu.vector_load %arg12[%parallel_loop3A_685] {strides = array<i32>} : memref<4096xi32, #tpu.memory_space<vmem>>, vector<16xi32>,
      %parallel_loop3A_687 = tpu.vector_load_idx %arg9[%parallel_loop3A_686] : memref<65536xf32, #tpu.memory_space<vmem>>[vector<16xi32>], vector<16xf32>,
      %parallel_loop3A_688 = arith.index_cast %parallel_loop3A_684 : i32 to index
      %parallel_loop3A_689 = tpu.vector_load %arg14[%parallel_loop3A_688] {strides = array<i32>} : memref<4096xf32, #tpu.memory_space<vmem>>, vector<16xf32>,
      %parallel_loop3A_690 = arith.mulf %parallel_loop3A_687, %parallel_loop3A_689 : vector<16xf32>
      %parallel_loop3A_691 = arith.index_cast %parallel_loop3A_684 : i32 to index
      %parallel_loop3A_692 = tpu.vector_load %arg18[%parallel_loop3A_691] {strides = array<i32>} : memref<4096xf32, #tpu.memory_space<vmem>>, vector<16xf32>,
      tpu.vector_store %arg18[%parallel_loop3A_691], %parallel_loop3A_690 {strides = array<i32>} : memref<4096xf32, #tpu.memory_space<vmem>>, vector<16xf32>,
    } {sc.loop_unroll_factor = 8 : i64, sc.parallel_access}
    %dma_start3A_473 = arith.constant 0 : i32
    %dma_start3A_474 = tpu.memref_slice %arg8[%dma_start3A_473] : memref<65536xf32, #tpu.memory_space<vmem_shared>> -> memref<65536xf32, #tpu.memory_space<vmem_shared>>
    tpu.enqueue_indirect_dma source(%arg18 : memref<4096xf32, #tpu.memory_space<vmem>>) target(%dma_start3A_474 : memref<65536xf32, #tpu.memory_space<vmem_shared>>) offsets(%arg15 : memref<4096xi32, #tpu.memory_space<vmem>>) semaphore(%arg23 : memref<!tpu.dma_semaphore, #tpu.memory_space<semaphore_mem>>) {add = true}
    %dma_wait3A_475 = arith.constant 0 : i32
    %dma_wait3A_476 = tpu.memref_slice %arg8[%dma_wait3A_475] : memref<65536xf32, #tpu.memory_space<vmem_shared>> -> memref<65536xf32, #tpu.memory_space<vmem_shared>>
    tpu.wait_indirect_dma semaphore(%arg25 : memref<!tpu.dma_semaphore, #tpu.memory_space<semaphore_mem>>) src(%arg20 : memref<4096xf32, #tpu.memory_space<vmem>>) dst(%dma_wait3A_476 : memref<65536xf32, #tpu.memory_space<vmem_shared>>)
    %add3A_477 = arith.constant 94208 : i32
    %add3A_478 = arith.addi %mul3A_4, %add3A_477 : i32
    %dma_start3A_479 = tpu.memref_slice %arg5[%add3A_478] : memref<4194304xi32, #tpu.memory_space<hbm>> -> memref<4096xi32, #tpu.memory_space<hbm>>
    %dma_start3A_480 = tpu.memref_slice %arg5[%add3A_478] : memref<4194304xi32, #tpu.memory_space<hbm>> -> memref<4096xi32, #tpu.memory_space<hbm>>
    tpu.enqueue_dma source(%dma_start3A_480 : memref<4096xi32, #tpu.memory_space<hbm>>) target(%arg12 : memref<4096xi32, #tpu.memory_space<vmem>>) target_semaphore(%arg22 : memref<!tpu.dma_semaphore, #tpu.memory_space<semaphore_mem>>)
    %dma_start3A_481 = tpu.memref_slice %arg3[%add3A_478] : memref<4194304xf32, #tpu.memory_space<hbm>> -> memref<4096xf32, #tpu.memory_space<hbm>>
    %dma_start3A_482 = tpu.memref_slice %arg3[%add3A_478] : memref<4194304xf32, #tpu.memory_space<hbm>> -> memref<4096xf32, #tpu.memory_space<hbm>>
    tpu.enqueue_dma source(%dma_start3A_482 : memref<4096xf32, #tpu.memory_space<hbm>>) target(%arg14 : memref<4096xf32, #tpu.memory_space<vmem>>) target_semaphore(%arg22 : memref<!tpu.dma_semaphore, #tpu.memory_space<semaphore_mem>>)
    %dma_start3A_483 = tpu.memref_slice %arg4[%add3A_478] : memref<4194304xi32, #tpu.memory_space<hbm>> -> memref<4096xi32, #tpu.memory_space<hbm>>
    %dma_start3A_484 = tpu.memref_slice %arg4[%add3A_478] : memref<4194304xi32, #tpu.memory_space<hbm>> -> memref<4096xi32, #tpu.memory_space<hbm>>
    tpu.enqueue_dma source(%dma_start3A_484 : memref<4096xi32, #tpu.memory_space<hbm>>) target(%arg17 : memref<4096xi32, #tpu.memory_space<vmem>>) target_semaphore(%arg22 : memref<!tpu.dma_semaphore, #tpu.memory_space<semaphore_mem>>)
    %dma_wait3A_485 = tpu.memref_slice %arg5[%add3A_457] : memref<4194304xi32, #tpu.memory_space<hbm>> -> memref<4096xi32, #tpu.memory_space<hbm>>
    %dma_wait3A_486 = tpu.memref_slice %arg5[%add3A_457] : memref<4194304xi32, #tpu.memory_space<hbm>> -> memref<4096xi32, #tpu.memory_space<hbm>>
    tpu.wait_dma2 semaphore(%arg21 : memref<!tpu.dma_semaphore, #tpu.memory_space<semaphore_mem>>) src(%dma_wait3A_486 : memref<4096xi32, #tpu.memory_space<hbm>>) dst(%arg11 : memref<4096xi32, #tpu.memory_space<vmem>>)
    %dma_wait3A_487 = tpu.memref_slice %arg3[%add3A_457] : memref<4194304xf32, #tpu.memory_space<hbm>> -> memref<4096xf32, #tpu.memory_space<hbm>>
    %dma_wait3A_488 = tpu.memref_slice %arg3[%add3A_457] : memref<4194304xf32, #tpu.memory_space<hbm>> -> memref<4096xf32, #tpu.memory_space<hbm>>
    tpu.wait_dma2 semaphore(%arg21 : memref<!tpu.dma_semaphore, #tpu.memory_space<semaphore_mem>>) src(%dma_wait3A_488 : memref<4096xf32, #tpu.memory_space<hbm>>) dst(%arg13 : memref<4096xf32, #tpu.memory_space<vmem>>)
    %dma_wait3A_489 = tpu.memref_slice %arg4[%add3A_457] : memref<4194304xi32, #tpu.memory_space<hbm>> -> memref<4096xi32, #tpu.memory_space<hbm>>
    %dma_wait3A_490 = tpu.memref_slice %arg4[%add3A_457] : memref<4194304xi32, #tpu.memory_space<hbm>> -> memref<4096xi32, #tpu.memory_space<hbm>>
    tpu.wait_dma2 semaphore(%arg21 : memref<!tpu.dma_semaphore, #tpu.memory_space<semaphore_mem>>) src(%dma_wait3A_490 : memref<4096xi32, #tpu.memory_space<hbm>>) dst(%arg16 : memref<4096xi32, #tpu.memory_space<vmem>>)
    %parallel_loop3A_491 = arith.constant 0 : i32
    %parallel_loop3A_492 = arith.constant 256 : i32
    %parallel_loop3A_493 = arith.constant 1 : i32
    scf.for %parallel_loop3A_682 = %parallel_loop3A_491 to %parallel_loop3A_492 step %parallel_loop3A_493  : i32 {
      %parallel_loop3A_683 = arith.constant 16 : i32
      %parallel_loop3A_684 = arith.muli %parallel_loop3A_682, %parallel_loop3A_683 : i32
      %parallel_loop3A_685 = arith.index_cast %parallel_loop3A_684 : i32 to index
      %parallel_loop3A_686 = tpu.vector_load %arg11[%parallel_loop3A_685] {strides = array<i32>} : memref<4096xi32, #tpu.memory_space<vmem>>, vector<16xi32>,
      %parallel_loop3A_687 = tpu.vector_load_idx %arg9[%parallel_loop3A_686] : memref<65536xf32, #tpu.memory_space<vmem>>[vector<16xi32>], vector<16xf32>,
      %parallel_loop3A_688 = arith.index_cast %parallel_loop3A_684 : i32 to index
      %parallel_loop3A_689 = tpu.vector_load %arg13[%parallel_loop3A_688] {strides = array<i32>} : memref<4096xf32, #tpu.memory_space<vmem>>, vector<16xf32>,
      %parallel_loop3A_690 = arith.mulf %parallel_loop3A_687, %parallel_loop3A_689 : vector<16xf32>
      %parallel_loop3A_691 = arith.index_cast %parallel_loop3A_684 : i32 to index
      %parallel_loop3A_692 = tpu.vector_load %arg19[%parallel_loop3A_691] {strides = array<i32>} : memref<4096xf32, #tpu.memory_space<vmem>>, vector<16xf32>,
      tpu.vector_store %arg19[%parallel_loop3A_691], %parallel_loop3A_690 {strides = array<i32>} : memref<4096xf32, #tpu.memory_space<vmem>>, vector<16xf32>,
    } {sc.loop_unroll_factor = 8 : i64, sc.parallel_access}
    %dma_start3A_494 = arith.constant 0 : i32
    %dma_start3A_495 = tpu.memref_slice %arg8[%dma_start3A_494] : memref<65536xf32, #tpu.memory_space<vmem_shared>> -> memref<65536xf32, #tpu.memory_space<vmem_shared>>
    tpu.enqueue_indirect_dma source(%arg19 : memref<4096xf32, #tpu.memory_space<vmem>>) target(%dma_start3A_495 : memref<65536xf32, #tpu.memory_space<vmem_shared>>) offsets(%arg16 : memref<4096xi32, #tpu.memory_space<vmem>>) semaphore(%arg24 : memref<!tpu.dma_semaphore, #tpu.memory_space<semaphore_mem>>) {add = true}
    %dma_wait3A_496 = arith.constant 0 : i32
    %dma_wait3A_497 = tpu.memref_slice %arg8[%dma_wait3A_496] : memref<65536xf32, #tpu.memory_space<vmem_shared>> -> memref<65536xf32, #tpu.memory_space<vmem_shared>>
    tpu.wait_indirect_dma semaphore(%arg23 : memref<!tpu.dma_semaphore, #tpu.memory_space<semaphore_mem>>) src(%arg18 : memref<4096xf32, #tpu.memory_space<vmem>>) dst(%dma_wait3A_497 : memref<65536xf32, #tpu.memory_space<vmem_shared>>)
    %add3A_498 = arith.constant 98304 : i32
    %add3A_499 = arith.addi %mul3A_4, %add3A_498 : i32
    %dma_start3A_500 = tpu.memref_slice %arg5[%add3A_499] : memref<4194304xi32, #tpu.memory_space<hbm>> -> memref<4096xi32, #tpu.memory_space<hbm>>
    %dma_start3A_501 = tpu.memref_slice %arg5[%add3A_499] : memref<4194304xi32, #tpu.memory_space<hbm>> -> memref<4096xi32, #tpu.memory_space<hbm>>
    tpu.enqueue_dma source(%dma_start3A_501 : memref<4096xi32, #tpu.memory_space<hbm>>) target(%arg11 : memref<4096xi32, #tpu.memory_space<vmem>>) target_semaphore(%arg21 : memref<!tpu.dma_semaphore, #tpu.memory_space<semaphore_mem>>)
    %dma_start3A_502 = tpu.memref_slice %arg3[%add3A_499] : memref<4194304xf32, #tpu.memory_space<hbm>> -> memref<4096xf32, #tpu.memory_space<hbm>>
    %dma_start3A_503 = tpu.memref_slice %arg3[%add3A_499] : memref<4194304xf32, #tpu.memory_space<hbm>> -> memref<4096xf32, #tpu.memory_space<hbm>>
    tpu.enqueue_dma source(%dma_start3A_503 : memref<4096xf32, #tpu.memory_space<hbm>>) target(%arg13 : memref<4096xf32, #tpu.memory_space<vmem>>) target_semaphore(%arg21 : memref<!tpu.dma_semaphore, #tpu.memory_space<semaphore_mem>>)
    %dma_start3A_504 = tpu.memref_slice %arg4[%add3A_499] : memref<4194304xi32, #tpu.memory_space<hbm>> -> memref<4096xi32, #tpu.memory_space<hbm>>
    %dma_start3A_505 = tpu.memref_slice %arg4[%add3A_499] : memref<4194304xi32, #tpu.memory_space<hbm>> -> memref<4096xi32, #tpu.memory_space<hbm>>
    tpu.enqueue_dma source(%dma_start3A_505 : memref<4096xi32, #tpu.memory_space<hbm>>) target(%arg15 : memref<4096xi32, #tpu.memory_space<vmem>>) target_semaphore(%arg21 : memref<!tpu.dma_semaphore, #tpu.memory_space<semaphore_mem>>)
    %dma_wait3A_506 = tpu.memref_slice %arg5[%add3A_478] : memref<4194304xi32, #tpu.memory_space<hbm>> -> memref<4096xi32, #tpu.memory_space<hbm>>
    %dma_wait3A_507 = tpu.memref_slice %arg5[%add3A_478] : memref<4194304xi32, #tpu.memory_space<hbm>> -> memref<4096xi32, #tpu.memory_space<hbm>>
    tpu.wait_dma2 semaphore(%arg22 : memref<!tpu.dma_semaphore, #tpu.memory_space<semaphore_mem>>) src(%dma_wait3A_507 : memref<4096xi32, #tpu.memory_space<hbm>>) dst(%arg12 : memref<4096xi32, #tpu.memory_space<vmem>>)
    %dma_wait3A_508 = tpu.memref_slice %arg3[%add3A_478] : memref<4194304xf32, #tpu.memory_space<hbm>> -> memref<4096xf32, #tpu.memory_space<hbm>>
    %dma_wait3A_509 = tpu.memref_slice %arg3[%add3A_478] : memref<4194304xf32, #tpu.memory_space<hbm>> -> memref<4096xf32, #tpu.memory_space<hbm>>
    tpu.wait_dma2 semaphore(%arg22 : memref<!tpu.dma_semaphore, #tpu.memory_space<semaphore_mem>>) src(%dma_wait3A_509 : memref<4096xf32, #tpu.memory_space<hbm>>) dst(%arg14 : memref<4096xf32, #tpu.memory_space<vmem>>)
    %dma_wait3A_510 = tpu.memref_slice %arg4[%add3A_478] : memref<4194304xi32, #tpu.memory_space<hbm>> -> memref<4096xi32, #tpu.memory_space<hbm>>
    %dma_wait3A_511 = tpu.memref_slice %arg4[%add3A_478] : memref<4194304xi32, #tpu.memory_space<hbm>> -> memref<4096xi32, #tpu.memory_space<hbm>>
    tpu.wait_dma2 semaphore(%arg22 : memref<!tpu.dma_semaphore, #tpu.memory_space<semaphore_mem>>) src(%dma_wait3A_511 : memref<4096xi32, #tpu.memory_space<hbm>>) dst(%arg17 : memref<4096xi32, #tpu.memory_space<vmem>>)
    %parallel_loop3A_512 = arith.constant 0 : i32
    %parallel_loop3A_513 = arith.constant 256 : i32
    %parallel_loop3A_514 = arith.constant 1 : i32
    scf.for %parallel_loop3A_682 = %parallel_loop3A_512 to %parallel_loop3A_513 step %parallel_loop3A_514  : i32 {
      %parallel_loop3A_683 = arith.constant 16 : i32
      %parallel_loop3A_684 = arith.muli %parallel_loop3A_682, %parallel_loop3A_683 : i32
      %parallel_loop3A_685 = arith.index_cast %parallel_loop3A_684 : i32 to index
      %parallel_loop3A_686 = tpu.vector_load %arg12[%parallel_loop3A_685] {strides = array<i32>} : memref<4096xi32, #tpu.memory_space<vmem>>, vector<16xi32>,
      %parallel_loop3A_687 = tpu.vector_load_idx %arg9[%parallel_loop3A_686] : memref<65536xf32, #tpu.memory_space<vmem>>[vector<16xi32>], vector<16xf32>,
      %parallel_loop3A_688 = arith.index_cast %parallel_loop3A_684 : i32 to index
      %parallel_loop3A_689 = tpu.vector_load %arg14[%parallel_loop3A_688] {strides = array<i32>} : memref<4096xf32, #tpu.memory_space<vmem>>, vector<16xf32>,
      %parallel_loop3A_690 = arith.mulf %parallel_loop3A_687, %parallel_loop3A_689 : vector<16xf32>
      %parallel_loop3A_691 = arith.index_cast %parallel_loop3A_684 : i32 to index
      %parallel_loop3A_692 = tpu.vector_load %arg20[%parallel_loop3A_691] {strides = array<i32>} : memref<4096xf32, #tpu.memory_space<vmem>>, vector<16xf32>,
      tpu.vector_store %arg20[%parallel_loop3A_691], %parallel_loop3A_690 {strides = array<i32>} : memref<4096xf32, #tpu.memory_space<vmem>>, vector<16xf32>,
    } {sc.loop_unroll_factor = 8 : i64, sc.parallel_access}
    %dma_start3A_515 = arith.constant 0 : i32
    %dma_start3A_516 = tpu.memref_slice %arg8[%dma_start3A_515] : memref<65536xf32, #tpu.memory_space<vmem_shared>> -> memref<65536xf32, #tpu.memory_space<vmem_shared>>
    tpu.enqueue_indirect_dma source(%arg20 : memref<4096xf32, #tpu.memory_space<vmem>>) target(%dma_start3A_516 : memref<65536xf32, #tpu.memory_space<vmem_shared>>) offsets(%arg17 : memref<4096xi32, #tpu.memory_space<vmem>>) semaphore(%arg25 : memref<!tpu.dma_semaphore, #tpu.memory_space<semaphore_mem>>) {add = true}
    %dma_wait3A_517 = arith.constant 0 : i32
    %dma_wait3A_518 = tpu.memref_slice %arg8[%dma_wait3A_517] : memref<65536xf32, #tpu.memory_space<vmem_shared>> -> memref<65536xf32, #tpu.memory_space<vmem_shared>>
    tpu.wait_indirect_dma semaphore(%arg24 : memref<!tpu.dma_semaphore, #tpu.memory_space<semaphore_mem>>) src(%arg19 : memref<4096xf32, #tpu.memory_space<vmem>>) dst(%dma_wait3A_518 : memref<65536xf32, #tpu.memory_space<vmem_shared>>)
    %add3A_519 = arith.constant 102400 : i32
    %add3A_520 = arith.addi %mul3A_4, %add3A_519 : i32
    %dma_start3A_521 = tpu.memref_slice %arg5[%add3A_520] : memref<4194304xi32, #tpu.memory_space<hbm>> -> memref<4096xi32, #tpu.memory_space<hbm>>
    %dma_start3A_522 = tpu.memref_slice %arg5[%add3A_520] : memref<4194304xi32, #tpu.memory_space<hbm>> -> memref<4096xi32, #tpu.memory_space<hbm>>
    tpu.enqueue_dma source(%dma_start3A_522 : memref<4096xi32, #tpu.memory_space<hbm>>) target(%arg12 : memref<4096xi32, #tpu.memory_space<vmem>>) target_semaphore(%arg22 : memref<!tpu.dma_semaphore, #tpu.memory_space<semaphore_mem>>)
    %dma_start3A_523 = tpu.memref_slice %arg3[%add3A_520] : memref<4194304xf32, #tpu.memory_space<hbm>> -> memref<4096xf32, #tpu.memory_space<hbm>>
    %dma_start3A_524 = tpu.memref_slice %arg3[%add3A_520] : memref<4194304xf32, #tpu.memory_space<hbm>> -> memref<4096xf32, #tpu.memory_space<hbm>>
    tpu.enqueue_dma source(%dma_start3A_524 : memref<4096xf32, #tpu.memory_space<hbm>>) target(%arg14 : memref<4096xf32, #tpu.memory_space<vmem>>) target_semaphore(%arg22 : memref<!tpu.dma_semaphore, #tpu.memory_space<semaphore_mem>>)
    %dma_start3A_525 = tpu.memref_slice %arg4[%add3A_520] : memref<4194304xi32, #tpu.memory_space<hbm>> -> memref<4096xi32, #tpu.memory_space<hbm>>
    %dma_start3A_526 = tpu.memref_slice %arg4[%add3A_520] : memref<4194304xi32, #tpu.memory_space<hbm>> -> memref<4096xi32, #tpu.memory_space<hbm>>
    tpu.enqueue_dma source(%dma_start3A_526 : memref<4096xi32, #tpu.memory_space<hbm>>) target(%arg16 : memref<4096xi32, #tpu.memory_space<vmem>>) target_semaphore(%arg22 : memref<!tpu.dma_semaphore, #tpu.memory_space<semaphore_mem>>)
    %dma_wait3A_527 = tpu.memref_slice %arg5[%add3A_499] : memref<4194304xi32, #tpu.memory_space<hbm>> -> memref<4096xi32, #tpu.memory_space<hbm>>
    %dma_wait3A_528 = tpu.memref_slice %arg5[%add3A_499] : memref<4194304xi32, #tpu.memory_space<hbm>> -> memref<4096xi32, #tpu.memory_space<hbm>>
    tpu.wait_dma2 semaphore(%arg21 : memref<!tpu.dma_semaphore, #tpu.memory_space<semaphore_mem>>) src(%dma_wait3A_528 : memref<4096xi32, #tpu.memory_space<hbm>>) dst(%arg11 : memref<4096xi32, #tpu.memory_space<vmem>>)
    %dma_wait3A_529 = tpu.memref_slice %arg3[%add3A_499] : memref<4194304xf32, #tpu.memory_space<hbm>> -> memref<4096xf32, #tpu.memory_space<hbm>>
    %dma_wait3A_530 = tpu.memref_slice %arg3[%add3A_499] : memref<4194304xf32, #tpu.memory_space<hbm>> -> memref<4096xf32, #tpu.memory_space<hbm>>
    tpu.wait_dma2 semaphore(%arg21 : memref<!tpu.dma_semaphore, #tpu.memory_space<semaphore_mem>>) src(%dma_wait3A_530 : memref<4096xf32, #tpu.memory_space<hbm>>) dst(%arg13 : memref<4096xf32, #tpu.memory_space<vmem>>)
    %dma_wait3A_531 = tpu.memref_slice %arg4[%add3A_499] : memref<4194304xi32, #tpu.memory_space<hbm>> -> memref<4096xi32, #tpu.memory_space<hbm>>
    %dma_wait3A_532 = tpu.memref_slice %arg4[%add3A_499] : memref<4194304xi32, #tpu.memory_space<hbm>> -> memref<4096xi32, #tpu.memory_space<hbm>>
    tpu.wait_dma2 semaphore(%arg21 : memref<!tpu.dma_semaphore, #tpu.memory_space<semaphore_mem>>) src(%dma_wait3A_532 : memref<4096xi32, #tpu.memory_space<hbm>>) dst(%arg15 : memref<4096xi32, #tpu.memory_space<vmem>>)
    %parallel_loop3A_533 = arith.constant 0 : i32
    %parallel_loop3A_534 = arith.constant 256 : i32
    %parallel_loop3A_535 = arith.constant 1 : i32
    scf.for %parallel_loop3A_682 = %parallel_loop3A_533 to %parallel_loop3A_534 step %parallel_loop3A_535  : i32 {
      %parallel_loop3A_683 = arith.constant 16 : i32
      %parallel_loop3A_684 = arith.muli %parallel_loop3A_682, %parallel_loop3A_683 : i32
      %parallel_loop3A_685 = arith.index_cast %parallel_loop3A_684 : i32 to index
      %parallel_loop3A_686 = tpu.vector_load %arg11[%parallel_loop3A_685] {strides = array<i32>} : memref<4096xi32, #tpu.memory_space<vmem>>, vector<16xi32>,
      %parallel_loop3A_687 = tpu.vector_load_idx %arg9[%parallel_loop3A_686] : memref<65536xf32, #tpu.memory_space<vmem>>[vector<16xi32>], vector<16xf32>,
      %parallel_loop3A_688 = arith.index_cast %parallel_loop3A_684 : i32 to index
      %parallel_loop3A_689 = tpu.vector_load %arg13[%parallel_loop3A_688] {strides = array<i32>} : memref<4096xf32, #tpu.memory_space<vmem>>, vector<16xf32>,
      %parallel_loop3A_690 = arith.mulf %parallel_loop3A_687, %parallel_loop3A_689 : vector<16xf32>
      %parallel_loop3A_691 = arith.index_cast %parallel_loop3A_684 : i32 to index
      %parallel_loop3A_692 = tpu.vector_load %arg18[%parallel_loop3A_691] {strides = array<i32>} : memref<4096xf32, #tpu.memory_space<vmem>>, vector<16xf32>,
      tpu.vector_store %arg18[%parallel_loop3A_691], %parallel_loop3A_690 {strides = array<i32>} : memref<4096xf32, #tpu.memory_space<vmem>>, vector<16xf32>,
    } {sc.loop_unroll_factor = 8 : i64, sc.parallel_access}
    %dma_start3A_536 = arith.constant 0 : i32
    %dma_start3A_537 = tpu.memref_slice %arg8[%dma_start3A_536] : memref<65536xf32, #tpu.memory_space<vmem_shared>> -> memref<65536xf32, #tpu.memory_space<vmem_shared>>
    tpu.enqueue_indirect_dma source(%arg18 : memref<4096xf32, #tpu.memory_space<vmem>>) target(%dma_start3A_537 : memref<65536xf32, #tpu.memory_space<vmem_shared>>) offsets(%arg15 : memref<4096xi32, #tpu.memory_space<vmem>>) semaphore(%arg23 : memref<!tpu.dma_semaphore, #tpu.memory_space<semaphore_mem>>) {add = true}
    %dma_wait3A_538 = arith.constant 0 : i32
    %dma_wait3A_539 = tpu.memref_slice %arg8[%dma_wait3A_538] : memref<65536xf32, #tpu.memory_space<vmem_shared>> -> memref<65536xf32, #tpu.memory_space<vmem_shared>>
    tpu.wait_indirect_dma semaphore(%arg25 : memref<!tpu.dma_semaphore, #tpu.memory_space<semaphore_mem>>) src(%arg20 : memref<4096xf32, #tpu.memory_space<vmem>>) dst(%dma_wait3A_539 : memref<65536xf32, #tpu.memory_space<vmem_shared>>)
    %add3A_540 = arith.constant 106496 : i32
    %add3A_541 = arith.addi %mul3A_4, %add3A_540 : i32
    %dma_start3A_542 = tpu.memref_slice %arg5[%add3A_541] : memref<4194304xi32, #tpu.memory_space<hbm>> -> memref<4096xi32, #tpu.memory_space<hbm>>
    %dma_start3A_543 = tpu.memref_slice %arg5[%add3A_541] : memref<4194304xi32, #tpu.memory_space<hbm>> -> memref<4096xi32, #tpu.memory_space<hbm>>
    tpu.enqueue_dma source(%dma_start3A_543 : memref<4096xi32, #tpu.memory_space<hbm>>) target(%arg11 : memref<4096xi32, #tpu.memory_space<vmem>>) target_semaphore(%arg21 : memref<!tpu.dma_semaphore, #tpu.memory_space<semaphore_mem>>)
    %dma_start3A_544 = tpu.memref_slice %arg3[%add3A_541] : memref<4194304xf32, #tpu.memory_space<hbm>> -> memref<4096xf32, #tpu.memory_space<hbm>>
    %dma_start3A_545 = tpu.memref_slice %arg3[%add3A_541] : memref<4194304xf32, #tpu.memory_space<hbm>> -> memref<4096xf32, #tpu.memory_space<hbm>>
    tpu.enqueue_dma source(%dma_start3A_545 : memref<4096xf32, #tpu.memory_space<hbm>>) target(%arg13 : memref<4096xf32, #tpu.memory_space<vmem>>) target_semaphore(%arg21 : memref<!tpu.dma_semaphore, #tpu.memory_space<semaphore_mem>>)
    %dma_start3A_546 = tpu.memref_slice %arg4[%add3A_541] : memref<4194304xi32, #tpu.memory_space<hbm>> -> memref<4096xi32, #tpu.memory_space<hbm>>
    %dma_start3A_547 = tpu.memref_slice %arg4[%add3A_541] : memref<4194304xi32, #tpu.memory_space<hbm>> -> memref<4096xi32, #tpu.memory_space<hbm>>
    tpu.enqueue_dma source(%dma_start3A_547 : memref<4096xi32, #tpu.memory_space<hbm>>) target(%arg17 : memref<4096xi32, #tpu.memory_space<vmem>>) target_semaphore(%arg21 : memref<!tpu.dma_semaphore, #tpu.memory_space<semaphore_mem>>)
    %dma_wait3A_548 = tpu.memref_slice %arg5[%add3A_520] : memref<4194304xi32, #tpu.memory_space<hbm>> -> memref<4096xi32, #tpu.memory_space<hbm>>
    %dma_wait3A_549 = tpu.memref_slice %arg5[%add3A_520] : memref<4194304xi32, #tpu.memory_space<hbm>> -> memref<4096xi32, #tpu.memory_space<hbm>>
    tpu.wait_dma2 semaphore(%arg22 : memref<!tpu.dma_semaphore, #tpu.memory_space<semaphore_mem>>) src(%dma_wait3A_549 : memref<4096xi32, #tpu.memory_space<hbm>>) dst(%arg12 : memref<4096xi32, #tpu.memory_space<vmem>>)
    %dma_wait3A_550 = tpu.memref_slice %arg3[%add3A_520] : memref<4194304xf32, #tpu.memory_space<hbm>> -> memref<4096xf32, #tpu.memory_space<hbm>>
    %dma_wait3A_551 = tpu.memref_slice %arg3[%add3A_520] : memref<4194304xf32, #tpu.memory_space<hbm>> -> memref<4096xf32, #tpu.memory_space<hbm>>
    tpu.wait_dma2 semaphore(%arg22 : memref<!tpu.dma_semaphore, #tpu.memory_space<semaphore_mem>>) src(%dma_wait3A_551 : memref<4096xf32, #tpu.memory_space<hbm>>) dst(%arg14 : memref<4096xf32, #tpu.memory_space<vmem>>)
    %dma_wait3A_552 = tpu.memref_slice %arg4[%add3A_520] : memref<4194304xi32, #tpu.memory_space<hbm>> -> memref<4096xi32, #tpu.memory_space<hbm>>
    %dma_wait3A_553 = tpu.memref_slice %arg4[%add3A_520] : memref<4194304xi32, #tpu.memory_space<hbm>> -> memref<4096xi32, #tpu.memory_space<hbm>>
    tpu.wait_dma2 semaphore(%arg22 : memref<!tpu.dma_semaphore, #tpu.memory_space<semaphore_mem>>) src(%dma_wait3A_553 : memref<4096xi32, #tpu.memory_space<hbm>>) dst(%arg16 : memref<4096xi32, #tpu.memory_space<vmem>>)
    %parallel_loop3A_554 = arith.constant 0 : i32
    %parallel_loop3A_555 = arith.constant 256 : i32
    %parallel_loop3A_556 = arith.constant 1 : i32
    scf.for %parallel_loop3A_682 = %parallel_loop3A_554 to %parallel_loop3A_555 step %parallel_loop3A_556  : i32 {
      %parallel_loop3A_683 = arith.constant 16 : i32
      %parallel_loop3A_684 = arith.muli %parallel_loop3A_682, %parallel_loop3A_683 : i32
      %parallel_loop3A_685 = arith.index_cast %parallel_loop3A_684 : i32 to index
      %parallel_loop3A_686 = tpu.vector_load %arg12[%parallel_loop3A_685] {strides = array<i32>} : memref<4096xi32, #tpu.memory_space<vmem>>, vector<16xi32>,
      %parallel_loop3A_687 = tpu.vector_load_idx %arg9[%parallel_loop3A_686] : memref<65536xf32, #tpu.memory_space<vmem>>[vector<16xi32>], vector<16xf32>,
      %parallel_loop3A_688 = arith.index_cast %parallel_loop3A_684 : i32 to index
      %parallel_loop3A_689 = tpu.vector_load %arg14[%parallel_loop3A_688] {strides = array<i32>} : memref<4096xf32, #tpu.memory_space<vmem>>, vector<16xf32>,
      %parallel_loop3A_690 = arith.mulf %parallel_loop3A_687, %parallel_loop3A_689 : vector<16xf32>
      %parallel_loop3A_691 = arith.index_cast %parallel_loop3A_684 : i32 to index
      %parallel_loop3A_692 = tpu.vector_load %arg19[%parallel_loop3A_691] {strides = array<i32>} : memref<4096xf32, #tpu.memory_space<vmem>>, vector<16xf32>,
      tpu.vector_store %arg19[%parallel_loop3A_691], %parallel_loop3A_690 {strides = array<i32>} : memref<4096xf32, #tpu.memory_space<vmem>>, vector<16xf32>,
    } {sc.loop_unroll_factor = 8 : i64, sc.parallel_access}
    %dma_start3A_557 = arith.constant 0 : i32
    %dma_start3A_558 = tpu.memref_slice %arg8[%dma_start3A_557] : memref<65536xf32, #tpu.memory_space<vmem_shared>> -> memref<65536xf32, #tpu.memory_space<vmem_shared>>
    tpu.enqueue_indirect_dma source(%arg19 : memref<4096xf32, #tpu.memory_space<vmem>>) target(%dma_start3A_558 : memref<65536xf32, #tpu.memory_space<vmem_shared>>) offsets(%arg16 : memref<4096xi32, #tpu.memory_space<vmem>>) semaphore(%arg24 : memref<!tpu.dma_semaphore, #tpu.memory_space<semaphore_mem>>) {add = true}
    %dma_wait3A_559 = arith.constant 0 : i32
    %dma_wait3A_560 = tpu.memref_slice %arg8[%dma_wait3A_559] : memref<65536xf32, #tpu.memory_space<vmem_shared>> -> memref<65536xf32, #tpu.memory_space<vmem_shared>>
    tpu.wait_indirect_dma semaphore(%arg23 : memref<!tpu.dma_semaphore, #tpu.memory_space<semaphore_mem>>) src(%arg18 : memref<4096xf32, #tpu.memory_space<vmem>>) dst(%dma_wait3A_560 : memref<65536xf32, #tpu.memory_space<vmem_shared>>)
    %add3A_561 = arith.constant 110592 : i32
    %add3A_562 = arith.addi %mul3A_4, %add3A_561 : i32
    %dma_start3A_563 = tpu.memref_slice %arg5[%add3A_562] : memref<4194304xi32, #tpu.memory_space<hbm>> -> memref<4096xi32, #tpu.memory_space<hbm>>
    %dma_start3A_564 = tpu.memref_slice %arg5[%add3A_562] : memref<4194304xi32, #tpu.memory_space<hbm>> -> memref<4096xi32, #tpu.memory_space<hbm>>
    tpu.enqueue_dma source(%dma_start3A_564 : memref<4096xi32, #tpu.memory_space<hbm>>) target(%arg12 : memref<4096xi32, #tpu.memory_space<vmem>>) target_semaphore(%arg22 : memref<!tpu.dma_semaphore, #tpu.memory_space<semaphore_mem>>)
    %dma_start3A_565 = tpu.memref_slice %arg3[%add3A_562] : memref<4194304xf32, #tpu.memory_space<hbm>> -> memref<4096xf32, #tpu.memory_space<hbm>>
    %dma_start3A_566 = tpu.memref_slice %arg3[%add3A_562] : memref<4194304xf32, #tpu.memory_space<hbm>> -> memref<4096xf32, #tpu.memory_space<hbm>>
    tpu.enqueue_dma source(%dma_start3A_566 : memref<4096xf32, #tpu.memory_space<hbm>>) target(%arg14 : memref<4096xf32, #tpu.memory_space<vmem>>) target_semaphore(%arg22 : memref<!tpu.dma_semaphore, #tpu.memory_space<semaphore_mem>>)
    %dma_start3A_567 = tpu.memref_slice %arg4[%add3A_562] : memref<4194304xi32, #tpu.memory_space<hbm>> -> memref<4096xi32, #tpu.memory_space<hbm>>
    %dma_start3A_568 = tpu.memref_slice %arg4[%add3A_562] : memref<4194304xi32, #tpu.memory_space<hbm>> -> memref<4096xi32, #tpu.memory_space<hbm>>
    tpu.enqueue_dma source(%dma_start3A_568 : memref<4096xi32, #tpu.memory_space<hbm>>) target(%arg15 : memref<4096xi32, #tpu.memory_space<vmem>>) target_semaphore(%arg22 : memref<!tpu.dma_semaphore, #tpu.memory_space<semaphore_mem>>)
    %dma_wait3A_569 = tpu.memref_slice %arg5[%add3A_541] : memref<4194304xi32, #tpu.memory_space<hbm>> -> memref<4096xi32, #tpu.memory_space<hbm>>
    %dma_wait3A_570 = tpu.memref_slice %arg5[%add3A_541] : memref<4194304xi32, #tpu.memory_space<hbm>> -> memref<4096xi32, #tpu.memory_space<hbm>>
    tpu.wait_dma2 semaphore(%arg21 : memref<!tpu.dma_semaphore, #tpu.memory_space<semaphore_mem>>) src(%dma_wait3A_570 : memref<4096xi32, #tpu.memory_space<hbm>>) dst(%arg11 : memref<4096xi32, #tpu.memory_space<vmem>>)
    %dma_wait3A_571 = tpu.memref_slice %arg3[%add3A_541] : memref<4194304xf32, #tpu.memory_space<hbm>> -> memref<4096xf32, #tpu.memory_space<hbm>>
    %dma_wait3A_572 = tpu.memref_slice %arg3[%add3A_541] : memref<4194304xf32, #tpu.memory_space<hbm>> -> memref<4096xf32, #tpu.memory_space<hbm>>
    tpu.wait_dma2 semaphore(%arg21 : memref<!tpu.dma_semaphore, #tpu.memory_space<semaphore_mem>>) src(%dma_wait3A_572 : memref<4096xf32, #tpu.memory_space<hbm>>) dst(%arg13 : memref<4096xf32, #tpu.memory_space<vmem>>)
    %dma_wait3A_573 = tpu.memref_slice %arg4[%add3A_541] : memref<4194304xi32, #tpu.memory_space<hbm>> -> memref<4096xi32, #tpu.memory_space<hbm>>
    %dma_wait3A_574 = tpu.memref_slice %arg4[%add3A_541] : memref<4194304xi32, #tpu.memory_space<hbm>> -> memref<4096xi32, #tpu.memory_space<hbm>>
    tpu.wait_dma2 semaphore(%arg21 : memref<!tpu.dma_semaphore, #tpu.memory_space<semaphore_mem>>) src(%dma_wait3A_574 : memref<4096xi32, #tpu.memory_space<hbm>>) dst(%arg17 : memref<4096xi32, #tpu.memory_space<vmem>>)
    %parallel_loop3A_575 = arith.constant 0 : i32
    %parallel_loop3A_576 = arith.constant 256 : i32
    %parallel_loop3A_577 = arith.constant 1 : i32
    scf.for %parallel_loop3A_682 = %parallel_loop3A_575 to %parallel_loop3A_576 step %parallel_loop3A_577  : i32 {
      %parallel_loop3A_683 = arith.constant 16 : i32
      %parallel_loop3A_684 = arith.muli %parallel_loop3A_682, %parallel_loop3A_683 : i32
      %parallel_loop3A_685 = arith.index_cast %parallel_loop3A_684 : i32 to index
      %parallel_loop3A_686 = tpu.vector_load %arg11[%parallel_loop3A_685] {strides = array<i32>} : memref<4096xi32, #tpu.memory_space<vmem>>, vector<16xi32>,
      %parallel_loop3A_687 = tpu.vector_load_idx %arg9[%parallel_loop3A_686] : memref<65536xf32, #tpu.memory_space<vmem>>[vector<16xi32>], vector<16xf32>,
      %parallel_loop3A_688 = arith.index_cast %parallel_loop3A_684 : i32 to index
      %parallel_loop3A_689 = tpu.vector_load %arg13[%parallel_loop3A_688] {strides = array<i32>} : memref<4096xf32, #tpu.memory_space<vmem>>, vector<16xf32>,
      %parallel_loop3A_690 = arith.mulf %parallel_loop3A_687, %parallel_loop3A_689 : vector<16xf32>
      %parallel_loop3A_691 = arith.index_cast %parallel_loop3A_684 : i32 to index
      %parallel_loop3A_692 = tpu.vector_load %arg20[%parallel_loop3A_691] {strides = array<i32>} : memref<4096xf32, #tpu.memory_space<vmem>>, vector<16xf32>,
      tpu.vector_store %arg20[%parallel_loop3A_691], %parallel_loop3A_690 {strides = array<i32>} : memref<4096xf32, #tpu.memory_space<vmem>>, vector<16xf32>,
    } {sc.loop_unroll_factor = 8 : i64, sc.parallel_access}
    %dma_start3A_578 = arith.constant 0 : i32
    %dma_start3A_579 = tpu.memref_slice %arg8[%dma_start3A_578] : memref<65536xf32, #tpu.memory_space<vmem_shared>> -> memref<65536xf32, #tpu.memory_space<vmem_shared>>
    tpu.enqueue_indirect_dma source(%arg20 : memref<4096xf32, #tpu.memory_space<vmem>>) target(%dma_start3A_579 : memref<65536xf32, #tpu.memory_space<vmem_shared>>) offsets(%arg17 : memref<4096xi32, #tpu.memory_space<vmem>>) semaphore(%arg25 : memref<!tpu.dma_semaphore, #tpu.memory_space<semaphore_mem>>) {add = true}
    %dma_wait3A_580 = arith.constant 0 : i32
    %dma_wait3A_581 = tpu.memref_slice %arg8[%dma_wait3A_580] : memref<65536xf32, #tpu.memory_space<vmem_shared>> -> memref<65536xf32, #tpu.memory_space<vmem_shared>>
    tpu.wait_indirect_dma semaphore(%arg24 : memref<!tpu.dma_semaphore, #tpu.memory_space<semaphore_mem>>) src(%arg19 : memref<4096xf32, #tpu.memory_space<vmem>>) dst(%dma_wait3A_581 : memref<65536xf32, #tpu.memory_space<vmem_shared>>)
    %add3A_582 = arith.constant 114688 : i32
    %add3A_583 = arith.addi %mul3A_4, %add3A_582 : i32
    %dma_start3A_584 = tpu.memref_slice %arg5[%add3A_583] : memref<4194304xi32, #tpu.memory_space<hbm>> -> memref<4096xi32, #tpu.memory_space<hbm>>
    %dma_start3A_585 = tpu.memref_slice %arg5[%add3A_583] : memref<4194304xi32, #tpu.memory_space<hbm>> -> memref<4096xi32, #tpu.memory_space<hbm>>
    tpu.enqueue_dma source(%dma_start3A_585 : memref<4096xi32, #tpu.memory_space<hbm>>) target(%arg11 : memref<4096xi32, #tpu.memory_space<vmem>>) target_semaphore(%arg21 : memref<!tpu.dma_semaphore, #tpu.memory_space<semaphore_mem>>)
    %dma_start3A_586 = tpu.memref_slice %arg3[%add3A_583] : memref<4194304xf32, #tpu.memory_space<hbm>> -> memref<4096xf32, #tpu.memory_space<hbm>>
    %dma_start3A_587 = tpu.memref_slice %arg3[%add3A_583] : memref<4194304xf32, #tpu.memory_space<hbm>> -> memref<4096xf32, #tpu.memory_space<hbm>>
    tpu.enqueue_dma source(%dma_start3A_587 : memref<4096xf32, #tpu.memory_space<hbm>>) target(%arg13 : memref<4096xf32, #tpu.memory_space<vmem>>) target_semaphore(%arg21 : memref<!tpu.dma_semaphore, #tpu.memory_space<semaphore_mem>>)
    %dma_start3A_588 = tpu.memref_slice %arg4[%add3A_583] : memref<4194304xi32, #tpu.memory_space<hbm>> -> memref<4096xi32, #tpu.memory_space<hbm>>
    %dma_start3A_589 = tpu.memref_slice %arg4[%add3A_583] : memref<4194304xi32, #tpu.memory_space<hbm>> -> memref<4096xi32, #tpu.memory_space<hbm>>
    tpu.enqueue_dma source(%dma_start3A_589 : memref<4096xi32, #tpu.memory_space<hbm>>) target(%arg16 : memref<4096xi32, #tpu.memory_space<vmem>>) target_semaphore(%arg21 : memref<!tpu.dma_semaphore, #tpu.memory_space<semaphore_mem>>)
    %dma_wait3A_590 = tpu.memref_slice %arg5[%add3A_562] : memref<4194304xi32, #tpu.memory_space<hbm>> -> memref<4096xi32, #tpu.memory_space<hbm>>
    %dma_wait3A_591 = tpu.memref_slice %arg5[%add3A_562] : memref<4194304xi32, #tpu.memory_space<hbm>> -> memref<4096xi32, #tpu.memory_space<hbm>>
    tpu.wait_dma2 semaphore(%arg22 : memref<!tpu.dma_semaphore, #tpu.memory_space<semaphore_mem>>) src(%dma_wait3A_591 : memref<4096xi32, #tpu.memory_space<hbm>>) dst(%arg12 : memref<4096xi32, #tpu.memory_space<vmem>>)
    %dma_wait3A_592 = tpu.memref_slice %arg3[%add3A_562] : memref<4194304xf32, #tpu.memory_space<hbm>> -> memref<4096xf32, #tpu.memory_space<hbm>>
    %dma_wait3A_593 = tpu.memref_slice %arg3[%add3A_562] : memref<4194304xf32, #tpu.memory_space<hbm>> -> memref<4096xf32, #tpu.memory_space<hbm>>
    tpu.wait_dma2 semaphore(%arg22 : memref<!tpu.dma_semaphore, #tpu.memory_space<semaphore_mem>>) src(%dma_wait3A_593 : memref<4096xf32, #tpu.memory_space<hbm>>) dst(%arg14 : memref<4096xf32, #tpu.memory_space<vmem>>)
    %dma_wait3A_594 = tpu.memref_slice %arg4[%add3A_562] : memref<4194304xi32, #tpu.memory_space<hbm>> -> memref<4096xi32, #tpu.memory_space<hbm>>
    %dma_wait3A_595 = tpu.memref_slice %arg4[%add3A_562] : memref<4194304xi32, #tpu.memory_space<hbm>> -> memref<4096xi32, #tpu.memory_space<hbm>>
    tpu.wait_dma2 semaphore(%arg22 : memref<!tpu.dma_semaphore, #tpu.memory_space<semaphore_mem>>) src(%dma_wait3A_595 : memref<4096xi32, #tpu.memory_space<hbm>>) dst(%arg15 : memref<4096xi32, #tpu.memory_space<vmem>>)
    %parallel_loop3A_596 = arith.constant 0 : i32
    %parallel_loop3A_597 = arith.constant 256 : i32
    %parallel_loop3A_598 = arith.constant 1 : i32
    scf.for %parallel_loop3A_682 = %parallel_loop3A_596 to %parallel_loop3A_597 step %parallel_loop3A_598  : i32 {
      %parallel_loop3A_683 = arith.constant 16 : i32
      %parallel_loop3A_684 = arith.muli %parallel_loop3A_682, %parallel_loop3A_683 : i32
      %parallel_loop3A_685 = arith.index_cast %parallel_loop3A_684 : i32 to index
      %parallel_loop3A_686 = tpu.vector_load %arg12[%parallel_loop3A_685] {strides = array<i32>} : memref<4096xi32, #tpu.memory_space<vmem>>, vector<16xi32>,
      %parallel_loop3A_687 = tpu.vector_load_idx %arg9[%parallel_loop3A_686] : memref<65536xf32, #tpu.memory_space<vmem>>[vector<16xi32>], vector<16xf32>,
      %parallel_loop3A_688 = arith.index_cast %parallel_loop3A_684 : i32 to index
      %parallel_loop3A_689 = tpu.vector_load %arg14[%parallel_loop3A_688] {strides = array<i32>} : memref<4096xf32, #tpu.memory_space<vmem>>, vector<16xf32>,
      %parallel_loop3A_690 = arith.mulf %parallel_loop3A_687, %parallel_loop3A_689 : vector<16xf32>
      %parallel_loop3A_691 = arith.index_cast %parallel_loop3A_684 : i32 to index
      %parallel_loop3A_692 = tpu.vector_load %arg18[%parallel_loop3A_691] {strides = array<i32>} : memref<4096xf32, #tpu.memory_space<vmem>>, vector<16xf32>,
      tpu.vector_store %arg18[%parallel_loop3A_691], %parallel_loop3A_690 {strides = array<i32>} : memref<4096xf32, #tpu.memory_space<vmem>>, vector<16xf32>,
    } {sc.loop_unroll_factor = 8 : i64, sc.parallel_access}
    %dma_start3A_599 = arith.constant 0 : i32
    %dma_start3A_600 = tpu.memref_slice %arg8[%dma_start3A_599] : memref<65536xf32, #tpu.memory_space<vmem_shared>> -> memref<65536xf32, #tpu.memory_space<vmem_shared>>
    tpu.enqueue_indirect_dma source(%arg18 : memref<4096xf32, #tpu.memory_space<vmem>>) target(%dma_start3A_600 : memref<65536xf32, #tpu.memory_space<vmem_shared>>) offsets(%arg15 : memref<4096xi32, #tpu.memory_space<vmem>>) semaphore(%arg23 : memref<!tpu.dma_semaphore, #tpu.memory_space<semaphore_mem>>) {add = true}
    %dma_wait3A_601 = arith.constant 0 : i32
    %dma_wait3A_602 = tpu.memref_slice %arg8[%dma_wait3A_601] : memref<65536xf32, #tpu.memory_space<vmem_shared>> -> memref<65536xf32, #tpu.memory_space<vmem_shared>>
    tpu.wait_indirect_dma semaphore(%arg25 : memref<!tpu.dma_semaphore, #tpu.memory_space<semaphore_mem>>) src(%arg20 : memref<4096xf32, #tpu.memory_space<vmem>>) dst(%dma_wait3A_602 : memref<65536xf32, #tpu.memory_space<vmem_shared>>)
    %add3A_603 = arith.constant 118784 : i32
    %add3A_604 = arith.addi %mul3A_4, %add3A_603 : i32
    %dma_start3A_605 = tpu.memref_slice %arg5[%add3A_604] : memref<4194304xi32, #tpu.memory_space<hbm>> -> memref<4096xi32, #tpu.memory_space<hbm>>
    %dma_start3A_606 = tpu.memref_slice %arg5[%add3A_604] : memref<4194304xi32, #tpu.memory_space<hbm>> -> memref<4096xi32, #tpu.memory_space<hbm>>
    tpu.enqueue_dma source(%dma_start3A_606 : memref<4096xi32, #tpu.memory_space<hbm>>) target(%arg12 : memref<4096xi32, #tpu.memory_space<vmem>>) target_semaphore(%arg22 : memref<!tpu.dma_semaphore, #tpu.memory_space<semaphore_mem>>)
    %dma_start3A_607 = tpu.memref_slice %arg3[%add3A_604] : memref<4194304xf32, #tpu.memory_space<hbm>> -> memref<4096xf32, #tpu.memory_space<hbm>>
    %dma_start3A_608 = tpu.memref_slice %arg3[%add3A_604] : memref<4194304xf32, #tpu.memory_space<hbm>> -> memref<4096xf32, #tpu.memory_space<hbm>>
    tpu.enqueue_dma source(%dma_start3A_608 : memref<4096xf32, #tpu.memory_space<hbm>>) target(%arg14 : memref<4096xf32, #tpu.memory_space<vmem>>) target_semaphore(%arg22 : memref<!tpu.dma_semaphore, #tpu.memory_space<semaphore_mem>>)
    %dma_start3A_609 = tpu.memref_slice %arg4[%add3A_604] : memref<4194304xi32, #tpu.memory_space<hbm>> -> memref<4096xi32, #tpu.memory_space<hbm>>
    %dma_start3A_610 = tpu.memref_slice %arg4[%add3A_604] : memref<4194304xi32, #tpu.memory_space<hbm>> -> memref<4096xi32, #tpu.memory_space<hbm>>
    tpu.enqueue_dma source(%dma_start3A_610 : memref<4096xi32, #tpu.memory_space<hbm>>) target(%arg17 : memref<4096xi32, #tpu.memory_space<vmem>>) target_semaphore(%arg22 : memref<!tpu.dma_semaphore, #tpu.memory_space<semaphore_mem>>)
    %dma_wait3A_611 = tpu.memref_slice %arg5[%add3A_583] : memref<4194304xi32, #tpu.memory_space<hbm>> -> memref<4096xi32, #tpu.memory_space<hbm>>
    %dma_wait3A_612 = tpu.memref_slice %arg5[%add3A_583] : memref<4194304xi32, #tpu.memory_space<hbm>> -> memref<4096xi32, #tpu.memory_space<hbm>>
    tpu.wait_dma2 semaphore(%arg21 : memref<!tpu.dma_semaphore, #tpu.memory_space<semaphore_mem>>) src(%dma_wait3A_612 : memref<4096xi32, #tpu.memory_space<hbm>>) dst(%arg11 : memref<4096xi32, #tpu.memory_space<vmem>>)
    %dma_wait3A_613 = tpu.memref_slice %arg3[%add3A_583] : memref<4194304xf32, #tpu.memory_space<hbm>> -> memref<4096xf32, #tpu.memory_space<hbm>>
    %dma_wait3A_614 = tpu.memref_slice %arg3[%add3A_583] : memref<4194304xf32, #tpu.memory_space<hbm>> -> memref<4096xf32, #tpu.memory_space<hbm>>
    tpu.wait_dma2 semaphore(%arg21 : memref<!tpu.dma_semaphore, #tpu.memory_space<semaphore_mem>>) src(%dma_wait3A_614 : memref<4096xf32, #tpu.memory_space<hbm>>) dst(%arg13 : memref<4096xf32, #tpu.memory_space<vmem>>)
    %dma_wait3A_615 = tpu.memref_slice %arg4[%add3A_583] : memref<4194304xi32, #tpu.memory_space<hbm>> -> memref<4096xi32, #tpu.memory_space<hbm>>
    %dma_wait3A_616 = tpu.memref_slice %arg4[%add3A_583] : memref<4194304xi32, #tpu.memory_space<hbm>> -> memref<4096xi32, #tpu.memory_space<hbm>>
    tpu.wait_dma2 semaphore(%arg21 : memref<!tpu.dma_semaphore, #tpu.memory_space<semaphore_mem>>) src(%dma_wait3A_616 : memref<4096xi32, #tpu.memory_space<hbm>>) dst(%arg16 : memref<4096xi32, #tpu.memory_space<vmem>>)
    %parallel_loop3A_617 = arith.constant 0 : i32
    %parallel_loop3A_618 = arith.constant 256 : i32
    %parallel_loop3A_619 = arith.constant 1 : i32
    scf.for %parallel_loop3A_682 = %parallel_loop3A_617 to %parallel_loop3A_618 step %parallel_loop3A_619  : i32 {
      %parallel_loop3A_683 = arith.constant 16 : i32
      %parallel_loop3A_684 = arith.muli %parallel_loop3A_682, %parallel_loop3A_683 : i32
      %parallel_loop3A_685 = arith.index_cast %parallel_loop3A_684 : i32 to index
      %parallel_loop3A_686 = tpu.vector_load %arg11[%parallel_loop3A_685] {strides = array<i32>} : memref<4096xi32, #tpu.memory_space<vmem>>, vector<16xi32>,
      %parallel_loop3A_687 = tpu.vector_load_idx %arg9[%parallel_loop3A_686] : memref<65536xf32, #tpu.memory_space<vmem>>[vector<16xi32>], vector<16xf32>,
      %parallel_loop3A_688 = arith.index_cast %parallel_loop3A_684 : i32 to index
      %parallel_loop3A_689 = tpu.vector_load %arg13[%parallel_loop3A_688] {strides = array<i32>} : memref<4096xf32, #tpu.memory_space<vmem>>, vector<16xf32>,
      %parallel_loop3A_690 = arith.mulf %parallel_loop3A_687, %parallel_loop3A_689 : vector<16xf32>
      %parallel_loop3A_691 = arith.index_cast %parallel_loop3A_684 : i32 to index
      %parallel_loop3A_692 = tpu.vector_load %arg19[%parallel_loop3A_691] {strides = array<i32>} : memref<4096xf32, #tpu.memory_space<vmem>>, vector<16xf32>,
      tpu.vector_store %arg19[%parallel_loop3A_691], %parallel_loop3A_690 {strides = array<i32>} : memref<4096xf32, #tpu.memory_space<vmem>>, vector<16xf32>,
    } {sc.loop_unroll_factor = 8 : i64, sc.parallel_access}
    %dma_start3A_620 = arith.constant 0 : i32
    %dma_start3A_621 = tpu.memref_slice %arg8[%dma_start3A_620] : memref<65536xf32, #tpu.memory_space<vmem_shared>> -> memref<65536xf32, #tpu.memory_space<vmem_shared>>
    tpu.enqueue_indirect_dma source(%arg19 : memref<4096xf32, #tpu.memory_space<vmem>>) target(%dma_start3A_621 : memref<65536xf32, #tpu.memory_space<vmem_shared>>) offsets(%arg16 : memref<4096xi32, #tpu.memory_space<vmem>>) semaphore(%arg24 : memref<!tpu.dma_semaphore, #tpu.memory_space<semaphore_mem>>) {add = true}
    %dma_wait3A_622 = arith.constant 0 : i32
    %dma_wait3A_623 = tpu.memref_slice %arg8[%dma_wait3A_622] : memref<65536xf32, #tpu.memory_space<vmem_shared>> -> memref<65536xf32, #tpu.memory_space<vmem_shared>>
    tpu.wait_indirect_dma semaphore(%arg23 : memref<!tpu.dma_semaphore, #tpu.memory_space<semaphore_mem>>) src(%arg18 : memref<4096xf32, #tpu.memory_space<vmem>>) dst(%dma_wait3A_623 : memref<65536xf32, #tpu.memory_space<vmem_shared>>)
    %add3A_624 = arith.constant 122880 : i32
    %add3A_625 = arith.addi %mul3A_4, %add3A_624 : i32
    %dma_start3A_626 = tpu.memref_slice %arg5[%add3A_625] : memref<4194304xi32, #tpu.memory_space<hbm>> -> memref<4096xi32, #tpu.memory_space<hbm>>
    %dma_start3A_627 = tpu.memref_slice %arg5[%add3A_625] : memref<4194304xi32, #tpu.memory_space<hbm>> -> memref<4096xi32, #tpu.memory_space<hbm>>
    tpu.enqueue_dma source(%dma_start3A_627 : memref<4096xi32, #tpu.memory_space<hbm>>) target(%arg11 : memref<4096xi32, #tpu.memory_space<vmem>>) target_semaphore(%arg21 : memref<!tpu.dma_semaphore, #tpu.memory_space<semaphore_mem>>)
    %dma_start3A_628 = tpu.memref_slice %arg3[%add3A_625] : memref<4194304xf32, #tpu.memory_space<hbm>> -> memref<4096xf32, #tpu.memory_space<hbm>>
    %dma_start3A_629 = tpu.memref_slice %arg3[%add3A_625] : memref<4194304xf32, #tpu.memory_space<hbm>> -> memref<4096xf32, #tpu.memory_space<hbm>>
    tpu.enqueue_dma source(%dma_start3A_629 : memref<4096xf32, #tpu.memory_space<hbm>>) target(%arg13 : memref<4096xf32, #tpu.memory_space<vmem>>) target_semaphore(%arg21 : memref<!tpu.dma_semaphore, #tpu.memory_space<semaphore_mem>>)
    %dma_start3A_630 = tpu.memref_slice %arg4[%add3A_625] : memref<4194304xi32, #tpu.memory_space<hbm>> -> memref<4096xi32, #tpu.memory_space<hbm>>
    %dma_start3A_631 = tpu.memref_slice %arg4[%add3A_625] : memref<4194304xi32, #tpu.memory_space<hbm>> -> memref<4096xi32, #tpu.memory_space<hbm>>
    tpu.enqueue_dma source(%dma_start3A_631 : memref<4096xi32, #tpu.memory_space<hbm>>) target(%arg15 : memref<4096xi32, #tpu.memory_space<vmem>>) target_semaphore(%arg21 : memref<!tpu.dma_semaphore, #tpu.memory_space<semaphore_mem>>)
    %dma_wait3A_632 = tpu.memref_slice %arg5[%add3A_604] : memref<4194304xi32, #tpu.memory_space<hbm>> -> memref<4096xi32, #tpu.memory_space<hbm>>
    %dma_wait3A_633 = tpu.memref_slice %arg5[%add3A_604] : memref<4194304xi32, #tpu.memory_space<hbm>> -> memref<4096xi32, #tpu.memory_space<hbm>>
    tpu.wait_dma2 semaphore(%arg22 : memref<!tpu.dma_semaphore, #tpu.memory_space<semaphore_mem>>) src(%dma_wait3A_633 : memref<4096xi32, #tpu.memory_space<hbm>>) dst(%arg12 : memref<4096xi32, #tpu.memory_space<vmem>>)
    %dma_wait3A_634 = tpu.memref_slice %arg3[%add3A_604] : memref<4194304xf32, #tpu.memory_space<hbm>> -> memref<4096xf32, #tpu.memory_space<hbm>>
    %dma_wait3A_635 = tpu.memref_slice %arg3[%add3A_604] : memref<4194304xf32, #tpu.memory_space<hbm>> -> memref<4096xf32, #tpu.memory_space<hbm>>
    tpu.wait_dma2 semaphore(%arg22 : memref<!tpu.dma_semaphore, #tpu.memory_space<semaphore_mem>>) src(%dma_wait3A_635 : memref<4096xf32, #tpu.memory_space<hbm>>) dst(%arg14 : memref<4096xf32, #tpu.memory_space<vmem>>)
    %dma_wait3A_636 = tpu.memref_slice %arg4[%add3A_604] : memref<4194304xi32, #tpu.memory_space<hbm>> -> memref<4096xi32, #tpu.memory_space<hbm>>
    %dma_wait3A_637 = tpu.memref_slice %arg4[%add3A_604] : memref<4194304xi32, #tpu.memory_space<hbm>> -> memref<4096xi32, #tpu.memory_space<hbm>>
    tpu.wait_dma2 semaphore(%arg22 : memref<!tpu.dma_semaphore, #tpu.memory_space<semaphore_mem>>) src(%dma_wait3A_637 : memref<4096xi32, #tpu.memory_space<hbm>>) dst(%arg17 : memref<4096xi32, #tpu.memory_space<vmem>>)
    %parallel_loop3A_638 = arith.constant 0 : i32
    %parallel_loop3A_639 = arith.constant 256 : i32
    %parallel_loop3A_640 = arith.constant 1 : i32
    scf.for %parallel_loop3A_682 = %parallel_loop3A_638 to %parallel_loop3A_639 step %parallel_loop3A_640  : i32 {
      %parallel_loop3A_683 = arith.constant 16 : i32
      %parallel_loop3A_684 = arith.muli %parallel_loop3A_682, %parallel_loop3A_683 : i32
      %parallel_loop3A_685 = arith.index_cast %parallel_loop3A_684 : i32 to index
      %parallel_loop3A_686 = tpu.vector_load %arg12[%parallel_loop3A_685] {strides = array<i32>} : memref<4096xi32, #tpu.memory_space<vmem>>, vector<16xi32>,
      %parallel_loop3A_687 = tpu.vector_load_idx %arg9[%parallel_loop3A_686] : memref<65536xf32, #tpu.memory_space<vmem>>[vector<16xi32>], vector<16xf32>,
      %parallel_loop3A_688 = arith.index_cast %parallel_loop3A_684 : i32 to index
      %parallel_loop3A_689 = tpu.vector_load %arg14[%parallel_loop3A_688] {strides = array<i32>} : memref<4096xf32, #tpu.memory_space<vmem>>, vector<16xf32>,
      %parallel_loop3A_690 = arith.mulf %parallel_loop3A_687, %parallel_loop3A_689 : vector<16xf32>
      %parallel_loop3A_691 = arith.index_cast %parallel_loop3A_684 : i32 to index
      %parallel_loop3A_692 = tpu.vector_load %arg20[%parallel_loop3A_691] {strides = array<i32>} : memref<4096xf32, #tpu.memory_space<vmem>>, vector<16xf32>,
      tpu.vector_store %arg20[%parallel_loop3A_691], %parallel_loop3A_690 {strides = array<i32>} : memref<4096xf32, #tpu.memory_space<vmem>>, vector<16xf32>,
    } {sc.loop_unroll_factor = 8 : i64, sc.parallel_access}
    %dma_start3A_641 = arith.constant 0 : i32
    %dma_start3A_642 = tpu.memref_slice %arg8[%dma_start3A_641] : memref<65536xf32, #tpu.memory_space<vmem_shared>> -> memref<65536xf32, #tpu.memory_space<vmem_shared>>
    tpu.enqueue_indirect_dma source(%arg20 : memref<4096xf32, #tpu.memory_space<vmem>>) target(%dma_start3A_642 : memref<65536xf32, #tpu.memory_space<vmem_shared>>) offsets(%arg17 : memref<4096xi32, #tpu.memory_space<vmem>>) semaphore(%arg25 : memref<!tpu.dma_semaphore, #tpu.memory_space<semaphore_mem>>) {add = true}
    %dma_wait3A_643 = arith.constant 0 : i32
    %dma_wait3A_644 = tpu.memref_slice %arg8[%dma_wait3A_643] : memref<65536xf32, #tpu.memory_space<vmem_shared>> -> memref<65536xf32, #tpu.memory_space<vmem_shared>>
    tpu.wait_indirect_dma semaphore(%arg24 : memref<!tpu.dma_semaphore, #tpu.memory_space<semaphore_mem>>) src(%arg19 : memref<4096xf32, #tpu.memory_space<vmem>>) dst(%dma_wait3A_644 : memref<65536xf32, #tpu.memory_space<vmem_shared>>)
    %add3A_645 = arith.constant 126976 : i32
    %add3A_646 = arith.addi %mul3A_4, %add3A_645 : i32
    %dma_start3A_647 = tpu.memref_slice %arg5[%add3A_646] : memref<4194304xi32, #tpu.memory_space<hbm>> -> memref<4096xi32, #tpu.memory_space<hbm>>
    %dma_start3A_648 = tpu.memref_slice %arg5[%add3A_646] : memref<4194304xi32, #tpu.memory_space<hbm>> -> memref<4096xi32, #tpu.memory_space<hbm>>
    tpu.enqueue_dma source(%dma_start3A_648 : memref<4096xi32, #tpu.memory_space<hbm>>) target(%arg12 : memref<4096xi32, #tpu.memory_space<vmem>>) target_semaphore(%arg22 : memref<!tpu.dma_semaphore, #tpu.memory_space<semaphore_mem>>)
    %dma_start3A_649 = tpu.memref_slice %arg3[%add3A_646] : memref<4194304xf32, #tpu.memory_space<hbm>> -> memref<4096xf32, #tpu.memory_space<hbm>>
    %dma_start3A_650 = tpu.memref_slice %arg3[%add3A_646] : memref<4194304xf32, #tpu.memory_space<hbm>> -> memref<4096xf32, #tpu.memory_space<hbm>>
    tpu.enqueue_dma source(%dma_start3A_650 : memref<4096xf32, #tpu.memory_space<hbm>>) target(%arg14 : memref<4096xf32, #tpu.memory_space<vmem>>) target_semaphore(%arg22 : memref<!tpu.dma_semaphore, #tpu.memory_space<semaphore_mem>>)
    %dma_start3A_651 = tpu.memref_slice %arg4[%add3A_646] : memref<4194304xi32, #tpu.memory_space<hbm>> -> memref<4096xi32, #tpu.memory_space<hbm>>
    %dma_start3A_652 = tpu.memref_slice %arg4[%add3A_646] : memref<4194304xi32, #tpu.memory_space<hbm>> -> memref<4096xi32, #tpu.memory_space<hbm>>
    tpu.enqueue_dma source(%dma_start3A_652 : memref<4096xi32, #tpu.memory_space<hbm>>) target(%arg16 : memref<4096xi32, #tpu.memory_space<vmem>>) target_semaphore(%arg22 : memref<!tpu.dma_semaphore, #tpu.memory_space<semaphore_mem>>)
    %dma_wait3A_653 = tpu.memref_slice %arg5[%add3A_625] : memref<4194304xi32, #tpu.memory_space<hbm>> -> memref<4096xi32, #tpu.memory_space<hbm>>
    %dma_wait3A_654 = tpu.memref_slice %arg5[%add3A_625] : memref<4194304xi32, #tpu.memory_space<hbm>> -> memref<4096xi32, #tpu.memory_space<hbm>>
    tpu.wait_dma2 semaphore(%arg21 : memref<!tpu.dma_semaphore, #tpu.memory_space<semaphore_mem>>) src(%dma_wait3A_654 : memref<4096xi32, #tpu.memory_space<hbm>>) dst(%arg11 : memref<4096xi32, #tpu.memory_space<vmem>>)
    %dma_wait3A_655 = tpu.memref_slice %arg3[%add3A_625] : memref<4194304xf32, #tpu.memory_space<hbm>> -> memref<4096xf32, #tpu.memory_space<hbm>>
    %dma_wait3A_656 = tpu.memref_slice %arg3[%add3A_625] : memref<4194304xf32, #tpu.memory_space<hbm>> -> memref<4096xf32, #tpu.memory_space<hbm>>
    tpu.wait_dma2 semaphore(%arg21 : memref<!tpu.dma_semaphore, #tpu.memory_space<semaphore_mem>>) src(%dma_wait3A_656 : memref<4096xf32, #tpu.memory_space<hbm>>) dst(%arg13 : memref<4096xf32, #tpu.memory_space<vmem>>)
    %dma_wait3A_657 = tpu.memref_slice %arg4[%add3A_625] : memref<4194304xi32, #tpu.memory_space<hbm>> -> memref<4096xi32, #tpu.memory_space<hbm>>
    %dma_wait3A_658 = tpu.memref_slice %arg4[%add3A_625] : memref<4194304xi32, #tpu.memory_space<hbm>> -> memref<4096xi32, #tpu.memory_space<hbm>>
    tpu.wait_dma2 semaphore(%arg21 : memref<!tpu.dma_semaphore, #tpu.memory_space<semaphore_mem>>) src(%dma_wait3A_658 : memref<4096xi32, #tpu.memory_space<hbm>>) dst(%arg15 : memref<4096xi32, #tpu.memory_space<vmem>>)
    %parallel_loop3A_659 = arith.constant 0 : i32
    %parallel_loop3A_660 = arith.constant 256 : i32
    %parallel_loop3A_661 = arith.constant 1 : i32
    scf.for %parallel_loop3A_682 = %parallel_loop3A_659 to %parallel_loop3A_660 step %parallel_loop3A_661  : i32 {
      %parallel_loop3A_683 = arith.constant 16 : i32
      %parallel_loop3A_684 = arith.muli %parallel_loop3A_682, %parallel_loop3A_683 : i32
      %parallel_loop3A_685 = arith.index_cast %parallel_loop3A_684 : i32 to index
      %parallel_loop3A_686 = tpu.vector_load %arg11[%parallel_loop3A_685] {strides = array<i32>} : memref<4096xi32, #tpu.memory_space<vmem>>, vector<16xi32>,
      %parallel_loop3A_687 = tpu.vector_load_idx %arg9[%parallel_loop3A_686] : memref<65536xf32, #tpu.memory_space<vmem>>[vector<16xi32>], vector<16xf32>,
      %parallel_loop3A_688 = arith.index_cast %parallel_loop3A_684 : i32 to index
      %parallel_loop3A_689 = tpu.vector_load %arg13[%parallel_loop3A_688] {strides = array<i32>} : memref<4096xf32, #tpu.memory_space<vmem>>, vector<16xf32>,
      %parallel_loop3A_690 = arith.mulf %parallel_loop3A_687, %parallel_loop3A_689 : vector<16xf32>
      %parallel_loop3A_691 = arith.index_cast %parallel_loop3A_684 : i32 to index
      %parallel_loop3A_692 = tpu.vector_load %arg18[%parallel_loop3A_691] {strides = array<i32>} : memref<4096xf32, #tpu.memory_space<vmem>>, vector<16xf32>,
      tpu.vector_store %arg18[%parallel_loop3A_691], %parallel_loop3A_690 {strides = array<i32>} : memref<4096xf32, #tpu.memory_space<vmem>>, vector<16xf32>,
    } {sc.loop_unroll_factor = 8 : i64, sc.parallel_access}
    %dma_start3A_662 = arith.constant 0 : i32
    %dma_start3A_663 = tpu.memref_slice %arg8[%dma_start3A_662] : memref<65536xf32, #tpu.memory_space<vmem_shared>> -> memref<65536xf32, #tpu.memory_space<vmem_shared>>
    tpu.enqueue_indirect_dma source(%arg18 : memref<4096xf32, #tpu.memory_space<vmem>>) target(%dma_start3A_663 : memref<65536xf32, #tpu.memory_space<vmem_shared>>) offsets(%arg15 : memref<4096xi32, #tpu.memory_space<vmem>>) semaphore(%arg23 : memref<!tpu.dma_semaphore, #tpu.memory_space<semaphore_mem>>) {add = true}
    %dma_wait3A_664 = tpu.memref_slice %arg5[%add3A_646] : memref<4194304xi32, #tpu.memory_space<hbm>> -> memref<4096xi32, #tpu.memory_space<hbm>>
    %dma_wait3A_665 = tpu.memref_slice %arg5[%add3A_646] : memref<4194304xi32, #tpu.memory_space<hbm>> -> memref<4096xi32, #tpu.memory_space<hbm>>
    tpu.wait_dma2 semaphore(%arg22 : memref<!tpu.dma_semaphore, #tpu.memory_space<semaphore_mem>>) src(%dma_wait3A_665 : memref<4096xi32, #tpu.memory_space<hbm>>) dst(%arg12 : memref<4096xi32, #tpu.memory_space<vmem>>)
    %dma_wait3A_666 = tpu.memref_slice %arg3[%add3A_646] : memref<4194304xf32, #tpu.memory_space<hbm>> -> memref<4096xf32, #tpu.memory_space<hbm>>
    %dma_wait3A_667 = tpu.memref_slice %arg3[%add3A_646] : memref<4194304xf32, #tpu.memory_space<hbm>> -> memref<4096xf32, #tpu.memory_space<hbm>>
    tpu.wait_dma2 semaphore(%arg22 : memref<!tpu.dma_semaphore, #tpu.memory_space<semaphore_mem>>) src(%dma_wait3A_667 : memref<4096xf32, #tpu.memory_space<hbm>>) dst(%arg14 : memref<4096xf32, #tpu.memory_space<vmem>>)
    %dma_wait3A_668 = tpu.memref_slice %arg4[%add3A_646] : memref<4194304xi32, #tpu.memory_space<hbm>> -> memref<4096xi32, #tpu.memory_space<hbm>>
    %dma_wait3A_669 = tpu.memref_slice %arg4[%add3A_646] : memref<4194304xi32, #tpu.memory_space<hbm>> -> memref<4096xi32, #tpu.memory_space<hbm>>
    tpu.wait_dma2 semaphore(%arg22 : memref<!tpu.dma_semaphore, #tpu.memory_space<semaphore_mem>>) src(%dma_wait3A_669 : memref<4096xi32, #tpu.memory_space<hbm>>) dst(%arg16 : memref<4096xi32, #tpu.memory_space<vmem>>)
    %parallel_loop3A_670 = arith.constant 0 : i32
    %parallel_loop3A_671 = arith.constant 256 : i32
    %parallel_loop3A_672 = arith.constant 1 : i32
    scf.for %parallel_loop3A_682 = %parallel_loop3A_670 to %parallel_loop3A_671 step %parallel_loop3A_672  : i32 {
      %parallel_loop3A_683 = arith.constant 16 : i32
      %parallel_loop3A_684 = arith.muli %parallel_loop3A_682, %parallel_loop3A_683 : i32
      %parallel_loop3A_685 = arith.index_cast %parallel_loop3A_684 : i32 to index
      %parallel_loop3A_686 = tpu.vector_load %arg12[%parallel_loop3A_685] {strides = array<i32>} : memref<4096xi32, #tpu.memory_space<vmem>>, vector<16xi32>,
      %parallel_loop3A_687 = tpu.vector_load_idx %arg9[%parallel_loop3A_686] : memref<65536xf32, #tpu.memory_space<vmem>>[vector<16xi32>], vector<16xf32>,
      %parallel_loop3A_688 = arith.index_cast %parallel_loop3A_684 : i32 to index
      %parallel_loop3A_689 = tpu.vector_load %arg14[%parallel_loop3A_688] {strides = array<i32>} : memref<4096xf32, #tpu.memory_space<vmem>>, vector<16xf32>,
      %parallel_loop3A_690 = arith.mulf %parallel_loop3A_687, %parallel_loop3A_689 : vector<16xf32>
      %parallel_loop3A_691 = arith.index_cast %parallel_loop3A_684 : i32 to index
      %parallel_loop3A_692 = tpu.vector_load %arg19[%parallel_loop3A_691] {strides = array<i32>} : memref<4096xf32, #tpu.memory_space<vmem>>, vector<16xf32>,
      tpu.vector_store %arg19[%parallel_loop3A_691], %parallel_loop3A_690 {strides = array<i32>} : memref<4096xf32, #tpu.memory_space<vmem>>, vector<16xf32>,
    } {sc.loop_unroll_factor = 8 : i64, sc.parallel_access}
    %dma_start3A_673 = arith.constant 0 : i32
    %dma_start3A_674 = tpu.memref_slice %arg8[%dma_start3A_673] : memref<65536xf32, #tpu.memory_space<vmem_shared>> -> memref<65536xf32, #tpu.memory_space<vmem_shared>>
    tpu.enqueue_indirect_dma source(%arg19 : memref<4096xf32, #tpu.memory_space<vmem>>) target(%dma_start3A_674 : memref<65536xf32, #tpu.memory_space<vmem_shared>>) offsets(%arg16 : memref<4096xi32, #tpu.memory_space<vmem>>) semaphore(%arg24 : memref<!tpu.dma_semaphore, #tpu.memory_space<semaphore_mem>>) {add = true}
    %dma_wait3A_675 = arith.constant 0 : i32
    %dma_wait3A_676 = tpu.memref_slice %arg8[%dma_wait3A_675] : memref<65536xf32, #tpu.memory_space<vmem_shared>> -> memref<65536xf32, #tpu.memory_space<vmem_shared>>
    tpu.wait_indirect_dma semaphore(%arg25 : memref<!tpu.dma_semaphore, #tpu.memory_space<semaphore_mem>>) src(%arg20 : memref<4096xf32, #tpu.memory_space<vmem>>) dst(%dma_wait3A_676 : memref<65536xf32, #tpu.memory_space<vmem_shared>>)
    %dma_wait3A_677 = arith.constant 0 : i32
    %dma_wait3A_678 = tpu.memref_slice %arg8[%dma_wait3A_677] : memref<65536xf32, #tpu.memory_space<vmem_shared>> -> memref<65536xf32, #tpu.memory_space<vmem_shared>>
    tpu.wait_indirect_dma semaphore(%arg23 : memref<!tpu.dma_semaphore, #tpu.memory_space<semaphore_mem>>) src(%arg18 : memref<4096xf32, #tpu.memory_space<vmem>>) dst(%dma_wait3A_678 : memref<65536xf32, #tpu.memory_space<vmem_shared>>)
    %dma_wait3A_679 = arith.constant 0 : i32
    %dma_wait3A_680 = tpu.memref_slice %arg8[%dma_wait3A_679] : memref<65536xf32, #tpu.memory_space<vmem_shared>> -> memref<65536xf32, #tpu.memory_space<vmem_shared>>
    tpu.wait_indirect_dma semaphore(%arg24 : memref<!tpu.dma_semaphore, #tpu.memory_space<semaphore_mem>>) src(%arg19 : memref<4096xf32, #tpu.memory_space<vmem>>) dst(%dma_wait3A_680 : memref<65536xf32, #tpu.memory_space<vmem_shared>>)
    %barrier3A_681 = arith.constant 0 : index
    tpu.barrier barrier_id(%barrier3A_681)
    "tpu.region"() ({
      %run_scoped3A = tpu.sem_alloc : memref<!tpu.dma_semaphore, #tpu.memory_space<semaphore_mem>>
      %dma_start3A_682 = tpu.memref_slice %arg6[%arg0, %mul3A_0] : memref<2x65536xf32, #tpu.memory_space<hbm>> -> memref<1x4096xf32, #tpu.memory_space<hbm>>
      %dma_start3A_683 = tpu.memref_squeeze %dma_start3A_682 : memref<1x4096xf32, #tpu.memory_space<hbm>> -> memref<4096xf32, #tpu.memory_space<hbm>>
      %dma_start3A_684 = tpu.memref_slice %arg8[%mul3A_0] : memref<65536xf32, #tpu.memory_space<vmem_shared>> -> memref<4096xf32, #tpu.memory_space<vmem_shared>>
      tpu.enqueue_dma source(%dma_start3A_684 : memref<4096xf32, #tpu.memory_space<vmem_shared>>) target(%dma_start3A_683 : memref<4096xf32, #tpu.memory_space<hbm>>) target_semaphore(%run_scoped3A : memref<!tpu.dma_semaphore, #tpu.memory_space<semaphore_mem>>)
      %dma_wait3A_685 = tpu.memref_slice %arg6[%arg0, %mul3A_0] : memref<2x65536xf32, #tpu.memory_space<hbm>> -> memref<1x4096xf32, #tpu.memory_space<hbm>>
      %dma_wait3A_686 = tpu.memref_squeeze %dma_wait3A_685 : memref<1x4096xf32, #tpu.memory_space<hbm>> -> memref<4096xf32, #tpu.memory_space<hbm>>
      %dma_wait3A_687 = tpu.memref_slice %arg8[%mul3A_0] : memref<65536xf32, #tpu.memory_space<vmem_shared>> -> memref<4096xf32, #tpu.memory_space<vmem_shared>>
      tpu.wait_dma2 semaphore(%run_scoped3A : memref<!tpu.dma_semaphore, #tpu.memory_space<semaphore_mem>>) src(%dma_wait3A_687 : memref<4096xf32, #tpu.memory_space<vmem_shared>>) dst(%dma_wait3A_686 : memref<4096xf32, #tpu.memory_space<hbm>>)
      tpu.yield
    }) : () -> ()
    return
  }
}

module attributes {stable_mosaic.version = 14 : i64} {
  func.func @_post_body(%arg0: memref<2x512x128xf32, #tpu.memory_space<vmem>>, %arg1: memref<512x128xf32, #tpu.memory_space<vmem>>, %arg2: memref<512x128xi32, #tpu.memory_space<vmem>>, %arg3: memref<1x1xf32, #tpu.memory_space<smem>>) attributes {dimension_semantics = [], scalar_prefetch = 0 : i64, scratch_operands = 0 : i64, tpu.core_type = #tpu.core_type<tc>} {
    %get3A = arith.constant 0 : index
    %get3A_0 = arith.constant 0 : index
    %get3A_1 = arith.constant 0 : index
    %get3A_2 = vector.load %arg0[%get3A, %get3A_0, %get3A_1] : memref<2x512x128xf32, #tpu.memory_space<vmem>>, vector<1x512x128xf32>
    %get3A_3 = vector.shape_cast %get3A_2 : vector<1x512x128xf32> to vector<512x128xf32>
    %get3A_4 = arith.constant 1 : index
    %get3A_5 = arith.constant 0 : index
    %get3A_6 = arith.constant 0 : index
    %get3A_7 = vector.load %arg0[%get3A_4, %get3A_5, %get3A_6] : memref<2x512x128xf32, #tpu.memory_space<vmem>>, vector<1x512x128xf32>
    %get3A_8 = vector.shape_cast %get3A_7 : vector<1x512x128xf32> to vector<512x128xf32>
    %add3A = arith.addf %get3A_3, %get3A_8 : vector<512x128xf32>
    %get3A_9 = arith.constant 0 : index
    %get3A_10 = arith.constant 0 : index
    %get3A_11 = vector.load %arg1[%get3A_9, %get3A_10] : memref<512x128xf32, #tpu.memory_space<vmem>>, vector<512x128xf32>
    %get3A_12 = arith.constant 0 : index
    %get3A_13 = arith.constant 0 : index
    %get3A_14 = vector.load %arg2[%get3A_12, %get3A_13] : memref<512x128xi32, #tpu.memory_space<vmem>>, vector<512x128xi32>
    %sub3A = arith.subf %add3A, %get3A_11 : vector<512x128xf32>
    %max3A = arith.constant 0.000000e+00 : f32
    %max3A_15 = vector.broadcast %max3A : f32 to vector<512x128xf32>
    %max3A_16 = arith.maximumf %sub3A, %max3A_15 : vector<512x128xf32>
    %neg3A = arith.constant 0.000000e+00 : f32
    %neg3A_17 = vector.broadcast %neg3A : f32 to vector<512x128xf32>
    %neg3A_18 = arith.subf %neg3A_17, %sub3A : vector<512x128xf32>
    %max3A_19 = arith.constant 0.000000e+00 : f32
    %max3A_20 = vector.broadcast %max3A_19 : f32 to vector<512x128xf32>
    %max3A_21 = arith.maximumf %neg3A_18, %max3A_20 : vector<512x128xf32>
    %abs3A = math.absf %sub3A : vector<512x128xf32>
    %eq3A = arith.constant 1 : i32
    %eq3A_22 = vector.broadcast %eq3A : i32 to vector<512x128xi32>
    %eq3A_23 = arith.cmpi eq, %get3A_14, %eq3A_22 : vector<512x128xi32>
    %eq3A_24 = arith.constant 2 : i32
    %eq3A_25 = vector.broadcast %eq3A_24 : i32 to vector<512x128xi32>
    %eq3A_26 = arith.cmpi eq, %get3A_14, %eq3A_25 : vector<512x128xi32>
    %eq3A_27 = arith.constant 3 : i32
    %eq3A_28 = vector.broadcast %eq3A_27 : i32 to vector<512x128xi32>
    %eq3A_29 = arith.cmpi eq, %get3A_14, %eq3A_28 : vector<512x128xi32>
    %jit3A = arith.constant 0.000000e+00 : f32
    %broadcast_in_dim3A = vector.broadcast %jit3A : f32 to vector<512x128xf32>
    %select_n3A = arith.select %eq3A_29, %abs3A, %broadcast_in_dim3A : vector<512x128xi1>, vector<512x128xf32>
    %select_n3A_30 = arith.select %eq3A_26, %max3A_21, %select_n3A : vector<512x128xi1>, vector<512x128xf32>
    %select_n3A_31 = arith.select %eq3A_23, %max3A_16, %select_n3A_30 : vector<512x128xi1>, vector<512x128xf32>
    %reduce_sum3A = vector.shape_cast %select_n3A_31 : vector<512x128xf32> to vector<1x512x128xf32>
    %reduce_sum3A_32 = arith.constant dense<0.000000e+00> : vector<1xf32>
    %reduce_sum3A_33 = vector.multi_reduction <add>, %reduce_sum3A, %reduce_sum3A_32 [1, 2] : vector<1x512x128xf32> to vector<1xf32>
    %reduce_sum3A_34 = vector.shape_cast %reduce_sum3A_33 : vector<1xf32> to vector<1x1x1xf32>
    %reduce_sum3A_35 = vector.extract %reduce_sum3A_34[0, 0, 0] : f32 from vector<1x1x1xf32>
    %mul3A = arith.constant 1.52587891E-5 : f32
    %mul3A_36 = arith.mulf %reduce_sum3A_35, %mul3A : f32
    %swap3A = arith.constant 0 : index
    %swap3A_37 = arith.constant 0 : index
    %swap3A_38 = memref.load %arg3[%swap3A, %swap3A_37] : memref<1x1xf32, #tpu.memory_space<smem>>
    memref.store %mul3A_36, %arg3[%swap3A, %swap3A_37] : memref<1x1xf32, #tpu.memory_space<smem>>
    return
  }
}

</mosaic_0001>

<sc_bundles>
// kernel: kernel.4.cloned.1.call-start
scs
__scs_entry_jumppad:
0x0: {  	(pc) =	sbr.rel $0x88, $3  }
0x1: {  	(tag) =	ssettag $0x0;
	lr =	simm.s32 $0x1  }
0x2: {  	[smem:$0x3F9B] =	sst lr;
	_ =	strace $0xD0000000  }
0x3: {  	_ = 	snop  }
0x4: {  	_ = 	snop  }
0x5: {  	_ = 	snop  }
0x6: {  	_ = 	snop  }
0x7: {  	_ = 	snop  }
__scs_overlays_trampoline_lowered:
0x8: {  	[smem:$0x3FAA] =	sst s0  }
0x9: {  	[smem:$0x3FAB] =	sst s1  }
0xa: {  	[smem:$0x3FAC] =	sst s2  }
0xb: {  	[smem:$0x3FAD] =	sst s3  }
0xc: {  	[smem:$0x3FAE] =	sst s4  }
0xd: {  	[smem:$0x3FAF] =	sst s5  }
0xe: {  	[smem:$0x3FB0] =	sst s6  }
0xf: {  	[smem:$0x3FB1] =	sst s7  }
0x10: {  	[smem:$0x3FB2] =	sst s8  }
0x11: {  	[smem:$0x3FB3] =	sst s9;
	s0 =	simm.s32 @!p0 $0x0  }
0x12: {  	s1 =	sld [smem:$0x3F99];
	s0 =	simm.s32 @p0 $0x1  }
0x13: {  	[smem:$0x3FB4] =	sst s0;
	s0 =	simm.s32 @!p1 $0x0  }
0x14: {  	s2 =	sld [smem:$0x3F98];
	s0 =	simm.s32 @p1 $0x1  }
0x15: {  	[smem:$0x3FB5] =	sst s0;
	s0 =	simm.s32 @!p2 $0x0  }
0x16: {  	s3 =	sld [smem:$0x3FDB];
	s0 =	simm.s32 @p2 $0x1  }
0x17: {  	s4 =	simm.s32 $0x1BF5;
	[smem:$0x3FB7] =	sst s0  }
0x18: {  	s0 =	sld [smem:$0x3F9A];
	_ =	swait.ge [sflag:s4], $0x0  }
0x19: {  	s7 =	sld [smem:$0x3F9B]  }
0x1a: {  	s8 =	sadd.s32 $0xFFFFE003, lr  }
0x1b: {  	s9 =	sadd.s32 $0xFFFFFEF7, lr;
	s5 =	simm.s32 $0xFFFFFFFF;
	p2 =	slt.u32 s8, $0xFFFFF086  }
0x1c: {  	p1 =	slt.u32 s9, $0xF7A;
	s5 =	simm.s32 @!p2 $0x0  }
0x1d: {  	s5 =	simm.s32 @p1 $0x1;
	p0 =	seq.s32 s7, s2  }
0x1e: {  	s7 =	smul.u32 @!p0 $0xF7A, s2;
	p2 =	seq.s32 @!p0 s5, $0x0  }
0x1f: {  	s9 =	smul.u32 $0xF7A, s1;
	s8 =	simm.s32 @!p0 $0x1BF5;
	p2 =	por !p2, p0  }
0x20: {  	[sflag:s8] =	ssyncset.s32 @!p0 $0xFFFFF086;
	s6 =	sadd.s32 @!p0 s3, s7;
	s7 =	simm.s32 @!p0 $0x108  }
0x21: {  	s3 =	sadd.s32 s3, s9;
	s6 =	sadd.s32 @!p0 $0x88, s6;
	s7 =	simm.s32 @p2 $0x1082  }
0x22: {  	[simem:s7], [sflag:s8] =	dma.local @!p0 [hbm:s6], $0xF7A  }
0x23: {  	s9 =	sor.u32 $0xD0000000, s2;
	s6 =	simm.s32 $0x108;
	_ =	swait.ge @!p0 [sflag:s8], $0x0  }
0x24: {  	s3 =	sadd.s32 $0x88, s3;
	s6 =	simm.s32 @!p1 $0x1082;
	[sflag:s4] =	ssyncset.s32 $0xFFFFF086  }
0x25: {  	[simem:s6], [sflag:s4] =	dma.local [hbm:s3], $0xF7A  }
0x26: {  	[smem:$0x3F9B] =	sst s1;
	(tag) =	ssettag s2;
	_ =	strace s9  }
0x27: {  	s1 =	sld [smem:$0x3FAB]  }
0x28: {  	s2 =	sld [smem:$0x3FAC]  }
0x29: {  	s4 =	sld [smem:$0x3FAE]  }
0x2a: {  	p0 =	seq.s32 s5, $0x0;
	s5 =	sld [smem:$0x3FAF]  }
0x2b: {  	s6 =	sld [smem:$0x3FB0]  }
0x2c: {  	s7 =	sld [smem:$0x3FB1]  }
0x2d: {  	s3 =	simm.s32 $0x108;
	s8 =	sld [smem:$0x3FB2]  }
0x2e: {  	s3 =	simm.s32 @!p0 $0x1082;
	s9 =	sld [smem:$0x3FB3]  }
0x2f: {  	lr =	sadd.s32 s0, s3;
	s0 =	sld [smem:$0x3FAA]  }
0x30: {  	s3 =	sld [smem:$0x3FAD]  }
0x31: {  	[smem:$0x3FB6] =	sst s10  }
0x32: {  	s10 =	sld [smem:$0x3FB4];
	_ =	sdelay $0x3  }
0x33: {  	p0 =	seq.s32 s10, $0x1;
	s10 =	sld [smem:$0x3FB6];
	_ =	sdelay $0x3  }
0x34: {  	[smem:$0x3FB6] =	sst s10  }
0x35: {  	s10 =	sld [smem:$0x3FB5];
	_ =	sdelay $0x3  }
0x36: {  	p1 =	seq.s32 s10, $0x1;
	s10 =	sld [smem:$0x3FB6];
	_ =	sdelay $0x3  }
0x37: {  	[smem:$0x3FB6] =	sst s10  }
0x38: {  	s10 =	sld [smem:$0x3FB7]  }
0x39: {  	_ = 	snop;
	(pc) =	sbr.ind lr, $3  }
0x3a: {  	_ = 	snop  }
0x3b: {  	_ = 	snop  }
0x3c: {  	p2 =	seq.s32 s10, $0x1;
	s10 =	sld [smem:$0x3FB6]  }
0x3d: {  	_ =	shalt  }
0x3e: {  	_ =	shalt  }
0x3f: {  	_ =	shalt  }
0x40: {  	_ =	shalt  }
0x41: {  	_ =	shalt  }
0x42: {  	_ =	shalt  }
0x43: {  	_ =	shalt  }
0x44: {  	_ =	shalt  }
0x45: {  	_ =	shalt  }
0x46: {  	_ =	shalt  }
0x47: {  	_ =	shalt  }
0x48: {  	_ =	shalt  }
0x49: {  	_ =	shalt  }
0x4a: {  	_ =	shalt  }
0x4b: {  	_ =	shalt  }
0x4c: {  	_ =	shalt  }
0x4d: {  	_ =	shalt  }
0x4e: {  	_ =	shalt  }
0x4f: {  	_ =	shalt  }
0x50: {  	_ =	shalt  }
0x51: {  	_ =	shalt  }
0x52: {  	_ =	shalt  }
0x53: {  	_ =	shalt  }
0x54: {  	_ =	shalt  }
0x55: {  	_ =	shalt  }
0x56: {  	_ =	shalt  }
0x57: {  	_ =	shalt  }
0x58: {  	_ =	shalt  }
0x59: {  	_ =	shalt  }
0x5a: {  	_ =	shalt  }
0x5b: {  	_ =	shalt  }
0x5c: {  	_ =	shalt  }
0x5d: {  	_ =	shalt  }
0x5e: {  	_ =	shalt  }
0x5f: {  	_ =	shalt  }
0x60: {  	_ =	shalt  }
0x61: {  	_ =	shalt  }
0x62: {  	_ =	shalt  }
0x63: {  	_ =	shalt  }
0x64: {  	_ =	shalt  }
0x65: {  	_ =	shalt  }
0x66: {  	_ =	shalt  }
0x67: {  	_ =	shalt  }
0x68: {  	_ =	shalt  }
0x69: {  	_ =	shalt  }
0x6a: {  	_ =	shalt  }
0x6b: {  	_ =	shalt  }
0x6c: {  	_ =	shalt  }
0x6d: {  	_ =	shalt  }
0x6e: {  	_ =	shalt  }
0x6f: {  	_ =	shalt  }
0x70: {  	_ =	shalt  }
0x71: {  	_ =	shalt  }
0x72: {  	_ =	shalt  }
0x73: {  	_ =	shalt  }
0x74: {  	_ =	shalt  }
0x75: {  	_ =	shalt  }
0x76: {  	_ =	shalt  }
0x77: {  	_ =	shalt  }
0x78: {  	_ =	shalt  }
0x79: {  	_ =	shalt  }
0x7a: {  	_ =	shalt  }
0x7b: {  	_ =	shalt  }
0x7c: {  	_ =	shalt  }
0x7d: {  	_ =	shalt  }
0x7e: {  	_ =	shalt  }
0x7f: {  	_ =	shalt  }
0x80: {  	_ =	shalt  }
0x81: {  	_ =	shalt  }
0x82: {  	_ =	shalt  }
0x83: {  	_ =	shalt  }
0x84: {  	_ =	shalt  }
0x85: {  	_ =	shalt  }
0x86: {  	_ =	shalt  }
0x87: {  	_ =	shalt  }
.Lfunc_end0:
.L_simem_size_0:
called_computation_lowered:
.L_overlay_start_0:
0x88: {  	s2 =	sld [smem:$0x3FD9]  }
0x89: {  	s3 =	sld [smem:$0x3FFE];
	_ =	sdelay $0x1  }
0x8a: {  	s1 =	srdreg.scid  }
0x8b: {  	s0 =	sand.u32 $0x1, s1  }
0x8c: {  	s17 =	sshll.u32 s0, $0xA;
	s2 =	sadd.s32 s3, s2  }
0x8d: {  	s2 =	sadd.s32 s2, s17  }
0x8e: {  	[smem:$0x3FC2] =	sst s2  }
0x8f: {  	_ = 	snop  }
0x90: {  	s2 =	sld [smem:$0x3FC9]  }
0x91: {  	s18 =	sld [smem:$0x3FC8]  }
0x92: {  	s4 =	sld [smem:$0x3FC6]  }
0x93: {  	s5 =	sld [smem:$0x3FC5];
	(tm) =	ssettm $0x1  }
0x94: {  	s6 =	sld [smem:$0x3FFB];
	_ =	sdelay $0x3  }
0x95: {  	_ =	strace s6  }
0x96: {  	s6 =	sld [smem:$0x3FFC];
	_ =	sdelay $0x3  }
0x97: {  	_ =	strace s6  }
0x98: {  	s6 =	sld [smem:$0x3FFD];
	_ =	sdelay $0x3  }
0x99: {  	_ =	strace s6  }
0x9a: {  	_ =	strace $0x8FFFFFFF  }
0x9b: {  	s19 =	sld [smem:$0x3FDB];
	_ =	sdelay $0x1  }
0x9c: {  	s7 =	simm.s32 $_scs_section_size  }
0x9d: {  	s8 =	simm.s32 $_size__tile_overlayer_lowered;
	s9 =	simm.s32 $_tile_overlayer_lowered  }
0x9e: {  	s22 =	simm.s32 $0x1BFF;
	s21 =	sshll.u32 s9, $0x1;
	s6 =	sadd.s32 s7, s19  }
0x9f: {  	s10 =	simm.s32 $0x0;
	s20 =	sshll.u32 s8, $0x1;
	s8 =	sadd.s32 s21, s6  }
0xa0: {  	[timem:s10], [sflag:s22] =	dma.local [hbm:s8], s20  }
0xa1: {  	_ =	swait.ge [sflag:s22], s20  }
0xa2: {  	s7 =	ssub.s32 $0x0, s20;
	[sflag:s22] =	ssyncset.done $0x0  }
0xa3: {  	[sflag:s22] =	ssyncadd.s32 s7;
	_ =	sdelay $0x1  }
0xa4: {  	s23 =	simm.s32 $0x1B8B  }
0xa5: {  	_ =	swait.ge [sflag:s23], $0x1  }
0xa6: {  	[sflag:s23] =	ssyncset.done $0x0  }
0xa7: {  	s25 =	simm.s32 $0x1B8E;
	s24 =	sld [smem:$0x3FFE];
	[sflag:s23] =	ssyncadd.s32 $0xFFFFFFFF  }
0xa8: {  	s26 =	simm.s32 $execute0_lowered;
	[smem:$0x3FD2] =	sst s25  }
0xa9: {  	s8 =	sshll.u32 s26, $0x1;
	_ =	strace $0x80000046;
	[dreg:$0x1] =	wrdreg $0xFFFFFFFF  }
0xaa: {  	s28 =	simm.s32 $_size_execute0_lowered;
	s6 =	sadd.s32 s6, s8;
	[dreg:$0x0] =	wrdreg $0x0  }
0xab: {  	s8 =	sshll.u32 s28, $0x1;
	[dreg:$0x2] =	wrdreg s6  }
0xac: {  	[dreg:$0x3] =	wrdreg s8  }
0xad: {  	[dreg:$0x4] =	wrdreg $0xC0  }
0xae: {  	_ =	task [dreg:s10], $0x5FFFF  }
0xaf: {  	[dreg:$0x1] =	wrdreg $0xFFFFFFFF  }
0xb0: {  	[dreg:$0x0] =	wrdreg $0x60  }
0xb1: {  	[dreg:$0x2] =	wrdreg s2  }
0xb2: {  	[dreg:$0x3] =	wrdreg s18  }
0xb3: {  	[dreg:$0x4] =	wrdreg s4  }
0xb4: {  	[dreg:$0x5] =	wrdreg s5  }
0xb5: {  	[dreg:$0x6] =	wrdreg s24  }
0xb6: {  	[dreg:$0x7] =	wrdreg $0x0  }
0xb7: {  	[dreg:$0x8] =	wrdreg $0x10000  }
0xb8: {  	[dreg:$0x9] =	wrdreg $0x9  }
0xb9: {  	_ =	task.clear_ibuf [dreg:s10], $0xAFFFF;
	_ =	strace $0x90000046  }
0xba: {  	s29 =	simm.s32 $0x9;
	_ =	strace $0x80000048  }
0xbb: {  	_ =	swait.ge [sflag:s29], $0x1  }
0xbc: {  	[sflag:s29] =	ssyncadd.s32 $0xFFFFFFFF  }
0xbd: {  	_ =	strace $0x90000048  }
0xbe: {  	_ =	sfence  }
0xbf: {  	s30 =	sld [smem:$0x0];
	_ =	sdelay $0x2  }
0xc0: {  	s31 =	sshll.u32 s1, $0xD;
	s1 =	sshrl.u32 s1, $0x2  }
0xc1: {  	s3 =	sand.u32 $0x4000, s31;
	s1 =	sadd.s32 s1, s30  }
0xc2: {  	s0 =	sor.u32 s3, s0;
	s1 =	sshll.u32 s1, $0x11  }
0xc3: {  	s0 =	sor.u32 s1, s0  }
0xc4: {  	s0 =	sadd.s32 $0x8F2B, s0  }
0xc5: {  	[sflag:s0] =	ssyncadd.remote.s32 $0x1  }
0xc6: {  	_ =	sfence.sel $0xFFFF  }
0xc7: {  	[dreg:$0x0] =	wrdreg $0xFFFFFFFF;
	(pc) =	sbr.abs _section_cstart, $3  }
0xc8: {  	[dreg:$0x1] =	wrdreg $0xFFFFFFFF  }
0xc9: {  	_ =	task.clear_ibuf [dreg:s10], $0x2FFFF;
	_ =	strace $0x9FFFFFFF  }
0xca: {  	(tm) =	ssettm $0x7FFFFFFF  }
0xcb: {  	_ =	shalt  }
tec
execute0_lowered:
.L_overlay_start_1:
0x0: {  	(tag) =	ssettag $0x1  }
0x1: {  	s7 =	rddreg [dreg:$0x0]  }
0x2: {  	s2 =	rddreg [dreg:$0x1]  }
0x3: {  	s0 =	rddreg [dreg:$0x2]  }
0x4: {  	s1 =	srdreg.scid;
	s3 =	rddreg [dreg:$0x3]  }
0x5: {  	s4 =	rddreg [dreg:$0x4];
	s11 =	stileid.u32  }
0x6: {  	s5 =	sand.u32 $0x1, s1;
	s1 =	simm.s32 $0x0;
	s15 =	sshll.u32 s11, $0xE  }
0x7: {  	s6 =	sshll.u32 s5, $0x4;
	s8 =	ssub.s32 $0x2, s5;
	s5 =	sshll.u32 s5, $0x12  }
0x8: {  	s10 =	sshll.u32 s11, $0x9;
	s4 =	sadd.s32 s6, s4;
	s6 =	sor.u32 s15, s5  }
0x9: {  	[smem:$0x7FF] =	sst s1;
	s7 =	sadd.s32 s7, s10;
	s16 =	sor.u32 $0x200, s6  }
0xa: {  	[dreg:$0x8] =	wrdreg s7;
	s17 =	sadd.s32 s3, s16  }
0xb: {  	s18 =	sadd.s32 s2, s16;
	[dreg:$0x9] =	wrdreg s17  }
0xc: {  	s19 =	sor.u32 $0x400, s6;
	s7 =	sadd.s32 s0, s16;
	[dreg:$0xa] =	wrdreg s18  }
0xd: {  	s9 =	sshrl.u32 s8, $0x1;
	s20 =	sadd.s32 s3, s19;
	[dreg:$0xb] =	wrdreg s7  }
0xe: {  	s5 =	ssub.s32 s8, s9;
	s22 =	sadd.s32 s2, s19;
	[dreg:$0xc] =	wrdreg s20  }
0xf: {  	s21 =	sor.u32 $0x600, s6;
	s8 =	sadd.s32 s0, s19;
	[dreg:$0xd] =	wrdreg s22  }
0x10: {  	s23 =	sadd.s32 s3, s21;
	[dreg:$0xe] =	wrdreg s8  }
0x11: {  	s25 =	sor.u32 $0x800, s6;
	s24 =	sadd.s32 s2, s21;
	[dreg:$0xf] =	wrdreg s23  }
0x12: {  	s26 =	sadd.s32 s3, s25;
	[dreg:$0x10] =	wrdreg s24  }
0x13: {  	s10 =	sor.u32 $0xA00, s6;
	s9 =	sadd.s32 s2, s25;
	[dreg:$0x12] =	wrdreg s26  }
0x14: {  	s12 =	sadd.s32 s3, s10;
	[dreg:$0x13] =	wrdreg s9  }
0x15: {  	s13 =	sor.u32 $0xC00, s6;
	s14 =	sadd.s32 s2, s10;
	[dreg:$0x15] =	wrdreg s12  }
0x16: {  	s15 =	sadd.s32 s3, s13;
	[dreg:$0x16] =	wrdreg s14  }
0x17: {  	s16 =	sadd.s32 s2, s13;
	[dreg:$0x18] =	wrdreg s15  }
0x18: {  	s7 =	sadd.s32 s0, s21;
	[dreg:$0x19] =	wrdreg s16  }
0x19: {  	s8 =	sadd.s32 s0, s10;
	[dreg:$0x11] =	wrdreg s7  }
0x1a: {  	s17 =	sor.u32 $0xE00, s6;
	s7 =	sadd.s32 s0, s25;
	[dreg:$0x17] =	wrdreg s8  }
0x1b: {  	s18 =	sadd.s32 s3, s17;
	[dreg:$0x14] =	wrdreg s7  }
0x1c: {  	s20 =	sor.u32 $0x1000, s6;
	s19 =	sadd.s32 s2, s17;
	[dreg:$0x1b] =	wrdreg s18  }
0x1d: {  	s21 =	sadd.s32 s3, s20;
	[dreg:$0x1c] =	wrdreg s19  }
0x1e: {  	s23 =	sadd.s32 s2, s20;
	[dreg:$0x1e] =	wrdreg s21  }
0x1f: {  	s22 =	sor.u32 $0x1200, s6;
	s8 =	sadd.s32 s0, s20;
	[dreg:$0x1f] =	wrdreg s23  }
0x20: {  	s24 =	sadd.s32 s3, s22;
	[smem:$0x7B5] =	sst s8  }
0x21: {  	s26 =	sor.u32 $0x1400, s6;
	s25 =	sadd.s32 s2, s22;
	[smem:$0x7B6] =	sst s24  }
0x22: {  	s9 =	sadd.s32 s3, s26;
	[smem:$0x7B7] =	sst s25  }
0x23: {  	s12 =	sor.u32 $0x1600, s6;
	s10 =	sadd.s32 s2, s26;
	[smem:$0x7B9] =	sst s9  }
0x24: {  	s14 =	sor.u32 $0x1800, s6;
	s15 =	sadd.s32 s2, s12;
	[smem:$0x7BA] =	sst s10  }
0x25: {  	s16 =	sadd.s32 s3, s14;
	[smem:$0x7BD] =	sst s15  }
0x26: {  	s7 =	sadd.s32 s0, s13;
	[smem:$0x7BF] =	sst s16  }
0x27: {  	s13 =	sadd.s32 s3, s12;
	[dreg:$0x1a] =	wrdreg s7  }
0x28: {  	s8 =	sadd.s32 s0, s12;
	[smem:$0x7BC] =	sst s13  }
0x29: {  	s7 =	sadd.s32 s0, s17;
	[smem:$0x7BE] =	sst s8  }
0x2a: {  	s18 =	sor.u32 $0x1A00, s6;
	s17 =	sadd.s32 s2, s14;
	[dreg:$0x1d] =	wrdreg s7  }
0x2b: {  	s19 =	sadd.s32 s3, s18;
	[smem:$0x7C0] =	sst s17  }
0x2c: {  	s21 =	sor.u32 $0x1C00, s6;
	s20 =	sadd.s32 s2, s18;
	[smem:$0x7C2] =	sst s19  }
0x2d: {  	s24 =	sadd.s32 s2, s21;
	[smem:$0x7C3] =	sst s20  }
0x2e: {  	s23 =	sor.u32 $0x1E00, s6;
	s8 =	sadd.s32 s0, s21;
	[smem:$0x7C6] =	sst s24  }
0x2f: {  	s9 =	sor.u32 $0x2000, s6;
	s25 =	sadd.s32 s3, s23;
	[smem:$0x7C7] =	sst s8  }
0x30: {  	s10 =	sadd.s32 s3, s9;
	[smem:$0x7C8] =	sst s25  }
0x31: {  	s12 =	sadd.s32 s2, s9;
	[smem:$0x7CB] =	sst s10  }
0x32: {  	s7 =	sadd.s32 s0, s22;
	[smem:$0x7CC] =	sst s12  }
0x33: {  	s13 =	sor.u32 $0x2200, s6;
	s22 =	sadd.s32 s3, s21;
	[smem:$0x7B8] =	sst s7  }
0x34: {  	s16 =	sadd.s32 s2, s13;
	[smem:$0x7C5] =	sst s22  }
0x35: {  	s15 =	sor.u32 $0x2400, s6;
	s8 =	sadd.s32 s0, s13;
	[smem:$0x7CF] =	sst s16  }
0x36: {  	s17 =	sadd.s32 s3, s15;
	[smem:$0x7D0] =	sst s8  }
0x37: {  	s7 =	sadd.s32 s0, s26;
	[smem:$0x7D1] =	sst s17  }
0x38: {  	s19 =	sor.u32 $0x2600, s6;
	s26 =	sadd.s32 s2, s23;
	[smem:$0x7BB] =	sst s7  }
0x39: {  	s20 =	sadd.s32 s3, s19;
	[smem:$0x7C9] =	sst s26  }
0x3a: {  	s10 =	sor.u32 $0x2C00, s6;
	s21 =	sadd.s32 s2, s19;
	[smem:$0x7D4] =	sst s20  }
0x3b: {  	s12 =	sadd.s32 s3, s10;
	[smem:$0x7D5] =	sst s21  }
0x3c: {  	s7 =	sadd.s32 s0, s14;
	[smem:$0x7DD] =	sst s12  }
0x3d: {  	s22 =	sor.u32 $0x2800, s6;
	s14 =	sadd.s32 s3, s13;
	[smem:$0x7C1] =	sst s7  }
0x3e: {  	s25 =	sadd.s32 s2, s22;
	[smem:$0x7CE] =	sst s14  }
0x3f: {  	s24 =	sor.u32 $0x2A00, s6;
	s8 =	sadd.s32 s0, s22;
	[smem:$0x7D8] =	sst s25  }
0x40: {  	s26 =	sadd.s32 s3, s24;
	[smem:$0x7D9] =	sst s8  }
0x41: {  	s13 =	sadd.s32 s2, s10;
	[smem:$0x7DA] =	sst s26  }
0x42: {  	s7 =	sadd.s32 s0, s18;
	[smem:$0x7DE] =	sst s13  }
0x43: {  	s20 =	sor.u32 $0x3200, s6;
	s18 =	sadd.s32 s2, s15;
	[smem:$0x7C4] =	sst s7  }
0x44: {  	s12 =	sor.u32 $0x3800, s6;
	s21 =	sadd.s32 s3, s20;
	[smem:$0x7D2] =	sst s18  }
0x45: {  	s13 =	sadd.s32 s3, s12;
	[smem:$0x7E6] =	sst s21  }
0x46: {  	s7 =	sadd.s32 s0, s23;
	[smem:$0x7EF] =	sst s13  }
0x47: {  	s14 =	sor.u32 $0x2E00, s6;
	s23 =	sadd.s32 s3, s22;
	[smem:$0x7CA] =	sst s7  }
0x48: {  	s17 =	sadd.s32 s2, s14;
	[smem:$0x7D7] =	sst s23  }
0x49: {  	s16 =	sor.u32 $0x3000, s6;
	s8 =	sadd.s32 s0, s14;
	[smem:$0x7E1] =	sst s17  }
0x4a: {  	s18 =	sadd.s32 s3, s16;
	[smem:$0x7E2] =	sst s8  }
0x4b: {  	s22 =	sadd.s32 s2, s20;
	[smem:$0x7E3] =	sst s18  }
0x4c: {  	s21 =	sadd.s32 s3, s6;
	[smem:$0x7E7] =	sst s22  }
0x4d: {  	s7 =	sadd.s32 s0, s9;
	[smem:$0x7F8] =	sst s21  }
0x4e: {  	s9 =	sadd.s32 s2, s24;
	[smem:$0x7CD] =	sst s7  }
0x4f: {  	s22 =	sadd.s32 s2, s6;
	[smem:$0x7DB] =	sst s9  }
0x50: {  	s7 =	sadd.s32 s0, s15;
	[smem:$0x7F9] =	sst s22  }
0x51: {  	s23 =	sor.u32 $0x3400, s6;
	s15 =	sadd.s32 s3, s14;
	[smem:$0x7D3] =	sst s7  }
0x52: {  	s26 =	sadd.s32 s2, s23;
	[smem:$0x7E0] =	sst s15  }
0x53: {  	s25 =	sor.u32 $0x3600, s6;
	s8 =	sadd.s32 s0, s23;
	[smem:$0x7EA] =	sst s26  }
0x54: {  	s9 =	sadd.s32 s3, s25;
	[smem:$0x7EB] =	sst s8  }
0x55: {  	s14 =	sadd.s32 s2, s12;
	[smem:$0x7EC] =	sst s9  }
0x56: {  	s28 =	simm.s32 $0x2;
	[smem:$0x7F0] =	sst s14  }
0x57: {  	s29 =	simm.s32 $0x1B000;
	s7 =	sadd.s32 s0, s19;
	s9 =	rddreg [dreg:$0x6]  }
0x58: {  	s30 =	simm.s32 $0x3;
	s19 =	sadd.s32 s2, s16;
	[smem:$0x7D6] =	sst s7  }
0x59: {  	s31 =	simm.s32 $0x1C000;
	s7 =	sadd.s32 s0, s24;
	[smem:$0x7E4] =	sst s19  }
0x5a: {  	s15 =	sor.u32 $0x3A00, s6;
	s24 =	sadd.s32 s3, s23;
	[smem:$0x7DC] =	sst s7  }
0x5b: {  	s13 =	smax.u32 s5, $0x1;
	s18 =	sadd.s32 s2, s15;
	[smem:$0x7E9] =	sst s24  }
0x5c: {  	s17 =	sor.u32 $0x3C00, s6;
	s8 =	sadd.s32 s0, s15;
	[smem:$0x7F3] =	sst s18  }
0x5d: {  	s21 =	simm.s32 $0x18000;
	s19 =	sadd.s32 s3, s17;
	[smem:$0x7F4] =	sst s8  }
0x5e: {  	s22 =	simm.s32 $0x2000;
	s23 =	sadd.s32 s0, s6;
	[smem:$0x7F5] =	sst s19  }
0x5f: {  	s26 =	sshll.u32 s11, $0xC;
	s14 =	simm.s32 $0x12000;
	[smem:$0x7FA] =	sst s23  }
0x60: {  	s6 =	sor.u32 $0x3E00, s6;
	s7 =	sadd.s32 s0, s10;
	s24 =	rddreg [dreg:$0x5]  }
0x61: {  	s10 =	sadd.s32 s2, s25;
	s18 =	simm.s32 $0x17000;
	[smem:$0x7DF] =	sst s7  }
0x62: {  	s19 =	simm.s32 $0x14000;
	s7 =	sadd.s32 s0, s16;
	[smem:$0x7ED] =	sst s10  }
0x63: {  	s23 =	simm.s32 $0x1;
	s16 =	sadd.s32 s3, s15;
	[smem:$0x7E5] =	sst s7  }
0x64: {  	s3 =	sadd.s32 s3, s6;
	s10 =	sadd.s32 s26, s24;
	[smem:$0x7F2] =	sst s16  }
0x65: {  	s15 =	simm.s32 $0x6;
	s7 =	sadd.s32 s0, s20;
	[smem:$0x7FB] =	sst s3  }
0x66: {  	s24 =	simm.s32 $0x1000;
	s20 =	sadd.s32 s2, s17;
	[smem:$0x7E8] =	sst s7  }
0x67: {  	s2 =	sadd.s32 s2, s6;
	s16 =	simm.s32 $0x13000;
	[smem:$0x7F6] =	sst s20  }
0x68: {  	s3 =	simm.s32 $0x0;
	s7 =	sadd.s32 s0, s25;
	[smem:$0x7FC] =	sst s2  }
0x69: {  	s25 =	sshll.u32 s11, $0xA;
	s11 =	sadd.s32 s26, s9;
	s20 =	simm.s32 $0x16000  }
0x6a: {  	s26 =	simm.s32 $0x19000;
	[smem:$0x7EE] =	sst s7;
	s7 =	sadd.s32 s0, s12  }
0x6b: {  	s2 =	simm.s32 $0x5;
	[smem:$0x7F1] =	sst s7;
	s7 =	sadd.s32 s0, s17  }
0x6c: {  	s0 =	sadd.s32 s0, s6;
	s17 =	simm.s32 $0x15000;
	[smem:$0x7F7] =	sst s7  }
0x6d: {  	[smem:$0x7FD] =	sst s0;
	s0 =	sadd.s32 s25, s4;
	s25 =	simm.s32 $0x1A000  }
0x6e: {  	v0 =	vimm.f32 $0.0e+00;
	_ =	strace $0x80000047;
	s12 =	sadd.s32 $0x800, s0;
	s0 =	simm.s32 $0x4  }
.LBB2_1:
0x6f: {  	s4 =	rddreg [dreg:$0x8]  }
0x70: {  	[tilespmem:s14], [sflag:$0x6] =	stream.linear.gather [hbm4b:s4+s1], $0x1000, $0x38;
	[tilespmem:$0x1D000] =	vst v63  }
0x71: {  	_ =	swait.ge [sflag:s15], $0x1000  }
0x72: {  	s7 =	sld [smem:$0x7F8]  }
0x73: {  	[sflag:s15] =	ssyncset.done $0x0  }
0x74: {  	s8 =	sld [smem:$0x7F9];
	[sflag:s15] =	ssyncadd.s32 $0xFFFFF000  }
0x75: {  	[tilespmem:s16], [sflag:$0x1] =	stream.linear.gather [hbm4b:s7+s1], $0x1000, $0x38;
	[tilespmem:$0x1D000] =	vst v63  }
0x76: {  	s5 =	sld [smem:$0x7FA]  }
0x77: {  	[tilespmem:s17], [sflag:$0x1] =	stream.linear.gather [hbm4b:s8+s1], $0x1000, $0x38;
	[tilespmem:$0x1D000] =	vst v63  }
0x78: {  	_ = 	snop  }
0x79: {  	[tilespmem:s18], [sflag:$0x1] =	stream.linear.gather [hbm4b:s5+s1], $0x1000, $0x38;
	[tilespmem:$0x1D000] =	vst v63  }
0x7a: {  	s6 =	rddreg [dreg:$0x9]  }
0x7b: {  	[tilespmem:s19], [sflag:$0x2] =	stream.linear.gather [hbm4b:s6+s1], $0x1000, $0x38;
	[tilespmem:$0x1D000] =	vst v63  }
0x7c: {  	s7 =	rddreg [dreg:$0xa]  }
0x7d: {  	[tilespmem:s20], [sflag:$0x2] =	stream.linear.gather [hbm4b:s7+s1], $0x1000, $0x38;
	[tilespmem:$0x1D000] =	vst v63  }
0x7e: {  	s8 =	rddreg [dreg:$0xb];
	s5 =	simm.s32 $0x12040  }
0x7f: {  	[tilespmem:s21], [sflag:$0x2] =	stream.linear.gather [hbm4b:s8+s1], $0x1000, $0x38;
	[tilespmem:$0x1D000] =	vst v63  }
0x80: {  	v1 =	vld [tilespmem:s5+$0xFFFFFFC0]  }
0x81: {  	v2 =	vld [tilespmem:s5+$0xFFFFFFE0];
	_ =	sdelay $0x2  }
0x82: {  	v3 =	vld [tilespmem:s5+$0x20]  }
0x83: {  	v4 =	vld [tilespmem:s5+$0x30];
	v1 =	vsub.f32 $0.0e+00, v1  }
0x84: {  	v6 =	vld [tilespmem:s5+$0xFFFFFFF0];
	v2 =	vsub.f32 $0.0e+00, v2  }
0x85: {  	v5 =	vld [tilespmem:s5+$0x10];
	v1 =	vmul.f32 $1.442695020e+00, v1  }
0x86: {  	v2 =	vmul.f32 $1.442695020e+00, v2  }
0x87: {  	s4 =	simm.s32 $0x120C0;
	v7 =	vld [tilespmem:s5+$0xFFFFFFD0];
	(erf) = vpow2.f32 v1;
	v1 =	vsub.f32 $0.0e+00, v3  }
0x88: {  	v8 =	vld [tilespmem:s4+$0x30];
	v3 =	vsub.f32 $0.0e+00, v4;
	(erf) = vpow2.f32 v2  }
0x89: {  	v6 =	vsub.f32 $0.0e+00, v6;
	v2 =	vld [tilespmem:s5+$0x0];
	v1 =	vmul.f32 $1.442695020e+00, v1  }
0x8a: {  	v4 =	vsub.f32 $0.0e+00, v5;
	v5 =	vld [tilespmem:s4+$0xFFFFFFC0];
	v3 =	vmul.f32 $1.442695020e+00, v3  }
0x8b: {  	v6 =	vmul.f32 $1.442695020e+00, v6;
	(erf) = vpow2.f32 v1;
	v1 =	vld [tilespmem:s4+$0xFFFFFFE0]  }
0x8c: {  	v7 =	vsub.f32 $0.0e+00, v7;
	v4 =	vmul.f32 $1.442695020e+00, v4;
	(erf) = vpow2.f32 v3;
	v3 =	vld [tilespmem:s4+$0x20];
	_ =	sdelay $0x1  }
0x8d: {  	v7 =	vmul.f32 $1.442695020e+00, v7;
	v2 =	vsub.f32 $0.0e+00, v2;
	(erf) = vpow2.f32 v4  }
0x8e: {  	v4 =	vsub.f32 $0.0e+00, v5;
	(erf) = vpow2.f32 v6  }
0x8f: {  	v5 =	vld [tilespmem:s4+$0x10];
	v2 =	vmul.f32 $1.442695020e+00, v2;
	(erf) = vpow2.f32 v7;
	v6 =	vpop (erf);
	v1 =	vsub.f32 $0.0e+00, v1  }
0x90: {  	v10 =	vld [tilespmem:s4+$0x0];
	v8 =	vsub.f32 $0.0e+00, v8;
	v4 =	vmul.f32 $1.442695020e+00, v4;
	v9 =	vpop (erf);
	v3 =	vsub.f32 $0.0e+00, v3  }
0x91: {  	s6 =	simm.s32 $0x12140;
	v7 =	vld [tilespmem:s4+$0xFFFFFFF0];
	(erf) = vpow2.f32 v2;
	v9 =	vadd.f32 $1.000000000e+00, v9;
	v1 =	vmul.f32 $1.442695020e+00, v1  }
0x92: {  	v11 =	vld [tilespmem:s6+$0xFFFFFFC0];
	v8 =	vmul.f32 $1.442695020e+00, v8;
	(erf) = vpow2.f32 v4  }
0x93: {  	v3 =	vmul.f32 $1.442695020e+00, v3;
	(erf) = vrcp.f32 v9  }
0x94: {  	v2 =	vld [tilespmem:s4+$0xFFFFFFD0];
	v5 =	vsub.f32 $0.0e+00, v5;
	v4 =	vpop (erf);
	(erf) = vpow2.f32 v1  }
0x95: {  	v4 =	vadd.f32 $1.000000000e+00, v4;
	v1 =	vpop (erf);
	(erf) = vpow2.f32 v3;
	v3 =	vsub.f32 $0.0e+00, v10;
	v10 =	vld [tilespmem:s6+$0xFFFFFFE0]  }
0x96: {  	v7 =	vsub.f32 $0.0e+00, v7;
	v5 =	vmul.f32 $1.442695020e+00, v5;
	v9 =	vpop (erf);
	(erf) = vpow2.f32 v8  }
0x97: {  	v12 =	vld [tilespmem:s6+$0x30];
	v11 =	vsub.f32 $0.0e+00, v11;
	v6 =	vadd.f32 $1.000000000e+00, v6;
	v8 =	vpop (erf);
	(erf) = vrcp.f32 v4  }
0x98: {  	v4 =	vmul.f32 $1.442695020e+00, v7;
	v7 =	vadd.f32 $1.000000000e+00, v9;
	v9 =	vpop (erf);
	(erf) = vpow2.f32 v5  }
0x99: {  	v2 =	vsub.f32 $0.0e+00, v2;
	v5 =	vadd.f32 $1.000000000e+00, v9;
	v9 =	vld [tilespmem:s6+$0x20];
	(erf) = vrcp.f32 v6  }
0x9a: {  	v15 =	vld [tilespmem:s6+$0x0];
	(erf) = vpow2.f32 v4;
	v4 =	vmul.f32 $1.442695020e+00, v3;
	v3 =	vsub.f32 $0.0e+00, v10  }
0x9b: {  	v1 =	vadd.f32 $1.000000000e+00, v1;
	v6 =	vadd.f32 $1.000000000e+00, v8;
	v8 =	vpop (erf);
	v10 =	vld [tilespmem:s6+$0xFFFFFFF0]  }
0x9c: {  	v13 =	vld [tilespmem:s6+$0x10];
	v14 =	vpop (erf);
	(erf) = vrcp.f32 v5;
	v17 =	vmul.f32 $1.442695020e+00, v3;
	v3 =	vsub.f32 $0.0e+00, v12  }
0x9d: {  	v16 =	vld [tilespmem:s6+$0xFFFFFFD0];
	v2 =	vmul.f32 $1.442695020e+00, v2;
	v8 =	vadd.f32 $1.000000000e+00, v8;
	(erf) = vrcp.f32 v7;
	v5 =	vpop (erf)  }
0x9e: {  	(erf) = vrcp.f32 v6;
	v6 =	vmul.f32 $1.442695020e+00, v11;
	v12 =	vpop (erf);
	v9 =	vsub.f32 $0.0e+00, v9  }
0x9f: {  	(erf) = vpow2.f32 v2;
	v7 =	vmul.f32 $1.442695020e+00, v3;
	v11 =	vpop (erf);
	v2 =	vadd.f32 $1.000000000e+00, v12  }
0xa0: {  	(erf) = vrcp.f32 v1;
	v10 =	vsub.f32 $0.0e+00, v10;
	v1 =	vsub.f32 $0.0e+00, v15;
	v3 =	vpop (erf)  }
0xa1: {  	v18 =	vmul.f32 $1.442695020e+00, v9;
	(erf) = vpow2.f32 v4;
	v9 =	vsub.f32 $0.0e+00, v13;
	v12 =	vpop (erf)  }
0xa2: {  	v15 =	vsub.f32 $0.0e+00, v16;
	(erf) = vpow2.f32 v6;
	v6 =	vmul.f32 $1.442695020e+00, v10;
	v13 =	vpop (erf)  }
0xa3: {  	(erf) = vrcp.f32 v2;
	v9 =	vmul.f32 $1.442695020e+00, v9;
	v4 =	vpop (erf)  }
0xa4: {  	[tilespmem:s5+$0xFFFFFFE0] =	vst v5;
	v2 =	vmul.f32 $1.442695020e+00, v15;
	(erf) = vrcp.f32 v8;
	v10 =	vpop (erf)  }
0xa5: {  	[tilespmem:s5+$0x20] =	vst v12;
	v12 =	vadd.f32 $1.000000000e+00, v11;
	v5 =	vadd.f32 $1.000000000e+00, v13;
	(erf) = vpow2.f32 v17;
	v13 =	vpop (erf)  }
0xa6: {  	s7 =	simm.s32 $0x10;
	s8 =	simm.s32 $0x121C0;
	v11 =	vadd.f32 $1.000000000e+00, v14;
	(erf) = vpow2.f32 v18;
	v8 =	vadd.f32 $1.000000000e+00, v10;
	[tilespmem:s5+$0xFFFFFFD0] =	vst v13;
	v10 =	vpop (erf)  }
.LBB2_2:
0xa7: {  	v13 =	vld [tilespmem:s8+$0xFFFFFFE0];
	s7 =	sadd.s32 $0x8, s7;
	(erf) = vpow2.f32 v7;
	v14 =	vadd.f32 $1.000000000e+00, v3;
	[tilespmem:s5+$0x10] =	vst v10;
	v3 =	vpop (erf)  }
0xa8: {  	v7 =	vld [tilespmem:s8+$0xFFFFFFC0];
	p0 =	slt.u32 s7, $0xF8;
	v10 =	vpop (erf);
	(erf) = vrcp.f32 v12  }
0xa9: {  	v12 =	vld [tilespmem:s8+$0x30];
	(erf) = vpow2.f32 v9;
	v16 =	vadd.f32 $1.000000000e+00, v10;
	[tilespmem:s5+$0xFFFFFFC0] =	vst v4;
	v4 =	vpop (erf)  }
0xaa: {  	v10 =	vld [tilespmem:s8+$0x20];
	(erf) = vrcp.f32 v11;
	v11 =	vpop (erf);
	[tilespmem:s5+$0x30] =	vst v4  }
0xab: {  	v1 =	vmul.f32 $1.442695020e+00, v1;
	v4 =	vld [tilespmem:s8+$0x10];
	v15 =	vpop (erf);
	(erf) = vpow2.f32 v6;
	v11 =	vadd.f32 $1.000000000e+00, v11  }
0xac: {  	v6 =	vsub.f32 $0.0e+00, v13;
	v13 =	vld [tilespmem:s8+$0xFFFFFFF0];
	(erf) = vrcp.f32 v16;
	v9 =	vpop (erf)  }
0xad: {  	v7 =	vsub.f32 $0.0e+00, v7;
	v16 =	vld [tilespmem:s8+$0x0];
	(erf) = vrcp.f32 v5;
	[tilespmem:s5+$0xFFFFFFF0] =	vst v3;
	v3 =	vpop (erf)  }
0xae: {  	v5 =	vld [tilespmem:s8+$0xFFFFFFD0];
	v17 =	vmul.f32 $1.442695020e+00, v6;
	v6 =	vsub.f32 $0.0e+00, v12;
	v12 =	vpop (erf);
	(erf) = vrcp.f32 v8;
	[tilespmem:s5+$0x0] =	vst v3;
	s5 =	smov.u32 s4;
	s4 =	smov.u32 s6;
	s6 =	smov.u32 s8  }
0xaf: {  	v19 =	vmul.f32 $1.442695020e+00, v7;
	v10 =	vsub.f32 $0.0e+00, v10;
	(erf) = vpow2.f32 v2;
	v18 =	vpop (erf);
	[tilespmem:s5+$0xFFFFFFE0] =	vst v9  }
0xb0: {  	v2 =	vadd.f32 $1.000000000e+00, v12;
	v7 =	vmul.f32 $1.442695020e+00, v6;
	v3 =	vpop (erf);
	(erf) = vrcp.f32 v14  }
0xb1: {  	v6 =	vsub.f32 $0.0e+00, v13;
	v10 =	vmul.f32 $1.442695020e+00, v10;
	(erf) = vpow2.f32 v1;
	v9 =	vpop (erf)  }
.Ltmp0:
0xb2: {  	v12 =	vsub.f32 $0.0e+00, v4;
	v1 =	vsub.f32 $0.0e+00, v16;
	(erf) = vpow2.f32 v19;
	v8 =	vpop (erf);
	[tilespmem:s5+$0x20] =	vst v9;
	(pc) =	sbr.rel @p0 .LBB2_2-.Ltmp0, $4  }
0xb3: {  	v14 =	vsub.f32 $0.0e+00, v5;
	v6 =	vmul.f32 $1.442695020e+00, v6;
	(erf) = vrcp.f32 v2;
	v4 =	vpop (erf)  }
0xb4: {  	v9 =	vmul.f32 $1.442695020e+00, v12;
	v5 =	vadd.f32 $1.000000000e+00, v8;
	v8 =	vpop (erf);
	(erf) = vrcp.f32 v11  }
0xb5: {  	v12 =	vadd.f32 $1.000000000e+00, v18;
	v2 =	vmul.f32 $1.442695020e+00, v14;
	(erf) = vpow2.f32 v17;
	v13 =	vpop (erf)  }
0xb6: {  	s8 =	sadd.s32 $0x80, s8;
	v11 =	vadd.f32 $1.000000000e+00, v15;
	v8 =	vadd.f32 $1.000000000e+00, v8;
	(erf) = vpow2.f32 v10;
	[tilespmem:s5+$0xFFFFFFD0] =	vst v13;
	v10 =	vpop (erf)  }
0xb7: {  	(erf) = vpow2.f32 v7;
	v47 =	vpop (erf)  }
0xb8: {  	v13 =	vpop (erf);
	(erf) = vrcp.f32 v12  }
0xb9: {  	(erf) = vpow2.f32 v9;
	v48 =	vpop (erf)  }
0xba: {  	v49 =	vadd.f32 $1.000000000e+00, v13;
	(erf) = vrcp.f32 v11;
	v50 =	vpop (erf)  }
0xbb: {  	v51 =	vpop (erf);
	(erf) = vpow2.f32 v6  }
0xbc: {  	(erf) = vrcp.f32 v49;
	v52 =	vpop (erf)  }
0xbd: {  	(erf) = vrcp.f32 v5;
	v53 =	vpop (erf)  }
0xbe: {  	v54 =	vpop (erf);
	(erf) = vrcp.f32 v8  }
0xbf: {  	v3 =	vadd.f32 $1.000000000e+00, v3;
	(erf) = vpow2.f32 v2;
	v2 =	vpop (erf)  }
0xc0: {  	v1 =	vmul.f32 $1.442695020e+00, v1;
	v55 =	vpop (erf)  }
0xc1: {  	v14 =	vpop (erf)  }
0xc2: {  	(erf) = vrcp.f32 v3;
	v15 =	vpop (erf)  }
0xc3: {  	(erf) = vpow2.f32 v1;
	v3 =	vpop (erf)  }
0xc4: {  	v12 =	vadd.f32 $1.000000000e+00, v54;
	v1 =	vpop (erf)  }
0xc5: {  	[tilespmem:s5+$0x10] =	vst v10;
	v16 =	vpop (erf)  }
0xc6: {  	[tilespmem:s5+$0xFFFFFFC0] =	vst v4;
	v56 =	vadd.f32 $1.000000000e+00, v50;
	(erf) = vrcp.f32 v12;
	v57 =	vpop (erf)  }
0xc7: {  	[tilespmem:s5+$0xFFFFFFF0] =	vst v47;
	v2 =	vadd.f32 $1.000000000e+00, v2;
	v58 =	vpop (erf)  }
0xc8: {  	[tilespmem:s5+$0x30] =	vst v48;
	v59 =	vadd.f32 $1.000000000e+00, v51;
	(erf) = vrcp.f32 v56;
	v60 =	vpop (erf)  }
0xc9: {  	[tilespmem:s4+$0xFFFFFFE0] =	vst v52;
	(erf) = vrcp.f32 v2;
	v2 =	vadd.f32 $1.000000000e+00, v60  }
0xca: {  	[tilespmem:s5+$0x0] =	vst v53;
	v61 =	vadd.f32 $1.000000000e+00, v15;
	(erf) = vrcp.f32 v59  }
0xcb: {  	[tilespmem:s4+$0x20] =	vst v14;
	v1 =	vadd.f32 $1.000000000e+00, v1;
	v62 =	vpop (erf);
	(erf) = vrcp.f32 v2;
	v2 =	vadd.f32 $1.000000000e+00, v55  }
0xcc: {  	[tilespmem:s4+$0xFFFFFFC0] =	vst v3;
	v63 =	vpop (erf);
	(erf) = vrcp.f32 v61  }
0xcd: {  	[tilespmem:s4+$0xFFFFFFD0] =	vst v16;
	(erf) = vrcp.f32 v1;
	v1 =	vadd.f32 $1.000000000e+00, v63  }
0xce: {  	[tilespmem:s4+$0x10] =	vst v57;
	(erf) = vrcp.f32 v2  }
0xcf: {  	[tilespmem:s4+$0xFFFFFFF0] =	vst v58;
	v2 =	vpop (erf);
	(erf) = vrcp.f32 v1  }
0xd0: {  	[tilespmem:s4+$0x30] =	vst v62  }
0xd1: {  	[tilespmem:s6+$0xFFFFFFE0] =	vst v2;
	v1 =	vpop (erf)  }
0xd2: {  	[tilespmem:s4+$0x0] =	vst v1;
	v1 =	vpop (erf)  }
0xd3: {  	v2 =	vpop (erf);
	[tilespmem:s6+$0x20] =	vst v1  }
0xd4: {  	v1 =	vpop (erf);
	[tilespmem:s6+$0xFFFFFFC0] =	vst v2  }
0xd5: {  	[tilespmem:s6+$0xFFFFFFD0] =	vst v1;
	v1 =	vpop (erf)  }
0xd6: {  	[tilespmem:s6+$0x10] =	vst v1;
	v1 =	vpop (erf)  }
0xd7: {  	v2 =	vpop (erf);
	[tilespmem:s6+$0xFFFFFFF0] =	vst v1  }
0xd8: {  	[tilespmem:s6+$0x30] =	vst v2;
	v1 =	vpop (erf)  }
0xd9: {  	[tilespmem:s6+$0x0] =	vst v1  }
0xda: {  	[spmem:s10] =	stream.linear.scatter [tilespmem:s14], [sflag:$0x6], $0x1000, $0x38;
	[tilespmem:$0x1D000] =	vst v63  }
0xdb: {  	_ =	swait.ge [sflag:s15], $0x1000  }
0xdc: {  	[sflag:s15] =	ssyncset.done $0x0  }
0xdd: {  	s4 =	simm.s32 $0x12040;
	[sflag:s15] =	ssyncadd.s32 $0xFFFFF000  }
0xde: {  	[tilespmem:s4+$0xFFFFFFC0] =	vst v0  }
0xdf: {  	[tilespmem:s4+$0x30] =	vst v0  }
0xe0: {  	[tilespmem:s4+$0x20] =	vst v0  }
0xe1: {  	[tilespmem:s4+$0x10] =	vst v0  }
0xe2: {  	[tilespmem:s4+$0x0] =	vst v0  }
0xe3: {  	[tilespmem:s4+$0xFFFFFFF0] =	vst v0  }
0xe4: {  	s5 =	simm.s32 $0x0;
	[tilespmem:s4+$0xFFFFFFE0] =	vst v0  }
.LBB2_4:
0xe5: {  	s5 =	sadd.s32 $0x8, s5;
	[tilespmem:s4+$0xFFFFFFD0] =	vst v0;
	s4 =	sadd.s32 $0x80, s4  }
0xe6: {  	[tilespmem:s4+$0xFFFFFFC0] =	vst v0;
	p0 =	slt.u32 s5, $0xF8  }
0xe7: {  	[tilespmem:s4+$0x30] =	vst v0  }
.Ltmp1:
0xe8: {  	[tilespmem:s4+$0x20] =	vst v0;
	(pc) =	sbr.rel @p0 .LBB2_4-.Ltmp1, $4  }
0xe9: {  	[tilespmem:s4+$0x10] =	vst v0  }
0xea: {  	[tilespmem:s4+$0x0] =	vst v0  }
0xeb: {  	[tilespmem:s4+$0xFFFFFFF0] =	vst v0  }
0xec: {  	[tilespmem:s4+$0xFFFFFFE0] =	vst v0  }
0xed: {  	[tilespmem:s4+$0xFFFFFFD0] =	vst v0  }
0xee: {  	[spmem:s11] =	stream.linear.scatter [tilespmem:s14], [sflag:$0x6], $0x1000, $0x38;
	[tilespmem:$0x1D000] =	vst v63  }
0xef: {  	_ =	swait.ge [sflag:s15], $0x1000  }
0xf0: {  	[sflag:s15] =	ssyncset.done $0x0  }
0xf1: {  	[sflag:s15] =	ssyncadd.s32 $0xFFFFF000  }
0xf2: {  	[bflag:$0x0] =	sbarrier.arrive $0xFFFF  }
0xf3: {  	s7 =	rddreg [dreg:$0x5]  }
0xf4: {  	[tilespmem:s22], [sflag:$0x6] =	stream.linear.gather [spmem:s7], $0x10000, $0x38;
	[tilespmem:$0x1D000] =	vst v63  }
0xf5: {  	_ =	swait.ge [sflag:s15], $0x10000  }
0xf6: {  	[sflag:s15] =	ssyncset.done $0x0  }
0xf7: {  	[sflag:s15] =	ssyncadd.s32 $0xFFFF0000  }
0xf8: {  	_ =	swait.ge [sflag:s23], $0x1000  }
0xf9: {  	[sflag:s23] =	ssyncset.done $0x0  }
0xfa: {  	[sflag:s23] =	ssyncadd.s32 $0xFFFFF000  }
0xfb: {  	_ =	swait.ge [sflag:s23], $0x1000  }
0xfc: {  	[sflag:s23] =	ssyncset.done $0x0  }
0xfd: {  	[sflag:s23] =	ssyncadd.s32 $0xFFFFF000  }
0xfe: {  	_ =	swait.ge [sflag:s23], $0x1000  }
0xff: {  	[sflag:s23] =	ssyncset.done $0x0  }
0x100: {  	s8 =	simm.s32 $0x13040;
	[sflag:s23] =	ssyncadd.s32 $0xFFFFF000  }
0x101: {  	v1 =	vld [tilespmem:s8+$0x30]  }
0x102: {  	v2 =	vld [tilespmem:s8+$0xFFFFFFD0]  }
0x103: {  	v3 =	vld [tilespmem:s8+$0xFFFFFFE0]  }
0x104: {  	v4 =	vld [tilespmem:s8+$0xFFFFFFF0]  }
0x105: {  	v6 =	vld [tilespmem:s8+$0x0]  }
0x106: {  	v7 =	vld [tilespmem:s8+$0x10]  }
0x107: {  	v8 =	vld [tilespmem:s8+$0x20]  }
0x108: {  	s4 =	simm.s32 $0x15040;
	v9 =	vld [tilespmem:s8+$0xFFFFFFC0]  }
0x109: {  	v12 =	vld [tilespmem:s4+$0x30]  }
0x10a: {  	v15 =	vld [tilespmem:s4+$0xFFFFFFD0]  }
0x10b: {  	v10 =	vld [tilespmem:s4+$0xFFFFFFE0]  }
0x10c: {  	v11 =	vld.idx.msk [tilespmem:v1+s22+$0x0], $0xffff  }
0x10d: {  	v13 =	vld.idx.msk [tilespmem:v2+s22+$0x0], $0xffff  }
0x10e: {  	v5 =	vld.idx.msk [tilespmem:v3+s22+$0x0], $0xffff  }
0x10f: {  	v4 =	vld.idx.msk [tilespmem:v4+s22+$0x0], $0xffff  }
0x110: {  	v14 =	vld.idx.msk [tilespmem:v9+s22+$0x0], $0xffff  }
0x111: {  	v2 =	vld.idx.msk [tilespmem:v8+s22+$0x0], $0xffff  }
0x112: {  	v8 =	vld [tilespmem:s4+$0xFFFFFFC0]  }
0x113: {  	v3 =	vld.idx.msk [tilespmem:v6+s22+$0x0], $0xffff  }
0x114: {  	v1 =	vld.idx.msk [tilespmem:v7+s22+$0x0], $0xffff  }
0x115: {  	v9 =	vld [tilespmem:s4+$0xFFFFFFF0]  }
0x116: {  	v7 =	vld [tilespmem:s4+$0x0];
	v11 =	vmul.f32 v12, v11  }
0x117: {  	s5 =	simm.s32 $0x1A040;
	v6 =	vld [tilespmem:s4+$0x10];
	v12 =	vmul.f32 v8, v14  }
0x118: {  	s6 =	simm.s32 $0x0;
	s7 =	simm.s32 $0x130C0;
	v8 =	vld [tilespmem:s4+$0x20];
	[tilespmem:s5+$0x30] =	vst v11;
	v11 =	vmul.f32 v15, v13  }
.LBB2_6:
0x119: {  	v13 =	vld [tilespmem:s7+$0x30];
	s6 =	sadd.s32 $0x8, s6;
	[tilespmem:s5+$0xFFFFFFC0] =	vst v12;
	v5 =	vmul.f32 v10, v5  }
0x11a: {  	v10 =	vld [tilespmem:s7+$0xFFFFFFD0];
	p0 =	slt.u32 s6, $0xF8;
	[tilespmem:s5+$0xFFFFFFD0] =	vst v11;
	v4 =	vmul.f32 v9, v4  }
0x11b: {  	v9 =	vld [tilespmem:s7+$0xFFFFFFE0];
	[tilespmem:s5+$0xFFFFFFE0] =	vst v5;
	v3 =	vmul.f32 v7, v3  }
0x11c: {  	v7 =	vld [tilespmem:s7+$0xFFFFFFF0];
	[tilespmem:s5+$0xFFFFFFF0] =	vst v4;
	v1 =	vmul.f32 v6, v1  }
0x11d: {  	v6 =	vld [tilespmem:s7+$0x0];
	[tilespmem:s5+$0x0] =	vst v3;
	v2 =	vmul.f32 v8, v2  }
0x11e: {  	v8 =	vld [tilespmem:s7+$0x10];
	[tilespmem:s5+$0x10] =	vst v1  }
0x11f: {  	v11 =	vld [tilespmem:s7+$0x20];
	[tilespmem:s5+$0x20] =	vst v2  }
0x120: {  	v2 =	vld [tilespmem:s7+$0xFFFFFFC0]  }
0x121: {  	s4 =	sadd.s32 $0x80, s4;
	v12 =	vld.idx.msk [tilespmem:v13+s22+$0x0], $0xffff  }
0x122: {  	v13 =	vld [tilespmem:s4+$0x30]  }
0x123: {  	v14 =	vld.idx.msk [tilespmem:v10+s22+$0x0], $0xffff  }
0x124: {  	v5 =	vld.idx.msk [tilespmem:v9+s22+$0x0], $0xffff  }
0x125: {  	v4 =	vld.idx.msk [tilespmem:v7+s22+$0x0], $0xffff  }
0x126: {  	v3 =	vld.idx.msk [tilespmem:v6+s22+$0x0], $0xffff  }
0x127: {  	v1 =	vld.idx.msk [tilespmem:v8+s22+$0x0], $0xffff;
	v6 =	vmul.f32 v13, v12  }
0x128: {  	s5 =	sadd.s32 $0x80, s5;
	v8 =	vld.idx.msk [tilespmem:v2+s22+$0x0], $0xffff  }
0x129: {  	v2 =	vld.idx.msk [tilespmem:v11+s22+$0x0], $0xffff;
	[tilespmem:s5+$0x30] =	vst v6  }
0x12a: {  	v6 =	vld [tilespmem:s4+$0xFFFFFFC0]  }
0x12b: {  	v11 =	vld [tilespmem:s4+$0xFFFFFFD0]  }
.Ltmp2:
0x12c: {  	v10 =	vld [tilespmem:s4+$0xFFFFFFE0];
	(pc) =	sbr.rel @p0 .LBB2_6-.Ltmp2, $4  }
0x12d: {  	v9 =	vld [tilespmem:s4+$0xFFFFFFF0]  }
0x12e: {  	v7 =	vld [tilespmem:s4+$0x0]  }
0x12f: {  	v12 =	vmul.f32 v6, v8;
	v6 =	vld [tilespmem:s4+$0x10]  }
0x130: {  	s7 =	sadd.s32 $0x80, s7;
	v11 =	vmul.f32 v11, v14;
	v8 =	vld [tilespmem:s4+$0x20]  }
0x131: {  	[tilespmem:s5+$0xFFFFFFC0] =	vst v12;
	v5 =	vmul.f32 v10, v5  }
0x132: {  	[tilespmem:s5+$0xFFFFFFD0] =	vst v11;
	v4 =	vmul.f32 v9, v4  }
0x133: {  	[tilespmem:s5+$0xFFFFFFE0] =	vst v5;
	v3 =	vmul.f32 v7, v3  }
0x134: {  	[tilespmem:s5+$0xFFFFFFF0] =	vst v4;
	v1 =	vmul.f32 v6, v1  }
0x135: {  	[tilespmem:s5+$0x0] =	vst v3;
	v2 =	vmul.f32 v8, v2  }
0x136: {  	[tilespmem:s5+$0x10] =	vst v1  }
0x137: {  	[tilespmem:s5+$0x20] =	vst v2  }
0x138: {  	[spmem:s9] =	stream.indirect.scatter.add.f32 [tilespmem:s25], [sflag:$0x3], $0x1, s18, s24, $0xb8;
	[tilespmem:$0x1D000] =	vst v63  }
0x139: {  	s4 =	rddreg [dreg:$0xc]  }
0x13a: {  	[tilespmem:s16], [sflag:$0x1] =	stream.linear.gather [hbm4b:s4+s1], $0x1000, $0x38;
	[tilespmem:$0x1D000] =	vst v63  }
0x13b: {  	s6 =	rddreg [dreg:$0xd]  }
0x13c: {  	[tilespmem:s17], [sflag:$0x1] =	stream.linear.gather [hbm4b:s6+s1], $0x1000, $0x38;
	[tilespmem:$0x1D000] =	vst v63  }
0x13d: {  	s7 =	rddreg [dreg:$0xe]  }
0x13e: {  	[tilespmem:s26], [sflag:$0x1] =	stream.linear.gather [hbm4b:s7+s1], $0x1000, $0x38;
	[tilespmem:$0x1D000] =	vst v63  }
0x13f: {  	_ =	swait.ge [sflag:s28], $0x1000  }
0x140: {  	[sflag:s28] =	ssyncset.done $0x0  }
0x141: {  	[sflag:s28] =	ssyncadd.s32 $0xFFFFF000  }
0x142: {  	_ =	swait.ge [sflag:s28], $0x1000  }
0x143: {  	[sflag:s28] =	ssyncset.done $0x0  }
0x144: {  	[sflag:s28] =	ssyncadd.s32 $0xFFFFF000  }
0x145: {  	_ =	swait.ge [sflag:s28], $0x1000  }
0x146: {  	[sflag:s28] =	ssyncset.done $0x0  }
0x147: {  	s8 =	simm.s32 $0x14040;
	[sflag:s28] =	ssyncadd.s32 $0xFFFFF000  }
0x148: {  	v1 =	vld [tilespmem:s8+$0x30]  }
0x149: {  	v2 =	vld [tilespmem:s8+$0xFFFFFFD0]  }
0x14a: {  	v3 =	vld [tilespmem:s8+$0xFFFFFFE0]  }
0x14b: {  	v4 =	vld [tilespmem:s8+$0xFFFFFFF0]  }
0x14c: {  	v6 =	vld [tilespmem:s8+$0x0]  }
0x14d: {  	v7 =	vld [tilespmem:s8+$0x10]  }
0x14e: {  	v8 =	vld [tilespmem:s8+$0x20]  }
0x14f: {  	s4 =	simm.s32 $0x16040;
	v9 =	vld [tilespmem:s8+$0xFFFFFFC0]  }
0x150: {  	v12 =	vld [tilespmem:s4+$0x30]  }
0x151: {  	v15 =	vld [tilespmem:s4+$0xFFFFFFD0]  }
0x152: {  	v10 =	vld [tilespmem:s4+$0xFFFFFFE0]  }
0x153: {  	v11 =	vld.idx.msk [tilespmem:v1+s22+$0x0], $0xffff  }
0x154: {  	v13 =	vld.idx.msk [tilespmem:v2+s22+$0x0], $0xffff  }
0x155: {  	v5 =	vld.idx.msk [tilespmem:v3+s22+$0x0], $0xffff  }
0x156: {  	v4 =	vld.idx.msk [tilespmem:v4+s22+$0x0], $0xffff  }
0x157: {  	v14 =	vld.idx.msk [tilespmem:v9+s22+$0x0], $0xffff  }
0x158: {  	v2 =	vld.idx.msk [tilespmem:v8+s22+$0x0], $0xffff  }
0x159: {  	v8 =	vld [tilespmem:s4+$0xFFFFFFC0]  }
0x15a: {  	v3 =	vld.idx.msk [tilespmem:v6+s22+$0x0], $0xffff  }
0x15b: {  	v1 =	vld.idx.msk [tilespmem:v7+s22+$0x0], $0xffff  }
0x15c: {  	v9 =	vld [tilespmem:s4+$0xFFFFFFF0]  }
0x15d: {  	v7 =	vld [tilespmem:s4+$0x0];
	v11 =	vmul.f32 v12, v11  }
0x15e: {  	s5 =	simm.s32 $0x1B040;
	v6 =	vld [tilespmem:s4+$0x10];
	v12 =	vmul.f32 v8, v14  }
0x15f: {  	s6 =	simm.s32 $0x0;
	s7 =	simm.s32 $0x140C0;
	v8 =	vld [tilespmem:s4+$0x20];
	[tilespmem:s5+$0x30] =	vst v11;
	v11 =	vmul.f32 v15, v13  }
.LBB2_8:
0x160: {  	v13 =	vld [tilespmem:s7+$0x30];
	s6 =	sadd.s32 $0x8, s6;
	[tilespmem:s5+$0xFFFFFFC0] =	vst v12;
	v5 =	vmul.f32 v10, v5  }
0x161: {  	v10 =	vld [tilespmem:s7+$0xFFFFFFD0];
	p0 =	slt.u32 s6, $0xF8;
	[tilespmem:s5+$0xFFFFFFD0] =	vst v11;
	v4 =	vmul.f32 v9, v4  }
0x162: {  	v9 =	vld [tilespmem:s7+$0xFFFFFFE0];
	[tilespmem:s5+$0xFFFFFFE0] =	vst v5;
	v3 =	vmul.f32 v7, v3  }
0x163: {  	v7 =	vld [tilespmem:s7+$0xFFFFFFF0];
	[tilespmem:s5+$0xFFFFFFF0] =	vst v4;
	v1 =	vmul.f32 v6, v1  }
0x164: {  	v6 =	vld [tilespmem:s7+$0x0];
	[tilespmem:s5+$0x0] =	vst v3;
	v2 =	vmul.f32 v8, v2  }
0x165: {  	v8 =	vld [tilespmem:s7+$0x10];
	[tilespmem:s5+$0x10] =	vst v1  }
0x166: {  	v11 =	vld [tilespmem:s7+$0x20];
	[tilespmem:s5+$0x20] =	vst v2  }
0x167: {  	v2 =	vld [tilespmem:s7+$0xFFFFFFC0]  }
0x168: {  	s4 =	sadd.s32 $0x80, s4;
	v12 =	vld.idx.msk [tilespmem:v13+s22+$0x0], $0xffff  }
0x169: {  	v13 =	vld [tilespmem:s4+$0x30]  }
0x16a: {  	v14 =	vld.idx.msk [tilespmem:v10+s22+$0x0], $0xffff  }
0x16b: {  	v5 =	vld.idx.msk [tilespmem:v9+s22+$0x0], $0xffff  }
0x16c: {  	v4 =	vld.idx.msk [tilespmem:v7+s22+$0x0], $0xffff  }
0x16d: {  	v3 =	vld.idx.msk [tilespmem:v6+s22+$0x0], $0xffff  }
0x16e: {  	v1 =	vld.idx.msk [tilespmem:v8+s22+$0x0], $0xffff;
	v6 =	vmul.f32 v13, v12  }
0x16f: {  	s5 =	sadd.s32 $0x80, s5;
	v8 =	vld.idx.msk [tilespmem:v2+s22+$0x0], $0xffff  }
0x170: {  	v2 =	vld.idx.msk [tilespmem:v11+s22+$0x0], $0xffff;
	[tilespmem:s5+$0x30] =	vst v6  }
0x171: {  	v6 =	vld [tilespmem:s4+$0xFFFFFFC0]  }
0x172: {  	v11 =	vld [tilespmem:s4+$0xFFFFFFD0]  }
.Ltmp3:
0x173: {  	v10 =	vld [tilespmem:s4+$0xFFFFFFE0];
	(pc) =	sbr.rel @p0 .LBB2_8-.Ltmp3, $4  }
0x174: {  	v9 =	vld [tilespmem:s4+$0xFFFFFFF0]  }
0x175: {  	v7 =	vld [tilespmem:s4+$0x0]  }
0x176: {  	v12 =	vmul.f32 v6, v8;
	v6 =	vld [tilespmem:s4+$0x10]  }
0x177: {  	s7 =	sadd.s32 $0x80, s7;
	v11 =	vmul.f32 v11, v14;
	v8 =	vld [tilespmem:s4+$0x20]  }
0x178: {  	[tilespmem:s5+$0xFFFFFFC0] =	vst v12;
	v5 =	vmul.f32 v10, v5  }
0x179: {  	[tilespmem:s5+$0xFFFFFFD0] =	vst v11;
	v4 =	vmul.f32 v9, v4  }
0x17a: {  	[tilespmem:s5+$0xFFFFFFE0] =	vst v5;
	v3 =	vmul.f32 v7, v3  }
0x17b: {  	[tilespmem:s5+$0xFFFFFFF0] =	vst v4;
	v1 =	vmul.f32 v6, v1  }
0x17c: {  	[tilespmem:s5+$0x0] =	vst v3;
	v2 =	vmul.f32 v8, v2  }
0x17d: {  	[tilespmem:s5+$0x10] =	vst v1  }
0x17e: {  	[tilespmem:s5+$0x20] =	vst v2  }
0x17f: {  	[spmem:s9] =	stream.indirect.scatter.add.f32 [tilespmem:s29], [sflag:$0x4], $0x1, s21, s24, $0xb8;
	[tilespmem:$0x1D000] =	vst v63  }
0x180: {  	_ =	swait.ge [sflag:s30], $0x1000  }
0x181: {  	[sflag:s30] =	ssyncset.done $0x0  }
0x182: {  	s4 =	rddreg [dreg:$0xf];
	[sflag:s30] =	ssyncadd.s32 $0xFFFFF000  }
0x183: {  	[tilespmem:s19], [sflag:$0x2] =	stream.linear.gather [hbm4b:s4+s1], $0x1000, $0x38;
	[tilespmem:$0x1D000] =	vst v63  }
0x184: {  	s6 =	rddreg [dreg:$0x10]  }
0x185: {  	[tilespmem:s20], [sflag:$0x2] =	stream.linear.gather [hbm4b:s6+s1], $0x1000, $0x38;
	[tilespmem:$0x1D000] =	vst v63  }
0x186: {  	s7 =	rddreg [dreg:$0x11]  }
0x187: {  	[tilespmem:s18], [sflag:$0x2] =	stream.linear.gather [hbm4b:s7+s1], $0x1000, $0x38;
	[tilespmem:$0x1D000] =	vst v63  }
0x188: {  	_ =	swait.ge [sflag:s23], $0x1000  }
0x189: {  	[sflag:s23] =	ssyncset.done $0x0  }
0x18a: {  	[sflag:s23] =	ssyncadd.s32 $0xFFFFF000  }
0x18b: {  	_ =	swait.ge [sflag:s23], $0x1000  }
0x18c: {  	[sflag:s23] =	ssyncset.done $0x0  }
0x18d: {  	[sflag:s23] =	ssyncadd.s32 $0xFFFFF000  }
0x18e: {  	_ =	swait.ge [sflag:s23], $0x1000  }
0x18f: {  	[sflag:s23] =	ssyncset.done $0x0  }
0x190: {  	s8 =	simm.s32 $0x13040;
	[sflag:s23] =	ssyncadd.s32 $0xFFFFF000  }
0x191: {  	v1 =	vld [tilespmem:s8+$0x30]  }
0x192: {  	v2 =	vld [tilespmem:s8+$0xFFFFFFD0]  }
0x193: {  	v3 =	vld [tilespmem:s8+$0xFFFFFFE0]  }
0x194: {  	v4 =	vld [tilespmem:s8+$0xFFFFFFF0]  }
0x195: {  	v6 =	vld [tilespmem:s8+$0x0]  }
0x196: {  	v7 =	vld [tilespmem:s8+$0x10]  }
0x197: {  	v8 =	vld [tilespmem:s8+$0x20]  }
0x198: {  	s4 =	simm.s32 $0x15040;
	v9 =	vld [tilespmem:s8+$0xFFFFFFC0]  }
0x199: {  	v12 =	vld [tilespmem:s4+$0x30]  }
0x19a: {  	v15 =	vld [tilespmem:s4+$0xFFFFFFD0]  }
0x19b: {  	v10 =	vld [tilespmem:s4+$0xFFFFFFE0]  }
0x19c: {  	v11 =	vld.idx.msk [tilespmem:v1+s22+$0x0], $0xffff  }
0x19d: {  	v13 =	vld.idx.msk [tilespmem:v2+s22+$0x0], $0xffff  }
0x19e: {  	v5 =	vld.idx.msk [tilespmem:v3+s22+$0x0], $0xffff  }
0x19f: {  	v4 =	vld.idx.msk [tilespmem:v4+s22+$0x0], $0xffff  }
0x1a0: {  	v14 =	vld.idx.msk [tilespmem:v9+s22+$0x0], $0xffff  }
0x1a1: {  	v2 =	vld.idx.msk [tilespmem:v8+s22+$0x0], $0xffff  }
0x1a2: {  	v8 =	vld [tilespmem:s4+$0xFFFFFFC0]  }
0x1a3: {  	v3 =	vld.idx.msk [tilespmem:v6+s22+$0x0], $0xffff  }
0x1a4: {  	v1 =	vld.idx.msk [tilespmem:v7+s22+$0x0], $0xffff  }
0x1a5: {  	v9 =	vld [tilespmem:s4+$0xFFFFFFF0]  }
0x1a6: {  	v7 =	vld [tilespmem:s4+$0x0];
	v11 =	vmul.f32 v12, v11  }
0x1a7: {  	s5 =	simm.s32 $0x1C040;
	v6 =	vld [tilespmem:s4+$0x10];
	v12 =	vmul.f32 v8, v14  }
0x1a8: {  	s6 =	simm.s32 $0x0;
	s7 =	simm.s32 $0x130C0;
	v8 =	vld [tilespmem:s4+$0x20];
	[tilespmem:s5+$0x30] =	vst v11;
	v11 =	vmul.f32 v15, v13  }
.LBB2_10:
0x1a9: {  	v13 =	vld [tilespmem:s7+$0x30];
	s6 =	sadd.s32 $0x8, s6;
	[tilespmem:s5+$0xFFFFFFC0] =	vst v12;
	v5 =	vmul.f32 v10, v5  }
0x1aa: {  	v10 =	vld [tilespmem:s7+$0xFFFFFFD0];
	p0 =	slt.u32 s6, $0xF8;
	[tilespmem:s5+$0xFFFFFFD0] =	vst v11;
	v4 =	vmul.f32 v9, v4  }
0x1ab: {  	v9 =	vld [tilespmem:s7+$0xFFFFFFE0];
	[tilespmem:s5+$0xFFFFFFE0] =	vst v5;
	v3 =	vmul.f32 v7, v3  }
0x1ac: {  	v7 =	vld [tilespmem:s7+$0xFFFFFFF0];
	[tilespmem:s5+$0xFFFFFFF0] =	vst v4;
	v1 =	vmul.f32 v6, v1  }
0x1ad: {  	v6 =	vld [tilespmem:s7+$0x0];
	[tilespmem:s5+$0x0] =	vst v3;
	v2 =	vmul.f32 v8, v2  }
0x1ae: {  	v8 =	vld [tilespmem:s7+$0x10];
	[tilespmem:s5+$0x10] =	vst v1  }
0x1af: {  	v11 =	vld [tilespmem:s7+$0x20];
	[tilespmem:s5+$0x20] =	vst v2  }
0x1b0: {  	v2 =	vld [tilespmem:s7+$0xFFFFFFC0]  }
0x1b1: {  	s4 =	sadd.s32 $0x80, s4;
	v12 =	vld.idx.msk [tilespmem:v13+s22+$0x0], $0xffff  }
0x1b2: {  	v13 =	vld [tilespmem:s4+$0x30]  }
0x1b3: {  	v14 =	vld.idx.msk [tilespmem:v10+s22+$0x0], $0xffff  }
0x1b4: {  	v5 =	vld.idx.msk [tilespmem:v9+s22+$0x0], $0xffff  }
0x1b5: {  	v4 =	vld.idx.msk [tilespmem:v7+s22+$0x0], $0xffff  }
0x1b6: {  	v3 =	vld.idx.msk [tilespmem:v6+s22+$0x0], $0xffff  }
0x1b7: {  	v1 =	vld.idx.msk [tilespmem:v8+s22+$0x0], $0xffff;
	v6 =	vmul.f32 v13, v12  }
0x1b8: {  	s5 =	sadd.s32 $0x80, s5;
	v8 =	vld.idx.msk [tilespmem:v2+s22+$0x0], $0xffff  }
0x1b9: {  	v2 =	vld.idx.msk [tilespmem:v11+s22+$0x0], $0xffff;
	[tilespmem:s5+$0x30] =	vst v6  }
0x1ba: {  	v6 =	vld [tilespmem:s4+$0xFFFFFFC0]  }
0x1bb: {  	v11 =	vld [tilespmem:s4+$0xFFFFFFD0]  }
.Ltmp4:
0x1bc: {  	v10 =	vld [tilespmem:s4+$0xFFFFFFE0];
	(pc) =	sbr.rel @p0 .LBB2_10-.Ltmp4, $4  }
0x1bd: {  	v9 =	vld [tilespmem:s4+$0xFFFFFFF0]  }
0x1be: {  	v7 =	vld [tilespmem:s4+$0x0]  }
0x1bf: {  	v12 =	vmul.f32 v6, v8;
	v6 =	vld [tilespmem:s4+$0x10]  }
0x1c0: {  	s7 =	sadd.s32 $0x80, s7;
	v11 =	vmul.f32 v11, v14;
	v8 =	vld [tilespmem:s4+$0x20]  }
0x1c1: {  	[tilespmem:s5+$0xFFFFFFC0] =	vst v12;
	v5 =	vmul.f32 v10, v5  }
0x1c2: {  	[tilespmem:s5+$0xFFFFFFD0] =	vst v11;
	v4 =	vmul.f32 v9, v4  }
0x1c3: {  	[tilespmem:s5+$0xFFFFFFE0] =	vst v5;
	v3 =	vmul.f32 v7, v3  }
0x1c4: {  	[tilespmem:s5+$0xFFFFFFF0] =	vst v4;
	v1 =	vmul.f32 v6, v1  }
0x1c5: {  	[tilespmem:s5+$0x0] =	vst v3;
	v2 =	vmul.f32 v8, v2  }
0x1c6: {  	[tilespmem:s5+$0x10] =	vst v1  }
0x1c7: {  	[tilespmem:s5+$0x20] =	vst v2  }
0x1c8: {  	[spmem:s9] =	stream.indirect.scatter.add.f32 [tilespmem:s31], [sflag:$0x5], $0x1, s26, s24, $0xb8;
	[tilespmem:$0x1D000] =	vst v63  }
0x1c9: {  	_ =	swait.ge [sflag:s0], $0x1000  }
0x1ca: {  	[sflag:s0] =	ssyncset.done $0x0  }
0x1cb: {  	s4 =	rddreg [dreg:$0x12];
	[sflag:s0] =	ssyncadd.s32 $0xFFFFF000  }
0x1cc: {  	[tilespmem:s16], [sflag:$0x1] =	stream.linear.gather [hbm4b:s4+s1], $0x1000, $0x38;
	[tilespmem:$0x1D000] =	vst v63  }
0x1cd: {  	s6 =	rddreg [dreg:$0x13]  }
0x1ce: {  	[tilespmem:s17], [sflag:$0x1] =	stream.linear.gather [hbm4b:s6+s1], $0x1000, $0x38;
	[tilespmem:$0x1D000] =	vst v63  }
0x1cf: {  	s7 =	rddreg [dreg:$0x14]  }
0x1d0: {  	[tilespmem:s21], [sflag:$0x1] =	stream.linear.gather [hbm4b:s7+s1], $0x1000, $0x38;
	[tilespmem:$0x1D000] =	vst v63  }
0x1d1: {  	_ =	swait.ge [sflag:s28], $0x1000  }
0x1d2: {  	[sflag:s28] =	ssyncset.done $0x0  }
0x1d3: {  	[sflag:s28] =	ssyncadd.s32 $0xFFFFF000  }
0x1d4: {  	_ =	swait.ge [sflag:s28], $0x1000  }
0x1d5: {  	[sflag:s28] =	ssyncset.done $0x0  }
0x1d6: {  	[sflag:s28] =	ssyncadd.s32 $0xFFFFF000  }
0x1d7: {  	_ =	swait.ge [sflag:s28], $0x1000  }
0x1d8: {  	[sflag:s28] =	ssyncset.done $0x0  }
0x1d9: {  	s8 =	simm.s32 $0x14040;
	[sflag:s28] =	ssyncadd.s32 $0xFFFFF000  }
0x1da: {  	v1 =	vld [tilespmem:s8+$0x30]  }
0x1db: {  	v2 =	vld [tilespmem:s8+$0xFFFFFFD0]  }
0x1dc: {  	v3 =	vld [tilespmem:s8+$0xFFFFFFE0]  }
0x1dd: {  	v4 =	vld [tilespmem:s8+$0xFFFFFFF0]  }
0x1de: {  	v6 =	vld [tilespmem:s8+$0x0]  }
0x1df: {  	v7 =	vld [tilespmem:s8+$0x10]  }
0x1e0: {  	v8 =	vld [tilespmem:s8+$0x20]  }
0x1e1: {  	s4 =	simm.s32 $0x16040;
	v9 =	vld [tilespmem:s8+$0xFFFFFFC0]  }
0x1e2: {  	v12 =	vld [tilespmem:s4+$0x30]  }
0x1e3: {  	v15 =	vld [tilespmem:s4+$0xFFFFFFD0]  }
0x1e4: {  	v10 =	vld [tilespmem:s4+$0xFFFFFFE0]  }
0x1e5: {  	v11 =	vld.idx.msk [tilespmem:v1+s22+$0x0], $0xffff  }
0x1e6: {  	v13 =	vld.idx.msk [tilespmem:v2+s22+$0x0], $0xffff  }
0x1e7: {  	v5 =	vld.idx.msk [tilespmem:v3+s22+$0x0], $0xffff  }
0x1e8: {  	v4 =	vld.idx.msk [tilespmem:v4+s22+$0x0], $0xffff  }
0x1e9: {  	v14 =	vld.idx.msk [tilespmem:v9+s22+$0x0], $0xffff  }
0x1ea: {  	v2 =	vld.idx.msk [tilespmem:v8+s22+$0x0], $0xffff  }
0x1eb: {  	v8 =	vld [tilespmem:s4+$0xFFFFFFC0]  }
0x1ec: {  	v3 =	vld.idx.msk [tilespmem:v6+s22+$0x0], $0xffff  }
0x1ed: {  	v1 =	vld.idx.msk [tilespmem:v7+s22+$0x0], $0xffff  }
0x1ee: {  	v9 =	vld [tilespmem:s4+$0xFFFFFFF0]  }
0x1ef: {  	v7 =	vld [tilespmem:s4+$0x0];
	v11 =	vmul.f32 v12, v11  }
0x1f0: {  	s5 =	simm.s32 $0x1A040;
	v6 =	vld [tilespmem:s4+$0x10];
	v12 =	vmul.f32 v8, v14  }
0x1f1: {  	s6 =	simm.s32 $0x0;
	s7 =	simm.s32 $0x140C0;
	v8 =	vld [tilespmem:s4+$0x20];
	[tilespmem:s5+$0x30] =	vst v11;
	v11 =	vmul.f32 v15, v13  }
.LBB2_12:
0x1f2: {  	v13 =	vld [tilespmem:s7+$0x30];
	s6 =	sadd.s32 $0x8, s6;
	[tilespmem:s5+$0xFFFFFFC0] =	vst v12;
	v5 =	vmul.f32 v10, v5  }
0x1f3: {  	v10 =	vld [tilespmem:s7+$0xFFFFFFD0];
	p0 =	slt.u32 s6, $0xF8;
	[tilespmem:s5+$0xFFFFFFD0] =	vst v11;
	v4 =	vmul.f32 v9, v4  }
0x1f4: {  	v9 =	vld [tilespmem:s7+$0xFFFFFFE0];
	[tilespmem:s5+$0xFFFFFFE0] =	vst v5;
	v3 =	vmul.f32 v7, v3  }
0x1f5: {  	v7 =	vld [tilespmem:s7+$0xFFFFFFF0];
	[tilespmem:s5+$0xFFFFFFF0] =	vst v4;
	v1 =	vmul.f32 v6, v1  }
0x1f6: {  	v6 =	vld [tilespmem:s7+$0x0];
	[tilespmem:s5+$0x0] =	vst v3;
	v2 =	vmul.f32 v8, v2  }
0x1f7: {  	v8 =	vld [tilespmem:s7+$0x10];
	[tilespmem:s5+$0x10] =	vst v1  }
0x1f8: {  	v11 =	vld [tilespmem:s7+$0x20];
	[tilespmem:s5+$0x20] =	vst v2  }
0x1f9: {  	v2 =	vld [tilespmem:s7+$0xFFFFFFC0]  }
0x1fa: {  	s4 =	sadd.s32 $0x80, s4;
	v12 =	vld.idx.msk [tilespmem:v13+s22+$0x0], $0xffff  }
0x1fb: {  	v13 =	vld [tilespmem:s4+$0x30]  }
0x1fc: {  	v14 =	vld.idx.msk [tilespmem:v10+s22+$0x0], $0xffff  }
0x1fd: {  	v5 =	vld.idx.msk [tilespmem:v9+s22+$0x0], $0xffff  }
0x1fe: {  	v4 =	vld.idx.msk [tilespmem:v7+s22+$0x0], $0xffff  }
0x1ff: {  	v3 =	vld.idx.msk [tilespmem:v6+s22+$0x0], $0xffff  }
0x200: {  	v1 =	vld.idx.msk [tilespmem:v8+s22+$0x0], $0xffff;
	v6 =	vmul.f32 v13, v12  }
0x201: {  	s5 =	sadd.s32 $0x80, s5;
	v8 =	vld.idx.msk [tilespmem:v2+s22+$0x0], $0xffff  }
0x202: {  	v2 =	vld.idx.msk [tilespmem:v11+s22+$0x0], $0xffff;
	[tilespmem:s5+$0x30] =	vst v6  }
0x203: {  	v6 =	vld [tilespmem:s4+$0xFFFFFFC0]  }
0x204: {  	v11 =	vld [tilespmem:s4+$0xFFFFFFD0]  }
.Ltmp5:
0x205: {  	v10 =	vld [tilespmem:s4+$0xFFFFFFE0];
	(pc) =	sbr.rel @p0 .LBB2_12-.Ltmp5, $4  }
0x206: {  	v9 =	vld [tilespmem:s4+$0xFFFFFFF0]  }
0x207: {  	v7 =	vld [tilespmem:s4+$0x0]  }
0x208: {  	v12 =	vmul.f32 v6, v8;
	v6 =	vld [tilespmem:s4+$0x10]  }
0x209: {  	s7 =	sadd.s32 $0x80, s7;
	v11 =	vmul.f32 v11, v14;
	v8 =	vld [tilespmem:s4+$0x20]  }
0x20a: {  	[tilespmem:s5+$0xFFFFFFC0] =	vst v12;
	v5 =	vmul.f32 v10, v5  }
0x20b: {  	[tilespmem:s5+$0xFFFFFFD0] =	vst v11;
	v4 =	vmul.f32 v9, v4  }
0x20c: {  	[tilespmem:s5+$0xFFFFFFE0] =	vst v5;
	v3 =	vmul.f32 v7, v3  }
0x20d: {  	[tilespmem:s5+$0xFFFFFFF0] =	vst v4;
	v1 =	vmul.f32 v6, v1  }
0x20e: {  	[tilespmem:s5+$0x0] =	vst v3;
	v2 =	vmul.f32 v8, v2  }
0x20f: {  	[tilespmem:s5+$0x10] =	vst v1  }
0x210: {  	[tilespmem:s5+$0x20] =	vst v2  }
0x211: {  	[spmem:s9] =	stream.indirect.scatter.add.f32 [tilespmem:s25], [sflag:$0x3], $0x1, s18, s24, $0xb8;
	[tilespmem:$0x1D000] =	vst v63  }
0x212: {  	_ =	swait.ge [sflag:s2], $0x1000  }
0x213: {  	[sflag:s2] =	ssyncset.done $0x0  }
0x214: {  	s4 =	rddreg [dreg:$0x15];
	[sflag:s2] =	ssyncadd.s32 $0xFFFFF000  }
0x215: {  	[tilespmem:s19], [sflag:$0x2] =	stream.linear.gather [hbm4b:s4+s1], $0x1000, $0x38;
	[tilespmem:$0x1D000] =	vst v63  }
0x216: {  	s6 =	rddreg [dreg:$0x16]  }
0x217: {  	[tilespmem:s20], [sflag:$0x2] =	stream.linear.gather [hbm4b:s6+s1], $0x1000, $0x38;
	[tilespmem:$0x1D000] =	vst v63  }
0x218: {  	s7 =	rddreg [dreg:$0x17]  }
0x219: {  	[tilespmem:s26], [sflag:$0x2] =	stream.linear.gather [hbm4b:s7+s1], $0x1000, $0x38;
	[tilespmem:$0x1D000] =	vst v63  }
0x21a: {  	_ =	swait.ge [sflag:s23], $0x1000  }
0x21b: {  	[sflag:s23] =	ssyncset.done $0x0  }
0x21c: {  	[sflag:s23] =	ssyncadd.s32 $0xFFFFF000  }
0x21d: {  	_ =	swait.ge [sflag:s23], $0x1000  }
0x21e: {  	[sflag:s23] =	ssyncset.done $0x0  }
0x21f: {  	[sflag:s23] =	ssyncadd.s32 $0xFFFFF000  }
0x220: {  	_ =	swait.ge [sflag:s23], $0x1000  }
0x221: {  	[sflag:s23] =	ssyncset.done $0x0  }
0x222: {  	s8 =	simm.s32 $0x13040;
	[sflag:s23] =	ssyncadd.s32 $0xFFFFF000  }
0x223: {  	v1 =	vld [tilespmem:s8+$0x30]  }
0x224: {  	v2 =	vld [tilespmem:s8+$0xFFFFFFD0]  }
0x225: {  	v3 =	vld [tilespmem:s8+$0xFFFFFFE0]  }
0x226: {  	v4 =	vld [tilespmem:s8+$0xFFFFFFF0]  }
0x227: {  	v6 =	vld [tilespmem:s8+$0x0]  }
0x228: {  	v7 =	vld [tilespmem:s8+$0x10]  }
0x229: {  	v8 =	vld [tilespmem:s8+$0x20]  }
0x22a: {  	s4 =	simm.s32 $0x15040;
	v9 =	vld [tilespmem:s8+$0xFFFFFFC0]  }
0x22b: {  	v12 =	vld [tilespmem:s4+$0x30]  }
0x22c: {  	v15 =	vld [tilespmem:s4+$0xFFFFFFD0]  }
0x22d: {  	v10 =	vld [tilespmem:s4+$0xFFFFFFE0]  }
0x22e: {  	v11 =	vld.idx.msk [tilespmem:v1+s22+$0x0], $0xffff  }
0x22f: {  	v13 =	vld.idx.msk [tilespmem:v2+s22+$0x0], $0xffff  }
0x230: {  	v5 =	vld.idx.msk [tilespmem:v3+s22+$0x0], $0xffff  }
0x231: {  	v4 =	vld.idx.msk [tilespmem:v4+s22+$0x0], $0xffff  }
0x232: {  	v14 =	vld.idx.msk [tilespmem:v9+s22+$0x0], $0xffff  }
0x233: {  	v2 =	vld.idx.msk [tilespmem:v8+s22+$0x0], $0xffff  }
0x234: {  	v8 =	vld [tilespmem:s4+$0xFFFFFFC0]  }
0x235: {  	v3 =	vld.idx.msk [tilespmem:v6+s22+$0x0], $0xffff  }
0x236: {  	v1 =	vld.idx.msk [tilespmem:v7+s22+$0x0], $0xffff  }
0x237: {  	v9 =	vld [tilespmem:s4+$0xFFFFFFF0]  }
0x238: {  	v7 =	vld [tilespmem:s4+$0x0];
	v11 =	vmul.f32 v12, v11  }
0x239: {  	s5 =	simm.s32 $0x1B040;
	v6 =	vld [tilespmem:s4+$0x10];
	v12 =	vmul.f32 v8, v14  }
0x23a: {  	s6 =	simm.s32 $0x0;
	s7 =	simm.s32 $0x130C0;
	v8 =	vld [tilespmem:s4+$0x20];
	[tilespmem:s5+$0x30] =	vst v11;
	v11 =	vmul.f32 v15, v13  }
.LBB2_14:
0x23b: {  	v13 =	vld [tilespmem:s7+$0x30];
	s6 =	sadd.s32 $0x8, s6;
	[tilespmem:s5+$0xFFFFFFC0] =	vst v12;
	v5 =	vmul.f32 v10, v5  }
0x23c: {  	v10 =	vld [tilespmem:s7+$0xFFFFFFD0];
	p0 =	slt.u32 s6, $0xF8;
	[tilespmem:s5+$0xFFFFFFD0] =	vst v11;
	v4 =	vmul.f32 v9, v4  }
0x23d: {  	v9 =	vld [tilespmem:s7+$0xFFFFFFE0];
	[tilespmem:s5+$0xFFFFFFE0] =	vst v5;
	v3 =	vmul.f32 v7, v3  }
0x23e: {  	v7 =	vld [tilespmem:s7+$0xFFFFFFF0];
	[tilespmem:s5+$0xFFFFFFF0] =	vst v4;
	v1 =	vmul.f32 v6, v1  }
0x23f: {  	v6 =	vld [tilespmem:s7+$0x0];
	[tilespmem:s5+$0x0] =	vst v3;
	v2 =	vmul.f32 v8, v2  }
0x240: {  	v8 =	vld [tilespmem:s7+$0x10];
	[tilespmem:s5+$0x10] =	vst v1  }
0x241: {  	v11 =	vld [tilespmem:s7+$0x20];
	[tilespmem:s5+$0x20] =	vst v2  }
0x242: {  	v2 =	vld [tilespmem:s7+$0xFFFFFFC0]  }
0x243: {  	s4 =	sadd.s32 $0x80, s4;
	v12 =	vld.idx.msk [tilespmem:v13+s22+$0x0], $0xffff  }
0x244: {  	v13 =	vld [tilespmem:s4+$0x30]  }
0x245: {  	v14 =	vld.idx.msk [tilespmem:v10+s22+$0x0], $0xffff  }
0x246: {  	v5 =	vld.idx.msk [tilespmem:v9+s22+$0x0], $0xffff  }
0x247: {  	v4 =	vld.idx.msk [tilespmem:v7+s22+$0x0], $0xffff  }
0x248: {  	v3 =	vld.idx.msk [tilespmem:v6+s22+$0x0], $0xffff  }
0x249: {  	v1 =	vld.idx.msk [tilespmem:v8+s22+$0x0], $0xffff;
	v6 =	vmul.f32 v13, v12  }
0x24a: {  	s5 =	sadd.s32 $0x80, s5;
	v8 =	vld.idx.msk [tilespmem:v2+s22+$0x0], $0xffff  }
0x24b: {  	v2 =	vld.idx.msk [tilespmem:v11+s22+$0x0], $0xffff;
	[tilespmem:s5+$0x30] =	vst v6  }
0x24c: {  	v6 =	vld [tilespmem:s4+$0xFFFFFFC0]  }
0x24d: {  	v11 =	vld [tilespmem:s4+$0xFFFFFFD0]  }
.Ltmp6:
0x24e: {  	v10 =	vld [tilespmem:s4+$0xFFFFFFE0];
	(pc) =	sbr.rel @p0 .LBB2_14-.Ltmp6, $4  }
0x24f: {  	v9 =	vld [tilespmem:s4+$0xFFFFFFF0]  }
0x250: {  	v7 =	vld [tilespmem:s4+$0x0]  }
0x251: {  	v12 =	vmul.f32 v6, v8;
	v6 =	vld [tilespmem:s4+$0x10]  }
0x252: {  	s7 =	sadd.s32 $0x80, s7;
	v11 =	vmul.f32 v11, v14;
	v8 =	vld [tilespmem:s4+$0x20]  }
0x253: {  	[tilespmem:s5+$0xFFFFFFC0] =	vst v12;
	v5 =	vmul.f32 v10, v5  }
0x254: {  	[tilespmem:s5+$0xFFFFFFD0] =	vst v11;
	v4 =	vmul.f32 v9, v4  }
0x255: {  	[tilespmem:s5+$0xFFFFFFE0] =	vst v5;
	v3 =	vmul.f32 v7, v3  }
0x256: {  	[tilespmem:s5+$0xFFFFFFF0] =	vst v4;
	v1 =	vmul.f32 v6, v1  }
0x257: {  	[tilespmem:s5+$0x0] =	vst v3;
	v2 =	vmul.f32 v8, v2  }
0x258: {  	[tilespmem:s5+$0x10] =	vst v1  }
0x259: {  	[tilespmem:s5+$0x20] =	vst v2  }
0x25a: {  	[spmem:s9] =	stream.indirect.scatter.add.f32 [tilespmem:s29], [sflag:$0x4], $0x1, s21, s24, $0xb8;
	[tilespmem:$0x1D000] =	vst v63  }
0x25b: {  	_ =	swait.ge [sflag:s30], $0x1000  }
0x25c: {  	[sflag:s30] =	ssyncset.done $0x0  }
0x25d: {  	s4 =	rddreg [dreg:$0x18];
	[sflag:s30] =	ssyncadd.s32 $0xFFFFF000  }
0x25e: {  	[tilespmem:s16], [sflag:$0x1] =	stream.linear.gather [hbm4b:s4+s1], $0x1000, $0x38;
	[tilespmem:$0x1D000] =	vst v63  }
0x25f: {  	s6 =	rddreg [dreg:$0x19]  }
0x260: {  	[tilespmem:s17], [sflag:$0x1] =	stream.linear.gather [hbm4b:s6+s1], $0x1000, $0x38;
	[tilespmem:$0x1D000] =	vst v63  }
0x261: {  	s7 =	rddreg [dreg:$0x1a]  }
0x262: {  	[tilespmem:s18], [sflag:$0x1] =	stream.linear.gather [hbm4b:s7+s1], $0x1000, $0x38;
	[tilespmem:$0x1D000] =	vst v63  }
0x263: {  	_ =	swait.ge [sflag:s28], $0x1000  }
0x264: {  	[sflag:s28] =	ssyncset.done $0x0  }
0x265: {  	[sflag:s28] =	ssyncadd.s32 $0xFFFFF000  }
0x266: {  	_ =	swait.ge [sflag:s28], $0x1000  }
0x267: {  	[sflag:s28] =	ssyncset.done $0x0  }
0x268: {  	[sflag:s28] =	ssyncadd.s32 $0xFFFFF000  }
0x269: {  	_ =	swait.ge [sflag:s28], $0x1000  }
0x26a: {  	[sflag:s28] =	ssyncset.done $0x0  }
0x26b: {  	s8 =	simm.s32 $0x14040;
	[sflag:s28] =	ssyncadd.s32 $0xFFFFF000  }
0x26c: {  	v1 =	vld [tilespmem:s8+$0x30]  }
0x26d: {  	v2 =	vld [tilespmem:s8+$0xFFFFFFD0]  }
0x26e: {  	v3 =	vld [tilespmem:s8+$0xFFFFFFE0]  }
0x26f: {  	v4 =	vld [tilespmem:s8+$0xFFFFFFF0]  }
0x270: {  	v6 =	vld [tilespmem:s8+$0x0]  }
0x271: {  	v7 =	vld [tilespmem:s8+$0x10]  }
0x272: {  	v8 =	vld [tilespmem:s8+$0x20]  }
0x273: {  	s4 =	simm.s32 $0x16040;
	v9 =	vld [tilespmem:s8+$0xFFFFFFC0]  }
0x274: {  	v12 =	vld [tilespmem:s4+$0x30]  }
0x275: {  	v15 =	vld [tilespmem:s4+$0xFFFFFFD0]  }
0x276: {  	v10 =	vld [tilespmem:s4+$0xFFFFFFE0]  }
0x277: {  	v11 =	vld.idx.msk [tilespmem:v1+s22+$0x0], $0xffff  }
0x278: {  	v13 =	vld.idx.msk [tilespmem:v2+s22+$0x0], $0xffff  }
0x279: {  	v5 =	vld.idx.msk [tilespmem:v3+s22+$0x0], $0xffff  }
0x27a: {  	v4 =	vld.idx.msk [tilespmem:v4+s22+$0x0], $0xffff  }
0x27b: {  	v14 =	vld.idx.msk [tilespmem:v9+s22+$0x0], $0xffff  }
0x27c: {  	v2 =	vld.idx.msk [tilespmem:v8+s22+$0x0], $0xffff  }
0x27d: {  	v8 =	vld [tilespmem:s4+$0xFFFFFFC0]  }
0x27e: {  	v3 =	vld.idx.msk [tilespmem:v6+s22+$0x0], $0xffff  }
0x27f: {  	v1 =	vld.idx.msk [tilespmem:v7+s22+$0x0], $0xffff  }
0x280: {  	v9 =	vld [tilespmem:s4+$0xFFFFFFF0]  }
0x281: {  	v7 =	vld [tilespmem:s4+$0x0];
	v11 =	vmul.f32 v12, v11  }
0x282: {  	s5 =	simm.s32 $0x1C040;
	v6 =	vld [tilespmem:s4+$0x10];
	v12 =	vmul.f32 v8, v14  }
0x283: {  	s6 =	simm.s32 $0x0;
	s7 =	simm.s32 $0x140C0;
	v8 =	vld [tilespmem:s4+$0x20];
	[tilespmem:s5+$0x30] =	vst v11;
	v11 =	vmul.f32 v15, v13  }
.LBB2_16:
0x284: {  	v13 =	vld [tilespmem:s7+$0x30];
	s6 =	sadd.s32 $0x8, s6;
	[tilespmem:s5+$0xFFFFFFC0] =	vst v12;
	v5 =	vmul.f32 v10, v5  }
0x285: {  	v10 =	vld [tilespmem:s7+$0xFFFFFFD0];
	p0 =	slt.u32 s6, $0xF8;
	[tilespmem:s5+$0xFFFFFFD0] =	vst v11;
	v4 =	vmul.f32 v9, v4  }
0x286: {  	v9 =	vld [tilespmem:s7+$0xFFFFFFE0];
	[tilespmem:s5+$0xFFFFFFE0] =	vst v5;
	v3 =	vmul.f32 v7, v3  }
0x287: {  	v7 =	vld [tilespmem:s7+$0xFFFFFFF0];
	[tilespmem:s5+$0xFFFFFFF0] =	vst v4;
	v1 =	vmul.f32 v6, v1  }
0x288: {  	v6 =	vld [tilespmem:s7+$0x0];
	[tilespmem:s5+$0x0] =	vst v3;
	v2 =	vmul.f32 v8, v2  }
0x289: {  	v8 =	vld [tilespmem:s7+$0x10];
	[tilespmem:s5+$0x10] =	vst v1  }
0x28a: {  	v11 =	vld [tilespmem:s7+$0x20];
	[tilespmem:s5+$0x20] =	vst v2  }
0x28b: {  	v2 =	vld [tilespmem:s7+$0xFFFFFFC0]  }
0x28c: {  	s4 =	sadd.s32 $0x80, s4;
	v12 =	vld.idx.msk [tilespmem:v13+s22+$0x0], $0xffff  }
0x28d: {  	v13 =	vld [tilespmem:s4+$0x30]  }
0x28e: {  	v14 =	vld.idx.msk [tilespmem:v10+s22+$0x0], $0xffff  }
0x28f: {  	v5 =	vld.idx.msk [tilespmem:v9+s22+$0x0], $0xffff  }
0x290: {  	v4 =	vld.idx.msk [tilespmem:v7+s22+$0x0], $0xffff  }
0x291: {  	v3 =	vld.idx.msk [tilespmem:v6+s22+$0x0], $0xffff  }
0x292: {  	v1 =	vld.idx.msk [tilespmem:v8+s22+$0x0], $0xffff;
	v6 =	vmul.f32 v13, v12  }
0x293: {  	s5 =	sadd.s32 $0x80, s5;
	v8 =	vld.idx.msk [tilespmem:v2+s22+$0x0], $0xffff  }
0x294: {  	v2 =	vld.idx.msk [tilespmem:v11+s22+$0x0], $0xffff;
	[tilespmem:s5+$0x30] =	vst v6  }
0x295: {  	v6 =	vld [tilespmem:s4+$0xFFFFFFC0]  }
0x296: {  	v11 =	vld [tilespmem:s4+$0xFFFFFFD0]  }
.Ltmp7:
0x297: {  	v10 =	vld [tilespmem:s4+$0xFFFFFFE0];
	(pc) =	sbr.rel @p0 .LBB2_16-.Ltmp7, $4  }
0x298: {  	v9 =	vld [tilespmem:s4+$0xFFFFFFF0]  }
0x299: {  	v7 =	vld [tilespmem:s4+$0x0]  }
0x29a: {  	v12 =	vmul.f32 v6, v8;
	v6 =	vld [tilespmem:s4+$0x10]  }
0x29b: {  	s7 =	sadd.s32 $0x80, s7;
	v11 =	vmul.f32 v11, v14;
	v8 =	vld [tilespmem:s4+$0x20]  }
0x29c: {  	[tilespmem:s5+$0xFFFFFFC0] =	vst v12;
	v5 =	vmul.f32 v10, v5  }
0x29d: {  	[tilespmem:s5+$0xFFFFFFD0] =	vst v11;
	v4 =	vmul.f32 v9, v4  }
0x29e: {  	[tilespmem:s5+$0xFFFFFFE0] =	vst v5;
	v3 =	vmul.f32 v7, v3  }
0x29f: {  	[tilespmem:s5+$0xFFFFFFF0] =	vst v4;
	v1 =	vmul.f32 v6, v1  }
0x2a0: {  	[tilespmem:s5+$0x0] =	vst v3;
	v2 =	vmul.f32 v8, v2  }
0x2a1: {  	[tilespmem:s5+$0x10] =	vst v1  }
0x2a2: {  	[tilespmem:s5+$0x20] =	vst v2  }
0x2a3: {  	[spmem:s9] =	stream.indirect.scatter.add.f32 [tilespmem:s31], [sflag:$0x5], $0x1, s26, s24, $0xb8;
	[tilespmem:$0x1D000] =	vst v63  }
0x2a4: {  	_ =	swait.ge [sflag:s0], $0x1000  }
0x2a5: {  	[sflag:s0] =	ssyncset.done $0x0  }
0x2a6: {  	s4 =	rddreg [dreg:$0x1b];
	[sflag:s0] =	ssyncadd.s32 $0xFFFFF000  }
0x2a7: {  	[tilespmem:s19], [sflag:$0x2] =	stream.linear.gather [hbm4b:s4+s1], $0x1000, $0x38;
	[tilespmem:$0x1D000] =	vst v63  }
0x2a8: {  	s6 =	rddreg [dreg:$0x1c]  }
0x2a9: {  	[tilespmem:s20], [sflag:$0x2] =	stream.linear.gather [hbm4b:s6+s1], $0x1000, $0x38;
	[tilespmem:$0x1D000] =	vst v63  }
0x2aa: {  	s7 =	rddreg [dreg:$0x1d]  }
0x2ab: {  	[tilespmem:s21], [sflag:$0x2] =	stream.linear.gather [hbm4b:s7+s1], $0x1000, $0x38;
	[tilespmem:$0x1D000] =	vst v63  }
0x2ac: {  	_ =	swait.ge [sflag:s23], $0x1000  }
0x2ad: {  	[sflag:s23] =	ssyncset.done $0x0  }
0x2ae: {  	[sflag:s23] =	ssyncadd.s32 $0xFFFFF000  }
0x2af: {  	_ =	swait.ge [sflag:s23], $0x1000  }
0x2b0: {  	[sflag:s23] =	ssyncset.done $0x0  }
0x2b1: {  	[sflag:s23] =	ssyncadd.s32 $0xFFFFF000  }
0x2b2: {  	_ =	swait.ge [sflag:s23], $0x1000  }
0x2b3: {  	[sflag:s23] =	ssyncset.done $0x0  }
0x2b4: {  	s8 =	simm.s32 $0x13040;
	[sflag:s23] =	ssyncadd.s32 $0xFFFFF000  }
0x2b5: {  	v1 =	vld [tilespmem:s8+$0x30]  }
0x2b6: {  	v2 =	vld [tilespmem:s8+$0xFFFFFFD0]  }
0x2b7: {  	v3 =	vld [tilespmem:s8+$0xFFFFFFE0]  }
0x2b8: {  	v4 =	vld [tilespmem:s8+$0xFFFFFFF0]  }
0x2b9: {  	v6 =	vld [tilespmem:s8+$0x0]  }
0x2ba: {  	v7 =	vld [tilespmem:s8+$0x10]  }
0x2bb: {  	v8 =	vld [tilespmem:s8+$0x20]  }
0x2bc: {  	s4 =	simm.s32 $0x15040;
	v9 =	vld [tilespmem:s8+$0xFFFFFFC0]  }
0x2bd: {  	v12 =	vld [tilespmem:s4+$0x30]  }
0x2be: {  	v15 =	vld [tilespmem:s4+$0xFFFFFFD0]  }
0x2bf: {  	v10 =	vld [tilespmem:s4+$0xFFFFFFE0]  }
0x2c0: {  	v11 =	vld.idx.msk [tilespmem:v1+s22+$0x0], $0xffff  }
0x2c1: {  	v13 =	vld.idx.msk [tilespmem:v2+s22+$0x0], $0xffff  }
0x2c2: {  	v5 =	vld.idx.msk [tilespmem:v3+s22+$0x0], $0xffff  }
0x2c3: {  	v4 =	vld.idx.msk [tilespmem:v4+s22+$0x0], $0xffff  }
0x2c4: {  	v14 =	vld.idx.msk [tilespmem:v9+s22+$0x0], $0xffff  }
0x2c5: {  	v2 =	vld.idx.msk [tilespmem:v8+s22+$0x0], $0xffff  }
0x2c6: {  	v8 =	vld [tilespmem:s4+$0xFFFFFFC0]  }
0x2c7: {  	v3 =	vld.idx.msk [tilespmem:v6+s22+$0x0], $0xffff  }
0x2c8: {  	v1 =	vld.idx.msk [tilespmem:v7+s22+$0x0], $0xffff  }
0x2c9: {  	v9 =	vld [tilespmem:s4+$0xFFFFFFF0]  }
0x2ca: {  	v7 =	vld [tilespmem:s4+$0x0];
	v11 =	vmul.f32 v12, v11  }
0x2cb: {  	s5 =	simm.s32 $0x1A040;
	v6 =	vld [tilespmem:s4+$0x10];
	v12 =	vmul.f32 v8, v14  }
0x2cc: {  	s6 =	simm.s32 $0x0;
	s7 =	simm.s32 $0x130C0;
	v8 =	vld [tilespmem:s4+$0x20];
	[tilespmem:s5+$0x30] =	vst v11;
	v11 =	vmul.f32 v15, v13  }
.LBB2_18:
0x2cd: {  	v13 =	vld [tilespmem:s7+$0x30];
	s6 =	sadd.s32 $0x8, s6;
	[tilespmem:s5+$0xFFFFFFC0] =	vst v12;
	v5 =	vmul.f32 v10, v5  }
0x2ce: {  	v10 =	vld [tilespmem:s7+$0xFFFFFFD0];
	p0 =	slt.u32 s6, $0xF8;
	[tilespmem:s5+$0xFFFFFFD0] =	vst v11;
	v4 =	vmul.f32 v9, v4  }
0x2cf: {  	v9 =	vld [tilespmem:s7+$0xFFFFFFE0];
	[tilespmem:s5+$0xFFFFFFE0] =	vst v5;
	v3 =	vmul.f32 v7, v3  }
0x2d0: {  	v7 =	vld [tilespmem:s7+$0xFFFFFFF0];
	[tilespmem:s5+$0xFFFFFFF0] =	vst v4;
	v1 =	vmul.f32 v6, v1  }
0x2d1: {  	v6 =	vld [tilespmem:s7+$0x0];
	[tilespmem:s5+$0x0] =	vst v3;
	v2 =	vmul.f32 v8, v2  }
0x2d2: {  	v8 =	vld [tilespmem:s7+$0x10];
	[tilespmem:s5+$0x10] =	vst v1  }
0x2d3: {  	v11 =	vld [tilespmem:s7+$0x20];
	[tilespmem:s5+$0x20] =	vst v2  }
0x2d4: {  	v2 =	vld [tilespmem:s7+$0xFFFFFFC0]  }
0x2d5: {  	s4 =	sadd.s32 $0x80, s4;
	v12 =	vld.idx.msk [tilespmem:v13+s22+$0x0], $0xffff  }
0x2d6: {  	v13 =	vld [tilespmem:s4+$0x30]  }
0x2d7: {  	v14 =	vld.idx.msk [tilespmem:v10+s22+$0x0], $0xffff  }
0x2d8: {  	v5 =	vld.idx.msk [tilespmem:v9+s22+$0x0], $0xffff  }
0x2d9: {  	v4 =	vld.idx.msk [tilespmem:v7+s22+$0x0], $0xffff  }
0x2da: {  	v3 =	vld.idx.msk [tilespmem:v6+s22+$0x0], $0xffff  }
0x2db: {  	v1 =	vld.idx.msk [tilespmem:v8+s22+$0x0], $0xffff;
	v6 =	vmul.f32 v13, v12  }
0x2dc: {  	s5 =	sadd.s32 $0x80, s5;
	v8 =	vld.idx.msk [tilespmem:v2+s22+$0x0], $0xffff  }
0x2dd: {  	v2 =	vld.idx.msk [tilespmem:v11+s22+$0x0], $0xffff;
	[tilespmem:s5+$0x30] =	vst v6  }
0x2de: {  	v6 =	vld [tilespmem:s4+$0xFFFFFFC0]  }
0x2df: {  	v11 =	vld [tilespmem:s4+$0xFFFFFFD0]  }
.Ltmp8:
0x2e0: {  	v10 =	vld [tilespmem:s4+$0xFFFFFFE0];
	(pc) =	sbr.rel @p0 .LBB2_18-.Ltmp8, $4  }
0x2e1: {  	v9 =	vld [tilespmem:s4+$0xFFFFFFF0]  }
0x2e2: {  	v7 =	vld [tilespmem:s4+$0x0]  }
0x2e3: {  	v12 =	vmul.f32 v6, v8;
	v6 =	vld [tilespmem:s4+$0x10]  }
0x2e4: {  	s7 =	sadd.s32 $0x80, s7;
	v11 =	vmul.f32 v11, v14;
	v8 =	vld [tilespmem:s4+$0x20]  }
0x2e5: {  	[tilespmem:s5+$0xFFFFFFC0] =	vst v12;
	v5 =	vmul.f32 v10, v5  }
0x2e6: {  	[tilespmem:s5+$0xFFFFFFD0] =	vst v11;
	v4 =	vmul.f32 v9, v4  }
0x2e7: {  	[tilespmem:s5+$0xFFFFFFE0] =	vst v5;
	v3 =	vmul.f32 v7, v3  }
0x2e8: {  	[tilespmem:s5+$0xFFFFFFF0] =	vst v4;
	v1 =	vmul.f32 v6, v1  }
0x2e9: {  	[tilespmem:s5+$0x0] =	vst v3;
	v2 =	vmul.f32 v8, v2  }
0x2ea: {  	[tilespmem:s5+$0x10] =	vst v1  }
0x2eb: {  	[tilespmem:s5+$0x20] =	vst v2  }
0x2ec: {  	[spmem:s9] =	stream.indirect.scatter.add.f32 [tilespmem:s25], [sflag:$0x3], $0x1, s18, s24, $0xb8;
	[tilespmem:$0x1D000] =	vst v63  }
0x2ed: {  	_ =	swait.ge [sflag:s2], $0x1000  }
0x2ee: {  	[sflag:s2] =	ssyncset.done $0x0;
	s4 =	rddreg [dreg:$0x1e]  }
0x2ef: {  	s6 =	rddreg [dreg:$0x1f];
	[sflag:s2] =	ssyncadd.s32 $0xFFFFF000  }
0x2f0: {  	[tilespmem:s16], [sflag:$0x1] =	stream.linear.gather [hbm4b:s4+s1], $0x1000, $0x38;
	[tilespmem:$0x1D000] =	vst v63  }
0x2f1: {  	s7 =	sld [smem:$0x7B5]  }
0x2f2: {  	[tilespmem:s17], [sflag:$0x1] =	stream.linear.gather [hbm4b:s6+s1], $0x1000, $0x38;
	[tilespmem:$0x1D000] =	vst v63  }
0x2f3: {  	_ = 	snop  }
0x2f4: {  	[tilespmem:s26], [sflag:$0x1] =	stream.linear.gather [hbm4b:s7+s1], $0x1000, $0x38;
	[tilespmem:$0x1D000] =	vst v63  }
0x2f5: {  	_ =	swait.ge [sflag:s28], $0x1000  }
0x2f6: {  	[sflag:s28] =	ssyncset.done $0x0  }
0x2f7: {  	[sflag:s28] =	ssyncadd.s32 $0xFFFFF000  }
0x2f8: {  	_ =	swait.ge [sflag:s28], $0x1000  }
0x2f9: {  	[sflag:s28] =	ssyncset.done $0x0  }
0x2fa: {  	[sflag:s28] =	ssyncadd.s32 $0xFFFFF000  }
0x2fb: {  	_ =	swait.ge [sflag:s28], $0x1000  }
0x2fc: {  	[sflag:s28] =	ssyncset.done $0x0  }
0x2fd: {  	s8 =	simm.s32 $0x14040;
	[sflag:s28] =	ssyncadd.s32 $0xFFFFF000  }
0x2fe: {  	v1 =	vld [tilespmem:s8+$0x30]  }
0x2ff: {  	v2 =	vld [tilespmem:s8+$0xFFFFFFD0]  }
0x300: {  	v3 =	vld [tilespmem:s8+$0xFFFFFFE0]  }
0x301: {  	v4 =	vld [tilespmem:s8+$0xFFFFFFF0]  }
0x302: {  	v6 =	vld [tilespmem:s8+$0x0]  }
0x303: {  	v7 =	vld [tilespmem:s8+$0x10]  }
0x304: {  	v8 =	vld [tilespmem:s8+$0x20]  }
0x305: {  	s4 =	simm.s32 $0x16040;
	v9 =	vld [tilespmem:s8+$0xFFFFFFC0]  }
0x306: {  	v12 =	vld [tilespmem:s4+$0x30]  }
0x307: {  	v15 =	vld [tilespmem:s4+$0xFFFFFFD0]  }
0x308: {  	v10 =	vld [tilespmem:s4+$0xFFFFFFE0]  }
0x309: {  	v11 =	vld.idx.msk [tilespmem:v1+s22+$0x0], $0xffff  }
0x30a: {  	v13 =	vld.idx.msk [tilespmem:v2+s22+$0x0], $0xffff  }
0x30b: {  	v5 =	vld.idx.msk [tilespmem:v3+s22+$0x0], $0xffff  }
0x30c: {  	v4 =	vld.idx.msk [tilespmem:v4+s22+$0x0], $0xffff  }
0x30d: {  	v14 =	vld.idx.msk [tilespmem:v9+s22+$0x0], $0xffff  }
0x30e: {  	v2 =	vld.idx.msk [tilespmem:v8+s22+$0x0], $0xffff  }
0x30f: {  	v8 =	vld [tilespmem:s4+$0xFFFFFFC0]  }
0x310: {  	v3 =	vld.idx.msk [tilespmem:v6+s22+$0x0], $0xffff  }
0x311: {  	v1 =	vld.idx.msk [tilespmem:v7+s22+$0x0], $0xffff  }
0x312: {  	v9 =	vld [tilespmem:s4+$0xFFFFFFF0]  }
0x313: {  	v7 =	vld [tilespmem:s4+$0x0];
	v11 =	vmul.f32 v12, v11  }
0x314: {  	s5 =	simm.s32 $0x1B040;
	v6 =	vld [tilespmem:s4+$0x10];
	v12 =	vmul.f32 v8, v14  }
0x315: {  	s6 =	simm.s32 $0x0;
	s7 =	simm.s32 $0x140C0;
	v8 =	vld [tilespmem:s4+$0x20];
	[tilespmem:s5+$0x30] =	vst v11;
	v11 =	vmul.f32 v15, v13  }
.LBB2_20:
0x316: {  	v13 =	vld [tilespmem:s7+$0x30];
	s6 =	sadd.s32 $0x8, s6;
	[tilespmem:s5+$0xFFFFFFC0] =	vst v12;
	v5 =	vmul.f32 v10, v5  }
0x317: {  	v10 =	vld [tilespmem:s7+$0xFFFFFFD0];
	p0 =	slt.u32 s6, $0xF8;
	[tilespmem:s5+$0xFFFFFFD0] =	vst v11;
	v4 =	vmul.f32 v9, v4  }
0x318: {  	v9 =	vld [tilespmem:s7+$0xFFFFFFE0];
	[tilespmem:s5+$0xFFFFFFE0] =	vst v5;
	v3 =	vmul.f32 v7, v3  }
0x319: {  	v7 =	vld [tilespmem:s7+$0xFFFFFFF0];
	[tilespmem:s5+$0xFFFFFFF0] =	vst v4;
	v1 =	vmul.f32 v6, v1  }
0x31a: {  	v6 =	vld [tilespmem:s7+$0x0];
	[tilespmem:s5+$0x0] =	vst v3;
	v2 =	vmul.f32 v8, v2  }
0x31b: {  	v8 =	vld [tilespmem:s7+$0x10];
	[tilespmem:s5+$0x10] =	vst v1  }
0x31c: {  	v11 =	vld [tilespmem:s7+$0x20];
	[tilespmem:s5+$0x20] =	vst v2  }
0x31d: {  	v2 =	vld [tilespmem:s7+$0xFFFFFFC0]  }
0x31e: {  	s4 =	sadd.s32 $0x80, s4;
	v12 =	vld.idx.msk [tilespmem:v13+s22+$0x0], $0xffff  }
0x31f: {  	v13 =	vld [tilespmem:s4+$0x30]  }
0x320: {  	v14 =	vld.idx.msk [tilespmem:v10+s22+$0x0], $0xffff  }
0x321: {  	v5 =	vld.idx.msk [tilespmem:v9+s22+$0x0], $0xffff  }
0x322: {  	v4 =	vld.idx.msk [tilespmem:v7+s22+$0x0], $0xffff  }
0x323: {  	v3 =	vld.idx.msk [tilespmem:v6+s22+$0x0], $0xffff  }
0x324: {  	v1 =	vld.idx.msk [tilespmem:v8+s22+$0x0], $0xffff;
	v6 =	vmul.f32 v13, v12  }
0x325: {  	s5 =	sadd.s32 $0x80, s5;
	v8 =	vld.idx.msk [tilespmem:v2+s22+$0x0], $0xffff  }
0x326: {  	v2 =	vld.idx.msk [tilespmem:v11+s22+$0x0], $0xffff;
	[tilespmem:s5+$0x30] =	vst v6  }
0x327: {  	v6 =	vld [tilespmem:s4+$0xFFFFFFC0]  }
0x328: {  	v11 =	vld [tilespmem:s4+$0xFFFFFFD0]  }
.Ltmp9:
0x329: {  	v10 =	vld [tilespmem:s4+$0xFFFFFFE0];
	(pc) =	sbr.rel @p0 .LBB2_20-.Ltmp9, $4  }
0x32a: {  	v9 =	vld [tilespmem:s4+$0xFFFFFFF0]  }
0x32b: {  	v7 =	vld [tilespmem:s4+$0x0]  }
0x32c: {  	v12 =	vmul.f32 v6, v8;
	v6 =	vld [tilespmem:s4+$0x10]  }
0x32d: {  	s7 =	sadd.s32 $0x80, s7;
	v11 =	vmul.f32 v11, v14;
	v8 =	vld [tilespmem:s4+$0x20]  }
0x32e: {  	[tilespmem:s5+$0xFFFFFFC0] =	vst v12;
	v5 =	vmul.f32 v10, v5  }
0x32f: {  	[tilespmem:s5+$0xFFFFFFD0] =	vst v11;
	v4 =	vmul.f32 v9, v4  }
0x330: {  	[tilespmem:s5+$0xFFFFFFE0] =	vst v5;
	v3 =	vmul.f32 v7, v3  }
0x331: {  	[tilespmem:s5+$0xFFFFFFF0] =	vst v4;
	v1 =	vmul.f32 v6, v1  }
0x332: {  	[tilespmem:s5+$0x0] =	vst v3;
	v2 =	vmul.f32 v8, v2  }
0x333: {  	[tilespmem:s5+$0x10] =	vst v1  }
0x334: {  	[tilespmem:s5+$0x20] =	vst v2  }
0x335: {  	[spmem:s9] =	stream.indirect.scatter.add.f32 [tilespmem:s29], [sflag:$0x4], $0x1, s21, s24, $0xb8;
	[tilespmem:$0x1D000] =	vst v63  }
0x336: {  	_ =	swait.ge [sflag:s30], $0x1000  }
0x337: {  	s4 =	sld [smem:$0x7B6]  }
0x338: {  	[sflag:s30] =	ssyncset.done $0x0  }
0x339: {  	s6 =	sld [smem:$0x7B7];
	[sflag:s30] =	ssyncadd.s32 $0xFFFFF000  }
0x33a: {  	[tilespmem:s19], [sflag:$0x2] =	stream.linear.gather [hbm4b:s4+s1], $0x1000, $0x38;
	[tilespmem:$0x1D000] =	vst v63  }
0x33b: {  	s7 =	sld [smem:$0x7B8]  }
0x33c: {  	[tilespmem:s20], [sflag:$0x2] =	stream.linear.gather [hbm4b:s6+s1], $0x1000, $0x38;
	[tilespmem:$0x1D000] =	vst v63  }
0x33d: {  	_ = 	snop  }
0x33e: {  	[tilespmem:s18], [sflag:$0x2] =	stream.linear.gather [hbm4b:s7+s1], $0x1000, $0x38;
	[tilespmem:$0x1D000] =	vst v63  }
0x33f: {  	_ =	swait.ge [sflag:s23], $0x1000  }
0x340: {  	[sflag:s23] =	ssyncset.done $0x0  }
0x341: {  	[sflag:s23] =	ssyncadd.s32 $0xFFFFF000  }
0x342: {  	_ =	swait.ge [sflag:s23], $0x1000  }
0x343: {  	[sflag:s23] =	ssyncset.done $0x0  }
0x344: {  	[sflag:s23] =	ssyncadd.s32 $0xFFFFF000  }
0x345: {  	_ =	swait.ge [sflag:s23], $0x1000  }
0x346: {  	[sflag:s23] =	ssyncset.done $0x0  }
0x347: {  	s8 =	simm.s32 $0x13040;
	[sflag:s23] =	ssyncadd.s32 $0xFFFFF000  }
0x348: {  	v1 =	vld [tilespmem:s8+$0x30]  }
0x349: {  	v2 =	vld [tilespmem:s8+$0xFFFFFFD0]  }
0x34a: {  	v3 =	vld [tilespmem:s8+$0xFFFFFFE0]  }
0x34b: {  	v4 =	vld [tilespmem:s8+$0xFFFFFFF0]  }
0x34c: {  	v6 =	vld [tilespmem:s8+$0x0]  }
0x34d: {  	v7 =	vld [tilespmem:s8+$0x10]  }
0x34e: {  	v8 =	vld [tilespmem:s8+$0x20]  }
0x34f: {  	s4 =	simm.s32 $0x15040;
	v9 =	vld [tilespmem:s8+$0xFFFFFFC0]  }
0x350: {  	v12 =	vld [tilespmem:s4+$0x30]  }
0x351: {  	v15 =	vld [tilespmem:s4+$0xFFFFFFD0]  }
0x352: {  	v10 =	vld [tilespmem:s4+$0xFFFFFFE0]  }
0x353: {  	v11 =	vld.idx.msk [tilespmem:v1+s22+$0x0], $0xffff  }
0x354: {  	v13 =	vld.idx.msk [tilespmem:v2+s22+$0x0], $0xffff  }
0x355: {  	v5 =	vld.idx.msk [tilespmem:v3+s22+$0x0], $0xffff  }
0x356: {  	v4 =	vld.idx.msk [tilespmem:v4+s22+$0x0], $0xffff  }
0x357: {  	v14 =	vld.idx.msk [tilespmem:v9+s22+$0x0], $0xffff  }
0x358: {  	v2 =	vld.idx.msk [tilespmem:v8+s22+$0x0], $0xffff  }
0x359: {  	v8 =	vld [tilespmem:s4+$0xFFFFFFC0]  }
0x35a: {  	v3 =	vld.idx.msk [tilespmem:v6+s22+$0x0], $0xffff  }
0x35b: {  	v1 =	vld.idx.msk [tilespmem:v7+s22+$0x0], $0xffff  }
0x35c: {  	v9 =	vld [tilespmem:s4+$0xFFFFFFF0]  }
0x35d: {  	v7 =	vld [tilespmem:s4+$0x0];
	v11 =	vmul.f32 v12, v11  }
0x35e: {  	s5 =	simm.s32 $0x1C040;
	v6 =	vld [tilespmem:s4+$0x10];
	v12 =	vmul.f32 v8, v14  }
0x35f: {  	s6 =	simm.s32 $0x0;
	s7 =	simm.s32 $0x130C0;
	v8 =	vld [tilespmem:s4+$0x20];
	[tilespmem:s5+$0x30] =	vst v11;
	v11 =	vmul.f32 v15, v13  }
.LBB2_22:
0x360: {  	v13 =	vld [tilespmem:s7+$0x30];
	s6 =	sadd.s32 $0x8, s6;
	[tilespmem:s5+$0xFFFFFFC0] =	vst v12;
	v5 =	vmul.f32 v10, v5  }
0x361: {  	v10 =	vld [tilespmem:s7+$0xFFFFFFD0];
	p0 =	slt.u32 s6, $0xF8;
	[tilespmem:s5+$0xFFFFFFD0] =	vst v11;
	v4 =	vmul.f32 v9, v4  }
0x362: {  	v9 =	vld [tilespmem:s7+$0xFFFFFFE0];
	[tilespmem:s5+$0xFFFFFFE0] =	vst v5;
	v3 =	vmul.f32 v7, v3  }
0x363: {  	v7 =	vld [tilespmem:s7+$0xFFFFFFF0];
	[tilespmem:s5+$0xFFFFFFF0] =	vst v4;
	v1 =	vmul.f32 v6, v1  }
0x364: {  	v6 =	vld [tilespmem:s7+$0x0];
	[tilespmem:s5+$0x0] =	vst v3;
	v2 =	vmul.f32 v8, v2  }
0x365: {  	v8 =	vld [tilespmem:s7+$0x10];
	[tilespmem:s5+$0x10] =	vst v1  }
0x366: {  	v11 =	vld [tilespmem:s7+$0x20];
	[tilespmem:s5+$0x20] =	vst v2  }
0x367: {  	v2 =	vld [tilespmem:s7+$0xFFFFFFC0]  }
0x368: {  	s4 =	sadd.s32 $0x80, s4;
	v12 =	vld.idx.msk [tilespmem:v13+s22+$0x0], $0xffff  }
0x369: {  	v13 =	vld [tilespmem:s4+$0x30]  }
0x36a: {  	v14 =	vld.idx.msk [tilespmem:v10+s22+$0x0], $0xffff  }
0x36b: {  	v5 =	vld.idx.msk [tilespmem:v9+s22+$0x0], $0xffff  }
0x36c: {  	v4 =	vld.idx.msk [tilespmem:v7+s22+$0x0], $0xffff  }
0x36d: {  	v3 =	vld.idx.msk [tilespmem:v6+s22+$0x0], $0xffff  }
0x36e: {  	v1 =	vld.idx.msk [tilespmem:v8+s22+$0x0], $0xffff;
	v6 =	vmul.f32 v13, v12  }
0x36f: {  	s5 =	sadd.s32 $0x80, s5;
	v8 =	vld.idx.msk [tilespmem:v2+s22+$0x0], $0xffff  }
0x370: {  	v2 =	vld.idx.msk [tilespmem:v11+s22+$0x0], $0xffff;
	[tilespmem:s5+$0x30] =	vst v6  }
0x371: {  	v6 =	vld [tilespmem:s4+$0xFFFFFFC0]  }
0x372: {  	v11 =	vld [tilespmem:s4+$0xFFFFFFD0]  }
.Ltmp10:
0x373: {  	v10 =	vld [tilespmem:s4+$0xFFFFFFE0];
	(pc) =	sbr.rel @p0 .LBB2_22-.Ltmp10, $4  }
0x374: {  	v9 =	vld [tilespmem:s4+$0xFFFFFFF0]  }
0x375: {  	v7 =	vld [tilespmem:s4+$0x0]  }
0x376: {  	v12 =	vmul.f32 v6, v8;
	v6 =	vld [tilespmem:s4+$0x10]  }
0x377: {  	s7 =	sadd.s32 $0x80, s7;
	v11 =	vmul.f32 v11, v14;
	v8 =	vld [tilespmem:s4+$0x20]  }
0x378: {  	[tilespmem:s5+$0xFFFFFFC0] =	vst v12;
	v5 =	vmul.f32 v10, v5  }
0x379: {  	[tilespmem:s5+$0xFFFFFFD0] =	vst v11;
	v4 =	vmul.f32 v9, v4  }
0x37a: {  	[tilespmem:s5+$0xFFFFFFE0] =	vst v5;
	v3 =	vmul.f32 v7, v3  }
0x37b: {  	[tilespmem:s5+$0xFFFFFFF0] =	vst v4;
	v1 =	vmul.f32 v6, v1  }
0x37c: {  	[tilespmem:s5+$0x0] =	vst v3;
	v2 =	vmul.f32 v8, v2  }
0x37d: {  	[tilespmem:s5+$0x10] =	vst v1  }
0x37e: {  	[tilespmem:s5+$0x20] =	vst v2  }
0x37f: {  	[spmem:s9] =	stream.indirect.scatter.add.f32 [tilespmem:s31], [sflag:$0x5], $0x1, s26, s24, $0xb8;
	[tilespmem:$0x1D000] =	vst v63  }
0x380: {  	_ =	swait.ge [sflag:s0], $0x1000  }
0x381: {  	s4 =	sld [smem:$0x7B9]  }
0x382: {  	[sflag:s0] =	ssyncset.done $0x0  }
0x383: {  	s6 =	sld [smem:$0x7BA];
	[sflag:s0] =	ssyncadd.s32 $0xFFFFF000  }
0x384: {  	[tilespmem:s16], [sflag:$0x1] =	stream.linear.gather [hbm4b:s4+s1], $0x1000, $0x38;
	[tilespmem:$0x1D000] =	vst v63  }
0x385: {  	s7 =	sld [smem:$0x7BB]  }
0x386: {  	[tilespmem:s17], [sflag:$0x1] =	stream.linear.gather [hbm4b:s6+s1], $0x1000, $0x38;
	[tilespmem:$0x1D000] =	vst v63  }
0x387: {  	_ = 	snop  }
0x388: {  	[tilespmem:s21], [sflag:$0x1] =	stream.linear.gather [hbm4b:s7+s1], $0x1000, $0x38;
	[tilespmem:$0x1D000] =	vst v63  }
0x389: {  	_ =	swait.ge [sflag:s28], $0x1000  }
0x38a: {  	[sflag:s28] =	ssyncset.done $0x0  }
0x38b: {  	[sflag:s28] =	ssyncadd.s32 $0xFFFFF000  }
0x38c: {  	_ =	swait.ge [sflag:s28], $0x1000  }
0x38d: {  	[sflag:s28] =	ssyncset.done $0x0  }
0x38e: {  	[sflag:s28] =	ssyncadd.s32 $0xFFFFF000  }
0x38f: {  	_ =	swait.ge [sflag:s28], $0x1000  }
0x390: {  	[sflag:s28] =	ssyncset.done $0x0  }
0x391: {  	s8 =	simm.s32 $0x14040;
	[sflag:s28] =	ssyncadd.s32 $0xFFFFF000  }
0x392: {  	v1 =	vld [tilespmem:s8+$0x30]  }
0x393: {  	v2 =	vld [tilespmem:s8+$0xFFFFFFD0]  }
0x394: {  	v3 =	vld [tilespmem:s8+$0xFFFFFFE0]  }
0x395: {  	v4 =	vld [tilespmem:s8+$0xFFFFFFF0]  }
0x396: {  	v6 =	vld [tilespmem:s8+$0x0]  }
0x397: {  	v7 =	vld [tilespmem:s8+$0x10]  }
0x398: {  	v8 =	vld [tilespmem:s8+$0x20]  }
0x399: {  	s4 =	simm.s32 $0x16040;
	v9 =	vld [tilespmem:s8+$0xFFFFFFC0]  }
0x39a: {  	v12 =	vld [tilespmem:s4+$0x30]  }
0x39b: {  	v15 =	vld [tilespmem:s4+$0xFFFFFFD0]  }
0x39c: {  	v10 =	vld [tilespmem:s4+$0xFFFFFFE0]  }
0x39d: {  	v11 =	vld.idx.msk [tilespmem:v1+s22+$0x0], $0xffff  }
0x39e: {  	v13 =	vld.idx.msk [tilespmem:v2+s22+$0x0], $0xffff  }
0x39f: {  	v5 =	vld.idx.msk [tilespmem:v3+s22+$0x0], $0xffff  }
0x3a0: {  	v4 =	vld.idx.msk [tilespmem:v4+s22+$0x0], $0xffff  }
0x3a1: {  	v14 =	vld.idx.msk [tilespmem:v9+s22+$0x0], $0xffff  }
0x3a2: {  	v2 =	vld.idx.msk [tilespmem:v8+s22+$0x0], $0xffff  }
0x3a3: {  	v8 =	vld [tilespmem:s4+$0xFFFFFFC0]  }
0x3a4: {  	v3 =	vld.idx.msk [tilespmem:v6+s22+$0x0], $0xffff  }
0x3a5: {  	v1 =	vld.idx.msk [tilespmem:v7+s22+$0x0], $0xffff  }
0x3a6: {  	v9 =	vld [tilespmem:s4+$0xFFFFFFF0]  }
0x3a7: {  	v7 =	vld [tilespmem:s4+$0x0];
	v11 =	vmul.f32 v12, v11  }
0x3a8: {  	s5 =	simm.s32 $0x1A040;
	v6 =	vld [tilespmem:s4+$0x10];
	v12 =	vmul.f32 v8, v14  }
0x3a9: {  	s6 =	simm.s32 $0x0;
	s7 =	simm.s32 $0x140C0;
	v8 =	vld [tilespmem:s4+$0x20];
	[tilespmem:s5+$0x30] =	vst v11;
	v11 =	vmul.f32 v15, v13  }
.LBB2_24:
0x3aa: {  	v13 =	vld [tilespmem:s7+$0x30];
	s6 =	sadd.s32 $0x8, s6;
	[tilespmem:s5+$0xFFFFFFC0] =	vst v12;
	v5 =	vmul.f32 v10, v5  }
0x3ab: {  	v10 =	vld [tilespmem:s7+$0xFFFFFFD0];
	p0 =	slt.u32 s6, $0xF8;
	[tilespmem:s5+$0xFFFFFFD0] =	vst v11;
	v4 =	vmul.f32 v9, v4  }
0x3ac: {  	v9 =	vld [tilespmem:s7+$0xFFFFFFE0];
	[tilespmem:s5+$0xFFFFFFE0] =	vst v5;
	v3 =	vmul.f32 v7, v3  }
0x3ad: {  	v7 =	vld [tilespmem:s7+$0xFFFFFFF0];
	[tilespmem:s5+$0xFFFFFFF0] =	vst v4;
	v1 =	vmul.f32 v6, v1  }
0x3ae: {  	v6 =	vld [tilespmem:s7+$0x0];
	[tilespmem:s5+$0x0] =	vst v3;
	v2 =	vmul.f32 v8, v2  }
0x3af: {  	v8 =	vld [tilespmem:s7+$0x10];
	[tilespmem:s5+$0x10] =	vst v1  }
0x3b0: {  	v11 =	vld [tilespmem:s7+$0x20];
	[tilespmem:s5+$0x20] =	vst v2  }
0x3b1: {  	v2 =	vld [tilespmem:s7+$0xFFFFFFC0]  }
0x3b2: {  	s4 =	sadd.s32 $0x80, s4;
	v12 =	vld.idx.msk [tilespmem:v13+s22+$0x0], $0xffff  }
0x3b3: {  	v13 =	vld [tilespmem:s4+$0x30]  }
0x3b4: {  	v14 =	vld.idx.msk [tilespmem:v10+s22+$0x0], $0xffff  }
0x3b5: {  	v5 =	vld.idx.msk [tilespmem:v9+s22+$0x0], $0xffff  }
0x3b6: {  	v4 =	vld.idx.msk [tilespmem:v7+s22+$0x0], $0xffff  }
0x3b7: {  	v3 =	vld.idx.msk [tilespmem:v6+s22+$0x0], $0xffff  }
0x3b8: {  	v1 =	vld.idx.msk [tilespmem:v8+s22+$0x0], $0xffff;
	v6 =	vmul.f32 v13, v12  }
0x3b9: {  	s5 =	sadd.s32 $0x80, s5;
	v8 =	vld.idx.msk [tilespmem:v2+s22+$0x0], $0xffff  }
0x3ba: {  	v2 =	vld.idx.msk [tilespmem:v11+s22+$0x0], $0xffff;
	[tilespmem:s5+$0x30] =	vst v6  }
0x3bb: {  	v6 =	vld [tilespmem:s4+$0xFFFFFFC0]  }
0x3bc: {  	v11 =	vld [tilespmem:s4+$0xFFFFFFD0]  }
.Ltmp11:
0x3bd: {  	v10 =	vld [tilespmem:s4+$0xFFFFFFE0];
	(pc) =	sbr.rel @p0 .LBB2_24-.Ltmp11, $4  }
0x3be: {  	v9 =	vld [tilespmem:s4+$0xFFFFFFF0]  }
0x3bf: {  	v7 =	vld [tilespmem:s4+$0x0]  }
0x3c0: {  	v12 =	vmul.f32 v6, v8;
	v6 =	vld [tilespmem:s4+$0x10]  }
0x3c1: {  	s7 =	sadd.s32 $0x80, s7;
	v11 =	vmul.f32 v11, v14;
	v8 =	vld [tilespmem:s4+$0x20]  }
0x3c2: {  	[tilespmem:s5+$0xFFFFFFC0] =	vst v12;
	v5 =	vmul.f32 v10, v5  }
0x3c3: {  	[tilespmem:s5+$0xFFFFFFD0] =	vst v11;
	v4 =	vmul.f32 v9, v4  }
0x3c4: {  	[tilespmem:s5+$0xFFFFFFE0] =	vst v5;
	v3 =	vmul.f32 v7, v3  }
0x3c5: {  	[tilespmem:s5+$0xFFFFFFF0] =	vst v4;
	v1 =	vmul.f32 v6, v1  }
0x3c6: {  	[tilespmem:s5+$0x0] =	vst v3;
	v2 =	vmul.f32 v8, v2  }
0x3c7: {  	[tilespmem:s5+$0x10] =	vst v1  }
0x3c8: {  	[tilespmem:s5+$0x20] =	vst v2  }
0x3c9: {  	[spmem:s9] =	stream.indirect.scatter.add.f32 [tilespmem:s25], [sflag:$0x3], $0x1, s18, s24, $0xb8;
	[tilespmem:$0x1D000] =	vst v63  }
0x3ca: {  	_ =	swait.ge [sflag:s2], $0x1000  }
0x3cb: {  	s4 =	sld [smem:$0x7BC]  }
0x3cc: {  	[sflag:s2] =	ssyncset.done $0x0  }
0x3cd: {  	s6 =	sld [smem:$0x7BD];
	[sflag:s2] =	ssyncadd.s32 $0xFFFFF000  }
0x3ce: {  	[tilespmem:s19], [sflag:$0x2] =	stream.linear.gather [hbm4b:s4+s1], $0x1000, $0x38;
	[tilespmem:$0x1D000] =	vst v63  }
0x3cf: {  	s7 =	sld [smem:$0x7BE]  }
0x3d0: {  	[tilespmem:s20], [sflag:$0x2] =	stream.linear.gather [hbm4b:s6+s1], $0x1000, $0x38;
	[tilespmem:$0x1D000] =	vst v63  }
0x3d1: {  	_ = 	snop  }
0x3d2: {  	[tilespmem:s26], [sflag:$0x2] =	stream.linear.gather [hbm4b:s7+s1], $0x1000, $0x38;
	[tilespmem:$0x1D000] =	vst v63  }
0x3d3: {  	_ =	swait.ge [sflag:s23], $0x1000  }
0x3d4: {  	[sflag:s23] =	ssyncset.done $0x0  }
0x3d5: {  	[sflag:s23] =	ssyncadd.s32 $0xFFFFF000  }
0x3d6: {  	_ =	swait.ge [sflag:s23], $0x1000  }
0x3d7: {  	[sflag:s23] =	ssyncset.done $0x0  }
0x3d8: {  	[sflag:s23] =	ssyncadd.s32 $0xFFFFF000  }
0x3d9: {  	_ =	swait.ge [sflag:s23], $0x1000  }
0x3da: {  	[sflag:s23] =	ssyncset.done $0x0  }
0x3db: {  	s8 =	simm.s32 $0x13040;
	[sflag:s23] =	ssyncadd.s32 $0xFFFFF000  }
0x3dc: {  	v1 =	vld [tilespmem:s8+$0x30]  }
0x3dd: {  	v2 =	vld [tilespmem:s8+$0xFFFFFFD0]  }
0x3de: {  	v3 =	vld [tilespmem:s8+$0xFFFFFFE0]  }
0x3df: {  	v4 =	vld [tilespmem:s8+$0xFFFFFFF0]  }
0x3e0: {  	v6 =	vld [tilespmem:s8+$0x0]  }
0x3e1: {  	v7 =	vld [tilespmem:s8+$0x10]  }
0x3e2: {  	v8 =	vld [tilespmem:s8+$0x20]  }
0x3e3: {  	s4 =	simm.s32 $0x15040;
	v9 =	vld [tilespmem:s8+$0xFFFFFFC0]  }
0x3e4: {  	v12 =	vld [tilespmem:s4+$0x30]  }
0x3e5: {  	v15 =	vld [tilespmem:s4+$0xFFFFFFD0]  }
0x3e6: {  	v10 =	vld [tilespmem:s4+$0xFFFFFFE0]  }
0x3e7: {  	v11 =	vld.idx.msk [tilespmem:v1+s22+$0x0], $0xffff  }
0x3e8: {  	v13 =	vld.idx.msk [tilespmem:v2+s22+$0x0], $0xffff  }
0x3e9: {  	v5 =	vld.idx.msk [tilespmem:v3+s22+$0x0], $0xffff  }
0x3ea: {  	v4 =	vld.idx.msk [tilespmem:v4+s22+$0x0], $0xffff  }
0x3eb: {  	v14 =	vld.idx.msk [tilespmem:v9+s22+$0x0], $0xffff  }
0x3ec: {  	v2 =	vld.idx.msk [tilespmem:v8+s22+$0x0], $0xffff  }
0x3ed: {  	v8 =	vld [tilespmem:s4+$0xFFFFFFC0]  }
0x3ee: {  	v3 =	vld.idx.msk [tilespmem:v6+s22+$0x0], $0xffff  }
0x3ef: {  	v1 =	vld.idx.msk [tilespmem:v7+s22+$0x0], $0xffff  }
0x3f0: {  	v9 =	vld [tilespmem:s4+$0xFFFFFFF0]  }
0x3f1: {  	v7 =	vld [tilespmem:s4+$0x0];
	v11 =	vmul.f32 v12, v11  }
0x3f2: {  	s5 =	simm.s32 $0x1B040;
	v6 =	vld [tilespmem:s4+$0x10];
	v12 =	vmul.f32 v8, v14  }
0x3f3: {  	s6 =	simm.s32 $0x0;
	s7 =	simm.s32 $0x130C0;
	v8 =	vld [tilespmem:s4+$0x20];
	[tilespmem:s5+$0x30] =	vst v11;
	v11 =	vmul.f32 v15, v13  }
.LBB2_26:
0x3f4: {  	v13 =	vld [tilespmem:s7+$0x30];
	s6 =	sadd.s32 $0x8, s6;
	[tilespmem:s5+$0xFFFFFFC0] =	vst v12;
	v5 =	vmul.f32 v10, v5  }
0x3f5: {  	v10 =	vld [tilespmem:s7+$0xFFFFFFD0];
	p0 =	slt.u32 s6, $0xF8;
	[tilespmem:s5+$0xFFFFFFD0] =	vst v11;
	v4 =	vmul.f32 v9, v4  }
0x3f6: {  	v9 =	vld [tilespmem:s7+$0xFFFFFFE0];
	[tilespmem:s5+$0xFFFFFFE0] =	vst v5;
	v3 =	vmul.f32 v7, v3  }
0x3f7: {  	v7 =	vld [tilespmem:s7+$0xFFFFFFF0];
	[tilespmem:s5+$0xFFFFFFF0] =	vst v4;
	v1 =	vmul.f32 v6, v1  }
0x3f8: {  	v6 =	vld [tilespmem:s7+$0x0];
	[tilespmem:s5+$0x0] =	vst v3;
	v2 =	vmul.f32 v8, v2  }
0x3f9: {  	v8 =	vld [tilespmem:s7+$0x10];
	[tilespmem:s5+$0x10] =	vst v1  }
0x3fa: {  	v11 =	vld [tilespmem:s7+$0x20];
	[tilespmem:s5+$0x20] =	vst v2  }
0x3fb: {  	v2 =	vld [tilespmem:s7+$0xFFFFFFC0]  }
0x3fc: {  	s4 =	sadd.s32 $0x80, s4;
	v12 =	vld.idx.msk [tilespmem:v13+s22+$0x0], $0xffff  }
0x3fd: {  	v13 =	vld [tilespmem:s4+$0x30]  }
0x3fe: {  	v14 =	vld.idx.msk [tilespmem:v10+s22+$0x0], $0xffff  }
0x3ff: {  	v5 =	vld.idx.msk [tilespmem:v9+s22+$0x0], $0xffff  }
0x400: {  	v4 =	vld.idx.msk [tilespmem:v7+s22+$0x0], $0xffff  }
0x401: {  	v3 =	vld.idx.msk [tilespmem:v6+s22+$0x0], $0xffff  }
0x402: {  	v1 =	vld.idx.msk [tilespmem:v8+s22+$0x0], $0xffff;
	v6 =	vmul.f32 v13, v12  }
0x403: {  	s5 =	sadd.s32 $0x80, s5;
	v8 =	vld.idx.msk [tilespmem:v2+s22+$0x0], $0xffff  }
0x404: {  	v2 =	vld.idx.msk [tilespmem:v11+s22+$0x0], $0xffff;
	[tilespmem:s5+$0x30] =	vst v6  }
0x405: {  	v6 =	vld [tilespmem:s4+$0xFFFFFFC0]  }
0x406: {  	v11 =	vld [tilespmem:s4+$0xFFFFFFD0]  }
.Ltmp12:
0x407: {  	v10 =	vld [tilespmem:s4+$0xFFFFFFE0];
	(pc) =	sbr.rel @p0 .LBB2_26-.Ltmp12, $4  }
0x408: {  	v9 =	vld [tilespmem:s4+$0xFFFFFFF0]  }
0x409: {  	v7 =	vld [tilespmem:s4+$0x0]  }
0x40a: {  	v12 =	vmul.f32 v6, v8;
	v6 =	vld [tilespmem:s4+$0x10]  }
0x40b: {  	s7 =	sadd.s32 $0x80, s7;
	v11 =	vmul.f32 v11, v14;
	v8 =	vld [tilespmem:s4+$0x20]  }
0x40c: {  	[tilespmem:s5+$0xFFFFFFC0] =	vst v12;
	v5 =	vmul.f32 v10, v5  }
0x40d: {  	[tilespmem:s5+$0xFFFFFFD0] =	vst v11;
	v4 =	vmul.f32 v9, v4  }
0x40e: {  	[tilespmem:s5+$0xFFFFFFE0] =	vst v5;
	v3 =	vmul.f32 v7, v3  }
0x40f: {  	[tilespmem:s5+$0xFFFFFFF0] =	vst v4;
	v1 =	vmul.f32 v6, v1  }
0x410: {  	[tilespmem:s5+$0x0] =	vst v3;
	v2 =	vmul.f32 v8, v2  }
0x411: {  	[tilespmem:s5+$0x10] =	vst v1  }
0x412: {  	[tilespmem:s5+$0x20] =	vst v2  }
0x413: {  	[spmem:s9] =	stream.indirect.scatter.add.f32 [tilespmem:s29], [sflag:$0x4], $0x1, s21, s24, $0xb8;
	[tilespmem:$0x1D000] =	vst v63  }
0x414: {  	_ =	swait.ge [sflag:s30], $0x1000  }
0x415: {  	s4 =	sld [smem:$0x7BF]  }
0x416: {  	[sflag:s30] =	ssyncset.done $0x0  }
0x417: {  	s6 =	sld [smem:$0x7C0];
	[sflag:s30] =	ssyncadd.s32 $0xFFFFF000  }
0x418: {  	[tilespmem:s16], [sflag:$0x1] =	stream.linear.gather [hbm4b:s4+s1], $0x1000, $0x38;
	[tilespmem:$0x1D000] =	vst v63  }
0x419: {  	s7 =	sld [smem:$0x7C1]  }
0x41a: {  	[tilespmem:s17], [sflag:$0x1] =	stream.linear.gather [hbm4b:s6+s1], $0x1000, $0x38;
	[tilespmem:$0x1D000] =	vst v63  }
0x41b: {  	_ = 	snop  }
0x41c: {  	[tilespmem:s18], [sflag:$0x1] =	stream.linear.gather [hbm4b:s7+s1], $0x1000, $0x38;
	[tilespmem:$0x1D000] =	vst v63  }
0x41d: {  	_ =	swait.ge [sflag:s28], $0x1000  }
0x41e: {  	[sflag:s28] =	ssyncset.done $0x0  }
0x41f: {  	[sflag:s28] =	ssyncadd.s32 $0xFFFFF000  }
0x420: {  	_ =	swait.ge [sflag:s28], $0x1000  }
0x421: {  	[sflag:s28] =	ssyncset.done $0x0  }
0x422: {  	[sflag:s28] =	ssyncadd.s32 $0xFFFFF000  }
0x423: {  	_ =	swait.ge [sflag:s28], $0x1000  }
0x424: {  	[sflag:s28] =	ssyncset.done $0x0  }
0x425: {  	s8 =	simm.s32 $0x14040;
	[sflag:s28] =	ssyncadd.s32 $0xFFFFF000  }
0x426: {  	v1 =	vld [tilespmem:s8+$0x30]  }
0x427: {  	v2 =	vld [tilespmem:s8+$0xFFFFFFD0]  }
0x428: {  	v3 =	vld [tilespmem:s8+$0xFFFFFFE0]  }
0x429: {  	v4 =	vld [tilespmem:s8+$0xFFFFFFF0]  }
0x42a: {  	v6 =	vld [tilespmem:s8+$0x0]  }
0x42b: {  	v7 =	vld [tilespmem:s8+$0x10]  }
0x42c: {  	v8 =	vld [tilespmem:s8+$0x20]  }
0x42d: {  	s4 =	simm.s32 $0x16040;
	v9 =	vld [tilespmem:s8+$0xFFFFFFC0]  }
0x42e: {  	v12 =	vld [tilespmem:s4+$0x30]  }
0x42f: {  	v15 =	vld [tilespmem:s4+$0xFFFFFFD0]  }
0x430: {  	v10 =	vld [tilespmem:s4+$0xFFFFFFE0]  }
0x431: {  	v11 =	vld.idx.msk [tilespmem:v1+s22+$0x0], $0xffff  }
0x432: {  	v13 =	vld.idx.msk [tilespmem:v2+s22+$0x0], $0xffff  }
0x433: {  	v5 =	vld.idx.msk [tilespmem:v3+s22+$0x0], $0xffff  }
0x434: {  	v4 =	vld.idx.msk [tilespmem:v4+s22+$0x0], $0xffff  }
0x435: {  	v14 =	vld.idx.msk [tilespmem:v9+s22+$0x0], $0xffff  }
0x436: {  	v2 =	vld.idx.msk [tilespmem:v8+s22+$0x0], $0xffff  }
0x437: {  	v8 =	vld [tilespmem:s4+$0xFFFFFFC0]  }
0x438: {  	v3 =	vld.idx.msk [tilespmem:v6+s22+$0x0], $0xffff  }
0x439: {  	v1 =	vld.idx.msk [tilespmem:v7+s22+$0x0], $0xffff  }
0x43a: {  	v9 =	vld [tilespmem:s4+$0xFFFFFFF0]  }
0x43b: {  	v7 =	vld [tilespmem:s4+$0x0];
	v11 =	vmul.f32 v12, v11  }
0x43c: {  	s5 =	simm.s32 $0x1C040;
	v6 =	vld [tilespmem:s4+$0x10];
	v12 =	vmul.f32 v8, v14  }
0x43d: {  	s6 =	simm.s32 $0x0;
	s7 =	simm.s32 $0x140C0;
	v8 =	vld [tilespmem:s4+$0x20];
	[tilespmem:s5+$0x30] =	vst v11;
	v11 =	vmul.f32 v15, v13  }
.LBB2_28:
0x43e: {  	v13 =	vld [tilespmem:s7+$0x30];
	s6 =	sadd.s32 $0x8, s6;
	[tilespmem:s5+$0xFFFFFFC0] =	vst v12;
	v5 =	vmul.f32 v10, v5  }
0x43f: {  	v10 =	vld [tilespmem:s7+$0xFFFFFFD0];
	p0 =	slt.u32 s6, $0xF8;
	[tilespmem:s5+$0xFFFFFFD0] =	vst v11;
	v4 =	vmul.f32 v9, v4  }
0x440: {  	v9 =	vld [tilespmem:s7+$0xFFFFFFE0];
	[tilespmem:s5+$0xFFFFFFE0] =	vst v5;
	v3 =	vmul.f32 v7, v3  }
0x441: {  	v7 =	vld [tilespmem:s7+$0xFFFFFFF0];
	[tilespmem:s5+$0xFFFFFFF0] =	vst v4;
	v1 =	vmul.f32 v6, v1  }
0x442: {  	v6 =	vld [tilespmem:s7+$0x0];
	[tilespmem:s5+$0x0] =	vst v3;
	v2 =	vmul.f32 v8, v2  }
0x443: {  	v8 =	vld [tilespmem:s7+$0x10];
	[tilespmem:s5+$0x10] =	vst v1  }
0x444: {  	v11 =	vld [tilespmem:s7+$0x20];
	[tilespmem:s5+$0x20] =	vst v2  }
0x445: {  	v2 =	vld [tilespmem:s7+$0xFFFFFFC0]  }
0x446: {  	s4 =	sadd.s32 $0x80, s4;
	v12 =	vld.idx.msk [tilespmem:v13+s22+$0x0], $0xffff  }
0x447: {  	v13 =	vld [tilespmem:s4+$0x30]  }
0x448: {  	v14 =	vld.idx.msk [tilespmem:v10+s22+$0x0], $0xffff  }
0x449: {  	v5 =	vld.idx.msk [tilespmem:v9+s22+$0x0], $0xffff  }
0x44a: {  	v4 =	vld.idx.msk [tilespmem:v7+s22+$0x0], $0xffff  }
0x44b: {  	v3 =	vld.idx.msk [tilespmem:v6+s22+$0x0], $0xffff  }
0x44c: {  	v1 =	vld.idx.msk [tilespmem:v8+s22+$0x0], $0xffff;
	v6 =	vmul.f32 v13, v12  }
0x44d: {  	s5 =	sadd.s32 $0x80, s5;
	v8 =	vld.idx.msk [tilespmem:v2+s22+$0x0], $0xffff  }
0x44e: {  	v2 =	vld.idx.msk [tilespmem:v11+s22+$0x0], $0xffff;
	[tilespmem:s5+$0x30] =	vst v6  }
0x44f: {  	v6 =	vld [tilespmem:s4+$0xFFFFFFC0]  }
0x450: {  	v11 =	vld [tilespmem:s4+$0xFFFFFFD0]  }
.Ltmp13:
0x451: {  	v10 =	vld [tilespmem:s4+$0xFFFFFFE0];
	(pc) =	sbr.rel @p0 .LBB2_28-.Ltmp13, $4  }
0x452: {  	v9 =	vld [tilespmem:s4+$0xFFFFFFF0]  }
0x453: {  	v7 =	vld [tilespmem:s4+$0x0]  }
0x454: {  	v12 =	vmul.f32 v6, v8;
	v6 =	vld [tilespmem:s4+$0x10]  }
0x455: {  	s7 =	sadd.s32 $0x80, s7;
	v11 =	vmul.f32 v11, v14;
	v8 =	vld [tilespmem:s4+$0x20]  }
0x456: {  	[tilespmem:s5+$0xFFFFFFC0] =	vst v12;
	v5 =	vmul.f32 v10, v5  }
0x457: {  	[tilespmem:s5+$0xFFFFFFD0] =	vst v11;
	v4 =	vmul.f32 v9, v4  }
0x458: {  	[tilespmem:s5+$0xFFFFFFE0] =	vst v5;
	v3 =	vmul.f32 v7, v3  }
0x459: {  	[tilespmem:s5+$0xFFFFFFF0] =	vst v4;
	v1 =	vmul.f32 v6, v1  }
0x45a: {  	[tilespmem:s5+$0x0] =	vst v3;
	v2 =	vmul.f32 v8, v2  }
0x45b: {  	[tilespmem:s5+$0x10] =	vst v1  }
0x45c: {  	[tilespmem:s5+$0x20] =	vst v2  }
0x45d: {  	[spmem:s9] =	stream.indirect.scatter.add.f32 [tilespmem:s31], [sflag:$0x5], $0x1, s26, s24, $0xb8;
	[tilespmem:$0x1D000] =	vst v63  }
0x45e: {  	_ =	swait.ge [sflag:s0], $0x1000  }
0x45f: {  	s4 =	sld [smem:$0x7C2]  }
0x460: {  	[sflag:s0] =	ssyncset.done $0x0  }
0x461: {  	s6 =	sld [smem:$0x7C3];
	[sflag:s0] =	ssyncadd.s32 $0xFFFFF000  }
0x462: {  	[tilespmem:s19], [sflag:$0x2] =	stream.linear.gather [hbm4b:s4+s1], $0x1000, $0x38;
	[tilespmem:$0x1D000] =	vst v63  }
0x463: {  	s7 =	sld [smem:$0x7C4]  }
0x464: {  	[tilespmem:s20], [sflag:$0x2] =	stream.linear.gather [hbm4b:s6+s1], $0x1000, $0x38;
	[tilespmem:$0x1D000] =	vst v63  }
0x465: {  	_ = 	snop  }
0x466: {  	[tilespmem:s21], [sflag:$0x2] =	stream.linear.gather [hbm4b:s7+s1], $0x1000, $0x38;
	[tilespmem:$0x1D000] =	vst v63  }
0x467: {  	_ =	swait.ge [sflag:s23], $0x1000  }
0x468: {  	[sflag:s23] =	ssyncset.done $0x0  }
0x469: {  	[sflag:s23] =	ssyncadd.s32 $0xFFFFF000  }
0x46a: {  	_ =	swait.ge [sflag:s23], $0x1000  }
0x46b: {  	[sflag:s23] =	ssyncset.done $0x0  }
0x46c: {  	[sflag:s23] =	ssyncadd.s32 $0xFFFFF000  }
0x46d: {  	_ =	swait.ge [sflag:s23], $0x1000  }
0x46e: {  	[sflag:s23] =	ssyncset.done $0x0  }
0x46f: {  	s8 =	simm.s32 $0x13040;
	[sflag:s23] =	ssyncadd.s32 $0xFFFFF000  }
0x470: {  	v1 =	vld [tilespmem:s8+$0x30]  }
0x471: {  	v2 =	vld [tilespmem:s8+$0xFFFFFFD0]  }
0x472: {  	v3 =	vld [tilespmem:s8+$0xFFFFFFE0]  }
0x473: {  	v4 =	vld [tilespmem:s8+$0xFFFFFFF0]  }
0x474: {  	v6 =	vld [tilespmem:s8+$0x0]  }
0x475: {  	v7 =	vld [tilespmem:s8+$0x10]  }
0x476: {  	v8 =	vld [tilespmem:s8+$0x20]  }
0x477: {  	s4 =	simm.s32 $0x15040;
	v9 =	vld [tilespmem:s8+$0xFFFFFFC0]  }
0x478: {  	v12 =	vld [tilespmem:s4+$0x30]  }
0x479: {  	v15 =	vld [tilespmem:s4+$0xFFFFFFD0]  }
0x47a: {  	v10 =	vld [tilespmem:s4+$0xFFFFFFE0]  }
0x47b: {  	v11 =	vld.idx.msk [tilespmem:v1+s22+$0x0], $0xffff  }
0x47c: {  	v13 =	vld.idx.msk [tilespmem:v2+s22+$0x0], $0xffff  }
0x47d: {  	v5 =	vld.idx.msk [tilespmem:v3+s22+$0x0], $0xffff  }
0x47e: {  	v4 =	vld.idx.msk [tilespmem:v4+s22+$0x0], $0xffff  }
0x47f: {  	v14 =	vld.idx.msk [tilespmem:v9+s22+$0x0], $0xffff  }
0x480: {  	v2 =	vld.idx.msk [tilespmem:v8+s22+$0x0], $0xffff  }
0x481: {  	v8 =	vld [tilespmem:s4+$0xFFFFFFC0]  }
0x482: {  	v3 =	vld.idx.msk [tilespmem:v6+s22+$0x0], $0xffff  }
0x483: {  	v1 =	vld.idx.msk [tilespmem:v7+s22+$0x0], $0xffff  }
0x484: {  	v9 =	vld [tilespmem:s4+$0xFFFFFFF0]  }
0x485: {  	v7 =	vld [tilespmem:s4+$0x0];
	v11 =	vmul.f32 v12, v11  }
0x486: {  	s5 =	simm.s32 $0x1A040;
	v6 =	vld [tilespmem:s4+$0x10];
	v12 =	vmul.f32 v8, v14  }
0x487: {  	s6 =	simm.s32 $0x0;
	s7 =	simm.s32 $0x130C0;
	v8 =	vld [tilespmem:s4+$0x20];
	[tilespmem:s5+$0x30] =	vst v11;
	v11 =	vmul.f32 v15, v13  }
.LBB2_30:
0x488: {  	v13 =	vld [tilespmem:s7+$0x30];
	s6 =	sadd.s32 $0x8, s6;
	[tilespmem:s5+$0xFFFFFFC0] =	vst v12;
	v5 =	vmul.f32 v10, v5  }
0x489: {  	v10 =	vld [tilespmem:s7+$0xFFFFFFD0];
	p0 =	slt.u32 s6, $0xF8;
	[tilespmem:s5+$0xFFFFFFD0] =	vst v11;
	v4 =	vmul.f32 v9, v4  }
0x48a: {  	v9 =	vld [tilespmem:s7+$0xFFFFFFE0];
	[tilespmem:s5+$0xFFFFFFE0] =	vst v5;
	v3 =	vmul.f32 v7, v3  }
0x48b: {  	v7 =	vld [tilespmem:s7+$0xFFFFFFF0];
	[tilespmem:s5+$0xFFFFFFF0] =	vst v4;
	v1 =	vmul.f32 v6, v1  }
0x48c: {  	v6 =	vld [tilespmem:s7+$0x0];
	[tilespmem:s5+$0x0] =	vst v3;
	v2 =	vmul.f32 v8, v2  }
0x48d: {  	v8 =	vld [tilespmem:s7+$0x10];
	[tilespmem:s5+$0x10] =	vst v1  }
0x48e: {  	v11 =	vld [tilespmem:s7+$0x20];
	[tilespmem:s5+$0x20] =	vst v2  }
0x48f: {  	v2 =	vld [tilespmem:s7+$0xFFFFFFC0]  }
0x490: {  	s4 =	sadd.s32 $0x80, s4;
	v12 =	vld.idx.msk [tilespmem:v13+s22+$0x0], $0xffff  }
0x491: {  	v13 =	vld [tilespmem:s4+$0x30]  }
0x492: {  	v14 =	vld.idx.msk [tilespmem:v10+s22+$0x0], $0xffff  }
0x493: {  	v5 =	vld.idx.msk [tilespmem:v9+s22+$0x0], $0xffff  }
0x494: {  	v4 =	vld.idx.msk [tilespmem:v7+s22+$0x0], $0xffff  }
0x495: {  	v3 =	vld.idx.msk [tilespmem:v6+s22+$0x0], $0xffff  }
0x496: {  	v1 =	vld.idx.msk [tilespmem:v8+s22+$0x0], $0xffff;
	v6 =	vmul.f32 v13, v12  }
0x497: {  	s5 =	sadd.s32 $0x80, s5;
	v8 =	vld.idx.msk [tilespmem:v2+s22+$0x0], $0xffff  }
0x498: {  	v2 =	vld.idx.msk [tilespmem:v11+s22+$0x0], $0xffff;
	[tilespmem:s5+$0x30] =	vst v6  }
0x499: {  	v6 =	vld [tilespmem:s4+$0xFFFFFFC0]  }
0x49a: {  	v11 =	vld [tilespmem:s4+$0xFFFFFFD0]  }
.Ltmp14:
0x49b: {  	v10 =	vld [tilespmem:s4+$0xFFFFFFE0];
	(pc) =	sbr.rel @p0 .LBB2_30-.Ltmp14, $4  }
0x49c: {  	v9 =	vld [tilespmem:s4+$0xFFFFFFF0]  }
0x49d: {  	v7 =	vld [tilespmem:s4+$0x0]  }
0x49e: {  	v12 =	vmul.f32 v6, v8;
	v6 =	vld [tilespmem:s4+$0x10]  }
0x49f: {  	s7 =	sadd.s32 $0x80, s7;
	v11 =	vmul.f32 v11, v14;
	v8 =	vld [tilespmem:s4+$0x20]  }
0x4a0: {  	[tilespmem:s5+$0xFFFFFFC0] =	vst v12;
	v5 =	vmul.f32 v10, v5  }
0x4a1: {  	[tilespmem:s5+$0xFFFFFFD0] =	vst v11;
	v4 =	vmul.f32 v9, v4  }
0x4a2: {  	[tilespmem:s5+$0xFFFFFFE0] =	vst v5;
	v3 =	vmul.f32 v7, v3  }
0x4a3: {  	[tilespmem:s5+$0xFFFFFFF0] =	vst v4;
	v1 =	vmul.f32 v6, v1  }
0x4a4: {  	[tilespmem:s5+$0x0] =	vst v3;
	v2 =	vmul.f32 v8, v2  }
0x4a5: {  	[tilespmem:s5+$0x10] =	vst v1  }
0x4a6: {  	[tilespmem:s5+$0x20] =	vst v2  }
0x4a7: {  	[spmem:s9] =	stream.indirect.scatter.add.f32 [tilespmem:s25], [sflag:$0x3], $0x1, s18, s24, $0xb8;
	[tilespmem:$0x1D000] =	vst v63  }
0x4a8: {  	_ =	swait.ge [sflag:s2], $0x1000  }
0x4a9: {  	s4 =	sld [smem:$0x7C5]  }
0x4aa: {  	[sflag:s2] =	ssyncset.done $0x0  }
0x4ab: {  	s6 =	sld [smem:$0x7C6];
	[sflag:s2] =	ssyncadd.s32 $0xFFFFF000  }
0x4ac: {  	[tilespmem:s16], [sflag:$0x1] =	stream.linear.gather [hbm4b:s4+s1], $0x1000, $0x38;
	[tilespmem:$0x1D000] =	vst v63  }
0x4ad: {  	s7 =	sld [smem:$0x7C7]  }
0x4ae: {  	[tilespmem:s17], [sflag:$0x1] =	stream.linear.gather [hbm4b:s6+s1], $0x1000, $0x38;
	[tilespmem:$0x1D000] =	vst v63  }
0x4af: {  	_ = 	snop  }
0x4b0: {  	[tilespmem:s26], [sflag:$0x1] =	stream.linear.gather [hbm4b:s7+s1], $0x1000, $0x38;
	[tilespmem:$0x1D000] =	vst v63  }
0x4b1: {  	_ =	swait.ge [sflag:s28], $0x1000  }
0x4b2: {  	[sflag:s28] =	ssyncset.done $0x0  }
0x4b3: {  	[sflag:s28] =	ssyncadd.s32 $0xFFFFF000  }
0x4b4: {  	_ =	swait.ge [sflag:s28], $0x1000  }
0x4b5: {  	[sflag:s28] =	ssyncset.done $0x0  }
0x4b6: {  	[sflag:s28] =	ssyncadd.s32 $0xFFFFF000  }
0x4b7: {  	_ =	swait.ge [sflag:s28], $0x1000  }
0x4b8: {  	[sflag:s28] =	ssyncset.done $0x0  }
0x4b9: {  	s8 =	simm.s32 $0x14040;
	[sflag:s28] =	ssyncadd.s32 $0xFFFFF000  }
0x4ba: {  	v1 =	vld [tilespmem:s8+$0x30]  }
0x4bb: {  	v2 =	vld [tilespmem:s8+$0xFFFFFFD0]  }
0x4bc: {  	v3 =	vld [tilespmem:s8+$0xFFFFFFE0]  }
0x4bd: {  	v4 =	vld [tilespmem:s8+$0xFFFFFFF0]  }
0x4be: {  	v6 =	vld [tilespmem:s8+$0x0]  }
0x4bf: {  	v7 =	vld [tilespmem:s8+$0x10]  }
0x4c0: {  	v8 =	vld [tilespmem:s8+$0x20]  }
0x4c1: {  	s4 =	simm.s32 $0x16040;
	v9 =	vld [tilespmem:s8+$0xFFFFFFC0]  }
0x4c2: {  	v12 =	vld [tilespmem:s4+$0x30]  }
0x4c3: {  	v15 =	vld [tilespmem:s4+$0xFFFFFFD0]  }
0x4c4: {  	v10 =	vld [tilespmem:s4+$0xFFFFFFE0]  }
0x4c5: {  	v11 =	vld.idx.msk [tilespmem:v1+s22+$0x0], $0xffff  }
0x4c6: {  	v13 =	vld.idx.msk [tilespmem:v2+s22+$0x0], $0xffff  }
0x4c7: {  	v5 =	vld.idx.msk [tilespmem:v3+s22+$0x0], $0xffff  }
0x4c8: {  	v4 =	vld.idx.msk [tilespmem:v4+s22+$0x0], $0xffff  }
0x4c9: {  	v14 =	vld.idx.msk [tilespmem:v9+s22+$0x0], $0xffff  }
0x4ca: {  	v2 =	vld.idx.msk [tilespmem:v8+s22+$0x0], $0xffff  }
0x4cb: {  	v8 =	vld [tilespmem:s4+$0xFFFFFFC0]  }
0x4cc: {  	v3 =	vld.idx.msk [tilespmem:v6+s22+$0x0], $0xffff  }
0x4cd: {  	v1 =	vld.idx.msk [tilespmem:v7+s22+$0x0], $0xffff  }
0x4ce: {  	v9 =	vld [tilespmem:s4+$0xFFFFFFF0]  }
0x4cf: {  	v7 =	vld [tilespmem:s4+$0x0];
	v11 =	vmul.f32 v12, v11  }
0x4d0: {  	s5 =	simm.s32 $0x1B040;
	v6 =	vld [tilespmem:s4+$0x10];
	v12 =	vmul.f32 v8, v14  }
0x4d1: {  	s6 =	simm.s32 $0x0;
	s7 =	simm.s32 $0x140C0;
	v8 =	vld [tilespmem:s4+$0x20];
	[tilespmem:s5+$0x30] =	vst v11;
	v11 =	vmul.f32 v15, v13  }
.LBB2_32:
0x4d2: {  	v13 =	vld [tilespmem:s7+$0x30];
	s6 =	sadd.s32 $0x8, s6;
	[tilespmem:s5+$0xFFFFFFC0] =	vst v12;
	v5 =	vmul.f32 v10, v5  }
0x4d3: {  	v10 =	vld [tilespmem:s7+$0xFFFFFFD0];
	p0 =	slt.u32 s6, $0xF8;
	[tilespmem:s5+$0xFFFFFFD0] =	vst v11;
	v4 =	vmul.f32 v9, v4  }
0x4d4: {  	v9 =	vld [tilespmem:s7+$0xFFFFFFE0];
	[tilespmem:s5+$0xFFFFFFE0] =	vst v5;
	v3 =	vmul.f32 v7, v3  }
0x4d5: {  	v7 =	vld [tilespmem:s7+$0xFFFFFFF0];
	[tilespmem:s5+$0xFFFFFFF0] =	vst v4;
	v1 =	vmul.f32 v6, v1  }
0x4d6: {  	v6 =	vld [tilespmem:s7+$0x0];
	[tilespmem:s5+$0x0] =	vst v3;
	v2 =	vmul.f32 v8, v2  }
0x4d7: {  	v8 =	vld [tilespmem:s7+$0x10];
	[tilespmem:s5+$0x10] =	vst v1  }
0x4d8: {  	v11 =	vld [tilespmem:s7+$0x20];
	[tilespmem:s5+$0x20] =	vst v2  }
0x4d9: {  	v2 =	vld [tilespmem:s7+$0xFFFFFFC0]  }
0x4da: {  	s4 =	sadd.s32 $0x80, s4;
	v12 =	vld.idx.msk [tilespmem:v13+s22+$0x0], $0xffff  }
0x4db: {  	v13 =	vld [tilespmem:s4+$0x30]  }
0x4dc: {  	v14 =	vld.idx.msk [tilespmem:v10+s22+$0x0], $0xffff  }
0x4dd: {  	v5 =	vld.idx.msk [tilespmem:v9+s22+$0x0], $0xffff  }
0x4de: {  	v4 =	vld.idx.msk [tilespmem:v7+s22+$0x0], $0xffff  }
0x4df: {  	v3 =	vld.idx.msk [tilespmem:v6+s22+$0x0], $0xffff  }
0x4e0: {  	v1 =	vld.idx.msk [tilespmem:v8+s22+$0x0], $0xffff;
	v6 =	vmul.f32 v13, v12  }
0x4e1: {  	s5 =	sadd.s32 $0x80, s5;
	v8 =	vld.idx.msk [tilespmem:v2+s22+$0x0], $0xffff  }
0x4e2: {  	v2 =	vld.idx.msk [tilespmem:v11+s22+$0x0], $0xffff;
	[tilespmem:s5+$0x30] =	vst v6  }
0x4e3: {  	v6 =	vld [tilespmem:s4+$0xFFFFFFC0]  }
0x4e4: {  	v11 =	vld [tilespmem:s4+$0xFFFFFFD0]  }
.Ltmp15:
0x4e5: {  	v10 =	vld [tilespmem:s4+$0xFFFFFFE0];
	(pc) =	sbr.rel @p0 .LBB2_32-.Ltmp15, $4  }
0x4e6: {  	v9 =	vld [tilespmem:s4+$0xFFFFFFF0]  }
0x4e7: {  	v7 =	vld [tilespmem:s4+$0x0]  }
0x4e8: {  	v12 =	vmul.f32 v6, v8;
	v6 =	vld [tilespmem:s4+$0x10]  }
0x4e9: {  	s7 =	sadd.s32 $0x80, s7;
	v11 =	vmul.f32 v11, v14;
	v8 =	vld [tilespmem:s4+$0x20]  }
0x4ea: {  	[tilespmem:s5+$0xFFFFFFC0] =	vst v12;
	v5 =	vmul.f32 v10, v5  }
0x4eb: {  	[tilespmem:s5+$0xFFFFFFD0] =	vst v11;
	v4 =	vmul.f32 v9, v4  }
0x4ec: {  	[tilespmem:s5+$0xFFFFFFE0] =	vst v5;
	v3 =	vmul.f32 v7, v3  }
0x4ed: {  	[tilespmem:s5+$0xFFFFFFF0] =	vst v4;
	v1 =	vmul.f32 v6, v1  }
0x4ee: {  	[tilespmem:s5+$0x0] =	vst v3;
	v2 =	vmul.f32 v8, v2  }
0x4ef: {  	[tilespmem:s5+$0x10] =	vst v1  }
0x4f0: {  	[tilespmem:s5+$0x20] =	vst v2  }
0x4f1: {  	[spmem:s9] =	stream.indirect.scatter.add.f32 [tilespmem:s29], [sflag:$0x4], $0x1, s21, s24, $0xb8;
	[tilespmem:$0x1D000] =	vst v63  }
0x4f2: {  	_ =	swait.ge [sflag:s30], $0x1000  }
0x4f3: {  	s4 =	sld [smem:$0x7C8]  }
0x4f4: {  	[sflag:s30] =	ssyncset.done $0x0  }
0x4f5: {  	s6 =	sld [smem:$0x7C9];
	[sflag:s30] =	ssyncadd.s32 $0xFFFFF000  }
0x4f6: {  	[tilespmem:s19], [sflag:$0x2] =	stream.linear.gather [hbm4b:s4+s1], $0x1000, $0x38;
	[tilespmem:$0x1D000] =	vst v63  }
0x4f7: {  	s7 =	sld [smem:$0x7CA]  }
0x4f8: {  	[tilespmem:s20], [sflag:$0x2] =	stream.linear.gather [hbm4b:s6+s1], $0x1000, $0x38;
	[tilespmem:$0x1D000] =	vst v63  }
0x4f9: {  	_ = 	snop  }
0x4fa: {  	[tilespmem:s18], [sflag:$0x2] =	stream.linear.gather [hbm4b:s7+s1], $0x1000, $0x38;
	[tilespmem:$0x1D000] =	vst v63  }
0x4fb: {  	_ =	swait.ge [sflag:s23], $0x1000  }
0x4fc: {  	[sflag:s23] =	ssyncset.done $0x0  }
0x4fd: {  	[sflag:s23] =	ssyncadd.s32 $0xFFFFF000  }
0x4fe: {  	_ =	swait.ge [sflag:s23], $0x1000  }
0x4ff: {  	[sflag:s23] =	ssyncset.done $0x0  }
0x500: {  	[sflag:s23] =	ssyncadd.s32 $0xFFFFF000  }
0x501: {  	_ =	swait.ge [sflag:s23], $0x1000  }
0x502: {  	[sflag:s23] =	ssyncset.done $0x0  }
0x503: {  	s8 =	simm.s32 $0x13040;
	[sflag:s23] =	ssyncadd.s32 $0xFFFFF000  }
0x504: {  	v1 =	vld [tilespmem:s8+$0x30]  }
0x505: {  	v2 =	vld [tilespmem:s8+$0xFFFFFFD0]  }
0x506: {  	v3 =	vld [tilespmem:s8+$0xFFFFFFE0]  }
0x507: {  	v4 =	vld [tilespmem:s8+$0xFFFFFFF0]  }
0x508: {  	v6 =	vld [tilespmem:s8+$0x0]  }
0x509: {  	v7 =	vld [tilespmem:s8+$0x10]  }
0x50a: {  	v8 =	vld [tilespmem:s8+$0x20]  }
0x50b: {  	s4 =	simm.s32 $0x15040;
	v9 =	vld [tilespmem:s8+$0xFFFFFFC0]  }
0x50c: {  	v12 =	vld [tilespmem:s4+$0x30]  }
0x50d: {  	v15 =	vld [tilespmem:s4+$0xFFFFFFD0]  }
0x50e: {  	v10 =	vld [tilespmem:s4+$0xFFFFFFE0]  }
0x50f: {  	v11 =	vld.idx.msk [tilespmem:v1+s22+$0x0], $0xffff  }
0x510: {  	v13 =	vld.idx.msk [tilespmem:v2+s22+$0x0], $0xffff  }
0x511: {  	v5 =	vld.idx.msk [tilespmem:v3+s22+$0x0], $0xffff  }
0x512: {  	v4 =	vld.idx.msk [tilespmem:v4+s22+$0x0], $0xffff  }
0x513: {  	v14 =	vld.idx.msk [tilespmem:v9+s22+$0x0], $0xffff  }
0x514: {  	v2 =	vld.idx.msk [tilespmem:v8+s22+$0x0], $0xffff  }
0x515: {  	v8 =	vld [tilespmem:s4+$0xFFFFFFC0]  }
0x516: {  	v3 =	vld.idx.msk [tilespmem:v6+s22+$0x0], $0xffff  }
0x517: {  	v1 =	vld.idx.msk [tilespmem:v7+s22+$0x0], $0xffff  }
0x518: {  	v9 =	vld [tilespmem:s4+$0xFFFFFFF0]  }
0x519: {  	v7 =	vld [tilespmem:s4+$0x0];
	v11 =	vmul.f32 v12, v11  }
0x51a: {  	s5 =	simm.s32 $0x1C040;
	v6 =	vld [tilespmem:s4+$0x10];
	v12 =	vmul.f32 v8, v14  }
0x51b: {  	s6 =	simm.s32 $0x0;
	s7 =	simm.s32 $0x130C0;
	v8 =	vld [tilespmem:s4+$0x20];
	[tilespmem:s5+$0x30] =	vst v11;
	v11 =	vmul.f32 v15, v13  }
.LBB2_34:
0x51c: {  	v13 =	vld [tilespmem:s7+$0x30];
	s6 =	sadd.s32 $0x8, s6;
	[tilespmem:s5+$0xFFFFFFC0] =	vst v12;
	v5 =	vmul.f32 v10, v5  }
0x51d: {  	v10 =	vld [tilespmem:s7+$0xFFFFFFD0];
	p0 =	slt.u32 s6, $0xF8;
	[tilespmem:s5+$0xFFFFFFD0] =	vst v11;
	v4 =	vmul.f32 v9, v4  }
0x51e: {  	v9 =	vld [tilespmem:s7+$0xFFFFFFE0];
	[tilespmem:s5+$0xFFFFFFE0] =	vst v5;
	v3 =	vmul.f32 v7, v3  }
0x51f: {  	v7 =	vld [tilespmem:s7+$0xFFFFFFF0];
	[tilespmem:s5+$0xFFFFFFF0] =	vst v4;
	v1 =	vmul.f32 v6, v1  }
0x520: {  	v6 =	vld [tilespmem:s7+$0x0];
	[tilespmem:s5+$0x0] =	vst v3;
	v2 =	vmul.f32 v8, v2  }
0x521: {  	v8 =	vld [tilespmem:s7+$0x10];
	[tilespmem:s5+$0x10] =	vst v1  }
0x522: {  	v11 =	vld [tilespmem:s7+$0x20];
	[tilespmem:s5+$0x20] =	vst v2  }
0x523: {  	v2 =	vld [tilespmem:s7+$0xFFFFFFC0]  }
0x524: {  	s4 =	sadd.s32 $0x80, s4;
	v12 =	vld.idx.msk [tilespmem:v13+s22+$0x0], $0xffff  }
0x525: {  	v13 =	vld [tilespmem:s4+$0x30]  }
0x526: {  	v14 =	vld.idx.msk [tilespmem:v10+s22+$0x0], $0xffff  }
0x527: {  	v5 =	vld.idx.msk [tilespmem:v9+s22+$0x0], $0xffff  }
0x528: {  	v4 =	vld.idx.msk [tilespmem:v7+s22+$0x0], $0xffff  }
0x529: {  	v3 =	vld.idx.msk [tilespmem:v6+s22+$0x0], $0xffff  }
0x52a: {  	v1 =	vld.idx.msk [tilespmem:v8+s22+$0x0], $0xffff;
	v6 =	vmul.f32 v13, v12  }
0x52b: {  	s5 =	sadd.s32 $0x80, s5;
	v8 =	vld.idx.msk [tilespmem:v2+s22+$0x0], $0xffff  }
0x52c: {  	v2 =	vld.idx.msk [tilespmem:v11+s22+$0x0], $0xffff;
	[tilespmem:s5+$0x30] =	vst v6  }
0x52d: {  	v6 =	vld [tilespmem:s4+$0xFFFFFFC0]  }
0x52e: {  	v11 =	vld [tilespmem:s4+$0xFFFFFFD0]  }
.Ltmp16:
0x52f: {  	v10 =	vld [tilespmem:s4+$0xFFFFFFE0];
	(pc) =	sbr.rel @p0 .LBB2_34-.Ltmp16, $4  }
0x530: {  	v9 =	vld [tilespmem:s4+$0xFFFFFFF0]  }
0x531: {  	v7 =	vld [tilespmem:s4+$0x0]  }
0x532: {  	v12 =	vmul.f32 v6, v8;
	v6 =	vld [tilespmem:s4+$0x10]  }
0x533: {  	s7 =	sadd.s32 $0x80, s7;
	v11 =	vmul.f32 v11, v14;
	v8 =	vld [tilespmem:s4+$0x20]  }
0x534: {  	[tilespmem:s5+$0xFFFFFFC0] =	vst v12;
	v5 =	vmul.f32 v10, v5  }
0x535: {  	[tilespmem:s5+$0xFFFFFFD0] =	vst v11;
	v4 =	vmul.f32 v9, v4  }
0x536: {  	[tilespmem:s5+$0xFFFFFFE0] =	vst v5;
	v3 =	vmul.f32 v7, v3  }
0x537: {  	[tilespmem:s5+$0xFFFFFFF0] =	vst v4;
	v1 =	vmul.f32 v6, v1  }
0x538: {  	[tilespmem:s5+$0x0] =	vst v3;
	v2 =	vmul.f32 v8, v2  }
0x539: {  	[tilespmem:s5+$0x10] =	vst v1  }
0x53a: {  	[tilespmem:s5+$0x20] =	vst v2  }
0x53b: {  	[spmem:s9] =	stream.indirect.scatter.add.f32 [tilespmem:s31], [sflag:$0x5], $0x1, s26, s24, $0xb8;
	[tilespmem:$0x1D000] =	vst v63  }
0x53c: {  	_ =	swait.ge [sflag:s0], $0x1000  }
0x53d: {  	s4 =	sld [smem:$0x7CB]  }
0x53e: {  	[sflag:s0] =	ssyncset.done $0x0  }
0x53f: {  	s6 =	sld [smem:$0x7CC];
	[sflag:s0] =	ssyncadd.s32 $0xFFFFF000  }
0x540: {  	[tilespmem:s16], [sflag:$0x1] =	stream.linear.gather [hbm4b:s4+s1], $0x1000, $0x38;
	[tilespmem:$0x1D000] =	vst v63  }
0x541: {  	s7 =	sld [smem:$0x7CD]  }
0x542: {  	[tilespmem:s17], [sflag:$0x1] =	stream.linear.gather [hbm4b:s6+s1], $0x1000, $0x38;
	[tilespmem:$0x1D000] =	vst v63  }
0x543: {  	_ = 	snop  }
0x544: {  	[tilespmem:s21], [sflag:$0x1] =	stream.linear.gather [hbm4b:s7+s1], $0x1000, $0x38;
	[tilespmem:$0x1D000] =	vst v63  }
0x545: {  	_ =	swait.ge [sflag:s28], $0x1000  }
0x546: {  	[sflag:s28] =	ssyncset.done $0x0  }
0x547: {  	[sflag:s28] =	ssyncadd.s32 $0xFFFFF000  }
0x548: {  	_ =	swait.ge [sflag:s28], $0x1000  }
0x549: {  	[sflag:s28] =	ssyncset.done $0x0  }
0x54a: {  	[sflag:s28] =	ssyncadd.s32 $0xFFFFF000  }
0x54b: {  	_ =	swait.ge [sflag:s28], $0x1000  }
0x54c: {  	[sflag:s28] =	ssyncset.done $0x0  }
0x54d: {  	s8 =	simm.s32 $0x14040;
	[sflag:s28] =	ssyncadd.s32 $0xFFFFF000  }
0x54e: {  	v1 =	vld [tilespmem:s8+$0x30]  }
0x54f: {  	v2 =	vld [tilespmem:s8+$0xFFFFFFD0]  }
0x550: {  	v3 =	vld [tilespmem:s8+$0xFFFFFFE0]  }
0x551: {  	v4 =	vld [tilespmem:s8+$0xFFFFFFF0]  }
0x552: {  	v6 =	vld [tilespmem:s8+$0x0]  }
0x553: {  	v7 =	vld [tilespmem:s8+$0x10]  }
0x554: {  	v8 =	vld [tilespmem:s8+$0x20]  }
0x555: {  	s4 =	simm.s32 $0x16040;
	v9 =	vld [tilespmem:s8+$0xFFFFFFC0]  }
0x556: {  	v12 =	vld [tilespmem:s4+$0x30]  }
0x557: {  	v15 =	vld [tilespmem:s4+$0xFFFFFFD0]  }
0x558: {  	v10 =	vld [tilespmem:s4+$0xFFFFFFE0]  }
0x559: {  	v11 =	vld.idx.msk [tilespmem:v1+s22+$0x0], $0xffff  }
0x55a: {  	v13 =	vld.idx.msk [tilespmem:v2+s22+$0x0], $0xffff  }
0x55b: {  	v5 =	vld.idx.msk [tilespmem:v3+s22+$0x0], $0xffff  }
0x55c: {  	v4 =	vld.idx.msk [tilespmem:v4+s22+$0x0], $0xffff  }
0x55d: {  	v14 =	vld.idx.msk [tilespmem:v9+s22+$0x0], $0xffff  }
0x55e: {  	v2 =	vld.idx.msk [tilespmem:v8+s22+$0x0], $0xffff  }
0x55f: {  	v8 =	vld [tilespmem:s4+$0xFFFFFFC0]  }
0x560: {  	v3 =	vld.idx.msk [tilespmem:v6+s22+$0x0], $0xffff  }
0x561: {  	v1 =	vld.idx.msk [tilespmem:v7+s22+$0x0], $0xffff  }
0x562: {  	v9 =	vld [tilespmem:s4+$0xFFFFFFF0]  }
0x563: {  	v7 =	vld [tilespmem:s4+$0x0];
	v11 =	vmul.f32 v12, v11  }
0x564: {  	s5 =	simm.s32 $0x1A040;
	v6 =	vld [tilespmem:s4+$0x10];
	v12 =	vmul.f32 v8, v14  }
0x565: {  	s6 =	simm.s32 $0x0;
	s7 =	simm.s32 $0x140C0;
	v8 =	vld [tilespmem:s4+$0x20];
	[tilespmem:s5+$0x30] =	vst v11;
	v11 =	vmul.f32 v15, v13  }
.LBB2_36:
0x566: {  	v13 =	vld [tilespmem:s7+$0x30];
	s6 =	sadd.s32 $0x8, s6;
	[tilespmem:s5+$0xFFFFFFC0] =	vst v12;
	v5 =	vmul.f32 v10, v5  }
0x567: {  	v10 =	vld [tilespmem:s7+$0xFFFFFFD0];
	p0 =	slt.u32 s6, $0xF8;
	[tilespmem:s5+$0xFFFFFFD0] =	vst v11;
	v4 =	vmul.f32 v9, v4  }
0x568: {  	v9 =	vld [tilespmem:s7+$0xFFFFFFE0];
	[tilespmem:s5+$0xFFFFFFE0] =	vst v5;
	v3 =	vmul.f32 v7, v3  }
0x569: {  	v7 =	vld [tilespmem:s7+$0xFFFFFFF0];
	[tilespmem:s5+$0xFFFFFFF0] =	vst v4;
	v1 =	vmul.f32 v6, v1  }
0x56a: {  	v6 =	vld [tilespmem:s7+$0x0];
	[tilespmem:s5+$0x0] =	vst v3;
	v2 =	vmul.f32 v8, v2  }
0x56b: {  	v8 =	vld [tilespmem:s7+$0x10];
	[tilespmem:s5+$0x10] =	vst v1  }
0x56c: {  	v11 =	vld [tilespmem:s7+$0x20];
	[tilespmem:s5+$0x20] =	vst v2  }
0x56d: {  	v2 =	vld [tilespmem:s7+$0xFFFFFFC0]  }
0x56e: {  	s4 =	sadd.s32 $0x80, s4;
	v12 =	vld.idx.msk [tilespmem:v13+s22+$0x0], $0xffff  }
0x56f: {  	v13 =	vld [tilespmem:s4+$0x30]  }
0x570: {  	v14 =	vld.idx.msk [tilespmem:v10+s22+$0x0], $0xffff  }
0x571: {  	v5 =	vld.idx.msk [tilespmem:v9+s22+$0x0], $0xffff  }
0x572: {  	v4 =	vld.idx.msk [tilespmem:v7+s22+$0x0], $0xffff  }
0x573: {  	v3 =	vld.idx.msk [tilespmem:v6+s22+$0x0], $0xffff  }
0x574: {  	v1 =	vld.idx.msk [tilespmem:v8+s22+$0x0], $0xffff;
	v6 =	vmul.f32 v13, v12  }
0x575: {  	s5 =	sadd.s32 $0x80, s5;
	v8 =	vld.idx.msk [tilespmem:v2+s22+$0x0], $0xffff  }
0x576: {  	v2 =	vld.idx.msk [tilespmem:v11+s22+$0x0], $0xffff;
	[tilespmem:s5+$0x30] =	vst v6  }
0x577: {  	v6 =	vld [tilespmem:s4+$0xFFFFFFC0]  }
0x578: {  	v11 =	vld [tilespmem:s4+$0xFFFFFFD0]  }
.Ltmp17:
0x579: {  	v10 =	vld [tilespmem:s4+$0xFFFFFFE0];
	(pc) =	sbr.rel @p0 .LBB2_36-.Ltmp17, $4  }
0x57a: {  	v9 =	vld [tilespmem:s4+$0xFFFFFFF0]  }
0x57b: {  	v7 =	vld [tilespmem:s4+$0x0]  }
0x57c: {  	v12 =	vmul.f32 v6, v8;
	v6 =	vld [tilespmem:s4+$0x10]  }
0x57d: {  	s7 =	sadd.s32 $0x80, s7;
	v11 =	vmul.f32 v11, v14;
	v8 =	vld [tilespmem:s4+$0x20]  }
0x57e: {  	[tilespmem:s5+$0xFFFFFFC0] =	vst v12;
	v5 =	vmul.f32 v10, v5  }
0x57f: {  	[tilespmem:s5+$0xFFFFFFD0] =	vst v11;
	v4 =	vmul.f32 v9, v4  }
0x580: {  	[tilespmem:s5+$0xFFFFFFE0] =	vst v5;
	v3 =	vmul.f32 v7, v3  }
0x581: {  	[tilespmem:s5+$0xFFFFFFF0] =	vst v4;
	v1 =	vmul.f32 v6, v1  }
0x582: {  	[tilespmem:s5+$0x0] =	vst v3;
	v2 =	vmul.f32 v8, v2  }
0x583: {  	[tilespmem:s5+$0x10] =	vst v1  }
0x584: {  	[tilespmem:s5+$0x20] =	vst v2  }
0x585: {  	[spmem:s9] =	stream.indirect.scatter.add.f32 [tilespmem:s25], [sflag:$0x3], $0x1, s18, s24, $0xb8;
	[tilespmem:$0x1D000] =	vst v63  }
0x586: {  	_ =	swait.ge [sflag:s2], $0x1000  }
0x587: {  	s4 =	sld [smem:$0x7CE]  }
0x588: {  	[sflag:s2] =	ssyncset.done $0x0  }
0x589: {  	s6 =	sld [smem:$0x7CF];
	[sflag:s2] =	ssyncadd.s32 $0xFFFFF000  }
0x58a: {  	[tilespmem:s19], [sflag:$0x2] =	stream.linear.gather [hbm4b:s4+s1], $0x1000, $0x38;
	[tilespmem:$0x1D000] =	vst v63  }
0x58b: {  	s7 =	sld [smem:$0x7D0]  }
0x58c: {  	[tilespmem:s20], [sflag:$0x2] =	stream.linear.gather [hbm4b:s6+s1], $0x1000, $0x38;
	[tilespmem:$0x1D000] =	vst v63  }
0x58d: {  	_ = 	snop  }
0x58e: {  	[tilespmem:s26], [sflag:$0x2] =	stream.linear.gather [hbm4b:s7+s1], $0x1000, $0x38;
	[tilespmem:$0x1D000] =	vst v63  }
0x58f: {  	_ =	swait.ge [sflag:s23], $0x1000  }
0x590: {  	[sflag:s23] =	ssyncset.done $0x0  }
0x591: {  	[sflag:s23] =	ssyncadd.s32 $0xFFFFF000  }
0x592: {  	_ =	swait.ge [sflag:s23], $0x1000  }
0x593: {  	[sflag:s23] =	ssyncset.done $0x0  }
0x594: {  	[sflag:s23] =	ssyncadd.s32 $0xFFFFF000  }
0x595: {  	_ =	swait.ge [sflag:s23], $0x1000  }
0x596: {  	[sflag:s23] =	ssyncset.done $0x0  }
0x597: {  	s8 =	simm.s32 $0x13040;
	[sflag:s23] =	ssyncadd.s32 $0xFFFFF000  }
0x598: {  	v1 =	vld [tilespmem:s8+$0x30]  }
0x599: {  	v2 =	vld [tilespmem:s8+$0xFFFFFFD0]  }
0x59a: {  	v3 =	vld [tilespmem:s8+$0xFFFFFFE0]  }
0x59b: {  	v4 =	vld [tilespmem:s8+$0xFFFFFFF0]  }
0x59c: {  	v6 =	vld [tilespmem:s8+$0x0]  }
0x59d: {  	v7 =	vld [tilespmem:s8+$0x10]  }
0x59e: {  	v8 =	vld [tilespmem:s8+$0x20]  }
0x59f: {  	s4 =	simm.s32 $0x15040;
	v9 =	vld [tilespmem:s8+$0xFFFFFFC0]  }
0x5a0: {  	v12 =	vld [tilespmem:s4+$0x30]  }
0x5a1: {  	v15 =	vld [tilespmem:s4+$0xFFFFFFD0]  }
0x5a2: {  	v10 =	vld [tilespmem:s4+$0xFFFFFFE0]  }
0x5a3: {  	v11 =	vld.idx.msk [tilespmem:v1+s22+$0x0], $0xffff  }
0x5a4: {  	v13 =	vld.idx.msk [tilespmem:v2+s22+$0x0], $0xffff  }
0x5a5: {  	v5 =	vld.idx.msk [tilespmem:v3+s22+$0x0], $0xffff  }
0x5a6: {  	v4 =	vld.idx.msk [tilespmem:v4+s22+$0x0], $0xffff  }
0x5a7: {  	v14 =	vld.idx.msk [tilespmem:v9+s22+$0x0], $0xffff  }
0x5a8: {  	v2 =	vld.idx.msk [tilespmem:v8+s22+$0x0], $0xffff  }
0x5a9: {  	v8 =	vld [tilespmem:s4+$0xFFFFFFC0]  }
0x5aa: {  	v3 =	vld.idx.msk [tilespmem:v6+s22+$0x0], $0xffff  }
0x5ab: {  	v1 =	vld.idx.msk [tilespmem:v7+s22+$0x0], $0xffff  }
0x5ac: {  	v9 =	vld [tilespmem:s4+$0xFFFFFFF0]  }
0x5ad: {  	v7 =	vld [tilespmem:s4+$0x0];
	v11 =	vmul.f32 v12, v11  }
0x5ae: {  	s5 =	simm.s32 $0x1B040;
	v6 =	vld [tilespmem:s4+$0x10];
	v12 =	vmul.f32 v8, v14  }
0x5af: {  	s6 =	simm.s32 $0x0;
	s7 =	simm.s32 $0x130C0;
	v8 =	vld [tilespmem:s4+$0x20];
	[tilespmem:s5+$0x30] =	vst v11;
	v11 =	vmul.f32 v15, v13  }
.LBB2_38:
0x5b0: {  	v13 =	vld [tilespmem:s7+$0x30];
	s6 =	sadd.s32 $0x8, s6;
	[tilespmem:s5+$0xFFFFFFC0] =	vst v12;
	v5 =	vmul.f32 v10, v5  }
0x5b1: {  	v10 =	vld [tilespmem:s7+$0xFFFFFFD0];
	p0 =	slt.u32 s6, $0xF8;
	[tilespmem:s5+$0xFFFFFFD0] =	vst v11;
	v4 =	vmul.f32 v9, v4  }
0x5b2: {  	v9 =	vld [tilespmem:s7+$0xFFFFFFE0];
	[tilespmem:s5+$0xFFFFFFE0] =	vst v5;
	v3 =	vmul.f32 v7, v3  }
0x5b3: {  	v7 =	vld [tilespmem:s7+$0xFFFFFFF0];
	[tilespmem:s5+$0xFFFFFFF0] =	vst v4;
	v1 =	vmul.f32 v6, v1  }
0x5b4: {  	v6 =	vld [tilespmem:s7+$0x0];
	[tilespmem:s5+$0x0] =	vst v3;
	v2 =	vmul.f32 v8, v2  }
0x5b5: {  	v8 =	vld [tilespmem:s7+$0x10];
	[tilespmem:s5+$0x10] =	vst v1  }
0x5b6: {  	v11 =	vld [tilespmem:s7+$0x20];
	[tilespmem:s5+$0x20] =	vst v2  }
0x5b7: {  	v2 =	vld [tilespmem:s7+$0xFFFFFFC0]  }
0x5b8: {  	s4 =	sadd.s32 $0x80, s4;
	v12 =	vld.idx.msk [tilespmem:v13+s22+$0x0], $0xffff  }
0x5b9: {  	v13 =	vld [tilespmem:s4+$0x30]  }
0x5ba: {  	v14 =	vld.idx.msk [tilespmem:v10+s22+$0x0], $0xffff  }
0x5bb: {  	v5 =	vld.idx.msk [tilespmem:v9+s22+$0x0], $0xffff  }
0x5bc: {  	v4 =	vld.idx.msk [tilespmem:v7+s22+$0x0], $0xffff  }
0x5bd: {  	v3 =	vld.idx.msk [tilespmem:v6+s22+$0x0], $0xffff  }
0x5be: {  	v1 =	vld.idx.msk [tilespmem:v8+s22+$0x0], $0xffff;
	v6 =	vmul.f32 v13, v12  }
0x5bf: {  	s5 =	sadd.s32 $0x80, s5;
	v8 =	vld.idx.msk [tilespmem:v2+s22+$0x0], $0xffff  }
0x5c0: {  	v2 =	vld.idx.msk [tilespmem:v11+s22+$0x0], $0xffff;
	[tilespmem:s5+$0x30] =	vst v6  }
0x5c1: {  	v6 =	vld [tilespmem:s4+$0xFFFFFFC0]  }
0x5c2: {  	v11 =	vld [tilespmem:s4+$0xFFFFFFD0]  }
.Ltmp18:
0x5c3: {  	v10 =	vld [tilespmem:s4+$0xFFFFFFE0];
	(pc) =	sbr.rel @p0 .LBB2_38-.Ltmp18, $4  }
0x5c4: {  	v9 =	vld [tilespmem:s4+$0xFFFFFFF0]  }
0x5c5: {  	v7 =	vld [tilespmem:s4+$0x0]  }
0x5c6: {  	v12 =	vmul.f32 v6, v8;
	v6 =	vld [tilespmem:s4+$0x10]  }
0x5c7: {  	s7 =	sadd.s32 $0x80, s7;
	v11 =	vmul.f32 v11, v14;
	v8 =	vld [tilespmem:s4+$0x20]  }
0x5c8: {  	[tilespmem:s5+$0xFFFFFFC0] =	vst v12;
	v5 =	vmul.f32 v10, v5  }
0x5c9: {  	[tilespmem:s5+$0xFFFFFFD0] =	vst v11;
	v4 =	vmul.f32 v9, v4  }
0x5ca: {  	[tilespmem:s5+$0xFFFFFFE0] =	vst v5;
	v3 =	vmul.f32 v7, v3  }
0x5cb: {  	[tilespmem:s5+$0xFFFFFFF0] =	vst v4;
	v1 =	vmul.f32 v6, v1  }
0x5cc: {  	[tilespmem:s5+$0x0] =	vst v3;
	v2 =	vmul.f32 v8, v2  }
0x5cd: {  	[tilespmem:s5+$0x10] =	vst v1  }
0x5ce: {  	[tilespmem:s5+$0x20] =	vst v2  }
0x5cf: {  	[spmem:s9] =	stream.indirect.scatter.add.f32 [tilespmem:s29], [sflag:$0x4], $0x1, s21, s24, $0xb8;
	[tilespmem:$0x1D000] =	vst v63  }
0x5d0: {  	_ =	swait.ge [sflag:s30], $0x1000  }
0x5d1: {  	s4 =	sld [smem:$0x7D1]  }
0x5d2: {  	[sflag:s30] =	ssyncset.done $0x0  }
0x5d3: {  	s6 =	sld [smem:$0x7D2];
	[sflag:s30] =	ssyncadd.s32 $0xFFFFF000  }
0x5d4: {  	[tilespmem:s16], [sflag:$0x1] =	stream.linear.gather [hbm4b:s4+s1], $0x1000, $0x38;
	[tilespmem:$0x1D000] =	vst v63  }
0x5d5: {  	s7 =	sld [smem:$0x7D3]  }
0x5d6: {  	[tilespmem:s17], [sflag:$0x1] =	stream.linear.gather [hbm4b:s6+s1], $0x1000, $0x38;
	[tilespmem:$0x1D000] =	vst v63  }
0x5d7: {  	_ = 	snop  }
0x5d8: {  	[tilespmem:s18], [sflag:$0x1] =	stream.linear.gather [hbm4b:s7+s1], $0x1000, $0x38;
	[tilespmem:$0x1D000] =	vst v63  }
0x5d9: {  	_ =	swait.ge [sflag:s28], $0x1000  }
0x5da: {  	[sflag:s28] =	ssyncset.done $0x0  }
0x5db: {  	[sflag:s28] =	ssyncadd.s32 $0xFFFFF000  }
0x5dc: {  	_ =	swait.ge [sflag:s28], $0x1000  }
0x5dd: {  	[sflag:s28] =	ssyncset.done $0x0  }
0x5de: {  	[sflag:s28] =	ssyncadd.s32 $0xFFFFF000  }
0x5df: {  	_ =	swait.ge [sflag:s28], $0x1000  }
0x5e0: {  	[sflag:s28] =	ssyncset.done $0x0  }
0x5e1: {  	s8 =	simm.s32 $0x14040;
	[sflag:s28] =	ssyncadd.s32 $0xFFFFF000  }
0x5e2: {  	v1 =	vld [tilespmem:s8+$0x30]  }
0x5e3: {  	v2 =	vld [tilespmem:s8+$0xFFFFFFD0]  }
0x5e4: {  	v3 =	vld [tilespmem:s8+$0xFFFFFFE0]  }
0x5e5: {  	v4 =	vld [tilespmem:s8+$0xFFFFFFF0]  }
0x5e6: {  	v6 =	vld [tilespmem:s8+$0x0]  }
0x5e7: {  	v7 =	vld [tilespmem:s8+$0x10]  }
0x5e8: {  	v8 =	vld [tilespmem:s8+$0x20]  }
0x5e9: {  	s4 =	simm.s32 $0x16040;
	v9 =	vld [tilespmem:s8+$0xFFFFFFC0]  }
0x5ea: {  	v12 =	vld [tilespmem:s4+$0x30]  }
0x5eb: {  	v15 =	vld [tilespmem:s4+$0xFFFFFFD0]  }
0x5ec: {  	v10 =	vld [tilespmem:s4+$0xFFFFFFE0]  }
0x5ed: {  	v11 =	vld.idx.msk [tilespmem:v1+s22+$0x0], $0xffff  }
0x5ee: {  	v13 =	vld.idx.msk [tilespmem:v2+s22+$0x0], $0xffff  }
0x5ef: {  	v5 =	vld.idx.msk [tilespmem:v3+s22+$0x0], $0xffff  }
0x5f0: {  	v4 =	vld.idx.msk [tilespmem:v4+s22+$0x0], $0xffff  }
0x5f1: {  	v14 =	vld.idx.msk [tilespmem:v9+s22+$0x0], $0xffff  }
0x5f2: {  	v2 =	vld.idx.msk [tilespmem:v8+s22+$0x0], $0xffff  }
0x5f3: {  	v8 =	vld [tilespmem:s4+$0xFFFFFFC0]  }
0x5f4: {  	v3 =	vld.idx.msk [tilespmem:v6+s22+$0x0], $0xffff  }
0x5f5: {  	v1 =	vld.idx.msk [tilespmem:v7+s22+$0x0], $0xffff  }
0x5f6: {  	v9 =	vld [tilespmem:s4+$0xFFFFFFF0]  }
0x5f7: {  	v7 =	vld [tilespmem:s4+$0x0];
	v11 =	vmul.f32 v12, v11  }
0x5f8: {  	s5 =	simm.s32 $0x1C040;
	v6 =	vld [tilespmem:s4+$0x10];
	v12 =	vmul.f32 v8, v14  }
0x5f9: {  	s6 =	simm.s32 $0x0;
	s7 =	simm.s32 $0x140C0;
	v8 =	vld [tilespmem:s4+$0x20];
	[tilespmem:s5+$0x30] =	vst v11;
	v11 =	vmul.f32 v15, v13  }
.LBB2_40:
0x5fa: {  	v13 =	vld [tilespmem:s7+$0x30];
	s6 =	sadd.s32 $0x8, s6;
	[tilespmem:s5+$0xFFFFFFC0] =	vst v12;
	v5 =	vmul.f32 v10, v5  }
0x5fb: {  	v10 =	vld [tilespmem:s7+$0xFFFFFFD0];
	p0 =	slt.u32 s6, $0xF8;
	[tilespmem:s5+$0xFFFFFFD0] =	vst v11;
	v4 =	vmul.f32 v9, v4  }
0x5fc: {  	v9 =	vld [tilespmem:s7+$0xFFFFFFE0];
	[tilespmem:s5+$0xFFFFFFE0] =	vst v5;
	v3 =	vmul.f32 v7, v3  }
0x5fd: {  	v7 =	vld [tilespmem:s7+$0xFFFFFFF0];
	[tilespmem:s5+$0xFFFFFFF0] =	vst v4;
	v1 =	vmul.f32 v6, v1  }
0x5fe: {  	v6 =	vld [tilespmem:s7+$0x0];
	[tilespmem:s5+$0x0] =	vst v3;
	v2 =	vmul.f32 v8, v2  }
0x5ff: {  	v8 =	vld [tilespmem:s7+$0x10];
	[tilespmem:s5+$0x10] =	vst v1  }
0x600: {  	v11 =	vld [tilespmem:s7+$0x20];
	[tilespmem:s5+$0x20] =	vst v2  }
0x601: {  	v2 =	vld [tilespmem:s7+$0xFFFFFFC0]  }
0x602: {  	s4 =	sadd.s32 $0x80, s4;
	v12 =	vld.idx.msk [tilespmem:v13+s22+$0x0], $0xffff  }
0x603: {  	v13 =	vld [tilespmem:s4+$0x30]  }
0x604: {  	v14 =	vld.idx.msk [tilespmem:v10+s22+$0x0], $0xffff  }
0x605: {  	v5 =	vld.idx.msk [tilespmem:v9+s22+$0x0], $0xffff  }
0x606: {  	v4 =	vld.idx.msk [tilespmem:v7+s22+$0x0], $0xffff  }
0x607: {  	v3 =	vld.idx.msk [tilespmem:v6+s22+$0x0], $0xffff  }
0x608: {  	v1 =	vld.idx.msk [tilespmem:v8+s22+$0x0], $0xffff;
	v6 =	vmul.f32 v13, v12  }
0x609: {  	s5 =	sadd.s32 $0x80, s5;
	v8 =	vld.idx.msk [tilespmem:v2+s22+$0x0], $0xffff  }
0x60a: {  	v2 =	vld.idx.msk [tilespmem:v11+s22+$0x0], $0xffff;
	[tilespmem:s5+$0x30] =	vst v6  }
0x60b: {  	v6 =	vld [tilespmem:s4+$0xFFFFFFC0]  }
0x60c: {  	v11 =	vld [tilespmem:s4+$0xFFFFFFD0]  }
.Ltmp19:
0x60d: {  	v10 =	vld [tilespmem:s4+$0xFFFFFFE0];
	(pc) =	sbr.rel @p0 .LBB2_40-.Ltmp19, $4  }
0x60e: {  	v9 =	vld [tilespmem:s4+$0xFFFFFFF0]  }
0x60f: {  	v7 =	vld [tilespmem:s4+$0x0]  }
0x610: {  	v12 =	vmul.f32 v6, v8;
	v6 =	vld [tilespmem:s4+$0x10]  }
0x611: {  	s7 =	sadd.s32 $0x80, s7;
	v11 =	vmul.f32 v11, v14;
	v8 =	vld [tilespmem:s4+$0x20]  }
0x612: {  	[tilespmem:s5+$0xFFFFFFC0] =	vst v12;
	v5 =	vmul.f32 v10, v5  }
0x613: {  	[tilespmem:s5+$0xFFFFFFD0] =	vst v11;
	v4 =	vmul.f32 v9, v4  }
0x614: {  	[tilespmem:s5+$0xFFFFFFE0] =	vst v5;
	v3 =	vmul.f32 v7, v3  }
0x615: {  	[tilespmem:s5+$0xFFFFFFF0] =	vst v4;
	v1 =	vmul.f32 v6, v1  }
0x616: {  	[tilespmem:s5+$0x0] =	vst v3;
	v2 =	vmul.f32 v8, v2  }
0x617: {  	[tilespmem:s5+$0x10] =	vst v1  }
0x618: {  	[tilespmem:s5+$0x20] =	vst v2  }
0x619: {  	[spmem:s9] =	stream.indirect.scatter.add.f32 [tilespmem:s31], [sflag:$0x5], $0x1, s26, s24, $0xb8;
	[tilespmem:$0x1D000] =	vst v63  }
0x61a: {  	_ =	swait.ge [sflag:s0], $0x1000  }
0x61b: {  	s4 =	sld [smem:$0x7D4]  }
0x61c: {  	[sflag:s0] =	ssyncset.done $0x0  }
0x61d: {  	s6 =	sld [smem:$0x7D5];
	[sflag:s0] =	ssyncadd.s32 $0xFFFFF000  }
0x61e: {  	[tilespmem:s19], [sflag:$0x2] =	stream.linear.gather [hbm4b:s4+s1], $0x1000, $0x38;
	[tilespmem:$0x1D000] =	vst v63  }
0x61f: {  	s7 =	sld [smem:$0x7D6]  }
0x620: {  	[tilespmem:s20], [sflag:$0x2] =	stream.linear.gather [hbm4b:s6+s1], $0x1000, $0x38;
	[tilespmem:$0x1D000] =	vst v63  }
0x621: {  	_ = 	snop  }
0x622: {  	[tilespmem:s21], [sflag:$0x2] =	stream.linear.gather [hbm4b:s7+s1], $0x1000, $0x38;
	[tilespmem:$0x1D000] =	vst v63  }
0x623: {  	_ =	swait.ge [sflag:s23], $0x1000  }
0x624: {  	[sflag:s23] =	ssyncset.done $0x0  }
0x625: {  	[sflag:s23] =	ssyncadd.s32 $0xFFFFF000  }
0x626: {  	_ =	swait.ge [sflag:s23], $0x1000  }
0x627: {  	[sflag:s23] =	ssyncset.done $0x0  }
0x628: {  	[sflag:s23] =	ssyncadd.s32 $0xFFFFF000  }
0x629: {  	_ =	swait.ge [sflag:s23], $0x1000  }
0x62a: {  	[sflag:s23] =	ssyncset.done $0x0  }
0x62b: {  	s8 =	simm.s32 $0x13040;
	[sflag:s23] =	ssyncadd.s32 $0xFFFFF000  }
0x62c: {  	v1 =	vld [tilespmem:s8+$0x30]  }
0x62d: {  	v2 =	vld [tilespmem:s8+$0xFFFFFFD0]  }
0x62e: {  	v3 =	vld [tilespmem:s8+$0xFFFFFFE0]  }
0x62f: {  	v4 =	vld [tilespmem:s8+$0xFFFFFFF0]  }
0x630: {  	v6 =	vld [tilespmem:s8+$0x0]  }
0x631: {  	v7 =	vld [tilespmem:s8+$0x10]  }
0x632: {  	v8 =	vld [tilespmem:s8+$0x20]  }
0x633: {  	s4 =	simm.s32 $0x15040;
	v9 =	vld [tilespmem:s8+$0xFFFFFFC0]  }
0x634: {  	v12 =	vld [tilespmem:s4+$0x30]  }
0x635: {  	v15 =	vld [tilespmem:s4+$0xFFFFFFD0]  }
0x636: {  	v10 =	vld [tilespmem:s4+$0xFFFFFFE0]  }
0x637: {  	v11 =	vld.idx.msk [tilespmem:v1+s22+$0x0], $0xffff  }
0x638: {  	v13 =	vld.idx.msk [tilespmem:v2+s22+$0x0], $0xffff  }
0x639: {  	v5 =	vld.idx.msk [tilespmem:v3+s22+$0x0], $0xffff  }
0x63a: {  	v4 =	vld.idx.msk [tilespmem:v4+s22+$0x0], $0xffff  }
0x63b: {  	v14 =	vld.idx.msk [tilespmem:v9+s22+$0x0], $0xffff  }
0x63c: {  	v2 =	vld.idx.msk [tilespmem:v8+s22+$0x0], $0xffff  }
0x63d: {  	v8 =	vld [tilespmem:s4+$0xFFFFFFC0]  }
0x63e: {  	v3 =	vld.idx.msk [tilespmem:v6+s22+$0x0], $0xffff  }
0x63f: {  	v1 =	vld.idx.msk [tilespmem:v7+s22+$0x0], $0xffff  }
0x640: {  	v9 =	vld [tilespmem:s4+$0xFFFFFFF0]  }
0x641: {  	v7 =	vld [tilespmem:s4+$0x0];
	v11 =	vmul.f32 v12, v11  }
0x642: {  	s5 =	simm.s32 $0x1A040;
	v6 =	vld [tilespmem:s4+$0x10];
	v12 =	vmul.f32 v8, v14  }
0x643: {  	s6 =	simm.s32 $0x0;
	s7 =	simm.s32 $0x130C0;
	v8 =	vld [tilespmem:s4+$0x20];
	[tilespmem:s5+$0x30] =	vst v11;
	v11 =	vmul.f32 v15, v13  }
.LBB2_42:
0x644: {  	v13 =	vld [tilespmem:s7+$0x30];
	s6 =	sadd.s32 $0x8, s6;
	[tilespmem:s5+$0xFFFFFFC0] =	vst v12;
	v5 =	vmul.f32 v10, v5  }
0x645: {  	v10 =	vld [tilespmem:s7+$0xFFFFFFD0];
	p0 =	slt.u32 s6, $0xF8;
	[tilespmem:s5+$0xFFFFFFD0] =	vst v11;
	v4 =	vmul.f32 v9, v4  }
0x646: {  	v9 =	vld [tilespmem:s7+$0xFFFFFFE0];
	[tilespmem:s5+$0xFFFFFFE0] =	vst v5;
	v3 =	vmul.f32 v7, v3  }
0x647: {  	v7 =	vld [tilespmem:s7+$0xFFFFFFF0];
	[tilespmem:s5+$0xFFFFFFF0] =	vst v4;
	v1 =	vmul.f32 v6, v1  }
0x648: {  	v6 =	vld [tilespmem:s7+$0x0];
	[tilespmem:s5+$0x0] =	vst v3;
	v2 =	vmul.f32 v8, v2  }
0x649: {  	v8 =	vld [tilespmem:s7+$0x10];
	[tilespmem:s5+$0x10] =	vst v1  }
0x64a: {  	v11 =	vld [tilespmem:s7+$0x20];
	[tilespmem:s5+$0x20] =	vst v2  }
0x64b: {  	v2 =	vld [tilespmem:s7+$0xFFFFFFC0]  }
0x64c: {  	s4 =	sadd.s32 $0x80, s4;
	v12 =	vld.idx.msk [tilespmem:v13+s22+$0x0], $0xffff  }
0x64d: {  	v13 =	vld [tilespmem:s4+$0x30]  }
0x64e: {  	v14 =	vld.idx.msk [tilespmem:v10+s22+$0x0], $0xffff  }
0x64f: {  	v5 =	vld.idx.msk [tilespmem:v9+s22+$0x0], $0xffff  }
0x650: {  	v4 =	vld.idx.msk [tilespmem:v7+s22+$0x0], $0xffff  }
0x651: {  	v3 =	vld.idx.msk [tilespmem:v6+s22+$0x0], $0xffff  }
0x652: {  	v1 =	vld.idx.msk [tilespmem:v8+s22+$0x0], $0xffff;
	v6 =	vmul.f32 v13, v12  }
0x653: {  	s5 =	sadd.s32 $0x80, s5;
	v8 =	vld.idx.msk [tilespmem:v2+s22+$0x0], $0xffff  }
0x654: {  	v2 =	vld.idx.msk [tilespmem:v11+s22+$0x0], $0xffff;
	[tilespmem:s5+$0x30] =	vst v6  }
0x655: {  	v6 =	vld [tilespmem:s4+$0xFFFFFFC0]  }
0x656: {  	v11 =	vld [tilespmem:s4+$0xFFFFFFD0]  }
.Ltmp20:
0x657: {  	v10 =	vld [tilespmem:s4+$0xFFFFFFE0];
	(pc) =	sbr.rel @p0 .LBB2_42-.Ltmp20, $4  }
0x658: {  	v9 =	vld [tilespmem:s4+$0xFFFFFFF0]  }
0x659: {  	v7 =	vld [tilespmem:s4+$0x0]  }
0x65a: {  	v12 =	vmul.f32 v6, v8;
	v6 =	vld [tilespmem:s4+$0x10]  }
0x65b: {  	s7 =	sadd.s32 $0x80, s7;
	v11 =	vmul.f32 v11, v14;
	v8 =	vld [tilespmem:s4+$0x20]  }
0x65c: {  	[tilespmem:s5+$0xFFFFFFC0] =	vst v12;
	v5 =	vmul.f32 v10, v5  }
0x65d: {  	[tilespmem:s5+$0xFFFFFFD0] =	vst v11;
	v4 =	vmul.f32 v9, v4  }
0x65e: {  	[tilespmem:s5+$0xFFFFFFE0] =	vst v5;
	v3 =	vmul.f32 v7, v3  }
0x65f: {  	[tilespmem:s5+$0xFFFFFFF0] =	vst v4;
	v1 =	vmul.f32 v6, v1  }
0x660: {  	[tilespmem:s5+$0x0] =	vst v3;
	v2 =	vmul.f32 v8, v2  }
0x661: {  	[tilespmem:s5+$0x10] =	vst v1  }
0x662: {  	[tilespmem:s5+$0x20] =	vst v2  }
0x663: {  	[spmem:s9] =	stream.indirect.scatter.add.f32 [tilespmem:s25], [sflag:$0x3], $0x1, s18, s24, $0xb8;
	[tilespmem:$0x1D000] =	vst v63  }
0x664: {  	_ =	swait.ge [sflag:s2], $0x1000  }
0x665: {  	s4 =	sld [smem:$0x7D7]  }
0x666: {  	[sflag:s2] =	ssyncset.done $0x0  }
0x667: {  	s6 =	sld [smem:$0x7D8];
	[sflag:s2] =	ssyncadd.s32 $0xFFFFF000  }
0x668: {  	[tilespmem:s16], [sflag:$0x1] =	stream.linear.gather [hbm4b:s4+s1], $0x1000, $0x38;
	[tilespmem:$0x1D000] =	vst v63  }
0x669: {  	s7 =	sld [smem:$0x7D9]  }
0x66a: {  	[tilespmem:s17], [sflag:$0x1] =	stream.linear.gather [hbm4b:s6+s1], $0x1000, $0x38;
	[tilespmem:$0x1D000] =	vst v63  }
0x66b: {  	_ = 	snop  }
0x66c: {  	[tilespmem:s26], [sflag:$0x1] =	stream.linear.gather [hbm4b:s7+s1], $0x1000, $0x38;
	[tilespmem:$0x1D000] =	vst v63  }
0x66d: {  	_ =	swait.ge [sflag:s28], $0x1000  }
0x66e: {  	[sflag:s28] =	ssyncset.done $0x0  }
0x66f: {  	[sflag:s28] =	ssyncadd.s32 $0xFFFFF000  }
0x670: {  	_ =	swait.ge [sflag:s28], $0x1000  }
0x671: {  	[sflag:s28] =	ssyncset.done $0x0  }
0x672: {  	[sflag:s28] =	ssyncadd.s32 $0xFFFFF000  }
0x673: {  	_ =	swait.ge [sflag:s28], $0x1000  }
0x674: {  	[sflag:s28] =	ssyncset.done $0x0  }
0x675: {  	s8 =	simm.s32 $0x14040;
	[sflag:s28] =	ssyncadd.s32 $0xFFFFF000  }
0x676: {  	v1 =	vld [tilespmem:s8+$0x30]  }
0x677: {  	v2 =	vld [tilespmem:s8+$0xFFFFFFD0]  }
0x678: {  	v3 =	vld [tilespmem:s8+$0xFFFFFFE0]  }
0x679: {  	v4 =	vld [tilespmem:s8+$0xFFFFFFF0]  }
0x67a: {  	v6 =	vld [tilespmem:s8+$0x0]  }
0x67b: {  	v7 =	vld [tilespmem:s8+$0x10]  }
0x67c: {  	v8 =	vld [tilespmem:s8+$0x20]  }
0x67d: {  	s4 =	simm.s32 $0x16040;
	v9 =	vld [tilespmem:s8+$0xFFFFFFC0]  }
0x67e: {  	v12 =	vld [tilespmem:s4+$0x30]  }
0x67f: {  	v15 =	vld [tilespmem:s4+$0xFFFFFFD0]  }
0x680: {  	v10 =	vld [tilespmem:s4+$0xFFFFFFE0]  }
0x681: {  	v11 =	vld.idx.msk [tilespmem:v1+s22+$0x0], $0xffff  }
0x682: {  	v13 =	vld.idx.msk [tilespmem:v2+s22+$0x0], $0xffff  }
0x683: {  	v5 =	vld.idx.msk [tilespmem:v3+s22+$0x0], $0xffff  }
0x684: {  	v4 =	vld.idx.msk [tilespmem:v4+s22+$0x0], $0xffff  }
0x685: {  	v14 =	vld.idx.msk [tilespmem:v9+s22+$0x0], $0xffff  }
0x686: {  	v2 =	vld.idx.msk [tilespmem:v8+s22+$0x0], $0xffff  }
0x687: {  	v8 =	vld [tilespmem:s4+$0xFFFFFFC0]  }
0x688: {  	v3 =	vld.idx.msk [tilespmem:v6+s22+$0x0], $0xffff  }
0x689: {  	v1 =	vld.idx.msk [tilespmem:v7+s22+$0x0], $0xffff  }
0x68a: {  	v9 =	vld [tilespmem:s4+$0xFFFFFFF0]  }
0x68b: {  	v7 =	vld [tilespmem:s4+$0x0];
	v11 =	vmul.f32 v12, v11  }
0x68c: {  	s5 =	simm.s32 $0x1B040;
	v6 =	vld [tilespmem:s4+$0x10];
	v12 =	vmul.f32 v8, v14  }
0x68d: {  	s6 =	simm.s32 $0x0;
	s7 =	simm.s32 $0x140C0;
	v8 =	vld [tilespmem:s4+$0x20];
	[tilespmem:s5+$0x30] =	vst v11;
	v11 =	vmul.f32 v15, v13  }
.LBB2_44:
0x68e: {  	v13 =	vld [tilespmem:s7+$0x30];
	s6 =	sadd.s32 $0x8, s6;
	[tilespmem:s5+$0xFFFFFFC0] =	vst v12;
	v5 =	vmul.f32 v10, v5  }
0x68f: {  	v10 =	vld [tilespmem:s7+$0xFFFFFFD0];
	p0 =	slt.u32 s6, $0xF8;
	[tilespmem:s5+$0xFFFFFFD0] =	vst v11;
	v4 =	vmul.f32 v9, v4  }
0x690: {  	v9 =	vld [tilespmem:s7+$0xFFFFFFE0];
	[tilespmem:s5+$0xFFFFFFE0] =	vst v5;
	v3 =	vmul.f32 v7, v3  }
0x691: {  	v7 =	vld [tilespmem:s7+$0xFFFFFFF0];
	[tilespmem:s5+$0xFFFFFFF0] =	vst v4;
	v1 =	vmul.f32 v6, v1  }
0x692: {  	v6 =	vld [tilespmem:s7+$0x0];
	[tilespmem:s5+$0x0] =	vst v3;
	v2 =	vmul.f32 v8, v2  }
0x693: {  	v8 =	vld [tilespmem:s7+$0x10];
	[tilespmem:s5+$0x10] =	vst v1  }
0x694: {  	v11 =	vld [tilespmem:s7+$0x20];
	[tilespmem:s5+$0x20] =	vst v2  }
0x695: {  	v2 =	vld [tilespmem:s7+$0xFFFFFFC0]  }
0x696: {  	s4 =	sadd.s32 $0x80, s4;
	v12 =	vld.idx.msk [tilespmem:v13+s22+$0x0], $0xffff  }
0x697: {  	v13 =	vld [tilespmem:s4+$0x30]  }
0x698: {  	v14 =	vld.idx.msk [tilespmem:v10+s22+$0x0], $0xffff  }
0x699: {  	v5 =	vld.idx.msk [tilespmem:v9+s22+$0x0], $0xffff  }
0x69a: {  	v4 =	vld.idx.msk [tilespmem:v7+s22+$0x0], $0xffff  }
0x69b: {  	v3 =	vld.idx.msk [tilespmem:v6+s22+$0x0], $0xffff  }
0x69c: {  	v1 =	vld.idx.msk [tilespmem:v8+s22+$0x0], $0xffff;
	v6 =	vmul.f32 v13, v12  }
0x69d: {  	s5 =	sadd.s32 $0x80, s5;
	v8 =	vld.idx.msk [tilespmem:v2+s22+$0x0], $0xffff  }
0x69e: {  	v2 =	vld.idx.msk [tilespmem:v11+s22+$0x0], $0xffff;
	[tilespmem:s5+$0x30] =	vst v6  }
0x69f: {  	v6 =	vld [tilespmem:s4+$0xFFFFFFC0]  }
0x6a0: {  	v11 =	vld [tilespmem:s4+$0xFFFFFFD0]  }
.Ltmp21:
0x6a1: {  	v10 =	vld [tilespmem:s4+$0xFFFFFFE0];
	(pc) =	sbr.rel @p0 .LBB2_44-.Ltmp21, $4  }
0x6a2: {  	v9 =	vld [tilespmem:s4+$0xFFFFFFF0]  }
0x6a3: {  	v7 =	vld [tilespmem:s4+$0x0]  }
0x6a4: {  	v12 =	vmul.f32 v6, v8;
	v6 =	vld [tilespmem:s4+$0x10]  }
0x6a5: {  	s7 =	sadd.s32 $0x80, s7;
	v11 =	vmul.f32 v11, v14;
	v8 =	vld [tilespmem:s4+$0x20]  }
0x6a6: {  	[tilespmem:s5+$0xFFFFFFC0] =	vst v12;
	v5 =	vmul.f32 v10, v5  }
0x6a7: {  	[tilespmem:s5+$0xFFFFFFD0] =	vst v11;
	v4 =	vmul.f32 v9, v4  }
0x6a8: {  	[tilespmem:s5+$0xFFFFFFE0] =	vst v5;
	v3 =	vmul.f32 v7, v3  }
0x6a9: {  	[tilespmem:s5+$0xFFFFFFF0] =	vst v4;
	v1 =	vmul.f32 v6, v1  }
0x6aa: {  	[tilespmem:s5+$0x0] =	vst v3;
	v2 =	vmul.f32 v8, v2  }
0x6ab: {  	[tilespmem:s5+$0x10] =	vst v1  }
0x6ac: {  	[tilespmem:s5+$0x20] =	vst v2  }
0x6ad: {  	[spmem:s9] =	stream.indirect.scatter.add.f32 [tilespmem:s29], [sflag:$0x4], $0x1, s21, s24, $0xb8;
	[tilespmem:$0x1D000] =	vst v63  }
0x6ae: {  	_ =	swait.ge [sflag:s30], $0x1000  }
0x6af: {  	s4 =	sld [smem:$0x7DA]  }
0x6b0: {  	[sflag:s30] =	ssyncset.done $0x0  }
0x6b1: {  	s6 =	sld [smem:$0x7DB];
	[sflag:s30] =	ssyncadd.s32 $0xFFFFF000  }
0x6b2: {  	[tilespmem:s19], [sflag:$0x2] =	stream.linear.gather [hbm4b:s4+s1], $0x1000, $0x38;
	[tilespmem:$0x1D000] =	vst v63  }
0x6b3: {  	s7 =	sld [smem:$0x7DC]  }
0x6b4: {  	[tilespmem:s20], [sflag:$0x2] =	stream.linear.gather [hbm4b:s6+s1], $0x1000, $0x38;
	[tilespmem:$0x1D000] =	vst v63  }
0x6b5: {  	_ = 	snop  }
0x6b6: {  	[tilespmem:s18], [sflag:$0x2] =	stream.linear.gather [hbm4b:s7+s1], $0x1000, $0x38;
	[tilespmem:$0x1D000] =	vst v63  }
0x6b7: {  	_ =	swait.ge [sflag:s23], $0x1000  }
0x6b8: {  	[sflag:s23] =	ssyncset.done $0x0  }
0x6b9: {  	[sflag:s23] =	ssyncadd.s32 $0xFFFFF000  }
0x6ba: {  	_ =	swait.ge [sflag:s23], $0x1000  }
0x6bb: {  	[sflag:s23] =	ssyncset.done $0x0  }
0x6bc: {  	[sflag:s23] =	ssyncadd.s32 $0xFFFFF000  }
0x6bd: {  	_ =	swait.ge [sflag:s23], $0x1000  }
0x6be: {  	[sflag:s23] =	ssyncset.done $0x0  }
0x6bf: {  	s8 =	simm.s32 $0x13040;
	[sflag:s23] =	ssyncadd.s32 $0xFFFFF000  }
0x6c0: {  	v1 =	vld [tilespmem:s8+$0x30]  }
0x6c1: {  	v2 =	vld [tilespmem:s8+$0xFFFFFFD0]  }
0x6c2: {  	v3 =	vld [tilespmem:s8+$0xFFFFFFE0]  }
0x6c3: {  	v4 =	vld [tilespmem:s8+$0xFFFFFFF0]  }
0x6c4: {  	v6 =	vld [tilespmem:s8+$0x0]  }
0x6c5: {  	v7 =	vld [tilespmem:s8+$0x10]  }
0x6c6: {  	v8 =	vld [tilespmem:s8+$0x20]  }
0x6c7: {  	s4 =	simm.s32 $0x15040;
	v9 =	vld [tilespmem:s8+$0xFFFFFFC0]  }
0x6c8: {  	v12 =	vld [tilespmem:s4+$0x30]  }
0x6c9: {  	v15 =	vld [tilespmem:s4+$0xFFFFFFD0]  }
0x6ca: {  	v10 =	vld [tilespmem:s4+$0xFFFFFFE0]  }
0x6cb: {  	v11 =	vld.idx.msk [tilespmem:v1+s22+$0x0], $0xffff  }
0x6cc: {  	v13 =	vld.idx.msk [tilespmem:v2+s22+$0x0], $0xffff  }
0x6cd: {  	v5 =	vld.idx.msk [tilespmem:v3+s22+$0x0], $0xffff  }
0x6ce: {  	v4 =	vld.idx.msk [tilespmem:v4+s22+$0x0], $0xffff  }
0x6cf: {  	v14 =	vld.idx.msk [tilespmem:v9+s22+$0x0], $0xffff  }
0x6d0: {  	v2 =	vld.idx.msk [tilespmem:v8+s22+$0x0], $0xffff  }
0x6d1: {  	v8 =	vld [tilespmem:s4+$0xFFFFFFC0]  }
0x6d2: {  	v3 =	vld.idx.msk [tilespmem:v6+s22+$0x0], $0xffff  }
0x6d3: {  	v1 =	vld.idx.msk [tilespmem:v7+s22+$0x0], $0xffff  }
0x6d4: {  	v9 =	vld [tilespmem:s4+$0xFFFFFFF0]  }
0x6d5: {  	v7 =	vld [tilespmem:s4+$0x0];
	v11 =	vmul.f32 v12, v11  }
0x6d6: {  	s5 =	simm.s32 $0x1C040;
	v6 =	vld [tilespmem:s4+$0x10];
	v12 =	vmul.f32 v8, v14  }
0x6d7: {  	s6 =	simm.s32 $0x0;
	s7 =	simm.s32 $0x130C0;
	v8 =	vld [tilespmem:s4+$0x20];
	[tilespmem:s5+$0x30] =	vst v11;
	v11 =	vmul.f32 v15, v13  }
.LBB2_46:
0x6d8: {  	v13 =	vld [tilespmem:s7+$0x30];
	s6 =	sadd.s32 $0x8, s6;
	[tilespmem:s5+$0xFFFFFFC0] =	vst v12;
	v5 =	vmul.f32 v10, v5  }
0x6d9: {  	v10 =	vld [tilespmem:s7+$0xFFFFFFD0];
	p0 =	slt.u32 s6, $0xF8;
	[tilespmem:s5+$0xFFFFFFD0] =	vst v11;
	v4 =	vmul.f32 v9, v4  }
0x6da: {  	v9 =	vld [tilespmem:s7+$0xFFFFFFE0];
	[tilespmem:s5+$0xFFFFFFE0] =	vst v5;
	v3 =	vmul.f32 v7, v3  }
0x6db: {  	v7 =	vld [tilespmem:s7+$0xFFFFFFF0];
	[tilespmem:s5+$0xFFFFFFF0] =	vst v4;
	v1 =	vmul.f32 v6, v1  }
0x6dc: {  	v6 =	vld [tilespmem:s7+$0x0];
	[tilespmem:s5+$0x0] =	vst v3;
	v2 =	vmul.f32 v8, v2  }
0x6dd: {  	v8 =	vld [tilespmem:s7+$0x10];
	[tilespmem:s5+$0x10] =	vst v1  }
0x6de: {  	v11 =	vld [tilespmem:s7+$0x20];
	[tilespmem:s5+$0x20] =	vst v2  }
0x6df: {  	v2 =	vld [tilespmem:s7+$0xFFFFFFC0]  }
0x6e0: {  	s4 =	sadd.s32 $0x80, s4;
	v12 =	vld.idx.msk [tilespmem:v13+s22+$0x0], $0xffff  }
0x6e1: {  	v13 =	vld [tilespmem:s4+$0x30]  }
0x6e2: {  	v14 =	vld.idx.msk [tilespmem:v10+s22+$0x0], $0xffff  }
0x6e3: {  	v5 =	vld.idx.msk [tilespmem:v9+s22+$0x0], $0xffff  }
0x6e4: {  	v4 =	vld.idx.msk [tilespmem:v7+s22+$0x0], $0xffff  }
0x6e5: {  	v3 =	vld.idx.msk [tilespmem:v6+s22+$0x0], $0xffff  }
0x6e6: {  	v1 =	vld.idx.msk [tilespmem:v8+s22+$0x0], $0xffff;
	v6 =	vmul.f32 v13, v12  }
0x6e7: {  	s5 =	sadd.s32 $0x80, s5;
	v8 =	vld.idx.msk [tilespmem:v2+s22+$0x0], $0xffff  }
0x6e8: {  	v2 =	vld.idx.msk [tilespmem:v11+s22+$0x0], $0xffff;
	[tilespmem:s5+$0x30] =	vst v6  }
0x6e9: {  	v6 =	vld [tilespmem:s4+$0xFFFFFFC0]  }
0x6ea: {  	v11 =	vld [tilespmem:s4+$0xFFFFFFD0]  }
.Ltmp22:
0x6eb: {  	v10 =	vld [tilespmem:s4+$0xFFFFFFE0];
	(pc) =	sbr.rel @p0 .LBB2_46-.Ltmp22, $4  }
0x6ec: {  	v9 =	vld [tilespmem:s4+$0xFFFFFFF0]  }
0x6ed: {  	v7 =	vld [tilespmem:s4+$0x0]  }
0x6ee: {  	v12 =	vmul.f32 v6, v8;
	v6 =	vld [tilespmem:s4+$0x10]  }
0x6ef: {  	s7 =	sadd.s32 $0x80, s7;
	v11 =	vmul.f32 v11, v14;
	v8 =	vld [tilespmem:s4+$0x20]  }
0x6f0: {  	[tilespmem:s5+$0xFFFFFFC0] =	vst v12;
	v5 =	vmul.f32 v10, v5  }
0x6f1: {  	[tilespmem:s5+$0xFFFFFFD0] =	vst v11;
	v4 =	vmul.f32 v9, v4  }
0x6f2: {  	[tilespmem:s5+$0xFFFFFFE0] =	vst v5;
	v3 =	vmul.f32 v7, v3  }
0x6f3: {  	[tilespmem:s5+$0xFFFFFFF0] =	vst v4;
	v1 =	vmul.f32 v6, v1  }
0x6f4: {  	[tilespmem:s5+$0x0] =	vst v3;
	v2 =	vmul.f32 v8, v2  }
0x6f5: {  	[tilespmem:s5+$0x10] =	vst v1  }
0x6f6: {  	[tilespmem:s5+$0x20] =	vst v2  }
0x6f7: {  	[spmem:s9] =	stream.indirect.scatter.add.f32 [tilespmem:s31], [sflag:$0x5], $0x1, s26, s24, $0xb8;
	[tilespmem:$0x1D000] =	vst v63  }
0x6f8: {  	_ =	swait.ge [sflag:s0], $0x1000  }
0x6f9: {  	s4 =	sld [smem:$0x7DD]  }
0x6fa: {  	[sflag:s0] =	ssyncset.done $0x0  }
0x6fb: {  	s6 =	sld [smem:$0x7DE];
	[sflag:s0] =	ssyncadd.s32 $0xFFFFF000  }
0x6fc: {  	[tilespmem:s16], [sflag:$0x1] =	stream.linear.gather [hbm4b:s4+s1], $0x1000, $0x38;
	[tilespmem:$0x1D000] =	vst v63  }
0x6fd: {  	s7 =	sld [smem:$0x7DF]  }
0x6fe: {  	[tilespmem:s17], [sflag:$0x1] =	stream.linear.gather [hbm4b:s6+s1], $0x1000, $0x38;
	[tilespmem:$0x1D000] =	vst v63  }
0x6ff: {  	_ = 	snop  }
0x700: {  	[tilespmem:s21], [sflag:$0x1] =	stream.linear.gather [hbm4b:s7+s1], $0x1000, $0x38;
	[tilespmem:$0x1D000] =	vst v63  }
0x701: {  	_ =	swait.ge [sflag:s28], $0x1000  }
0x702: {  	[sflag:s28] =	ssyncset.done $0x0  }
0x703: {  	[sflag:s28] =	ssyncadd.s32 $0xFFFFF000  }
0x704: {  	_ =	swait.ge [sflag:s28], $0x1000  }
0x705: {  	[sflag:s28] =	ssyncset.done $0x0  }
0x706: {  	[sflag:s28] =	ssyncadd.s32 $0xFFFFF000  }
0x707: {  	_ =	swait.ge [sflag:s28], $0x1000  }
0x708: {  	[sflag:s28] =	ssyncset.done $0x0  }
0x709: {  	s8 =	simm.s32 $0x14040;
	[sflag:s28] =	ssyncadd.s32 $0xFFFFF000  }
0x70a: {  	v1 =	vld [tilespmem:s8+$0x30]  }
0x70b: {  	v2 =	vld [tilespmem:s8+$0xFFFFFFD0]  }
0x70c: {  	v3 =	vld [tilespmem:s8+$0xFFFFFFE0]  }
0x70d: {  	v4 =	vld [tilespmem:s8+$0xFFFFFFF0]  }
0x70e: {  	v6 =	vld [tilespmem:s8+$0x0]  }
0x70f: {  	v7 =	vld [tilespmem:s8+$0x10]  }
0x710: {  	v8 =	vld [tilespmem:s8+$0x20]  }
0x711: {  	s4 =	simm.s32 $0x16040;
	v9 =	vld [tilespmem:s8+$0xFFFFFFC0]  }
0x712: {  	v12 =	vld [tilespmem:s4+$0x30]  }
0x713: {  	v15 =	vld [tilespmem:s4+$0xFFFFFFD0]  }
0x714: {  	v10 =	vld [tilespmem:s4+$0xFFFFFFE0]  }
0x715: {  	v11 =	vld.idx.msk [tilespmem:v1+s22+$0x0], $0xffff  }
0x716: {  	v13 =	vld.idx.msk [tilespmem:v2+s22+$0x0], $0xffff  }
0x717: {  	v5 =	vld.idx.msk [tilespmem:v3+s22+$0x0], $0xffff  }
0x718: {  	v4 =	vld.idx.msk [tilespmem:v4+s22+$0x0], $0xffff  }
0x719: {  	v14 =	vld.idx.msk [tilespmem:v9+s22+$0x0], $0xffff  }
0x71a: {  	v2 =	vld.idx.msk [tilespmem:v8+s22+$0x0], $0xffff  }
0x71b: {  	v8 =	vld [tilespmem:s4+$0xFFFFFFC0]  }
0x71c: {  	v3 =	vld.idx.msk [tilespmem:v6+s22+$0x0], $0xffff  }
0x71d: {  	v1 =	vld.idx.msk [tilespmem:v7+s22+$0x0], $0xffff  }
0x71e: {  	v9 =	vld [tilespmem:s4+$0xFFFFFFF0]  }
0x71f: {  	v7 =	vld [tilespmem:s4+$0x0];
	v11 =	vmul.f32 v12, v11  }
0x720: {  	s5 =	simm.s32 $0x1A040;
	v6 =	vld [tilespmem:s4+$0x10];
	v12 =	vmul.f32 v8, v14  }
0x721: {  	s6 =	simm.s32 $0x0;
	s7 =	simm.s32 $0x140C0;
	v8 =	vld [tilespmem:s4+$0x20];
	[tilespmem:s5+$0x30] =	vst v11;
	v11 =	vmul.f32 v15, v13  }
.LBB2_48:
0x722: {  	v13 =	vld [tilespmem:s7+$0x30];
	s6 =	sadd.s32 $0x8, s6;
	[tilespmem:s5+$0xFFFFFFC0] =	vst v12;
	v5 =	vmul.f32 v10, v5  }
0x723: {  	v10 =	vld [tilespmem:s7+$0xFFFFFFD0];
	p0 =	slt.u32 s6, $0xF8;
	[tilespmem:s5+$0xFFFFFFD0] =	vst v11;
	v4 =	vmul.f32 v9, v4  }
0x724: {  	v9 =	vld [tilespmem:s7+$0xFFFFFFE0];
	[tilespmem:s5+$0xFFFFFFE0] =	vst v5;
	v3 =	vmul.f32 v7, v3  }
0x725: {  	v7 =	vld [tilespmem:s7+$0xFFFFFFF0];
	[tilespmem:s5+$0xFFFFFFF0] =	vst v4;
	v1 =	vmul.f32 v6, v1  }
0x726: {  	v6 =	vld [tilespmem:s7+$0x0];
	[tilespmem:s5+$0x0] =	vst v3;
	v2 =	vmul.f32 v8, v2  }
0x727: {  	v8 =	vld [tilespmem:s7+$0x10];
	[tilespmem:s5+$0x10] =	vst v1  }
0x728: {  	v11 =	vld [tilespmem:s7+$0x20];
	[tilespmem:s5+$0x20] =	vst v2  }
0x729: {  	v2 =	vld [tilespmem:s7+$0xFFFFFFC0]  }
0x72a: {  	s4 =	sadd.s32 $0x80, s4;
	v12 =	vld.idx.msk [tilespmem:v13+s22+$0x0], $0xffff  }
0x72b: {  	v13 =	vld [tilespmem:s4+$0x30]  }
0x72c: {  	v14 =	vld.idx.msk [tilespmem:v10+s22+$0x0], $0xffff  }
0x72d: {  	v5 =	vld.idx.msk [tilespmem:v9+s22+$0x0], $0xffff  }
0x72e: {  	v4 =	vld.idx.msk [tilespmem:v7+s22+$0x0], $0xffff  }
0x72f: {  	v3 =	vld.idx.msk [tilespmem:v6+s22+$0x0], $0xffff  }
0x730: {  	v1 =	vld.idx.msk [tilespmem:v8+s22+$0x0], $0xffff;
	v6 =	vmul.f32 v13, v12  }
0x731: {  	s5 =	sadd.s32 $0x80, s5;
	v8 =	vld.idx.msk [tilespmem:v2+s22+$0x0], $0xffff  }
0x732: {  	v2 =	vld.idx.msk [tilespmem:v11+s22+$0x0], $0xffff;
	[tilespmem:s5+$0x30] =	vst v6  }
0x733: {  	v6 =	vld [tilespmem:s4+$0xFFFFFFC0]  }
0x734: {  	v11 =	vld [tilespmem:s4+$0xFFFFFFD0]  }
.Ltmp23:
0x735: {  	v10 =	vld [tilespmem:s4+$0xFFFFFFE0];
	(pc) =	sbr.rel @p0 .LBB2_48-.Ltmp23, $4  }
0x736: {  	v9 =	vld [tilespmem:s4+$0xFFFFFFF0]  }
0x737: {  	v7 =	vld [tilespmem:s4+$0x0]  }
0x738: {  	v12 =	vmul.f32 v6, v8;
	v6 =	vld [tilespmem:s4+$0x10]  }
0x739: {  	s7 =	sadd.s32 $0x80, s7;
	v11 =	vmul.f32 v11, v14;
	v8 =	vld [tilespmem:s4+$0x20]  }
0x73a: {  	[tilespmem:s5+$0xFFFFFFC0] =	vst v12;
	v5 =	vmul.f32 v10, v5  }
0x73b: {  	[tilespmem:s5+$0xFFFFFFD0] =	vst v11;
	v4 =	vmul.f32 v9, v4  }
0x73c: {  	[tilespmem:s5+$0xFFFFFFE0] =	vst v5;
	v3 =	vmul.f32 v7, v3  }
0x73d: {  	[tilespmem:s5+$0xFFFFFFF0] =	vst v4;
	v1 =	vmul.f32 v6, v1  }
0x73e: {  	[tilespmem:s5+$0x0] =	vst v3;
	v2 =	vmul.f32 v8, v2  }
0x73f: {  	[tilespmem:s5+$0x10] =	vst v1  }
0x740: {  	[tilespmem:s5+$0x20] =	vst v2  }
0x741: {  	[spmem:s9] =	stream.indirect.scatter.add.f32 [tilespmem:s25], [sflag:$0x3], $0x1, s18, s24, $0xb8;
	[tilespmem:$0x1D000] =	vst v63  }
0x742: {  	_ =	swait.ge [sflag:s2], $0x1000  }
0x743: {  	s4 =	sld [smem:$0x7E0]  }
0x744: {  	[sflag:s2] =	ssyncset.done $0x0  }
0x745: {  	s6 =	sld [smem:$0x7E1];
	[sflag:s2] =	ssyncadd.s32 $0xFFFFF000  }
0x746: {  	[tilespmem:s19], [sflag:$0x2] =	stream.linear.gather [hbm4b:s4+s1], $0x1000, $0x38;
	[tilespmem:$0x1D000] =	vst v63  }
0x747: {  	s7 =	sld [smem:$0x7E2]  }
0x748: {  	[tilespmem:s20], [sflag:$0x2] =	stream.linear.gather [hbm4b:s6+s1], $0x1000, $0x38;
	[tilespmem:$0x1D000] =	vst v63  }
0x749: {  	_ = 	snop  }
0x74a: {  	[tilespmem:s26], [sflag:$0x2] =	stream.linear.gather [hbm4b:s7+s1], $0x1000, $0x38;
	[tilespmem:$0x1D000] =	vst v63  }
0x74b: {  	_ =	swait.ge [sflag:s23], $0x1000  }
0x74c: {  	[sflag:s23] =	ssyncset.done $0x0  }
0x74d: {  	[sflag:s23] =	ssyncadd.s32 $0xFFFFF000  }
0x74e: {  	_ =	swait.ge [sflag:s23], $0x1000  }
0x74f: {  	[sflag:s23] =	ssyncset.done $0x0  }
0x750: {  	[sflag:s23] =	ssyncadd.s32 $0xFFFFF000  }
0x751: {  	_ =	swait.ge [sflag:s23], $0x1000  }
0x752: {  	[sflag:s23] =	ssyncset.done $0x0  }
0x753: {  	s8 =	simm.s32 $0x13040;
	[sflag:s23] =	ssyncadd.s32 $0xFFFFF000  }
0x754: {  	v1 =	vld [tilespmem:s8+$0x30]  }
0x755: {  	v2 =	vld [tilespmem:s8+$0xFFFFFFD0]  }
0x756: {  	v3 =	vld [tilespmem:s8+$0xFFFFFFE0]  }
0x757: {  	v4 =	vld [tilespmem:s8+$0xFFFFFFF0]  }
0x758: {  	v6 =	vld [tilespmem:s8+$0x0]  }
0x759: {  	v7 =	vld [tilespmem:s8+$0x10]  }
0x75a: {  	v8 =	vld [tilespmem:s8+$0x20]  }
0x75b: {  	s4 =	simm.s32 $0x15040;
	v9 =	vld [tilespmem:s8+$0xFFFFFFC0]  }
0x75c: {  	v12 =	vld [tilespmem:s4+$0x30]  }
0x75d: {  	v15 =	vld [tilespmem:s4+$0xFFFFFFD0]  }
0x75e: {  	v10 =	vld [tilespmem:s4+$0xFFFFFFE0]  }
0x75f: {  	v11 =	vld.idx.msk [tilespmem:v1+s22+$0x0], $0xffff  }
0x760: {  	v13 =	vld.idx.msk [tilespmem:v2+s22+$0x0], $0xffff  }
0x761: {  	v5 =	vld.idx.msk [tilespmem:v3+s22+$0x0], $0xffff  }
0x762: {  	v4 =	vld.idx.msk [tilespmem:v4+s22+$0x0], $0xffff  }
0x763: {  	v14 =	vld.idx.msk [tilespmem:v9+s22+$0x0], $0xffff  }
0x764: {  	v2 =	vld.idx.msk [tilespmem:v8+s22+$0x0], $0xffff  }
0x765: {  	v8 =	vld [tilespmem:s4+$0xFFFFFFC0]  }
0x766: {  	v3 =	vld.idx.msk [tilespmem:v6+s22+$0x0], $0xffff  }
0x767: {  	v1 =	vld.idx.msk [tilespmem:v7+s22+$0x0], $0xffff  }
0x768: {  	v9 =	vld [tilespmem:s4+$0xFFFFFFF0]  }
0x769: {  	v7 =	vld [tilespmem:s4+$0x0];
	v11 =	vmul.f32 v12, v11  }
0x76a: {  	s5 =	simm.s32 $0x1B040;
	v6 =	vld [tilespmem:s4+$0x10];
	v12 =	vmul.f32 v8, v14  }
0x76b: {  	s6 =	simm.s32 $0x0;
	s7 =	simm.s32 $0x130C0;
	v8 =	vld [tilespmem:s4+$0x20];
	[tilespmem:s5+$0x30] =	vst v11;
	v11 =	vmul.f32 v15, v13  }
.LBB2_50:
0x76c: {  	v13 =	vld [tilespmem:s7+$0x30];
	s6 =	sadd.s32 $0x8, s6;
	[tilespmem:s5+$0xFFFFFFC0] =	vst v12;
	v5 =	vmul.f32 v10, v5  }
0x76d: {  	v10 =	vld [tilespmem:s7+$0xFFFFFFD0];
	p0 =	slt.u32 s6, $0xF8;
	[tilespmem:s5+$0xFFFFFFD0] =	vst v11;
	v4 =	vmul.f32 v9, v4  }
0x76e: {  	v9 =	vld [tilespmem:s7+$0xFFFFFFE0];
	[tilespmem:s5+$0xFFFFFFE0] =	vst v5;
	v3 =	vmul.f32 v7, v3  }
0x76f: {  	v7 =	vld [tilespmem:s7+$0xFFFFFFF0];
	[tilespmem:s5+$0xFFFFFFF0] =	vst v4;
	v1 =	vmul.f32 v6, v1  }
0x770: {  	v6 =	vld [tilespmem:s7+$0x0];
	[tilespmem:s5+$0x0] =	vst v3;
	v2 =	vmul.f32 v8, v2  }
0x771: {  	v8 =	vld [tilespmem:s7+$0x10];
	[tilespmem:s5+$0x10] =	vst v1  }
0x772: {  	v11 =	vld [tilespmem:s7+$0x20];
	[tilespmem:s5+$0x20] =	vst v2  }
0x773: {  	v2 =	vld [tilespmem:s7+$0xFFFFFFC0]  }
0x774: {  	s4 =	sadd.s32 $0x80, s4;
	v12 =	vld.idx.msk [tilespmem:v13+s22+$0x0], $0xffff  }
0x775: {  	v13 =	vld [tilespmem:s4+$0x30]  }
0x776: {  	v14 =	vld.idx.msk [tilespmem:v10+s22+$0x0], $0xffff  }
0x777: {  	v5 =	vld.idx.msk [tilespmem:v9+s22+$0x0], $0xffff  }
0x778: {  	v4 =	vld.idx.msk [tilespmem:v7+s22+$0x0], $0xffff  }
0x779: {  	v3 =	vld.idx.msk [tilespmem:v6+s22+$0x0], $0xffff  }
0x77a: {  	v1 =	vld.idx.msk [tilespmem:v8+s22+$0x0], $0xffff;
	v6 =	vmul.f32 v13, v12  }
0x77b: {  	s5 =	sadd.s32 $0x80, s5;
	v8 =	vld.idx.msk [tilespmem:v2+s22+$0x0], $0xffff  }
0x77c: {  	v2 =	vld.idx.msk [tilespmem:v11+s22+$0x0], $0xffff;
	[tilespmem:s5+$0x30] =	vst v6  }
0x77d: {  	v6 =	vld [tilespmem:s4+$0xFFFFFFC0]  }
0x77e: {  	v11 =	vld [tilespmem:s4+$0xFFFFFFD0]  }
.Ltmp24:
0x77f: {  	v10 =	vld [tilespmem:s4+$0xFFFFFFE0];
	(pc) =	sbr.rel @p0 .LBB2_50-.Ltmp24, $4  }
0x780: {  	v9 =	vld [tilespmem:s4+$0xFFFFFFF0]  }
0x781: {  	v7 =	vld [tilespmem:s4+$0x0]  }
0x782: {  	v12 =	vmul.f32 v6, v8;
	v6 =	vld [tilespmem:s4+$0x10]  }
0x783: {  	s7 =	sadd.s32 $0x80, s7;
	v11 =	vmul.f32 v11, v14;
	v8 =	vld [tilespmem:s4+$0x20]  }
0x784: {  	[tilespmem:s5+$0xFFFFFFC0] =	vst v12;
	v5 =	vmul.f32 v10, v5  }
0x785: {  	[tilespmem:s5+$0xFFFFFFD0] =	vst v11;
	v4 =	vmul.f32 v9, v4  }
0x786: {  	[tilespmem:s5+$0xFFFFFFE0] =	vst v5;
	v3 =	vmul.f32 v7, v3  }
0x787: {  	[tilespmem:s5+$0xFFFFFFF0] =	vst v4;
	v1 =	vmul.f32 v6, v1  }
0x788: {  	[tilespmem:s5+$0x0] =	vst v3;
	v2 =	vmul.f32 v8, v2  }
0x789: {  	[tilespmem:s5+$0x10] =	vst v1  }
0x78a: {  	[tilespmem:s5+$0x20] =	vst v2  }
0x78b: {  	[spmem:s9] =	stream.indirect.scatter.add.f32 [tilespmem:s29], [sflag:$0x4], $0x1, s21, s24, $0xb8;
	[tilespmem:$0x1D000] =	vst v63  }
0x78c: {  	_ =	swait.ge [sflag:s30], $0x1000  }
0x78d: {  	s4 =	sld [smem:$0x7E3]  }
0x78e: {  	[sflag:s30] =	ssyncset.done $0x0  }
0x78f: {  	s6 =	sld [smem:$0x7E4];
	[sflag:s30] =	ssyncadd.s32 $0xFFFFF000  }
0x790: {  	[tilespmem:s16], [sflag:$0x1] =	stream.linear.gather [hbm4b:s4+s1], $0x1000, $0x38;
	[tilespmem:$0x1D000] =	vst v63  }
0x791: {  	s7 =	sld [smem:$0x7E5]  }
0x792: {  	[tilespmem:s17], [sflag:$0x1] =	stream.linear.gather [hbm4b:s6+s1], $0x1000, $0x38;
	[tilespmem:$0x1D000] =	vst v63  }
0x793: {  	_ = 	snop  }
0x794: {  	[tilespmem:s18], [sflag:$0x1] =	stream.linear.gather [hbm4b:s7+s1], $0x1000, $0x38;
	[tilespmem:$0x1D000] =	vst v63  }
0x795: {  	_ =	swait.ge [sflag:s28], $0x1000  }
0x796: {  	[sflag:s28] =	ssyncset.done $0x0  }
0x797: {  	[sflag:s28] =	ssyncadd.s32 $0xFFFFF000  }
0x798: {  	_ =	swait.ge [sflag:s28], $0x1000  }
0x799: {  	[sflag:s28] =	ssyncset.done $0x0  }
0x79a: {  	[sflag:s28] =	ssyncadd.s32 $0xFFFFF000  }
0x79b: {  	_ =	swait.ge [sflag:s28], $0x1000  }
0x79c: {  	[sflag:s28] =	ssyncset.done $0x0  }
0x79d: {  	s8 =	simm.s32 $0x14040;
	[sflag:s28] =	ssyncadd.s32 $0xFFFFF000  }
0x79e: {  	v1 =	vld [tilespmem:s8+$0x30]  }
0x79f: {  	v2 =	vld [tilespmem:s8+$0xFFFFFFD0]  }
0x7a0: {  	v3 =	vld [tilespmem:s8+$0xFFFFFFE0]  }
0x7a1: {  	v4 =	vld [tilespmem:s8+$0xFFFFFFF0]  }
0x7a2: {  	v6 =	vld [tilespmem:s8+$0x0]  }
0x7a3: {  	v7 =	vld [tilespmem:s8+$0x10]  }
0x7a4: {  	v8 =	vld [tilespmem:s8+$0x20]  }
0x7a5: {  	s4 =	simm.s32 $0x16040;
	v9 =	vld [tilespmem:s8+$0xFFFFFFC0]  }
0x7a6: {  	v12 =	vld [tilespmem:s4+$0x30]  }
0x7a7: {  	v15 =	vld [tilespmem:s4+$0xFFFFFFD0]  }
0x7a8: {  	v10 =	vld [tilespmem:s4+$0xFFFFFFE0]  }
0x7a9: {  	v11 =	vld.idx.msk [tilespmem:v1+s22+$0x0], $0xffff  }
0x7aa: {  	v13 =	vld.idx.msk [tilespmem:v2+s22+$0x0], $0xffff  }
0x7ab: {  	v5 =	vld.idx.msk [tilespmem:v3+s22+$0x0], $0xffff  }
0x7ac: {  	v4 =	vld.idx.msk [tilespmem:v4+s22+$0x0], $0xffff  }
0x7ad: {  	v14 =	vld.idx.msk [tilespmem:v9+s22+$0x0], $0xffff  }
0x7ae: {  	v2 =	vld.idx.msk [tilespmem:v8+s22+$0x0], $0xffff  }
0x7af: {  	v8 =	vld [tilespmem:s4+$0xFFFFFFC0]  }
0x7b0: {  	v3 =	vld.idx.msk [tilespmem:v6+s22+$0x0], $0xffff  }
0x7b1: {  	v1 =	vld.idx.msk [tilespmem:v7+s22+$0x0], $0xffff  }
0x7b2: {  	v9 =	vld [tilespmem:s4+$0xFFFFFFF0]  }
0x7b3: {  	v7 =	vld [tilespmem:s4+$0x0];
	v11 =	vmul.f32 v12, v11  }
0x7b4: {  	s5 =	simm.s32 $0x1C040;
	v6 =	vld [tilespmem:s4+$0x10];
	v12 =	vmul.f32 v8, v14  }
0x7b5: {  	s6 =	simm.s32 $0x0;
	s7 =	simm.s32 $0x140C0;
	v8 =	vld [tilespmem:s4+$0x20];
	[tilespmem:s5+$0x30] =	vst v11;
	v11 =	vmul.f32 v15, v13  }
.LBB2_52:
0x7b6: {  	v13 =	vld [tilespmem:s7+$0x30];
	s6 =	sadd.s32 $0x8, s6;
	[tilespmem:s5+$0xFFFFFFC0] =	vst v12;
	v5 =	vmul.f32 v10, v5  }
0x7b7: {  	v10 =	vld [tilespmem:s7+$0xFFFFFFD0];
	p0 =	slt.u32 s6, $0xF8;
	[tilespmem:s5+$0xFFFFFFD0] =	vst v11;
	v4 =	vmul.f32 v9, v4  }
0x7b8: {  	v9 =	vld [tilespmem:s7+$0xFFFFFFE0];
	[tilespmem:s5+$0xFFFFFFE0] =	vst v5;
	v3 =	vmul.f32 v7, v3  }
0x7b9: {  	v7 =	vld [tilespmem:s7+$0xFFFFFFF0];
	[tilespmem:s5+$0xFFFFFFF0] =	vst v4;
	v1 =	vmul.f32 v6, v1  }
0x7ba: {  	v6 =	vld [tilespmem:s7+$0x0];
	[tilespmem:s5+$0x0] =	vst v3;
	v2 =	vmul.f32 v8, v2  }
0x7bb: {  	v8 =	vld [tilespmem:s7+$0x10];
	[tilespmem:s5+$0x10] =	vst v1  }
0x7bc: {  	v11 =	vld [tilespmem:s7+$0x20];
	[tilespmem:s5+$0x20] =	vst v2  }
0x7bd: {  	v2 =	vld [tilespmem:s7+$0xFFFFFFC0]  }
0x7be: {  	s4 =	sadd.s32 $0x80, s4;
	v12 =	vld.idx.msk [tilespmem:v13+s22+$0x0], $0xffff  }
0x7bf: {  	v13 =	vld [tilespmem:s4+$0x30]  }
0x7c0: {  	v14 =	vld.idx.msk [tilespmem:v10+s22+$0x0], $0xffff  }
0x7c1: {  	v5 =	vld.idx.msk [tilespmem:v9+s22+$0x0], $0xffff  }
0x7c2: {  	v4 =	vld.idx.msk [tilespmem:v7+s22+$0x0], $0xffff  }
0x7c3: {  	v3 =	vld.idx.msk [tilespmem:v6+s22+$0x0], $0xffff  }
0x7c4: {  	v1 =	vld.idx.msk [tilespmem:v8+s22+$0x0], $0xffff;
	v6 =	vmul.f32 v13, v12  }
0x7c5: {  	s5 =	sadd.s32 $0x80, s5;
	v8 =	vld.idx.msk [tilespmem:v2+s22+$0x0], $0xffff  }
0x7c6: {  	v2 =	vld.idx.msk [tilespmem:v11+s22+$0x0], $0xffff;
	[tilespmem:s5+$0x30] =	vst v6  }
0x7c7: {  	v6 =	vld [tilespmem:s4+$0xFFFFFFC0]  }
0x7c8: {  	v11 =	vld [tilespmem:s4+$0xFFFFFFD0]  }
.Ltmp25:
0x7c9: {  	v10 =	vld [tilespmem:s4+$0xFFFFFFE0];
	(pc) =	sbr.rel @p0 .LBB2_52-.Ltmp25, $4  }
0x7ca: {  	v9 =	vld [tilespmem:s4+$0xFFFFFFF0]  }
0x7cb: {  	v7 =	vld [tilespmem:s4+$0x0]  }
0x7cc: {  	v12 =	vmul.f32 v6, v8;
	v6 =	vld [tilespmem:s4+$0x10]  }
0x7cd: {  	s7 =	sadd.s32 $0x80, s7;
	v11 =	vmul.f32 v11, v14;
	v8 =	vld [tilespmem:s4+$0x20]  }
0x7ce: {  	[tilespmem:s5+$0xFFFFFFC0] =	vst v12;
	v5 =	vmul.f32 v10, v5  }
0x7cf: {  	[tilespmem:s5+$0xFFFFFFD0] =	vst v11;
	v4 =	vmul.f32 v9, v4  }
0x7d0: {  	[tilespmem:s5+$0xFFFFFFE0] =	vst v5;
	v3 =	vmul.f32 v7, v3  }
0x7d1: {  	[tilespmem:s5+$0xFFFFFFF0] =	vst v4;
	v1 =	vmul.f32 v6, v1  }
0x7d2: {  	[tilespmem:s5+$0x0] =	vst v3;
	v2 =	vmul.f32 v8, v2  }
0x7d3: {  	[tilespmem:s5+$0x10] =	vst v1  }
0x7d4: {  	[tilespmem:s5+$0x20] =	vst v2  }
0x7d5: {  	[spmem:s9] =	stream.indirect.scatter.add.f32 [tilespmem:s31], [sflag:$0x5], $0x1, s26, s24, $0xb8;
	[tilespmem:$0x1D000] =	vst v63  }
0x7d6: {  	_ =	swait.ge [sflag:s0], $0x1000  }
0x7d7: {  	s4 =	sld [smem:$0x7E6]  }
0x7d8: {  	[sflag:s0] =	ssyncset.done $0x0  }
0x7d9: {  	s6 =	sld [smem:$0x7E7];
	[sflag:s0] =	ssyncadd.s32 $0xFFFFF000  }
0x7da: {  	[tilespmem:s19], [sflag:$0x2] =	stream.linear.gather [hbm4b:s4+s1], $0x1000, $0x38;
	[tilespmem:$0x1D000] =	vst v63  }
0x7db: {  	s7 =	sld [smem:$0x7E8]  }
0x7dc: {  	[tilespmem:s20], [sflag:$0x2] =	stream.linear.gather [hbm4b:s6+s1], $0x1000, $0x38;
	[tilespmem:$0x1D000] =	vst v63  }
0x7dd: {  	_ = 	snop  }
0x7de: {  	[tilespmem:s21], [sflag:$0x2] =	stream.linear.gather [hbm4b:s7+s1], $0x1000, $0x38;
	[tilespmem:$0x1D000] =	vst v63  }
0x7df: {  	_ =	swait.ge [sflag:s23], $0x1000  }
0x7e0: {  	[sflag:s23] =	ssyncset.done $0x0  }
0x7e1: {  	[sflag:s23] =	ssyncadd.s32 $0xFFFFF000  }
0x7e2: {  	_ =	swait.ge [sflag:s23], $0x1000  }
0x7e3: {  	[sflag:s23] =	ssyncset.done $0x0  }
0x7e4: {  	[sflag:s23] =	ssyncadd.s32 $0xFFFFF000  }
0x7e5: {  	_ =	swait.ge [sflag:s23], $0x1000  }
0x7e6: {  	[sflag:s23] =	ssyncset.done $0x0  }
0x7e7: {  	s8 =	simm.s32 $0x13040;
	[sflag:s23] =	ssyncadd.s32 $0xFFFFF000  }
0x7e8: {  	v1 =	vld [tilespmem:s8+$0x30]  }
0x7e9: {  	v2 =	vld [tilespmem:s8+$0xFFFFFFD0]  }
0x7ea: {  	v3 =	vld [tilespmem:s8+$0xFFFFFFE0]  }
0x7eb: {  	v4 =	vld [tilespmem:s8+$0xFFFFFFF0]  }
0x7ec: {  	v6 =	vld [tilespmem:s8+$0x0]  }
0x7ed: {  	v7 =	vld [tilespmem:s8+$0x10]  }
0x7ee: {  	v8 =	vld [tilespmem:s8+$0x20]  }
0x7ef: {  	s4 =	simm.s32 $0x15040;
	v9 =	vld [tilespmem:s8+$0xFFFFFFC0]  }
0x7f0: {  	v12 =	vld [tilespmem:s4+$0x30]  }
0x7f1: {  	v15 =	vld [tilespmem:s4+$0xFFFFFFD0]  }
0x7f2: {  	v10 =	vld [tilespmem:s4+$0xFFFFFFE0]  }
0x7f3: {  	v11 =	vld.idx.msk [tilespmem:v1+s22+$0x0], $0xffff  }
0x7f4: {  	v13 =	vld.idx.msk [tilespmem:v2+s22+$0x0], $0xffff  }
0x7f5: {  	v5 =	vld.idx.msk [tilespmem:v3+s22+$0x0], $0xffff  }
0x7f6: {  	v4 =	vld.idx.msk [tilespmem:v4+s22+$0x0], $0xffff  }
0x7f7: {  	v14 =	vld.idx.msk [tilespmem:v9+s22+$0x0], $0xffff  }
0x7f8: {  	v2 =	vld.idx.msk [tilespmem:v8+s22+$0x0], $0xffff  }
0x7f9: {  	v8 =	vld [tilespmem:s4+$0xFFFFFFC0]  }
0x7fa: {  	v3 =	vld.idx.msk [tilespmem:v6+s22+$0x0], $0xffff  }
0x7fb: {  	v1 =	vld.idx.msk [tilespmem:v7+s22+$0x0], $0xffff  }
0x7fc: {  	v9 =	vld [tilespmem:s4+$0xFFFFFFF0]  }
0x7fd: {  	v7 =	vld [tilespmem:s4+$0x0];
	v11 =	vmul.f32 v12, v11  }
0x7fe: {  	s5 =	simm.s32 $0x1A040;
	v6 =	vld [tilespmem:s4+$0x10];
	v12 =	vmul.f32 v8, v14  }
0x7ff: {  	s6 =	simm.s32 $0x0;
	s7 =	simm.s32 $0x130C0;
	v8 =	vld [tilespmem:s4+$0x20];
	[tilespmem:s5+$0x30] =	vst v11;
	v11 =	vmul.f32 v15, v13  }
.LBB2_54:
0x800: {  	v13 =	vld [tilespmem:s7+$0x30];
	s6 =	sadd.s32 $0x8, s6;
	[tilespmem:s5+$0xFFFFFFC0] =	vst v12;
	v5 =	vmul.f32 v10, v5  }
0x801: {  	v10 =	vld [tilespmem:s7+$0xFFFFFFD0];
	p0 =	slt.u32 s6, $0xF8;
	[tilespmem:s5+$0xFFFFFFD0] =	vst v11;
	v4 =	vmul.f32 v9, v4  }
0x802: {  	v9 =	vld [tilespmem:s7+$0xFFFFFFE0];
	[tilespmem:s5+$0xFFFFFFE0] =	vst v5;
	v3 =	vmul.f32 v7, v3  }
0x803: {  	v7 =	vld [tilespmem:s7+$0xFFFFFFF0];
	[tilespmem:s5+$0xFFFFFFF0] =	vst v4;
	v1 =	vmul.f32 v6, v1  }
0x804: {  	v6 =	vld [tilespmem:s7+$0x0];
	[tilespmem:s5+$0x0] =	vst v3;
	v2 =	vmul.f32 v8, v2  }
0x805: {  	v8 =	vld [tilespmem:s7+$0x10];
	[tilespmem:s5+$0x10] =	vst v1  }
0x806: {  	v11 =	vld [tilespmem:s7+$0x20];
	[tilespmem:s5+$0x20] =	vst v2  }
0x807: {  	v2 =	vld [tilespmem:s7+$0xFFFFFFC0]  }
0x808: {  	s4 =	sadd.s32 $0x80, s4;
	v12 =	vld.idx.msk [tilespmem:v13+s22+$0x0], $0xffff  }
0x809: {  	v13 =	vld [tilespmem:s4+$0x30]  }
0x80a: {  	v14 =	vld.idx.msk [tilespmem:v10+s22+$0x0], $0xffff  }
0x80b: {  	v5 =	vld.idx.msk [tilespmem:v9+s22+$0x0], $0xffff  }
0x80c: {  	v4 =	vld.idx.msk [tilespmem:v7+s22+$0x0], $0xffff  }
0x80d: {  	v3 =	vld.idx.msk [tilespmem:v6+s22+$0x0], $0xffff  }
0x80e: {  	v1 =	vld.idx.msk [tilespmem:v8+s22+$0x0], $0xffff;
	v6 =	vmul.f32 v13, v12  }
0x80f: {  	s5 =	sadd.s32 $0x80, s5;
	v8 =	vld.idx.msk [tilespmem:v2+s22+$0x0], $0xffff  }
0x810: {  	v2 =	vld.idx.msk [tilespmem:v11+s22+$0x0], $0xffff;
	[tilespmem:s5+$0x30] =	vst v6  }
0x811: {  	v6 =	vld [tilespmem:s4+$0xFFFFFFC0]  }
0x812: {  	v11 =	vld [tilespmem:s4+$0xFFFFFFD0]  }
.Ltmp26:
0x813: {  	v10 =	vld [tilespmem:s4+$0xFFFFFFE0];
	(pc) =	sbr.rel @p0 .LBB2_54-.Ltmp26, $4  }
0x814: {  	v9 =	vld [tilespmem:s4+$0xFFFFFFF0]  }
0x815: {  	v7 =	vld [tilespmem:s4+$0x0]  }
0x816: {  	v12 =	vmul.f32 v6, v8;
	v6 =	vld [tilespmem:s4+$0x10]  }
0x817: {  	s7 =	sadd.s32 $0x80, s7;
	v11 =	vmul.f32 v11, v14;
	v8 =	vld [tilespmem:s4+$0x20]  }
0x818: {  	[tilespmem:s5+$0xFFFFFFC0] =	vst v12;
	v5 =	vmul.f32 v10, v5  }
0x819: {  	[tilespmem:s5+$0xFFFFFFD0] =	vst v11;
	v4 =	vmul.f32 v9, v4  }
0x81a: {  	[tilespmem:s5+$0xFFFFFFE0] =	vst v5;
	v3 =	vmul.f32 v7, v3  }
0x81b: {  	[tilespmem:s5+$0xFFFFFFF0] =	vst v4;
	v1 =	vmul.f32 v6, v1  }
0x81c: {  	[tilespmem:s5+$0x0] =	vst v3;
	v2 =	vmul.f32 v8, v2  }
0x81d: {  	[tilespmem:s5+$0x10] =	vst v1  }
0x81e: {  	[tilespmem:s5+$0x20] =	vst v2  }
0x81f: {  	[spmem:s9] =	stream.indirect.scatter.add.f32 [tilespmem:s25], [sflag:$0x3], $0x1, s18, s24, $0xb8;
	[tilespmem:$0x1D000] =	vst v63  }
0x820: {  	_ =	swait.ge [sflag:s2], $0x1000  }
0x821: {  	s4 =	sld [smem:$0x7E9]  }
0x822: {  	[sflag:s2] =	ssyncset.done $0x0  }
0x823: {  	s6 =	sld [smem:$0x7EA];
	[sflag:s2] =	ssyncadd.s32 $0xFFFFF000  }
0x824: {  	[tilespmem:s16], [sflag:$0x1] =	stream.linear.gather [hbm4b:s4+s1], $0x1000, $0x38;
	[tilespmem:$0x1D000] =	vst v63  }
0x825: {  	s7 =	sld [smem:$0x7EB]  }
0x826: {  	[tilespmem:s17], [sflag:$0x1] =	stream.linear.gather [hbm4b:s6+s1], $0x1000, $0x38;
	[tilespmem:$0x1D000] =	vst v63  }
0x827: {  	_ = 	snop  }
0x828: {  	[tilespmem:s26], [sflag:$0x1] =	stream.linear.gather [hbm4b:s7+s1], $0x1000, $0x38;
	[tilespmem:$0x1D000] =	vst v63  }
0x829: {  	_ =	swait.ge [sflag:s28], $0x1000  }
0x82a: {  	[sflag:s28] =	ssyncset.done $0x0  }
0x82b: {  	[sflag:s28] =	ssyncadd.s32 $0xFFFFF000  }
0x82c: {  	_ =	swait.ge [sflag:s28], $0x1000  }
0x82d: {  	[sflag:s28] =	ssyncset.done $0x0  }
0x82e: {  	[sflag:s28] =	ssyncadd.s32 $0xFFFFF000  }
0x82f: {  	_ =	swait.ge [sflag:s28], $0x1000  }
0x830: {  	[sflag:s28] =	ssyncset.done $0x0  }
0x831: {  	s8 =	simm.s32 $0x14040;
	[sflag:s28] =	ssyncadd.s32 $0xFFFFF000  }
0x832: {  	v1 =	vld [tilespmem:s8+$0x30]  }
0x833: {  	v2 =	vld [tilespmem:s8+$0xFFFFFFD0]  }
0x834: {  	v3 =	vld [tilespmem:s8+$0xFFFFFFE0]  }
0x835: {  	v4 =	vld [tilespmem:s8+$0xFFFFFFF0]  }
0x836: {  	v6 =	vld [tilespmem:s8+$0x0]  }
0x837: {  	v7 =	vld [tilespmem:s8+$0x10]  }
0x838: {  	v8 =	vld [tilespmem:s8+$0x20]  }
0x839: {  	s4 =	simm.s32 $0x16040;
	v9 =	vld [tilespmem:s8+$0xFFFFFFC0]  }
0x83a: {  	v12 =	vld [tilespmem:s4+$0x30]  }
0x83b: {  	v15 =	vld [tilespmem:s4+$0xFFFFFFD0]  }
0x83c: {  	v10 =	vld [tilespmem:s4+$0xFFFFFFE0]  }
0x83d: {  	v11 =	vld.idx.msk [tilespmem:v1+s22+$0x0], $0xffff  }
0x83e: {  	v13 =	vld.idx.msk [tilespmem:v2+s22+$0x0], $0xffff  }
0x83f: {  	v5 =	vld.idx.msk [tilespmem:v3+s22+$0x0], $0xffff  }
0x840: {  	v4 =	vld.idx.msk [tilespmem:v4+s22+$0x0], $0xffff  }
0x841: {  	v14 =	vld.idx.msk [tilespmem:v9+s22+$0x0], $0xffff  }
0x842: {  	v2 =	vld.idx.msk [tilespmem:v8+s22+$0x0], $0xffff  }
0x843: {  	v8 =	vld [tilespmem:s4+$0xFFFFFFC0]  }
0x844: {  	v3 =	vld.idx.msk [tilespmem:v6+s22+$0x0], $0xffff  }
0x845: {  	v1 =	vld.idx.msk [tilespmem:v7+s22+$0x0], $0xffff  }
0x846: {  	v9 =	vld [tilespmem:s4+$0xFFFFFFF0]  }
0x847: {  	v7 =	vld [tilespmem:s4+$0x0];
	v11 =	vmul.f32 v12, v11  }
0x848: {  	s5 =	simm.s32 $0x1B040;
	v6 =	vld [tilespmem:s4+$0x10];
	v12 =	vmul.f32 v8, v14  }
0x849: {  	s6 =	simm.s32 $0x0;
	s7 =	simm.s32 $0x140C0;
	v8 =	vld [tilespmem:s4+$0x20];
	[tilespmem:s5+$0x30] =	vst v11;
	v11 =	vmul.f32 v15, v13  }
.LBB2_56:
0x84a: {  	v13 =	vld [tilespmem:s7+$0x30];
	s6 =	sadd.s32 $0x8, s6;
	[tilespmem:s5+$0xFFFFFFC0] =	vst v12;
	v5 =	vmul.f32 v10, v5  }
0x84b: {  	v10 =	vld [tilespmem:s7+$0xFFFFFFD0];
	p0 =	slt.u32 s6, $0xF8;
	[tilespmem:s5+$0xFFFFFFD0] =	vst v11;
	v4 =	vmul.f32 v9, v4  }
0x84c: {  	v9 =	vld [tilespmem:s7+$0xFFFFFFE0];
	[tilespmem:s5+$0xFFFFFFE0] =	vst v5;
	v3 =	vmul.f32 v7, v3  }
0x84d: {  	v7 =	vld [tilespmem:s7+$0xFFFFFFF0];
	[tilespmem:s5+$0xFFFFFFF0] =	vst v4;
	v1 =	vmul.f32 v6, v1  }
0x84e: {  	v6 =	vld [tilespmem:s7+$0x0];
	[tilespmem:s5+$0x0] =	vst v3;
	v2 =	vmul.f32 v8, v2  }
0x84f: {  	v8 =	vld [tilespmem:s7+$0x10];
	[tilespmem:s5+$0x10] =	vst v1  }
0x850: {  	v11 =	vld [tilespmem:s7+$0x20];
	[tilespmem:s5+$0x20] =	vst v2  }
0x851: {  	v2 =	vld [tilespmem:s7+$0xFFFFFFC0]  }
0x852: {  	s4 =	sadd.s32 $0x80, s4;
	v12 =	vld.idx.msk [tilespmem:v13+s22+$0x0], $0xffff  }
0x853: {  	v13 =	vld [tilespmem:s4+$0x30]  }
0x854: {  	v14 =	vld.idx.msk [tilespmem:v10+s22+$0x0], $0xffff  }
0x855: {  	v5 =	vld.idx.msk [tilespmem:v9+s22+$0x0], $0xffff  }
0x856: {  	v4 =	vld.idx.msk [tilespmem:v7+s22+$0x0], $0xffff  }
0x857: {  	v3 =	vld.idx.msk [tilespmem:v6+s22+$0x0], $0xffff  }
0x858: {  	v1 =	vld.idx.msk [tilespmem:v8+s22+$0x0], $0xffff;
	v6 =	vmul.f32 v13, v12  }
0x859: {  	s5 =	sadd.s32 $0x80, s5;
	v8 =	vld.idx.msk [tilespmem:v2+s22+$0x0], $0xffff  }
0x85a: {  	v2 =	vld.idx.msk [tilespmem:v11+s22+$0x0], $0xffff;
	[tilespmem:s5+$0x30] =	vst v6  }
0x85b: {  	v6 =	vld [tilespmem:s4+$0xFFFFFFC0]  }
0x85c: {  	v11 =	vld [tilespmem:s4+$0xFFFFFFD0]  }
.Ltmp27:
0x85d: {  	v10 =	vld [tilespmem:s4+$0xFFFFFFE0];
	(pc) =	sbr.rel @p0 .LBB2_56-.Ltmp27, $4  }
0x85e: {  	v9 =	vld [tilespmem:s4+$0xFFFFFFF0]  }
0x85f: {  	v7 =	vld [tilespmem:s4+$0x0]  }
0x860: {  	v12 =	vmul.f32 v6, v8;
	v6 =	vld [tilespmem:s4+$0x10]  }
0x861: {  	s7 =	sadd.s32 $0x80, s7;
	v11 =	vmul.f32 v11, v14;
	v8 =	vld [tilespmem:s4+$0x20]  }
0x862: {  	[tilespmem:s5+$0xFFFFFFC0] =	vst v12;
	v5 =	vmul.f32 v10, v5  }
0x863: {  	[tilespmem:s5+$0xFFFFFFD0] =	vst v11;
	v4 =	vmul.f32 v9, v4  }
0x864: {  	[tilespmem:s5+$0xFFFFFFE0] =	vst v5;
	v3 =	vmul.f32 v7, v3  }
0x865: {  	[tilespmem:s5+$0xFFFFFFF0] =	vst v4;
	v1 =	vmul.f32 v6, v1  }
0x866: {  	[tilespmem:s5+$0x0] =	vst v3;
	v2 =	vmul.f32 v8, v2  }
0x867: {  	[tilespmem:s5+$0x10] =	vst v1  }
0x868: {  	[tilespmem:s5+$0x20] =	vst v2  }
0x869: {  	[spmem:s9] =	stream.indirect.scatter.add.f32 [tilespmem:s29], [sflag:$0x4], $0x1, s21, s24, $0xb8;
	[tilespmem:$0x1D000] =	vst v63  }
0x86a: {  	_ =	swait.ge [sflag:s30], $0x1000  }
0x86b: {  	s4 =	sld [smem:$0x7EC]  }
0x86c: {  	[sflag:s30] =	ssyncset.done $0x0  }
0x86d: {  	s6 =	sld [smem:$0x7ED];
	[sflag:s30] =	ssyncadd.s32 $0xFFFFF000  }
0x86e: {  	[tilespmem:s19], [sflag:$0x2] =	stream.linear.gather [hbm4b:s4+s1], $0x1000, $0x38;
	[tilespmem:$0x1D000] =	vst v63  }
0x86f: {  	s7 =	sld [smem:$0x7EE]  }
0x870: {  	[tilespmem:s20], [sflag:$0x2] =	stream.linear.gather [hbm4b:s6+s1], $0x1000, $0x38;
	[tilespmem:$0x1D000] =	vst v63  }
0x871: {  	_ = 	snop  }
0x872: {  	[tilespmem:s18], [sflag:$0x2] =	stream.linear.gather [hbm4b:s7+s1], $0x1000, $0x38;
	[tilespmem:$0x1D000] =	vst v63  }
0x873: {  	_ =	swait.ge [sflag:s23], $0x1000  }
0x874: {  	[sflag:s23] =	ssyncset.done $0x0  }
0x875: {  	[sflag:s23] =	ssyncadd.s32 $0xFFFFF000  }
0x876: {  	_ =	swait.ge [sflag:s23], $0x1000  }
0x877: {  	[sflag:s23] =	ssyncset.done $0x0  }
0x878: {  	[sflag:s23] =	ssyncadd.s32 $0xFFFFF000  }
0x879: {  	_ =	swait.ge [sflag:s23], $0x1000  }
0x87a: {  	[sflag:s23] =	ssyncset.done $0x0  }
0x87b: {  	s8 =	simm.s32 $0x13040;
	[sflag:s23] =	ssyncadd.s32 $0xFFFFF000  }
0x87c: {  	v1 =	vld [tilespmem:s8+$0x30]  }
0x87d: {  	v2 =	vld [tilespmem:s8+$0xFFFFFFD0]  }
0x87e: {  	v3 =	vld [tilespmem:s8+$0xFFFFFFE0]  }
0x87f: {  	v4 =	vld [tilespmem:s8+$0xFFFFFFF0]  }
0x880: {  	v6 =	vld [tilespmem:s8+$0x0]  }
0x881: {  	v7 =	vld [tilespmem:s8+$0x10]  }
0x882: {  	v8 =	vld [tilespmem:s8+$0x20]  }
0x883: {  	s4 =	simm.s32 $0x15040;
	v9 =	vld [tilespmem:s8+$0xFFFFFFC0]  }
0x884: {  	v12 =	vld [tilespmem:s4+$0x30]  }
0x885: {  	v15 =	vld [tilespmem:s4+$0xFFFFFFD0]  }
0x886: {  	v10 =	vld [tilespmem:s4+$0xFFFFFFE0]  }
0x887: {  	v11 =	vld.idx.msk [tilespmem:v1+s22+$0x0], $0xffff  }
0x888: {  	v13 =	vld.idx.msk [tilespmem:v2+s22+$0x0], $0xffff  }
0x889: {  	v5 =	vld.idx.msk [tilespmem:v3+s22+$0x0], $0xffff  }
0x88a: {  	v4 =	vld.idx.msk [tilespmem:v4+s22+$0x0], $0xffff  }
0x88b: {  	v14 =	vld.idx.msk [tilespmem:v9+s22+$0x0], $0xffff  }
0x88c: {  	v2 =	vld.idx.msk [tilespmem:v8+s22+$0x0], $0xffff  }
0x88d: {  	v8 =	vld [tilespmem:s4+$0xFFFFFFC0]  }
0x88e: {  	v3 =	vld.idx.msk [tilespmem:v6+s22+$0x0], $0xffff  }
0x88f: {  	v1 =	vld.idx.msk [tilespmem:v7+s22+$0x0], $0xffff  }
0x890: {  	v9 =	vld [tilespmem:s4+$0xFFFFFFF0]  }
0x891: {  	v7 =	vld [tilespmem:s4+$0x0];
	v11 =	vmul.f32 v12, v11  }
0x892: {  	s5 =	simm.s32 $0x1C040;
	v6 =	vld [tilespmem:s4+$0x10];
	v12 =	vmul.f32 v8, v14  }
0x893: {  	s6 =	simm.s32 $0x0;
	s7 =	simm.s32 $0x130C0;
	v8 =	vld [tilespmem:s4+$0x20];
	[tilespmem:s5+$0x30] =	vst v11;
	v11 =	vmul.f32 v15, v13  }
.LBB2_58:
0x894: {  	v13 =	vld [tilespmem:s7+$0x30];
	s6 =	sadd.s32 $0x8, s6;
	[tilespmem:s5+$0xFFFFFFC0] =	vst v12;
	v5 =	vmul.f32 v10, v5  }
0x895: {  	v10 =	vld [tilespmem:s7+$0xFFFFFFD0];
	p0 =	slt.u32 s6, $0xF8;
	[tilespmem:s5+$0xFFFFFFD0] =	vst v11;
	v4 =	vmul.f32 v9, v4  }
0x896: {  	v9 =	vld [tilespmem:s7+$0xFFFFFFE0];
	[tilespmem:s5+$0xFFFFFFE0] =	vst v5;
	v3 =	vmul.f32 v7, v3  }
0x897: {  	v7 =	vld [tilespmem:s7+$0xFFFFFFF0];
	[tilespmem:s5+$0xFFFFFFF0] =	vst v4;
	v1 =	vmul.f32 v6, v1  }
0x898: {  	v6 =	vld [tilespmem:s7+$0x0];
	[tilespmem:s5+$0x0] =	vst v3;
	v2 =	vmul.f32 v8, v2  }
0x899: {  	v8 =	vld [tilespmem:s7+$0x10];
	[tilespmem:s5+$0x10] =	vst v1  }
0x89a: {  	v11 =	vld [tilespmem:s7+$0x20];
	[tilespmem:s5+$0x20] =	vst v2  }
0x89b: {  	v2 =	vld [tilespmem:s7+$0xFFFFFFC0]  }
0x89c: {  	s4 =	sadd.s32 $0x80, s4;
	v12 =	vld.idx.msk [tilespmem:v13+s22+$0x0], $0xffff  }
0x89d: {  	v13 =	vld [tilespmem:s4+$0x30]  }
0x89e: {  	v14 =	vld.idx.msk [tilespmem:v10+s22+$0x0], $0xffff  }
0x89f: {  	v5 =	vld.idx.msk [tilespmem:v9+s22+$0x0], $0xffff  }
0x8a0: {  	v4 =	vld.idx.msk [tilespmem:v7+s22+$0x0], $0xffff  }
0x8a1: {  	v3 =	vld.idx.msk [tilespmem:v6+s22+$0x0], $0xffff  }
0x8a2: {  	v1 =	vld.idx.msk [tilespmem:v8+s22+$0x0], $0xffff;
	v6 =	vmul.f32 v13, v12  }
0x8a3: {  	s5 =	sadd.s32 $0x80, s5;
	v8 =	vld.idx.msk [tilespmem:v2+s22+$0x0], $0xffff  }
0x8a4: {  	v2 =	vld.idx.msk [tilespmem:v11+s22+$0x0], $0xffff;
	[tilespmem:s5+$0x30] =	vst v6  }
0x8a5: {  	v6 =	vld [tilespmem:s4+$0xFFFFFFC0]  }
0x8a6: {  	v11 =	vld [tilespmem:s4+$0xFFFFFFD0]  }
.Ltmp28:
0x8a7: {  	v10 =	vld [tilespmem:s4+$0xFFFFFFE0];
	(pc) =	sbr.rel @p0 .LBB2_58-.Ltmp28, $4  }
0x8a8: {  	v9 =	vld [tilespmem:s4+$0xFFFFFFF0]  }
0x8a9: {  	v7 =	vld [tilespmem:s4+$0x0]  }
0x8aa: {  	v12 =	vmul.f32 v6, v8;
	v6 =	vld [tilespmem:s4+$0x10]  }
0x8ab: {  	s7 =	sadd.s32 $0x80, s7;
	v11 =	vmul.f32 v11, v14;
	v8 =	vld [tilespmem:s4+$0x20]  }
0x8ac: {  	[tilespmem:s5+$0xFFFFFFC0] =	vst v12;
	v5 =	vmul.f32 v10, v5  }
0x8ad: {  	[tilespmem:s5+$0xFFFFFFD0] =	vst v11;
	v4 =	vmul.f32 v9, v4  }
0x8ae: {  	[tilespmem:s5+$0xFFFFFFE0] =	vst v5;
	v3 =	vmul.f32 v7, v3  }
0x8af: {  	[tilespmem:s5+$0xFFFFFFF0] =	vst v4;
	v1 =	vmul.f32 v6, v1  }
0x8b0: {  	[tilespmem:s5+$0x0] =	vst v3;
	v2 =	vmul.f32 v8, v2  }
0x8b1: {  	[tilespmem:s5+$0x10] =	vst v1  }
0x8b2: {  	[tilespmem:s5+$0x20] =	vst v2  }
0x8b3: {  	[spmem:s9] =	stream.indirect.scatter.add.f32 [tilespmem:s31], [sflag:$0x5], $0x1, s26, s24, $0xb8;
	[tilespmem:$0x1D000] =	vst v63  }
0x8b4: {  	_ =	swait.ge [sflag:s0], $0x1000  }
0x8b5: {  	s4 =	sld [smem:$0x7EF]  }
0x8b6: {  	[sflag:s0] =	ssyncset.done $0x0  }
0x8b7: {  	s6 =	sld [smem:$0x7F0];
	[sflag:s0] =	ssyncadd.s32 $0xFFFFF000  }
0x8b8: {  	[tilespmem:s16], [sflag:$0x1] =	stream.linear.gather [hbm4b:s4+s1], $0x1000, $0x38;
	[tilespmem:$0x1D000] =	vst v63  }
0x8b9: {  	s7 =	sld [smem:$0x7F1]  }
0x8ba: {  	[tilespmem:s17], [sflag:$0x1] =	stream.linear.gather [hbm4b:s6+s1], $0x1000, $0x38;
	[tilespmem:$0x1D000] =	vst v63  }
0x8bb: {  	_ = 	snop  }
0x8bc: {  	[tilespmem:s21], [sflag:$0x1] =	stream.linear.gather [hbm4b:s7+s1], $0x1000, $0x38;
	[tilespmem:$0x1D000] =	vst v63  }
0x8bd: {  	_ =	swait.ge [sflag:s28], $0x1000  }
0x8be: {  	[sflag:s28] =	ssyncset.done $0x0  }
0x8bf: {  	[sflag:s28] =	ssyncadd.s32 $0xFFFFF000  }
0x8c0: {  	_ =	swait.ge [sflag:s28], $0x1000  }
0x8c1: {  	[sflag:s28] =	ssyncset.done $0x0  }
0x8c2: {  	[sflag:s28] =	ssyncadd.s32 $0xFFFFF000  }
0x8c3: {  	_ =	swait.ge [sflag:s28], $0x1000  }
0x8c4: {  	[sflag:s28] =	ssyncset.done $0x0  }
0x8c5: {  	s8 =	simm.s32 $0x14040;
	[sflag:s28] =	ssyncadd.s32 $0xFFFFF000  }
0x8c6: {  	v1 =	vld [tilespmem:s8+$0x30]  }
0x8c7: {  	v2 =	vld [tilespmem:s8+$0xFFFFFFD0]  }
0x8c8: {  	v3 =	vld [tilespmem:s8+$0xFFFFFFE0]  }
0x8c9: {  	v4 =	vld [tilespmem:s8+$0xFFFFFFF0]  }
0x8ca: {  	v6 =	vld [tilespmem:s8+$0x0]  }
0x8cb: {  	v7 =	vld [tilespmem:s8+$0x10]  }
0x8cc: {  	v8 =	vld [tilespmem:s8+$0x20]  }
0x8cd: {  	s4 =	simm.s32 $0x16040;
	v9 =	vld [tilespmem:s8+$0xFFFFFFC0]  }
0x8ce: {  	v12 =	vld [tilespmem:s4+$0x30]  }
0x8cf: {  	v15 =	vld [tilespmem:s4+$0xFFFFFFD0]  }
0x8d0: {  	v10 =	vld [tilespmem:s4+$0xFFFFFFE0]  }
0x8d1: {  	v11 =	vld.idx.msk [tilespmem:v1+s22+$0x0], $0xffff  }
0x8d2: {  	v13 =	vld.idx.msk [tilespmem:v2+s22+$0x0], $0xffff  }
0x8d3: {  	v5 =	vld.idx.msk [tilespmem:v3+s22+$0x0], $0xffff  }
0x8d4: {  	v4 =	vld.idx.msk [tilespmem:v4+s22+$0x0], $0xffff  }
0x8d5: {  	v14 =	vld.idx.msk [tilespmem:v9+s22+$0x0], $0xffff  }
0x8d6: {  	v2 =	vld.idx.msk [tilespmem:v8+s22+$0x0], $0xffff  }
0x8d7: {  	v8 =	vld [tilespmem:s4+$0xFFFFFFC0]  }
0x8d8: {  	v3 =	vld.idx.msk [tilespmem:v6+s22+$0x0], $0xffff  }
0x8d9: {  	v1 =	vld.idx.msk [tilespmem:v7+s22+$0x0], $0xffff  }
0x8da: {  	v9 =	vld [tilespmem:s4+$0xFFFFFFF0]  }
0x8db: {  	v7 =	vld [tilespmem:s4+$0x0];
	v11 =	vmul.f32 v12, v11  }
0x8dc: {  	s5 =	simm.s32 $0x1A040;
	v6 =	vld [tilespmem:s4+$0x10];
	v12 =	vmul.f32 v8, v14  }
0x8dd: {  	s6 =	simm.s32 $0x0;
	s7 =	simm.s32 $0x140C0;
	v8 =	vld [tilespmem:s4+$0x20];
	[tilespmem:s5+$0x30] =	vst v11;
	v11 =	vmul.f32 v15, v13  }
.LBB2_60:
0x8de: {  	v13 =	vld [tilespmem:s7+$0x30];
	s6 =	sadd.s32 $0x8, s6;
	[tilespmem:s5+$0xFFFFFFC0] =	vst v12;
	v5 =	vmul.f32 v10, v5  }
0x8df: {  	v10 =	vld [tilespmem:s7+$0xFFFFFFD0];
	p0 =	slt.u32 s6, $0xF8;
	[tilespmem:s5+$0xFFFFFFD0] =	vst v11;
	v4 =	vmul.f32 v9, v4  }
0x8e0: {  	v9 =	vld [tilespmem:s7+$0xFFFFFFE0];
	[tilespmem:s5+$0xFFFFFFE0] =	vst v5;
	v3 =	vmul.f32 v7, v3  }
0x8e1: {  	v7 =	vld [tilespmem:s7+$0xFFFFFFF0];
	[tilespmem:s5+$0xFFFFFFF0] =	vst v4;
	v1 =	vmul.f32 v6, v1  }
0x8e2: {  	v6 =	vld [tilespmem:s7+$0x0];
	[tilespmem:s5+$0x0] =	vst v3;
	v2 =	vmul.f32 v8, v2  }
0x8e3: {  	v8 =	vld [tilespmem:s7+$0x10];
	[tilespmem:s5+$0x10] =	vst v1  }
0x8e4: {  	v11 =	vld [tilespmem:s7+$0x20];
	[tilespmem:s5+$0x20] =	vst v2  }
0x8e5: {  	v2 =	vld [tilespmem:s7+$0xFFFFFFC0]  }
0x8e6: {  	s4 =	sadd.s32 $0x80, s4;
	v12 =	vld.idx.msk [tilespmem:v13+s22+$0x0], $0xffff  }
0x8e7: {  	v13 =	vld [tilespmem:s4+$0x30]  }
0x8e8: {  	v14 =	vld.idx.msk [tilespmem:v10+s22+$0x0], $0xffff  }
0x8e9: {  	v5 =	vld.idx.msk [tilespmem:v9+s22+$0x0], $0xffff  }
0x8ea: {  	v4 =	vld.idx.msk [tilespmem:v7+s22+$0x0], $0xffff  }
0x8eb: {  	v3 =	vld.idx.msk [tilespmem:v6+s22+$0x0], $0xffff  }
0x8ec: {  	v1 =	vld.idx.msk [tilespmem:v8+s22+$0x0], $0xffff;
	v6 =	vmul.f32 v13, v12  }
0x8ed: {  	s5 =	sadd.s32 $0x80, s5;
	v8 =	vld.idx.msk [tilespmem:v2+s22+$0x0], $0xffff  }
0x8ee: {  	v2 =	vld.idx.msk [tilespmem:v11+s22+$0x0], $0xffff;
	[tilespmem:s5+$0x30] =	vst v6  }
0x8ef: {  	v6 =	vld [tilespmem:s4+$0xFFFFFFC0]  }
0x8f0: {  	v11 =	vld [tilespmem:s4+$0xFFFFFFD0]  }
.Ltmp29:
0x8f1: {  	v10 =	vld [tilespmem:s4+$0xFFFFFFE0];
	(pc) =	sbr.rel @p0 .LBB2_60-.Ltmp29, $4  }
0x8f2: {  	v9 =	vld [tilespmem:s4+$0xFFFFFFF0]  }
0x8f3: {  	v7 =	vld [tilespmem:s4+$0x0]  }
0x8f4: {  	v12 =	vmul.f32 v6, v8;
	v6 =	vld [tilespmem:s4+$0x10]  }
0x8f5: {  	s7 =	sadd.s32 $0x80, s7;
	v11 =	vmul.f32 v11, v14;
	v8 =	vld [tilespmem:s4+$0x20]  }
0x8f6: {  	[tilespmem:s5+$0xFFFFFFC0] =	vst v12;
	v5 =	vmul.f32 v10, v5  }
0x8f7: {  	[tilespmem:s5+$0xFFFFFFD0] =	vst v11;
	v4 =	vmul.f32 v9, v4  }
0x8f8: {  	[tilespmem:s5+$0xFFFFFFE0] =	vst v5;
	v3 =	vmul.f32 v7, v3  }
0x8f9: {  	[tilespmem:s5+$0xFFFFFFF0] =	vst v4;
	v1 =	vmul.f32 v6, v1  }
0x8fa: {  	[tilespmem:s5+$0x0] =	vst v3;
	v2 =	vmul.f32 v8, v2  }
0x8fb: {  	[tilespmem:s5+$0x10] =	vst v1  }
0x8fc: {  	[tilespmem:s5+$0x20] =	vst v2  }
0x8fd: {  	[spmem:s9] =	stream.indirect.scatter.add.f32 [tilespmem:s25], [sflag:$0x3], $0x1, s18, s24, $0xb8;
	[tilespmem:$0x1D000] =	vst v63  }
0x8fe: {  	_ =	swait.ge [sflag:s2], $0x1000  }
0x8ff: {  	s4 =	sld [smem:$0x7F2]  }
0x900: {  	[sflag:s2] =	ssyncset.done $0x0  }
0x901: {  	s6 =	sld [smem:$0x7F3];
	[sflag:s2] =	ssyncadd.s32 $0xFFFFF000  }
0x902: {  	[tilespmem:s19], [sflag:$0x2] =	stream.linear.gather [hbm4b:s4+s1], $0x1000, $0x38;
	[tilespmem:$0x1D000] =	vst v63  }
0x903: {  	s7 =	sld [smem:$0x7F4]  }
0x904: {  	[tilespmem:s20], [sflag:$0x2] =	stream.linear.gather [hbm4b:s6+s1], $0x1000, $0x38;
	[tilespmem:$0x1D000] =	vst v63  }
0x905: {  	_ = 	snop  }
0x906: {  	[tilespmem:s26], [sflag:$0x2] =	stream.linear.gather [hbm4b:s7+s1], $0x1000, $0x38;
	[tilespmem:$0x1D000] =	vst v63  }
0x907: {  	_ =	swait.ge [sflag:s23], $0x1000  }
0x908: {  	[sflag:s23] =	ssyncset.done $0x0  }
0x909: {  	[sflag:s23] =	ssyncadd.s32 $0xFFFFF000  }
0x90a: {  	_ =	swait.ge [sflag:s23], $0x1000  }
0x90b: {  	[sflag:s23] =	ssyncset.done $0x0  }
0x90c: {  	[sflag:s23] =	ssyncadd.s32 $0xFFFFF000  }
0x90d: {  	_ =	swait.ge [sflag:s23], $0x1000  }
0x90e: {  	[sflag:s23] =	ssyncset.done $0x0  }
0x90f: {  	s8 =	simm.s32 $0x13040;
	[sflag:s23] =	ssyncadd.s32 $0xFFFFF000  }
0x910: {  	v1 =	vld [tilespmem:s8+$0x30]  }
0x911: {  	v2 =	vld [tilespmem:s8+$0xFFFFFFD0]  }
0x912: {  	v3 =	vld [tilespmem:s8+$0xFFFFFFE0]  }
0x913: {  	v4 =	vld [tilespmem:s8+$0xFFFFFFF0]  }
0x914: {  	v6 =	vld [tilespmem:s8+$0x0]  }
0x915: {  	v7 =	vld [tilespmem:s8+$0x10]  }
0x916: {  	v8 =	vld [tilespmem:s8+$0x20]  }
0x917: {  	s4 =	simm.s32 $0x15040;
	v9 =	vld [tilespmem:s8+$0xFFFFFFC0]  }
0x918: {  	v12 =	vld [tilespmem:s4+$0x30]  }
0x919: {  	v15 =	vld [tilespmem:s4+$0xFFFFFFD0]  }
0x91a: {  	v10 =	vld [tilespmem:s4+$0xFFFFFFE0]  }
0x91b: {  	v11 =	vld.idx.msk [tilespmem:v1+s22+$0x0], $0xffff  }
0x91c: {  	v13 =	vld.idx.msk [tilespmem:v2+s22+$0x0], $0xffff  }
0x91d: {  	v5 =	vld.idx.msk [tilespmem:v3+s22+$0x0], $0xffff  }
0x91e: {  	v4 =	vld.idx.msk [tilespmem:v4+s22+$0x0], $0xffff  }
0x91f: {  	v14 =	vld.idx.msk [tilespmem:v9+s22+$0x0], $0xffff  }
0x920: {  	v2 =	vld.idx.msk [tilespmem:v8+s22+$0x0], $0xffff  }
0x921: {  	v8 =	vld [tilespmem:s4+$0xFFFFFFC0]  }
0x922: {  	v3 =	vld.idx.msk [tilespmem:v6+s22+$0x0], $0xffff  }
0x923: {  	v1 =	vld.idx.msk [tilespmem:v7+s22+$0x0], $0xffff  }
0x924: {  	v9 =	vld [tilespmem:s4+$0xFFFFFFF0]  }
0x925: {  	v7 =	vld [tilespmem:s4+$0x0];
	v11 =	vmul.f32 v12, v11  }
0x926: {  	s5 =	simm.s32 $0x1B040;
	v6 =	vld [tilespmem:s4+$0x10];
	v12 =	vmul.f32 v8, v14  }
0x927: {  	s6 =	simm.s32 $0x0;
	s7 =	simm.s32 $0x130C0;
	v8 =	vld [tilespmem:s4+$0x20];
	[tilespmem:s5+$0x30] =	vst v11;
	v11 =	vmul.f32 v15, v13  }
.LBB2_62:
0x928: {  	v13 =	vld [tilespmem:s7+$0x30];
	s6 =	sadd.s32 $0x8, s6;
	[tilespmem:s5+$0xFFFFFFC0] =	vst v12;
	v5 =	vmul.f32 v10, v5  }
0x929: {  	v10 =	vld [tilespmem:s7+$0xFFFFFFD0];
	p0 =	slt.u32 s6, $0xF8;
	[tilespmem:s5+$0xFFFFFFD0] =	vst v11;
	v4 =	vmul.f32 v9, v4  }
0x92a: {  	v9 =	vld [tilespmem:s7+$0xFFFFFFE0];
	[tilespmem:s5+$0xFFFFFFE0] =	vst v5;
	v3 =	vmul.f32 v7, v3  }
0x92b: {  	v7 =	vld [tilespmem:s7+$0xFFFFFFF0];
	[tilespmem:s5+$0xFFFFFFF0] =	vst v4;
	v1 =	vmul.f32 v6, v1  }
0x92c: {  	v6 =	vld [tilespmem:s7+$0x0];
	[tilespmem:s5+$0x0] =	vst v3;
	v2 =	vmul.f32 v8, v2  }
0x92d: {  	v8 =	vld [tilespmem:s7+$0x10];
	[tilespmem:s5+$0x10] =	vst v1  }
0x92e: {  	v11 =	vld [tilespmem:s7+$0x20];
	[tilespmem:s5+$0x20] =	vst v2  }
0x92f: {  	v2 =	vld [tilespmem:s7+$0xFFFFFFC0]  }
0x930: {  	s4 =	sadd.s32 $0x80, s4;
	v12 =	vld.idx.msk [tilespmem:v13+s22+$0x0], $0xffff  }
0x931: {  	v13 =	vld [tilespmem:s4+$0x30]  }
0x932: {  	v14 =	vld.idx.msk [tilespmem:v10+s22+$0x0], $0xffff  }
0x933: {  	v5 =	vld.idx.msk [tilespmem:v9+s22+$0x0], $0xffff  }
0x934: {  	v4 =	vld.idx.msk [tilespmem:v7+s22+$0x0], $0xffff  }
0x935: {  	v3 =	vld.idx.msk [tilespmem:v6+s22+$0x0], $0xffff  }
0x936: {  	v1 =	vld.idx.msk [tilespmem:v8+s22+$0x0], $0xffff;
	v6 =	vmul.f32 v13, v12  }
0x937: {  	s5 =	sadd.s32 $0x80, s5;
	v8 =	vld.idx.msk [tilespmem:v2+s22+$0x0], $0xffff  }
0x938: {  	v2 =	vld.idx.msk [tilespmem:v11+s22+$0x0], $0xffff;
	[tilespmem:s5+$0x30] =	vst v6  }
0x939: {  	v6 =	vld [tilespmem:s4+$0xFFFFFFC0]  }
0x93a: {  	v11 =	vld [tilespmem:s4+$0xFFFFFFD0]  }
.Ltmp30:
0x93b: {  	v10 =	vld [tilespmem:s4+$0xFFFFFFE0];
	(pc) =	sbr.rel @p0 .LBB2_62-.Ltmp30, $4  }
0x93c: {  	v9 =	vld [tilespmem:s4+$0xFFFFFFF0]  }
0x93d: {  	v7 =	vld [tilespmem:s4+$0x0]  }
0x93e: {  	v12 =	vmul.f32 v6, v8;
	v6 =	vld [tilespmem:s4+$0x10]  }
0x93f: {  	s7 =	sadd.s32 $0x80, s7;
	v11 =	vmul.f32 v11, v14;
	v8 =	vld [tilespmem:s4+$0x20]  }
0x940: {  	[tilespmem:s5+$0xFFFFFFC0] =	vst v12;
	v5 =	vmul.f32 v10, v5  }
0x941: {  	[tilespmem:s5+$0xFFFFFFD0] =	vst v11;
	v4 =	vmul.f32 v9, v4  }
0x942: {  	[tilespmem:s5+$0xFFFFFFE0] =	vst v5;
	v3 =	vmul.f32 v7, v3  }
0x943: {  	[tilespmem:s5+$0xFFFFFFF0] =	vst v4;
	v1 =	vmul.f32 v6, v1  }
0x944: {  	[tilespmem:s5+$0x0] =	vst v3;
	v2 =	vmul.f32 v8, v2  }
0x945: {  	[tilespmem:s5+$0x10] =	vst v1  }
0x946: {  	[tilespmem:s5+$0x20] =	vst v2  }
0x947: {  	[spmem:s9] =	stream.indirect.scatter.add.f32 [tilespmem:s29], [sflag:$0x4], $0x1, s21, s24, $0xb8;
	[tilespmem:$0x1D000] =	vst v63  }
0x948: {  	_ =	swait.ge [sflag:s30], $0x1000  }
0x949: {  	s4 =	sld [smem:$0x7F5]  }
0x94a: {  	[sflag:s30] =	ssyncset.done $0x0  }
0x94b: {  	s6 =	sld [smem:$0x7F6];
	[sflag:s30] =	ssyncadd.s32 $0xFFFFF000  }
0x94c: {  	[tilespmem:s16], [sflag:$0x1] =	stream.linear.gather [hbm4b:s4+s1], $0x1000, $0x38;
	[tilespmem:$0x1D000] =	vst v63  }
0x94d: {  	s7 =	sld [smem:$0x7F7]  }
0x94e: {  	[tilespmem:s17], [sflag:$0x1] =	stream.linear.gather [hbm4b:s6+s1], $0x1000, $0x38;
	[tilespmem:$0x1D000] =	vst v63  }
0x94f: {  	_ = 	snop  }
0x950: {  	[tilespmem:s18], [sflag:$0x1] =	stream.linear.gather [hbm4b:s7+s1], $0x1000, $0x38;
	[tilespmem:$0x1D000] =	vst v63  }
0x951: {  	_ =	swait.ge [sflag:s28], $0x1000  }
0x952: {  	[sflag:s28] =	ssyncset.done $0x0  }
0x953: {  	[sflag:s28] =	ssyncadd.s32 $0xFFFFF000  }
0x954: {  	_ =	swait.ge [sflag:s28], $0x1000  }
0x955: {  	[sflag:s28] =	ssyncset.done $0x0  }
0x956: {  	[sflag:s28] =	ssyncadd.s32 $0xFFFFF000  }
0x957: {  	_ =	swait.ge [sflag:s28], $0x1000  }
0x958: {  	[sflag:s28] =	ssyncset.done $0x0  }
0x959: {  	s8 =	simm.s32 $0x14040;
	[sflag:s28] =	ssyncadd.s32 $0xFFFFF000  }
0x95a: {  	v1 =	vld [tilespmem:s8+$0x30]  }
0x95b: {  	v2 =	vld [tilespmem:s8+$0xFFFFFFD0]  }
0x95c: {  	v3 =	vld [tilespmem:s8+$0xFFFFFFE0]  }
0x95d: {  	v4 =	vld [tilespmem:s8+$0xFFFFFFF0]  }
0x95e: {  	v6 =	vld [tilespmem:s8+$0x0]  }
0x95f: {  	v7 =	vld [tilespmem:s8+$0x10]  }
0x960: {  	v8 =	vld [tilespmem:s8+$0x20]  }
0x961: {  	s4 =	simm.s32 $0x16040;
	v9 =	vld [tilespmem:s8+$0xFFFFFFC0]  }
0x962: {  	v12 =	vld [tilespmem:s4+$0x30]  }
0x963: {  	v15 =	vld [tilespmem:s4+$0xFFFFFFD0]  }
0x964: {  	v10 =	vld [tilespmem:s4+$0xFFFFFFE0]  }
0x965: {  	v11 =	vld.idx.msk [tilespmem:v1+s22+$0x0], $0xffff  }
0x966: {  	v13 =	vld.idx.msk [tilespmem:v2+s22+$0x0], $0xffff  }
0x967: {  	v5 =	vld.idx.msk [tilespmem:v3+s22+$0x0], $0xffff  }
0x968: {  	v4 =	vld.idx.msk [tilespmem:v4+s22+$0x0], $0xffff  }
0x969: {  	v14 =	vld.idx.msk [tilespmem:v9+s22+$0x0], $0xffff  }
0x96a: {  	v2 =	vld.idx.msk [tilespmem:v8+s22+$0x0], $0xffff  }
0x96b: {  	v8 =	vld [tilespmem:s4+$0xFFFFFFC0]  }
0x96c: {  	v3 =	vld.idx.msk [tilespmem:v6+s22+$0x0], $0xffff  }
0x96d: {  	v1 =	vld.idx.msk [tilespmem:v7+s22+$0x0], $0xffff  }
0x96e: {  	v9 =	vld [tilespmem:s4+$0xFFFFFFF0]  }
0x96f: {  	v7 =	vld [tilespmem:s4+$0x0];
	v11 =	vmul.f32 v12, v11  }
0x970: {  	s5 =	simm.s32 $0x1C040;
	v6 =	vld [tilespmem:s4+$0x10];
	v12 =	vmul.f32 v8, v14  }
0x971: {  	s6 =	simm.s32 $0x0;
	s7 =	simm.s32 $0x140C0;
	v8 =	vld [tilespmem:s4+$0x20];
	[tilespmem:s5+$0x30] =	vst v11;
	v11 =	vmul.f32 v15, v13  }
.LBB2_64:
0x972: {  	v13 =	vld [tilespmem:s7+$0x30];
	s6 =	sadd.s32 $0x8, s6;
	[tilespmem:s5+$0xFFFFFFC0] =	vst v12;
	v5 =	vmul.f32 v10, v5  }
0x973: {  	v10 =	vld [tilespmem:s7+$0xFFFFFFD0];
	p0 =	slt.u32 s6, $0xF8;
	[tilespmem:s5+$0xFFFFFFD0] =	vst v11;
	v4 =	vmul.f32 v9, v4  }
0x974: {  	v9 =	vld [tilespmem:s7+$0xFFFFFFE0];
	[tilespmem:s5+$0xFFFFFFE0] =	vst v5;
	v3 =	vmul.f32 v7, v3  }
0x975: {  	v7 =	vld [tilespmem:s7+$0xFFFFFFF0];
	[tilespmem:s5+$0xFFFFFFF0] =	vst v4;
	v1 =	vmul.f32 v6, v1  }
0x976: {  	v6 =	vld [tilespmem:s7+$0x0];
	[tilespmem:s5+$0x0] =	vst v3;
	v2 =	vmul.f32 v8, v2  }
0x977: {  	v8 =	vld [tilespmem:s7+$0x10];
	[tilespmem:s5+$0x10] =	vst v1  }
0x978: {  	v11 =	vld [tilespmem:s7+$0x20];
	[tilespmem:s5+$0x20] =	vst v2  }
0x979: {  	v2 =	vld [tilespmem:s7+$0xFFFFFFC0]  }
0x97a: {  	s4 =	sadd.s32 $0x80, s4;
	v12 =	vld.idx.msk [tilespmem:v13+s22+$0x0], $0xffff  }
0x97b: {  	v13 =	vld [tilespmem:s4+$0x30]  }
0x97c: {  	v14 =	vld.idx.msk [tilespmem:v10+s22+$0x0], $0xffff  }
0x97d: {  	v5 =	vld.idx.msk [tilespmem:v9+s22+$0x0], $0xffff  }
0x97e: {  	v4 =	vld.idx.msk [tilespmem:v7+s22+$0x0], $0xffff  }
0x97f: {  	v3 =	vld.idx.msk [tilespmem:v6+s22+$0x0], $0xffff  }
0x980: {  	v1 =	vld.idx.msk [tilespmem:v8+s22+$0x0], $0xffff;
	v6 =	vmul.f32 v13, v12  }
0x981: {  	s5 =	sadd.s32 $0x80, s5;
	v8 =	vld.idx.msk [tilespmem:v2+s22+$0x0], $0xffff  }
0x982: {  	v2 =	vld.idx.msk [tilespmem:v11+s22+$0x0], $0xffff;
	[tilespmem:s5+$0x30] =	vst v6  }
0x983: {  	v6 =	vld [tilespmem:s4+$0xFFFFFFC0]  }
0x984: {  	v11 =	vld [tilespmem:s4+$0xFFFFFFD0]  }
.Ltmp31:
0x985: {  	v10 =	vld [tilespmem:s4+$0xFFFFFFE0];
	(pc) =	sbr.rel @p0 .LBB2_64-.Ltmp31, $4  }
0x986: {  	v9 =	vld [tilespmem:s4+$0xFFFFFFF0]  }
0x987: {  	v7 =	vld [tilespmem:s4+$0x0]  }
0x988: {  	v12 =	vmul.f32 v6, v8;
	v6 =	vld [tilespmem:s4+$0x10]  }
0x989: {  	s7 =	sadd.s32 $0x80, s7;
	v11 =	vmul.f32 v11, v14;
	v8 =	vld [tilespmem:s4+$0x20]  }
0x98a: {  	[tilespmem:s5+$0xFFFFFFC0] =	vst v12;
	v5 =	vmul.f32 v10, v5  }
0x98b: {  	[tilespmem:s5+$0xFFFFFFD0] =	vst v11;
	v4 =	vmul.f32 v9, v4  }
0x98c: {  	[tilespmem:s5+$0xFFFFFFE0] =	vst v5;
	v3 =	vmul.f32 v7, v3  }
0x98d: {  	[tilespmem:s5+$0xFFFFFFF0] =	vst v4;
	v1 =	vmul.f32 v6, v1  }
0x98e: {  	[tilespmem:s5+$0x0] =	vst v3;
	v2 =	vmul.f32 v8, v2  }
0x98f: {  	[tilespmem:s5+$0x10] =	vst v1  }
0x990: {  	[tilespmem:s5+$0x20] =	vst v2  }
0x991: {  	[spmem:s9] =	stream.indirect.scatter.add.f32 [tilespmem:s31], [sflag:$0x5], $0x1, s26, s24, $0xb8;
	[tilespmem:$0x1D000] =	vst v63  }
0x992: {  	_ =	swait.ge [sflag:s0], $0x1000  }
0x993: {  	s4 =	sld [smem:$0x7FB]  }
0x994: {  	[sflag:s0] =	ssyncset.done $0x0  }
0x995: {  	s6 =	sld [smem:$0x7FC];
	[sflag:s0] =	ssyncadd.s32 $0xFFFFF000  }
0x996: {  	[tilespmem:s19], [sflag:$0x2] =	stream.linear.gather [hbm4b:s4+s1], $0x1000, $0x38;
	[tilespmem:$0x1D000] =	vst v63  }
0x997: {  	s7 =	sld [smem:$0x7FD]  }
0x998: {  	[tilespmem:s20], [sflag:$0x2] =	stream.linear.gather [hbm4b:s6+s1], $0x1000, $0x38;
	[tilespmem:$0x1D000] =	vst v63  }
0x999: {  	_ = 	snop  }
0x99a: {  	[tilespmem:s21], [sflag:$0x2] =	stream.linear.gather [hbm4b:s7+s1], $0x1000, $0x38;
	[tilespmem:$0x1D000] =	vst v63  }
0x99b: {  	_ =	swait.ge [sflag:s23], $0x1000  }
0x99c: {  	[sflag:s23] =	ssyncset.done $0x0  }
0x99d: {  	[sflag:s23] =	ssyncadd.s32 $0xFFFFF000  }
0x99e: {  	_ =	swait.ge [sflag:s23], $0x1000  }
0x99f: {  	[sflag:s23] =	ssyncset.done $0x0  }
0x9a0: {  	[sflag:s23] =	ssyncadd.s32 $0xFFFFF000  }
0x9a1: {  	_ =	swait.ge [sflag:s23], $0x1000  }
0x9a2: {  	[sflag:s23] =	ssyncset.done $0x0  }
0x9a3: {  	s8 =	simm.s32 $0x13040;
	[sflag:s23] =	ssyncadd.s32 $0xFFFFF000  }
0x9a4: {  	v1 =	vld [tilespmem:s8+$0x30]  }
0x9a5: {  	v2 =	vld [tilespmem:s8+$0xFFFFFFD0]  }
0x9a6: {  	v3 =	vld [tilespmem:s8+$0xFFFFFFE0]  }
0x9a7: {  	v4 =	vld [tilespmem:s8+$0xFFFFFFF0]  }
0x9a8: {  	v6 =	vld [tilespmem:s8+$0x0]  }
0x9a9: {  	v7 =	vld [tilespmem:s8+$0x10]  }
0x9aa: {  	v8 =	vld [tilespmem:s8+$0x20]  }
0x9ab: {  	s4 =	simm.s32 $0x15040;
	v9 =	vld [tilespmem:s8+$0xFFFFFFC0]  }
0x9ac: {  	v12 =	vld [tilespmem:s4+$0x30]  }
0x9ad: {  	v15 =	vld [tilespmem:s4+$0xFFFFFFD0]  }
0x9ae: {  	v10 =	vld [tilespmem:s4+$0xFFFFFFE0]  }
0x9af: {  	v11 =	vld.idx.msk [tilespmem:v1+s22+$0x0], $0xffff  }
0x9b0: {  	v13 =	vld.idx.msk [tilespmem:v2+s22+$0x0], $0xffff  }
0x9b1: {  	v5 =	vld.idx.msk [tilespmem:v3+s22+$0x0], $0xffff  }
0x9b2: {  	v4 =	vld.idx.msk [tilespmem:v4+s22+$0x0], $0xffff  }
0x9b3: {  	v14 =	vld.idx.msk [tilespmem:v9+s22+$0x0], $0xffff  }
0x9b4: {  	v2 =	vld.idx.msk [tilespmem:v8+s22+$0x0], $0xffff  }
0x9b5: {  	v8 =	vld [tilespmem:s4+$0xFFFFFFC0]  }
0x9b6: {  	v3 =	vld.idx.msk [tilespmem:v6+s22+$0x0], $0xffff  }
0x9b7: {  	v1 =	vld.idx.msk [tilespmem:v7+s22+$0x0], $0xffff  }
0x9b8: {  	v9 =	vld [tilespmem:s4+$0xFFFFFFF0]  }
0x9b9: {  	v7 =	vld [tilespmem:s4+$0x0];
	v11 =	vmul.f32 v12, v11  }
0x9ba: {  	s5 =	simm.s32 $0x1A040;
	v6 =	vld [tilespmem:s4+$0x10];
	v12 =	vmul.f32 v8, v14  }
0x9bb: {  	s6 =	simm.s32 $0x0;
	s7 =	simm.s32 $0x130C0;
	v8 =	vld [tilespmem:s4+$0x20];
	[tilespmem:s5+$0x30] =	vst v11;
	v11 =	vmul.f32 v15, v13  }
.LBB2_66:
0x9bc: {  	v13 =	vld [tilespmem:s7+$0x30];
	s6 =	sadd.s32 $0x8, s6;
	[tilespmem:s5+$0xFFFFFFC0] =	vst v12;
	v5 =	vmul.f32 v10, v5  }
0x9bd: {  	v10 =	vld [tilespmem:s7+$0xFFFFFFD0];
	p0 =	slt.u32 s6, $0xF8;
	[tilespmem:s5+$0xFFFFFFD0] =	vst v11;
	v4 =	vmul.f32 v9, v4  }
0x9be: {  	v9 =	vld [tilespmem:s7+$0xFFFFFFE0];
	[tilespmem:s5+$0xFFFFFFE0] =	vst v5;
	v3 =	vmul.f32 v7, v3  }
0x9bf: {  	v7 =	vld [tilespmem:s7+$0xFFFFFFF0];
	[tilespmem:s5+$0xFFFFFFF0] =	vst v4;
	v1 =	vmul.f32 v6, v1  }
0x9c0: {  	v6 =	vld [tilespmem:s7+$0x0];
	[tilespmem:s5+$0x0] =	vst v3;
	v2 =	vmul.f32 v8, v2  }
0x9c1: {  	v8 =	vld [tilespmem:s7+$0x10];
	[tilespmem:s5+$0x10] =	vst v1  }
0x9c2: {  	v11 =	vld [tilespmem:s7+$0x20];
	[tilespmem:s5+$0x20] =	vst v2  }
0x9c3: {  	v2 =	vld [tilespmem:s7+$0xFFFFFFC0]  }
0x9c4: {  	s4 =	sadd.s32 $0x80, s4;
	v12 =	vld.idx.msk [tilespmem:v13+s22+$0x0], $0xffff  }
0x9c5: {  	v13 =	vld [tilespmem:s4+$0x30]  }
0x9c6: {  	v14 =	vld.idx.msk [tilespmem:v10+s22+$0x0], $0xffff  }
0x9c7: {  	v5 =	vld.idx.msk [tilespmem:v9+s22+$0x0], $0xffff  }
0x9c8: {  	v4 =	vld.idx.msk [tilespmem:v7+s22+$0x0], $0xffff  }
0x9c9: {  	v3 =	vld.idx.msk [tilespmem:v6+s22+$0x0], $0xffff  }
0x9ca: {  	v1 =	vld.idx.msk [tilespmem:v8+s22+$0x0], $0xffff;
	v6 =	vmul.f32 v13, v12  }
0x9cb: {  	s5 =	sadd.s32 $0x80, s5;
	v8 =	vld.idx.msk [tilespmem:v2+s22+$0x0], $0xffff  }
0x9cc: {  	v2 =	vld.idx.msk [tilespmem:v11+s22+$0x0], $0xffff;
	[tilespmem:s5+$0x30] =	vst v6  }
0x9cd: {  	v6 =	vld [tilespmem:s4+$0xFFFFFFC0]  }
0x9ce: {  	v11 =	vld [tilespmem:s4+$0xFFFFFFD0]  }
.Ltmp32:
0x9cf: {  	v10 =	vld [tilespmem:s4+$0xFFFFFFE0];
	(pc) =	sbr.rel @p0 .LBB2_66-.Ltmp32, $4  }
0x9d0: {  	v9 =	vld [tilespmem:s4+$0xFFFFFFF0]  }
0x9d1: {  	v7 =	vld [tilespmem:s4+$0x0]  }
0x9d2: {  	v12 =	vmul.f32 v6, v8;
	v6 =	vld [tilespmem:s4+$0x10]  }
0x9d3: {  	s7 =	sadd.s32 $0x80, s7;
	v11 =	vmul.f32 v11, v14;
	v8 =	vld [tilespmem:s4+$0x20]  }
0x9d4: {  	[tilespmem:s5+$0xFFFFFFC0] =	vst v12;
	v5 =	vmul.f32 v10, v5  }
0x9d5: {  	[tilespmem:s5+$0xFFFFFFD0] =	vst v11;
	v4 =	vmul.f32 v9, v4  }
0x9d6: {  	[tilespmem:s5+$0xFFFFFFE0] =	vst v5;
	v3 =	vmul.f32 v7, v3  }
0x9d7: {  	[tilespmem:s5+$0xFFFFFFF0] =	vst v4;
	v1 =	vmul.f32 v6, v1  }
0x9d8: {  	[tilespmem:s5+$0x0] =	vst v3;
	v2 =	vmul.f32 v8, v2  }
0x9d9: {  	[tilespmem:s5+$0x10] =	vst v1  }
0x9da: {  	[tilespmem:s5+$0x20] =	vst v2  }
0x9db: {  	[spmem:s9] =	stream.indirect.scatter.add.f32 [tilespmem:s25], [sflag:$0x3], $0x1, s18, s24, $0xb8;
	[tilespmem:$0x1D000] =	vst v63  }
0x9dc: {  	_ =	swait.ge [sflag:s28], $0x1000  }
0x9dd: {  	[sflag:s28] =	ssyncset.done $0x0  }
0x9de: {  	[sflag:s28] =	ssyncadd.s32 $0xFFFFF000  }
0x9df: {  	_ =	swait.ge [sflag:s28], $0x1000  }
0x9e0: {  	[sflag:s28] =	ssyncset.done $0x0  }
0x9e1: {  	[sflag:s28] =	ssyncadd.s32 $0xFFFFF000  }
0x9e2: {  	_ =	swait.ge [sflag:s28], $0x1000  }
0x9e3: {  	[sflag:s28] =	ssyncset.done $0x0  }
0x9e4: {  	s4 =	simm.s32 $0x14040;
	[sflag:s28] =	ssyncadd.s32 $0xFFFFF000  }
0x9e5: {  	v1 =	vld [tilespmem:s4+$0x30]  }
0x9e6: {  	v2 =	vld [tilespmem:s4+$0xFFFFFFD0]  }
0x9e7: {  	v3 =	vld [tilespmem:s4+$0xFFFFFFE0]  }
0x9e8: {  	v4 =	vld [tilespmem:s4+$0xFFFFFFF0]  }
0x9e9: {  	v6 =	vld [tilespmem:s4+$0x0]  }
0x9ea: {  	v7 =	vld [tilespmem:s4+$0x10]  }
0x9eb: {  	v8 =	vld [tilespmem:s4+$0x20]  }
0x9ec: {  	v9 =	vld [tilespmem:s4+$0xFFFFFFC0];
	s4 =	simm.s32 $0x16040  }
0x9ed: {  	v12 =	vld [tilespmem:s4+$0x30]  }
0x9ee: {  	v15 =	vld [tilespmem:s4+$0xFFFFFFD0]  }
0x9ef: {  	v10 =	vld [tilespmem:s4+$0xFFFFFFE0]  }
0x9f0: {  	v11 =	vld.idx.msk [tilespmem:v1+s22+$0x0], $0xffff  }
0x9f1: {  	v13 =	vld.idx.msk [tilespmem:v2+s22+$0x0], $0xffff  }
0x9f2: {  	v5 =	vld.idx.msk [tilespmem:v3+s22+$0x0], $0xffff  }
0x9f3: {  	v4 =	vld.idx.msk [tilespmem:v4+s22+$0x0], $0xffff  }
0x9f4: {  	v14 =	vld.idx.msk [tilespmem:v9+s22+$0x0], $0xffff  }
0x9f5: {  	v2 =	vld.idx.msk [tilespmem:v8+s22+$0x0], $0xffff  }
0x9f6: {  	v8 =	vld [tilespmem:s4+$0xFFFFFFC0]  }
0x9f7: {  	v3 =	vld.idx.msk [tilespmem:v6+s22+$0x0], $0xffff  }
0x9f8: {  	v1 =	vld.idx.msk [tilespmem:v7+s22+$0x0], $0xffff  }
0x9f9: {  	v9 =	vld [tilespmem:s4+$0xFFFFFFF0]  }
0x9fa: {  	v7 =	vld [tilespmem:s4+$0x0];
	v11 =	vmul.f32 v12, v11  }
0x9fb: {  	s5 =	simm.s32 $0x1B040;
	v6 =	vld [tilespmem:s4+$0x10];
	v12 =	vmul.f32 v8, v14  }
0x9fc: {  	s6 =	simm.s32 $0x0;
	s7 =	simm.s32 $0x140C0;
	v8 =	vld [tilespmem:s4+$0x20];
	[tilespmem:s5+$0x30] =	vst v11;
	v11 =	vmul.f32 v15, v13  }
.LBB2_68:
0x9fd: {  	v13 =	vld [tilespmem:s7+$0x30];
	s6 =	sadd.s32 $0x8, s6;
	[tilespmem:s5+$0xFFFFFFC0] =	vst v12;
	v5 =	vmul.f32 v10, v5  }
0x9fe: {  	v10 =	vld [tilespmem:s7+$0xFFFFFFD0];
	p0 =	slt.u32 s6, $0xF8;
	[tilespmem:s5+$0xFFFFFFD0] =	vst v11;
	v4 =	vmul.f32 v9, v4  }
0x9ff: {  	v9 =	vld [tilespmem:s7+$0xFFFFFFE0];
	[tilespmem:s5+$0xFFFFFFE0] =	vst v5;
	v3 =	vmul.f32 v7, v3  }
0xa00: {  	v7 =	vld [tilespmem:s7+$0xFFFFFFF0];
	[tilespmem:s5+$0xFFFFFFF0] =	vst v4;
	v1 =	vmul.f32 v6, v1  }
0xa01: {  	v6 =	vld [tilespmem:s7+$0x0];
	[tilespmem:s5+$0x0] =	vst v3;
	v2 =	vmul.f32 v8, v2  }
0xa02: {  	v8 =	vld [tilespmem:s7+$0x10];
	[tilespmem:s5+$0x10] =	vst v1  }
0xa03: {  	v11 =	vld [tilespmem:s7+$0x20];
	[tilespmem:s5+$0x20] =	vst v2  }
0xa04: {  	v2 =	vld [tilespmem:s7+$0xFFFFFFC0]  }
0xa05: {  	s4 =	sadd.s32 $0x80, s4;
	v12 =	vld.idx.msk [tilespmem:v13+s22+$0x0], $0xffff  }
0xa06: {  	v13 =	vld [tilespmem:s4+$0x30]  }
0xa07: {  	v14 =	vld.idx.msk [tilespmem:v10+s22+$0x0], $0xffff  }
0xa08: {  	v5 =	vld.idx.msk [tilespmem:v9+s22+$0x0], $0xffff  }
0xa09: {  	v4 =	vld.idx.msk [tilespmem:v7+s22+$0x0], $0xffff  }
0xa0a: {  	v3 =	vld.idx.msk [tilespmem:v6+s22+$0x0], $0xffff  }
0xa0b: {  	v1 =	vld.idx.msk [tilespmem:v8+s22+$0x0], $0xffff;
	v6 =	vmul.f32 v13, v12  }
0xa0c: {  	s5 =	sadd.s32 $0x80, s5;
	v8 =	vld.idx.msk [tilespmem:v2+s22+$0x0], $0xffff  }
0xa0d: {  	v2 =	vld.idx.msk [tilespmem:v11+s22+$0x0], $0xffff;
	[tilespmem:s5+$0x30] =	vst v6  }
0xa0e: {  	v6 =	vld [tilespmem:s4+$0xFFFFFFC0]  }
0xa0f: {  	v11 =	vld [tilespmem:s4+$0xFFFFFFD0]  }
.Ltmp33:
0xa10: {  	v10 =	vld [tilespmem:s4+$0xFFFFFFE0];
	(pc) =	sbr.rel @p0 .LBB2_68-.Ltmp33, $4  }
0xa11: {  	v9 =	vld [tilespmem:s4+$0xFFFFFFF0]  }
0xa12: {  	v7 =	vld [tilespmem:s4+$0x0]  }
0xa13: {  	v12 =	vmul.f32 v6, v8;
	v6 =	vld [tilespmem:s4+$0x10]  }
0xa14: {  	s7 =	sadd.s32 $0x80, s7;
	v11 =	vmul.f32 v11, v14;
	v8 =	vld [tilespmem:s4+$0x20]  }
0xa15: {  	[tilespmem:s5+$0xFFFFFFC0] =	vst v12;
	v5 =	vmul.f32 v10, v5  }
0xa16: {  	[tilespmem:s5+$0xFFFFFFD0] =	vst v11;
	v4 =	vmul.f32 v9, v4  }
0xa17: {  	[tilespmem:s5+$0xFFFFFFE0] =	vst v5;
	v3 =	vmul.f32 v7, v3  }
0xa18: {  	[tilespmem:s5+$0xFFFFFFF0] =	vst v4;
	v1 =	vmul.f32 v6, v1  }
0xa19: {  	[tilespmem:s5+$0x0] =	vst v3;
	v2 =	vmul.f32 v8, v2  }
0xa1a: {  	[tilespmem:s5+$0x10] =	vst v1  }
0xa1b: {  	[tilespmem:s5+$0x20] =	vst v2  }
0xa1c: {  	[spmem:s9] =	stream.indirect.scatter.add.f32 [tilespmem:s29], [sflag:$0x4], $0x1, s21, s24, $0xb8;
	[tilespmem:$0x1D000] =	vst v63  }
0xa1d: {  	_ =	swait.ge [sflag:s2], $0x1000  }
0xa1e: {  	[sflag:s2] =	ssyncset.done $0x0  }
0xa1f: {  	[sflag:s2] =	ssyncadd.s32 $0xFFFFF000  }
0xa20: {  	_ =	swait.ge [sflag:s30], $0x1000  }
0xa21: {  	[sflag:s30] =	ssyncset.done $0x0  }
0xa22: {  	s4 =	stileid.u32;
	[sflag:s30] =	ssyncadd.s32 $0xFFFFF000  }
0xa23: {  	s8 =	sshrl.u32 s11, $0x3;
	s6 =	simm.s32 $0x20;
	_ =	swait.ge [sflag:s0], $0x1000  }
0xa24: {  	s7 =	simm.s32 $0x10;
	s3 =	sadd.s32 $0x1, s3;
	[sflag:s0] =	ssyncset.done $0x0  }
0xa25: {  	s4 =	sshll.u32 s4, $0x6;
	p0 =	sne.s32 s3, s13;
	[sflag:s0] =	ssyncadd.s32 $0xFFFFF000  }
.Ltmp34:
0xa26: {  	s4 =	sor.u32 $0x1C06, s4;
	[bflag:$0x0] =	sbarrier.arrive $0xFFFF;
	(pc) =	sbr.rel @p0 .LBB2_1-.Ltmp34, $4  }
0xa27: {  	[hbm:s12@s6], [sflag:s4] =	dma.strided [spmem:s8@s7], $0x200, s23, $0x10   }
0xa28: {  	_ =	swait.ge [sflag:s15], $0x200  }
0xa29: {  	[sflag:s15] =	ssyncset.done $0x0  }
0xa2a: {  	[sflag:s15] =	ssyncadd.s32 $0xFFFFFE00  }
0xa2b: {  	_ =	sfence.sel $0x180000  }
0xa2c: {  	[bflag:$0x0] =	sbarrier.arrive $0xFFFF  }
0xa2d: {  	_ =	strace $0x90000047  }
0xa2e: {  	s0 =	stileid.u32;
	[bflag:$0x2] =	sbarrier.arrive $0xFFFF  }
0xa2f: {  	p0 =	sne.s32 s0, $0x0;
	s0 =	rddreg [dreg:$0x7]  }
0xa30: {  	s0 =	sadd.s32 @!p0 $0x100000, s0  }
0xa31: {  	[sflag:s0] =	ssyncadd.tile.s32 @!p0 $0x1;
	_ =	shalt  }
.Lfunc_end2:
_tile_overlayer_lowered:
.L_overlay_start_2:
0xa32: {  	(tag) =	ssettag $0x2  }
0xa33: {  	s0 =	rddreg [dreg:$0x0];
	s2 =	stileid.u32  }
0xa34: {  	s1 =	rddreg [dreg:$0x1];
	p0 =	sne.s32 s2, $0x0  }
0xa35: {  	s3 =	rddreg [dreg:$0x2];
	[bflag:$0x3] =	sbarrier.arrive $0xFFFF;
	s2 =	simm.s32 @!p0 $0x1C06  }
0xa36: {  	[timem:s3], [sflag:s2] =	dma.local @!p0 [hbm:s0], s1  }
0xa37: {  	s0 =	simm.s32 @!p0 $0x6  }
0xa38: {  	_ =	swait.ge @!p0 [sflag:s0], s1  }
0xa39: {  	s1 =	ssub.s32 @!p0 $0x0, s1;
	[sflag:s0] =	ssyncset.done @!p0 $0x0  }
0xa3a: {  	[sflag:s0] =	ssyncadd.s32 @!p0 s1  }
0xa3b: {  	[bflag:$0x3] =	sbarrier.arrive $0xFFFF  }
0xa3c: {  	_ =	shalt  }

</sc_bundles>
